<compile_context>
chip_gen: v7x
topology: tpu7x:2x2x1
jax: 0.10.2.dev20260603
libtpu: 0.0.44.dev20260713+nightly
codegen_flags: <defaults>
</compile_context>

<pallas_src>
import functools

import jax
import jax.numpy as jnp
from jax import lax
from jax.experimental import pallas as pl
from jax.experimental.pallas import tpu as pltpu
from jax.experimental.pallas import tpu_sc as plsc

_F32 = jnp.float32


def _dot(a, b):
    return jnp.dot(a, b, preferred_element_type=_F32)


def _proj_body(xu_ref, xi_ref, WpuT_ref, bpu_ref, WpiT_ref, bpi_ref,
               WrrT_ref, WrbT_ref, WrsT_ref,
               xu_lo_ref, xu_hi_ref, xi_lo_ref, xi_hi_ref,
               rr_ref, rb_ref, rs_ref):
    xu = jnp.maximum(_dot(xu_ref[...], WpuT_ref[...]) + bpu_ref[...], 0.0)
    xi = jnp.maximum(_dot(xi_ref[...], WpiT_ref[...]) + bpi_ref[...], 0.0)
    Hh = xu.shape[1] // 2
    xu_lo_ref[...] = xu[:, :Hh]
    xu_hi_ref[...] = xu[:, Hh:]
    xi_lo_ref[...] = xi[:, :Hh]
    xi_hi_ref[...] = xi[:, Hh:]
    rr_ref[...] = _dot(xi, WrrT_ref[...])
    rb_ref[...] = _dot(xu, WrbT_ref[...])
    rs_ref[...] = _dot(xi, WrsT_ref[...])


def _make_segsum(NA, SL, E_pw, CH, K, Hh):
    mesh = plsc.VectorSubcoreMesh(core_axis_name="c", subcore_axis_name="s")

    @functools.partial(
        pl.kernel,
        out_type=(
            jax.ShapeDtypeStruct((NA, Hh), _F32),
            jax.ShapeDtypeStruct((NA, Hh), _F32),
            jax.ShapeDtypeStruct((NA,), _F32),
        ),
        mesh=mesh,
        scratch_types=[
            pltpu.VMEM((K,), jnp.int32),
            pltpu.VMEM((K,), jnp.int32),
            pltpu.VMEM((K,), jnp.int32),
            pltpu.VMEM((K,), jnp.int32),
            pltpu.VMEM((K,), jnp.int32),
            pltpu.VMEM((K,), jnp.int32),
            pltpu.VMEM((K, Hh), _F32),
            pltpu.VMEM((K, Hh), _F32),
            pltpu.VMEM((K, Hh), _F32),
            pltpu.VMEM((128,), _F32),
            pltpu.VMEM_SHARED((NA, Hh), _F32),
            pltpu.VMEM_SHARED((NA,), _F32),
            pltpu.SemaphoreType.DMA,
            pltpu.SemaphoreType.DMA,
            pltpu.SemaphoreType.DMA,
            pltpu.SemaphoreType.DMA,
            pltpu.SemaphoreType.DMA,
            pltpu.SemaphoreType.DMA,
            pltpu.SemaphoreType.DMA,
            pltpu.SemaphoreType.DMA,
            pltpu.SemaphoreType.DMA,
            pltpu.SemaphoreType.DMA,
            pltpu.SemaphoreType.DMA,
            pltpu.SemaphoreType.DMA,
        ],
    )
    def k(lo_hbm, hi_hbm, ei_hbm, z2_hbm, z1_hbm,
          sum_lo_hbm, sum_hi_hbm, cnt_hbm,
          sidx0, sidx1, sidx2, didx0, didx1, didx2,
          rows0, rows1, rows2, ones_pad,
          accum, cacc, g0, g1, g2, s0, s1, s2, d0, d1, d2, x0, x1, x2):
        c = lax.axis_index("c")
        s = lax.axis_index("s")
        sidx = (sidx0, sidx1, sidx2)
        didx = (didx0, didx1, didx2)
        rows = (rows0, rows1, rows2)
        gsem = (g0, g1, g2)
        ssem = (s0, s1, s2)
        isem = (d0, d1, d2)
        xsem = (x0, x1, x2)
        ones = ones_pad.at[pl.ds(0, K)]
        rbase = s * SL
        pltpu.sync_copy(z2_hbm.at[pl.ds(rbase, SL)], accum.at[pl.ds(rbase, SL)])
        @pl.when(c == 0)
        def _():
            pltpu.sync_copy(z1_hbm.at[pl.ds(rbase, SL)],
                            cacc.at[pl.ds(rbase, SL)])
        for j in range(128 // 16):
            ones_pad[pl.ds(j * 16, 16)] = jnp.full((16,), 1.0, _F32)
        plsc.subcore_barrier()

        ebase = s * E_pw
        Epad = E_pw * 16

        def gstart(b):
            @pl.when(c == 0)
            def _():
                pltpu.async_copy(lo_hbm.at[sidx[b]], rows[b], gsem[b])

            @pl.when(c == 1)
            def _():
                pltpu.async_copy(hi_hbm.at[sidx[b]], rows[b], gsem[b])

        def gwait(b):
            @pl.when(c == 0)
            def _():
                pltpu.make_async_copy(lo_hbm.at[sidx[b]], rows[b],
                                      gsem[b]).wait()

            @pl.when(c == 1)
            def _():
                pltpu.make_async_copy(hi_hbm.at[sidx[b]], rows[b],
                                      gsem[b]).wait()

        def sstart(i, b):
            pltpu.async_copy(rows[b], accum.at[didx[b]], ssem[b], add=True)

            @pl.when(c == 0)
            def _():
                pltpu.async_copy(ones, cacc.at[didx[b]], ssem[b], add=True)

        def swait(i, b):
            pltpu.make_async_copy(rows[b], accum.at[didx[b]],
                                  ssem[b]).wait()

            @pl.when(c == 0)
            def _():
                pltpu.make_async_copy(ones, cacc.at[didx[b]],
                                      ssem[b]).wait()

        def dstart(i, b):
            off = ebase + i * K
            pltpu.async_copy(ei_hbm.at[pl.ds(Epad + off, K)], didx[b],
                             isem[b])

        def dwait(i, b):
            off = ebase + i * K
            pltpu.make_async_copy(ei_hbm.at[pl.ds(Epad + off, K)], didx[b],
                                  isem[b]).wait()

        def xstart(i, b):
            off = ebase + i * K
            pltpu.async_copy(ei_hbm.at[pl.ds(off, K)], sidx[b], xsem[b])

        def xwait(i, b):
            off = ebase + i * K
            pltpu.make_async_copy(ei_hbm.at[pl.ds(off, K)], sidx[b],
                                  xsem[b]).wait()

        for t in range(min(2, CH)):
            off = ebase + t * K
            pltpu.sync_copy(ei_hbm.at[pl.ds(off, K)], sidx[t])
            dstart(t, t)
            gstart(t)
        if CH > 2:
            xstart(2, 2)

        def consume(i, b):
            gwait(b)

            @pl.when(i + 3 < CH)
            def _():
                xstart(i + 3, b)

            dwait(i, b)
            sstart(i, b)
            b2 = (b + 2) % 3

            @pl.when(i + 2 < CH)
            def _():
                xwait(i + 2, b2)

                @pl.when(i - 1 >= 0)
                def _():
                    swait(i - 1, b2)

                dstart(i + 2, b2)
                gstart(b2)

        def triple(j, carry):
            i0 = 3 * j
            for t in range(3):
                @pl.when(i0 + t < CH)
                def _(t=t):
                    consume(i0 + t, t)

            return carry

        lax.fori_loop(0, (CH + 2) // 3, triple, 0)

        for t in range(3):
            if CH > t:
                i_last = CH - 1 - ((CH - 1 - t) % 3)
                swait(i_last, t)

        plsc.subcore_barrier()

        @pl.when(c == 0)
        def _():
            pltpu.sync_copy(accum.at[pl.ds(rbase, SL)],
                            sum_lo_hbm.at[pl.ds(rbase, SL)])
            pltpu.sync_copy(cacc.at[pl.ds(rbase, SL)],
                            cnt_hbm.at[pl.ds(rbase, SL)])

        @pl.when(c == 1)
        def _():
            pltpu.sync_copy(accum.at[pl.ds(rbase, SL)],
                            sum_hi_hbm.at[pl.ds(rbase, SL)])

    return k


def _post_body(NREAL,
               slo_r_ref, shi_r_ref, cnt_r_ref,
               slo_b_ref, shi_b_ref, cnt_b_ref,
               slo_s_ref, shi_s_ref, cnt_s_ref,
               rr_ref, rb_ref, rs_ref,
               WlrT_lo_ref, WlrT_hi_ref, blr_ref,
               WlbT_lo_ref, WlbT_hi_ref, blb_ref,
               WlsT_lo_ref, WlsT_hi_ref, bls_ref,
               Wa1T_ref, ba1_ref, Wa2T_ref,
               out_user_ref, m_rates_ref, m_sim_ref, acc_ref):
    i = pl.program_id(0)
    RB = m_rates_ref.shape[0]

    def sage(slo_ref, shi_ref, cnt_ref, wt_lo_ref, wt_hi_ref, bl_ref, r_ref):
        t = _dot(slo_ref[...], wt_lo_ref[...]) + _dot(shi_ref[...], wt_hi_ref[...])
        inv = 1.0 / jnp.maximum(cnt_ref[...], 1.0)
        return jnp.maximum(t * inv + bl_ref[...] + r_ref[...], 0.0)

    m_rates = sage(slo_r_ref, shi_r_ref, cnt_r_ref, WlrT_lo_ref, WlrT_hi_ref,
                   blr_ref, rr_ref)
    m_rb = sage(slo_b_ref, shi_b_ref, cnt_b_ref, WlbT_lo_ref, WlbT_hi_ref,
                blb_ref, rb_ref)
    m_sim = sage(slo_s_ref, shi_s_ref, cnt_s_ref, WlsT_lo_ref, WlsT_hi_ref,
                 bls_ref, rs_ref)
    out_user_ref[...] = m_rb
    m_rates_ref[...] = m_rates
    m_sim_ref[...] = m_sim

    rows = lax.broadcasted_iota(jnp.int32, (RB, 1), 0) + i * RB
    valid = rows < NREAL

    a_rates = _dot(jnp.tanh(_dot(m_rates, Wa1T_ref[...]) + ba1_ref[...]),
                   Wa2T_ref[...])
    a_sim = _dot(jnp.tanh(_dot(m_sim, Wa1T_ref[...]) + ba1_ref[...]),
                 Wa2T_ref[...])

    cs_rb = jnp.sum(jnp.where(valid, m_rb, 0.0), axis=0, keepdims=True)
    cs_rates = jnp.sum(jnp.where(valid, m_rates, 0.0), axis=0, keepdims=True)
    cs_sim = jnp.sum(jnp.where(valid, m_sim, 0.0), axis=0, keepdims=True)
    wa = jnp.sum(jnp.where(valid, a_rates, 0.0))
    ws = jnp.sum(jnp.where(valid, a_sim, 0.0))
    col = lax.broadcasted_iota(jnp.int32, (1, cs_rb.shape[1]), 1)
    wrow = jnp.where(col == 0, wa, 0.0) + jnp.where(col == 1, ws, 0.0)
    upd = jnp.concatenate(
        [cs_rb, cs_rates, cs_sim, wrow,
         jnp.zeros((4, cs_rb.shape[1]), _F32)], axis=0)

    @pl.when(i == 0)
    def _():
        acc_ref[...] = jnp.zeros_like(acc_ref)

    acc_ref[...] += upd


def _combine_body(NREAL, m_rates_ref, m_sim_ref, acc_ref,
                  out_item_ref, pooled_ref):
    i = pl.program_id(0)
    acc = acc_ref[...]
    H = acc.shape[1]
    col = lax.broadcasted_iota(jnp.int32, (1, H), 1)
    wrow = acc[3:4, :]
    wa = jnp.sum(jnp.where(col == 0, wrow, 0.0)) / NREAL
    ws = jnp.sum(jnp.where(col == 1, wrow, 0.0)) / NREAL
    m = jnp.maximum(wa, ws)
    ea = jnp.exp(wa - m)
    es = jnp.exp(ws - m)
    tot = ea + es
    b0 = ea / tot
    b1 = es / tot
    out_item_ref[...] = b0 * m_rates_ref[...] + b1 * m_sim_ref[...]

    @pl.when(i == 0)
    def _():
        pooled_ref[...] = jnp.concatenate(
            [acc[0:1, :], b0 * acc[1:2, :] + b1 * acc[2:3, :]],
            axis=0) / NREAL


def kernel(x_user, x_item, ei_rates, ei_rated_by, ei_similar,
           Wp_user, bp_user, Wp_item, bp_item,
           Wl_rates, bl_rates, Wr_rates,
           Wl_rb, bl_rb, Wr_rb,
           Wl_sim, bl_sim, Wr_sim,
           Wa1, ba1, Wa2):
    NREAL, D = x_user.shape
    H = Wp_user.shape[0]
    Hh = H // 2
    RB = 512
    nblk = -(-NREAL // RB)
    NA = nblk * RB
    NS = 16
    K = 120
    E = ei_rates.shape[1]
    CH = -(-E // (NS * K))
    Epad = CH * NS * K
    E_pw = Epad // NS
    SL = NA // NS

    f32 = _F32

    pe = Epad - E
    epad = jnp.concatenate(
        [jnp.zeros((1, pe), jnp.int32), jnp.full((1, pe), NREAL, jnp.int32)],
        axis=0)

    def edges(ei):
        return jnp.concatenate([ei.astype(jnp.int32), epad],
                               axis=1).reshape(2 * Epad)

    ei_r = edges(ei_rates)
    ei_b = edges(ei_rated_by)
    ei_s = edges(ei_similar)

    WpuT = Wp_user.T.astype(f32)
    WpiT = Wp_item.T.astype(f32)
    bpu = bp_user.reshape(1, H).astype(f32)
    bpi = bp_item.reshape(1, H).astype(f32)
    WrrT = Wr_rates.T.astype(f32)
    WrbT = Wr_rb.T.astype(f32)
    WrsT = Wr_sim.T.astype(f32)

    full = lambda shape: pl.BlockSpec(shape, lambda i: tuple(0 for _ in shape))
    rowblk = lambda w: pl.BlockSpec((RB, w), lambda i: (i, 0))

    xu_lo, xu_hi, xi_lo, xi_hi, rr, rb, rs = pl.pallas_call(
        _proj_body,
        grid=(nblk,),
        in_specs=[rowblk(D), rowblk(D),
                  full((D, H)), full((1, H)), full((D, H)), full((1, H)),
                  full((H, H)), full((H, H)), full((H, H))],
        out_specs=[rowblk(Hh), rowblk(Hh), rowblk(Hh), rowblk(Hh),
                   rowblk(H), rowblk(H), rowblk(H)],
        out_shape=[jax.ShapeDtypeStruct((NA, Hh), f32),
                   jax.ShapeDtypeStruct((NA, Hh), f32),
                   jax.ShapeDtypeStruct((NA, Hh), f32),
                   jax.ShapeDtypeStruct((NA, Hh), f32),
                   jax.ShapeDtypeStruct((NA, H), f32),
                   jax.ShapeDtypeStruct((NA, H), f32),
                   jax.ShapeDtypeStruct((NA, H), f32)],
    )(x_user.astype(f32), x_item.astype(f32),
      WpuT, bpu, WpiT, bpi, WrrT, WrbT, WrsT)

    z2 = jnp.zeros((NA, Hh), f32)
    z1 = jnp.zeros((NA,), f32)
    segsum = _make_segsum(NA, SL, E_pw, CH, K, Hh)

    slo_r, shi_r, cnt_r = segsum(xu_lo, xu_hi, ei_r, z2, z1)
    slo_b, shi_b, cnt_b = segsum(xi_lo, xi_hi, ei_b, z2, z1)
    slo_s, shi_s, cnt_s = segsum(xi_lo, xi_hi, ei_s, z2, z1)

    WlrT = Wl_rates.T.astype(f32)
    WlbT = Wl_rb.T.astype(f32)
    WlsT = Wl_sim.T.astype(f32)
    blr = bl_rates.reshape(1, H).astype(f32)
    blb = bl_rb.reshape(1, H).astype(f32)
    bls = bl_sim.reshape(1, H).astype(f32)
    Wa1T = Wa1.T.astype(f32)
    ba1r = ba1.reshape(1, H).astype(f32)
    Wa2T = Wa2.T.astype(f32)

    out_user, m_rates_f, m_sim_f, acc = pl.pallas_call(
        functools.partial(_post_body, NREAL),
        grid=(nblk,),
        in_specs=[rowblk(Hh), rowblk(Hh), rowblk(1),
                  rowblk(Hh), rowblk(Hh), rowblk(1),
                  rowblk(Hh), rowblk(Hh), rowblk(1),
                  rowblk(H), rowblk(H), rowblk(H),
                  full((Hh, H)), full((Hh, H)), full((1, H)),
                  full((Hh, H)), full((Hh, H)), full((1, H)),
                  full((Hh, H)), full((Hh, H)), full((1, H)),
                  full((H, H)), full((1, H)), full((H, 1))],
        out_specs=[rowblk(H), rowblk(H), rowblk(H),
                   pl.BlockSpec((8, H), lambda i: (0, 0))],
        out_shape=[jax.ShapeDtypeStruct((NREAL, H), f32),
                   jax.ShapeDtypeStruct((NA, H), f32),
                   jax.ShapeDtypeStruct((NA, H), f32),
                   jax.ShapeDtypeStruct((8, H), f32)],
    )(slo_r, shi_r, cnt_r.reshape(NA, 1),
      slo_b, shi_b, cnt_b.reshape(NA, 1),
      slo_s, shi_s, cnt_s.reshape(NA, 1),
      rr, rb, rs,
      WlrT[:Hh], WlrT[Hh:], blr, WlbT[:Hh], WlbT[Hh:], blb,
      WlsT[:Hh], WlsT[Hh:], bls, Wa1T, ba1r, Wa2T)

    out_item, pooled2 = pl.pallas_call(
        functools.partial(_combine_body, float(NREAL)),
        grid=(nblk,),
        in_specs=[rowblk(H), rowblk(H), pl.BlockSpec((8, H), lambda i: (0, 0))],
        out_specs=[rowblk(H), pl.BlockSpec((2, H), lambda i: (0, 0))],
        out_shape=[jax.ShapeDtypeStruct((NREAL, H), f32),
                   jax.ShapeDtypeStruct((2, H), f32)],
    )(m_rates_f, m_sim_f, acc)

    pooled = jnp.concatenate([pooled2[0], pooled2[1]], axis=0)
    return (pooled, out_user, out_item)

# --- scband reference (transcript-rebuilt; emitter-appended) ---
"""Pipeline reference for scband-official-core-snapshot-encoder-56495999811604 (READ-ONLY COPY).

The authoritative reference and input builder live on the scoring server;
editing this copy changes nothing except your own understanding.
"""

import jax, jax.numpy as jnp
import numpy as np

N = 10000
E = 320000
D = 128
H = 256


def _lin_init(k, fan_in, shape):
    s = 1.0 / np.sqrt(fan_in)
    return jax.random.uniform(k, shape, jnp.float32, -s, s)


def setup_inputs(seed: int = 0) -> dict:
    key = jax.random.key(seed)
    ks = jax.random.split(key, 24)
    inp = {}
    inp['x_user'] = jax.random.normal(ks[0], (N, D), jnp.float32)
    inp['x_item'] = jax.random.normal(ks[1], (N, D), jnp.float32)
    inp['ei_rates'] = jax.random.randint(ks[2], (2, E), 0, N, dtype=jnp.int64) if jax.config.jax_enable_x64 else jax.random.randint(ks[2], (2, E), 0, N)
    inp['ei_rated_by'] = jax.random.randint(ks[3], (2, E), 0, N)
    inp['ei_similar'] = jax.random.randint(ks[4], (2, E), 0, N)
    # input projections (LazyLinear D -> H)
    inp['Wp_user'] = _lin_init(ks[5], D, (H, D)); inp['bp_user'] = _lin_init(ks[6], D, (H,))
    inp['Wp_item'] = _lin_init(ks[7], D, (H, D)); inp['bp_item'] = _lin_init(ks[8], D, (H,))
    # SAGEConv params per relation: lin_l (neighbor, with bias), lin_r (root, no bias)
    inp['Wl_rates'] = _lin_init(ks[9], H, (H, H)); inp['bl_rates'] = _lin_init(ks[10], H, (H,)); inp['Wr_rates'] = _lin_init(ks[11], H, (H, H))
    inp['Wl_rb'] = _lin_init(ks[12], H, (H, H)); inp['bl_rb'] = _lin_init(ks[13], H, (H,)); inp['Wr_rb'] = _lin_init(ks[14], H, (H, H))
    inp['Wl_sim'] = _lin_init(ks[15], H, (H, H)); inp['bl_sim'] = _lin_init(ks[16], H, (H,)); inp['Wr_sim'] = _lin_init(ks[17], H, (H, H))
    # RelationAgg params
    inp['Wa1'] = _lin_init(ks[18], H, (H, H)); inp['ba1'] = _lin_init(ks[19], H, (H,))
    inp['Wa2'] = _lin_init(ks[20], H, (1, H))
    return inp


def _sage(x_src, x_dst, ei, Wl, bl, Wr):
    msg = jnp.take(x_src, ei[0], axis=0)
    summed = jax.ops.segment_sum(msg, ei[1], num_segments=x_dst.shape[0])
    cnt = jax.ops.segment_sum(jnp.ones((ei.shape[1],), jnp.float32), ei[1], num_segments=x_dst.shape[0])
    mean = summed / jnp.clip(cnt, 1.0, None)[:, None]
    return mean @ Wl.T + bl + x_dst @ Wr.T


def _rel_agg(h, Wa1, ba1, Wa2):
    # h: [N, R, H]
    w = jnp.tanh(h @ Wa1.T + ba1) @ Wa2.T  # [N, R, 1]
    w = w.mean(axis=0)                      # [R, 1]
    beta = jax.nn.softmax(w, axis=0)        # [R, 1]
    return (beta[None, :, :] * h).sum(axis=1)  # [N, H]


def reference(x_user, x_item, ei_rates, ei_rated_by, ei_similar,
              Wp_user, bp_user, Wp_item, bp_item,
              Wl_rates, bl_rates, Wr_rates,
              Wl_rb, bl_rb, Wr_rb,
              Wl_sim, bl_sim, Wr_sim,
              Wa1, ba1, Wa2):
    xu = jax.nn.relu(x_user @ Wp_user.T + bp_user)
    xi = jax.nn.relu(x_item @ Wp_item.T + bp_item)
    # relation convs (dropout p=0 / eval mode -> identity)
    m_item_rates = jax.nn.relu(_sage(xu, xi, ei_rates, Wl_rates, bl_rates, Wr_rates))
    m_user_rb = jax.nn.relu(_sage(xi, xu, ei_rated_by, Wl_rb, bl_rb, Wr_rb))
    m_item_sim = jax.nn.relu(_sage(xi, xi, ei_similar, Wl_sim, bl_sim, Wr_sim))
    # user receives 1 relation; item receives 2 -> RelationAgg
    out_user = m_user_rb
    stacked = jnp.stack([m_item_rates, m_item_sim], axis=1)  # [N, 2, H]
    out_item = _rel_agg(stacked, Wa1, ba1, Wa2)
    pooled = jnp.concatenate([out_user.mean(axis=0), out_item.mean(axis=0)], axis=0)
    return (pooled, out_user, out_item)

if __name__ == "__main__":
    import jax
    _d = setup_inputs()
    print(jax.jit(kernel)(*tuple(_d.values())))

</pallas_src>

<mosaic_0001>
#map = affine_map<(d0, d1) -> (0, 0)>
#map1 = affine_map<(d0, d1) -> (0)>
module attributes {stable_mosaic.version = 14 : i64} {
  func.func @k(%arg0: i32, %arg1: i32, %arg2: memref<10240x128xf32, #tpu.memory_space<hbm>>, %arg3: memref<10240x128xf32, #tpu.memory_space<hbm>>, %arg4: memref<641280xi32, #tpu.memory_space<hbm>>, %arg5: memref<10240x128xf32, #tpu.memory_space<hbm>>, %arg6: memref<10240xf32, #tpu.memory_space<hbm>>, %arg7: memref<10240x128xf32, #tpu.memory_space<hbm>>, %arg8: memref<10240x128xf32, #tpu.memory_space<hbm>>, %arg9: memref<10240xf32, #tpu.memory_space<hbm>>, %arg10: memref<120xi32, #tpu.memory_space<vmem>>, %arg11: memref<120xi32, #tpu.memory_space<vmem>>, %arg12: memref<120xi32, #tpu.memory_space<vmem>>, %arg13: memref<120xi32, #tpu.memory_space<vmem>>, %arg14: memref<120xi32, #tpu.memory_space<vmem>>, %arg15: memref<120xi32, #tpu.memory_space<vmem>>, %arg16: memref<120x128xf32, #tpu.memory_space<vmem>>, %arg17: memref<120x128xf32, #tpu.memory_space<vmem>>, %arg18: memref<120x128xf32, #tpu.memory_space<vmem>>, %arg19: memref<128xf32, #tpu.memory_space<vmem>>, %arg20: memref<10240x128xf32, #tpu.memory_space<vmem_shared>>, %arg21: memref<10240xf32, #tpu.memory_space<vmem_shared>>, %arg22: memref<!tpu.dma_semaphore, #tpu.memory_space<semaphore_mem>>, %arg23: memref<!tpu.dma_semaphore, #tpu.memory_space<semaphore_mem>>, %arg24: memref<!tpu.dma_semaphore, #tpu.memory_space<semaphore_mem>>, %arg25: memref<!tpu.dma_semaphore, #tpu.memory_space<semaphore_mem>>, %arg26: memref<!tpu.dma_semaphore, #tpu.memory_space<semaphore_mem>>, %arg27: memref<!tpu.dma_semaphore, #tpu.memory_space<semaphore_mem>>, %arg28: memref<!tpu.dma_semaphore, #tpu.memory_space<semaphore_mem>>, %arg29: memref<!tpu.dma_semaphore, #tpu.memory_space<semaphore_mem>>, %arg30: memref<!tpu.dma_semaphore, #tpu.memory_space<semaphore_mem>>, %arg31: memref<!tpu.dma_semaphore, #tpu.memory_space<semaphore_mem>>, %arg32: memref<!tpu.dma_semaphore, #tpu.memory_space<semaphore_mem>>, %arg33: memref<!tpu.dma_semaphore, #tpu.memory_space<semaphore_mem>>) attributes {dimension_semantics = [#tpu.dimension_semantics<core_parallel>, #tpu.dimension_semantics<subcore_parallel>], iteration_bounds = array<i64: 2, 16>, scalar_prefetch = 0 : i64, scratch_operands = 24 : i64, tpu.core_type = #tpu.core_type<sc_vector_subcore>, window_params = [{transform_indices = #map}, {transform_indices = #map}, {transform_indices = #map1}, {transform_indices = #map}, {transform_indices = #map1}, {transform_indices = #map}, {transform_indices = #map}, {transform_indices = #map1}]} {
    %mul3A = arith.constant 640 : i32
    %mul3A_0 = arith.muli %arg1, %mul3A : i32
    "tpu.region"() ({
      %run_scoped3A = tpu.sem_alloc : memref<!tpu.dma_semaphore, #tpu.memory_space<semaphore_mem>>
      %dma_start3A_128 = arith.constant 0 : i32
      %dma_start3A_129 = tpu.memref_slice %arg20[%mul3A_0, %dma_start3A_128] : memref<10240x128xf32, #tpu.memory_space<vmem_shared>> -> memref<640x128xf32, #tpu.memory_space<vmem_shared>>
      %dma_start3A_130 = arith.constant 0 : i32
      %dma_start3A_131 = tpu.memref_slice %arg5[%mul3A_0, %dma_start3A_130] : memref<10240x128xf32, #tpu.memory_space<hbm>> -> memref<640x128xf32, #tpu.memory_space<hbm>>
      tpu.enqueue_dma source(%dma_start3A_131 : memref<640x128xf32, #tpu.memory_space<hbm>>) target(%dma_start3A_129 : memref<640x128xf32, #tpu.memory_space<vmem_shared>>) target_semaphore(%run_scoped3A : memref<!tpu.dma_semaphore, #tpu.memory_space<semaphore_mem>>)
      %dma_wait3A_132 = arith.constant 0 : i32
      %dma_wait3A_133 = tpu.memref_slice %arg20[%mul3A_0, %dma_wait3A_132] : memref<10240x128xf32, #tpu.memory_space<vmem_shared>> -> memref<640x128xf32, #tpu.memory_space<vmem_shared>>
      %dma_wait3A_134 = arith.constant 0 : i32
      %dma_wait3A_135 = tpu.memref_slice %arg5[%mul3A_0, %dma_wait3A_134] : memref<10240x128xf32, #tpu.memory_space<hbm>> -> memref<640x128xf32, #tpu.memory_space<hbm>>
      tpu.wait_dma2 semaphore(%run_scoped3A : memref<!tpu.dma_semaphore, #tpu.memory_space<semaphore_mem>>) src(%dma_wait3A_135 : memref<640x128xf32, #tpu.memory_space<hbm>>) dst(%dma_wait3A_133 : memref<640x128xf32, #tpu.memory_space<vmem_shared>>)
      tpu.yield
    }) : () -> ()
    %eq3A = arith.constant 0 : i32
    %eq3A_1 = arith.cmpi eq, %arg0, %eq3A : i32
    %convert_element_type3A = arith.extui %eq3A_1 : i1 to i32
    %cond3A = arith.constant 0 : i32
    %cond3A_2 = arith.cmpi ne, %convert_element_type3A, %cond3A : i32
    scf.if %cond3A_2 {
      "tpu.region"() ({
        %run_scoped3A = tpu.sem_alloc : memref<!tpu.dma_semaphore, #tpu.memory_space<semaphore_mem>>
        %dma_start3A_128 = tpu.memref_slice %arg21[%mul3A_0] : memref<10240xf32, #tpu.memory_space<vmem_shared>> -> memref<640xf32, #tpu.memory_space<vmem_shared>>
        %dma_start3A_129 = tpu.memref_slice %arg6[%mul3A_0] : memref<10240xf32, #tpu.memory_space<hbm>> -> memref<640xf32, #tpu.memory_space<hbm>>
        tpu.enqueue_dma source(%dma_start3A_129 : memref<640xf32, #tpu.memory_space<hbm>>) target(%dma_start3A_128 : memref<640xf32, #tpu.memory_space<vmem_shared>>) target_semaphore(%run_scoped3A : memref<!tpu.dma_semaphore, #tpu.memory_space<semaphore_mem>>)
        %dma_wait3A_130 = tpu.memref_slice %arg21[%mul3A_0] : memref<10240xf32, #tpu.memory_space<vmem_shared>> -> memref<640xf32, #tpu.memory_space<vmem_shared>>
        %dma_wait3A_131 = tpu.memref_slice %arg6[%mul3A_0] : memref<10240xf32, #tpu.memory_space<hbm>> -> memref<640xf32, #tpu.memory_space<hbm>>
        tpu.wait_dma2 semaphore(%run_scoped3A : memref<!tpu.dma_semaphore, #tpu.memory_space<semaphore_mem>>) src(%dma_wait3A_131 : memref<640xf32, #tpu.memory_space<hbm>>) dst(%dma_wait3A_130 : memref<640xf32, #tpu.memory_space<vmem_shared>>)
        tpu.yield
      }) : () -> ()
    } else {
    }
    %broadcast_in_dim3A = arith.constant 1.000000e+00 : f32
    %broadcast_in_dim3A_3 = vector.broadcast %broadcast_in_dim3A : f32 to vector<16xf32>
    %swap3A = arith.constant 0 : index
    %swap3A_4 = tpu.vector_load %arg19[%swap3A] {strides = array<i32>} : memref<128xf32, #tpu.memory_space<vmem>>, vector<16xf32>,
    %swap3A_5 = vector.shape_cast %swap3A_4 : vector<16xf32> to vector<16xf32>
    %swap3A_6 = vector.shape_cast %broadcast_in_dim3A_3 : vector<16xf32> to vector<16xf32>
    tpu.vector_store %arg19[%swap3A], %swap3A_6 {strides = array<i32>} : memref<128xf32, #tpu.memory_space<vmem>>, vector<16xf32>,
    %broadcast_in_dim3A_7 = arith.constant 1.000000e+00 : f32
    %broadcast_in_dim3A_8 = vector.broadcast %broadcast_in_dim3A_7 : f32 to vector<16xf32>
    %swap3A_9 = arith.constant 16 : index
    %swap3A_10 = tpu.vector_load %arg19[%swap3A_9] {strides = array<i32>} : memref<128xf32, #tpu.memory_space<vmem>>, vector<16xf32>,
    %swap3A_11 = vector.shape_cast %swap3A_10 : vector<16xf32> to vector<16xf32>
    %swap3A_12 = vector.shape_cast %broadcast_in_dim3A_8 : vector<16xf32> to vector<16xf32>
    tpu.vector_store %arg19[%swap3A_9], %swap3A_12 {strides = array<i32>} : memref<128xf32, #tpu.memory_space<vmem>>, vector<16xf32>,
    %broadcast_in_dim3A_13 = arith.constant 1.000000e+00 : f32
    %broadcast_in_dim3A_14 = vector.broadcast %broadcast_in_dim3A_13 : f32 to vector<16xf32>
    %swap3A_15 = arith.constant 32 : index
    %swap3A_16 = tpu.vector_load %arg19[%swap3A_15] {strides = array<i32>} : memref<128xf32, #tpu.memory_space<vmem>>, vector<16xf32>,
    %swap3A_17 = vector.shape_cast %swap3A_16 : vector<16xf32> to vector<16xf32>
    %swap3A_18 = vector.shape_cast %broadcast_in_dim3A_14 : vector<16xf32> to vector<16xf32>
    tpu.vector_store %arg19[%swap3A_15], %swap3A_18 {strides = array<i32>} : memref<128xf32, #tpu.memory_space<vmem>>, vector<16xf32>,
    %broadcast_in_dim3A_19 = arith.constant 1.000000e+00 : f32
    %broadcast_in_dim3A_20 = vector.broadcast %broadcast_in_dim3A_19 : f32 to vector<16xf32>
    %swap3A_21 = arith.constant 48 : index
    %swap3A_22 = tpu.vector_load %arg19[%swap3A_21] {strides = array<i32>} : memref<128xf32, #tpu.memory_space<vmem>>, vector<16xf32>,
    %swap3A_23 = vector.shape_cast %swap3A_22 : vector<16xf32> to vector<16xf32>
    %swap3A_24 = vector.shape_cast %broadcast_in_dim3A_20 : vector<16xf32> to vector<16xf32>
    tpu.vector_store %arg19[%swap3A_21], %swap3A_24 {strides = array<i32>} : memref<128xf32, #tpu.memory_space<vmem>>, vector<16xf32>,
    %broadcast_in_dim3A_25 = arith.constant 1.000000e+00 : f32
    %broadcast_in_dim3A_26 = vector.broadcast %broadcast_in_dim3A_25 : f32 to vector<16xf32>
    %swap3A_27 = arith.constant 64 : index
    %swap3A_28 = tpu.vector_load %arg19[%swap3A_27] {strides = array<i32>} : memref<128xf32, #tpu.memory_space<vmem>>, vector<16xf32>,
    %swap3A_29 = vector.shape_cast %swap3A_28 : vector<16xf32> to vector<16xf32>
    %swap3A_30 = vector.shape_cast %broadcast_in_dim3A_26 : vector<16xf32> to vector<16xf32>
    tpu.vector_store %arg19[%swap3A_27], %swap3A_30 {strides = array<i32>} : memref<128xf32, #tpu.memory_space<vmem>>, vector<16xf32>,
    %broadcast_in_dim3A_31 = arith.constant 1.000000e+00 : f32
    %broadcast_in_dim3A_32 = vector.broadcast %broadcast_in_dim3A_31 : f32 to vector<16xf32>
    %swap3A_33 = arith.constant 80 : index
    %swap3A_34 = tpu.vector_load %arg19[%swap3A_33] {strides = array<i32>} : memref<128xf32, #tpu.memory_space<vmem>>, vector<16xf32>,
    %swap3A_35 = vector.shape_cast %swap3A_34 : vector<16xf32> to vector<16xf32>
    %swap3A_36 = vector.shape_cast %broadcast_in_dim3A_32 : vector<16xf32> to vector<16xf32>
    tpu.vector_store %arg19[%swap3A_33], %swap3A_36 {strides = array<i32>} : memref<128xf32, #tpu.memory_space<vmem>>, vector<16xf32>,
    %broadcast_in_dim3A_37 = arith.constant 1.000000e+00 : f32
    %broadcast_in_dim3A_38 = vector.broadcast %broadcast_in_dim3A_37 : f32 to vector<16xf32>
    %swap3A_39 = arith.constant 96 : index
    %swap3A_40 = tpu.vector_load %arg19[%swap3A_39] {strides = array<i32>} : memref<128xf32, #tpu.memory_space<vmem>>, vector<16xf32>,
    %swap3A_41 = vector.shape_cast %swap3A_40 : vector<16xf32> to vector<16xf32>
    %swap3A_42 = vector.shape_cast %broadcast_in_dim3A_38 : vector<16xf32> to vector<16xf32>
    tpu.vector_store %arg19[%swap3A_39], %swap3A_42 {strides = array<i32>} : memref<128xf32, #tpu.memory_space<vmem>>, vector<16xf32>,
    %broadcast_in_dim3A_43 = arith.constant 1.000000e+00 : f32
    %broadcast_in_dim3A_44 = vector.broadcast %broadcast_in_dim3A_43 : f32 to vector<16xf32>
    %swap3A_45 = arith.constant 112 : index
    %swap3A_46 = tpu.vector_load %arg19[%swap3A_45] {strides = array<i32>} : memref<128xf32, #tpu.memory_space<vmem>>, vector<16xf32>,
    %swap3A_47 = vector.shape_cast %swap3A_46 : vector<16xf32> to vector<16xf32>
    %swap3A_48 = vector.shape_cast %broadcast_in_dim3A_44 : vector<16xf32> to vector<16xf32>
    tpu.vector_store %arg19[%swap3A_45], %swap3A_48 {strides = array<i32>} : memref<128xf32, #tpu.memory_space<vmem>>, vector<16xf32>,
    %barrier3A = arith.constant 0 : index
    tpu.barrier barrier_id(%barrier3A)
    %mul3A_49 = arith.constant 20040 : i32
    %mul3A_50 = arith.muli %arg1, %mul3A_49 : i32
    %add3A = arith.constant 0 : i32
    %add3A_51 = arith.addi %mul3A_50, %add3A : i32
    "tpu.region"() ({
      %run_scoped3A = tpu.sem_alloc : memref<!tpu.dma_semaphore, #tpu.memory_space<semaphore_mem>>
      %dma_start3A_128 = tpu.memref_slice %arg4[%add3A_51] : memref<641280xi32, #tpu.memory_space<hbm>> -> memref<120xi32, #tpu.memory_space<hbm>>
      %dma_start3A_129 = tpu.memref_slice %arg4[%add3A_51] : memref<641280xi32, #tpu.memory_space<hbm>> -> memref<120xi32, #tpu.memory_space<hbm>>
      tpu.enqueue_dma source(%dma_start3A_129 : memref<120xi32, #tpu.memory_space<hbm>>) target(%arg10 : memref<120xi32, #tpu.memory_space<vmem>>) target_semaphore(%run_scoped3A : memref<!tpu.dma_semaphore, #tpu.memory_space<semaphore_mem>>)
      %dma_wait3A_130 = tpu.memref_slice %arg4[%add3A_51] : memref<641280xi32, #tpu.memory_space<hbm>> -> memref<120xi32, #tpu.memory_space<hbm>>
      %dma_wait3A_131 = tpu.memref_slice %arg4[%add3A_51] : memref<641280xi32, #tpu.memory_space<hbm>> -> memref<120xi32, #tpu.memory_space<hbm>>
      tpu.wait_dma2 semaphore(%run_scoped3A : memref<!tpu.dma_semaphore, #tpu.memory_space<semaphore_mem>>) src(%dma_wait3A_131 : memref<120xi32, #tpu.memory_space<hbm>>) dst(%arg10 : memref<120xi32, #tpu.memory_space<vmem>>)
      tpu.yield
    }) : () -> ()
    %add3A_52 = arith.constant 0 : i32
    %add3A_53 = arith.addi %mul3A_50, %add3A_52 : i32
    %add3A_54 = arith.constant 320640 : i32
    %add3A_55 = arith.addi %add3A_54, %add3A_53 : i32
    %dma_start3A = tpu.memref_slice %arg4[%add3A_55] : memref<641280xi32, #tpu.memory_space<hbm>> -> memref<120xi32, #tpu.memory_space<hbm>>
    %dma_start3A_56 = tpu.memref_slice %arg4[%add3A_55] : memref<641280xi32, #tpu.memory_space<hbm>> -> memref<120xi32, #tpu.memory_space<hbm>>
    tpu.enqueue_dma source(%dma_start3A_56 : memref<120xi32, #tpu.memory_space<hbm>>) target(%arg13 : memref<120xi32, #tpu.memory_space<vmem>>) target_semaphore(%arg28 : memref<!tpu.dma_semaphore, #tpu.memory_space<semaphore_mem>>)
    %eq3A_57 = arith.constant 0 : i32
    %eq3A_58 = arith.cmpi eq, %arg0, %eq3A_57 : i32
    %convert_element_type3A_59 = arith.extui %eq3A_58 : i1 to i32
    %cond3A_60 = arith.constant 0 : i32
    %cond3A_61 = arith.cmpi ne, %convert_element_type3A_59, %cond3A_60 : i32
    scf.if %cond3A_61 {
      %dma_start3A_128 = arith.constant 0 : i32
      %dma_start3A_129 = arith.constant 0 : i32
      %dma_start3A_130 = tpu.memref_slice %arg2[%dma_start3A_128, %dma_start3A_129] : memref<10240x128xf32, #tpu.memory_space<hbm>> -> memref<10240x128xf32, #tpu.memory_space<hbm>>
      tpu.enqueue_indirect_dma source(%dma_start3A_130 : memref<10240x128xf32, #tpu.memory_space<hbm>>) target(%arg16 : memref<120x128xf32, #tpu.memory_space<vmem>>) offsets(%arg10 : memref<120xi32, #tpu.memory_space<vmem>>) semaphore(%arg22 : memref<!tpu.dma_semaphore, #tpu.memory_space<semaphore_mem>>)
    } else {
    }
    %eq3A_62 = arith.constant 1 : i32
    %eq3A_63 = arith.cmpi eq, %arg0, %eq3A_62 : i32
    %convert_element_type3A_64 = arith.extui %eq3A_63 : i1 to i32
    %cond3A_65 = arith.constant 0 : i32
    %cond3A_66 = arith.cmpi ne, %convert_element_type3A_64, %cond3A_65 : i32
    scf.if %cond3A_66 {
      %dma_start3A_128 = arith.constant 0 : i32
      %dma_start3A_129 = arith.constant 0 : i32
      %dma_start3A_130 = tpu.memref_slice %arg3[%dma_start3A_128, %dma_start3A_129] : memref<10240x128xf32, #tpu.memory_space<hbm>> -> memref<10240x128xf32, #tpu.memory_space<hbm>>
      tpu.enqueue_indirect_dma source(%dma_start3A_130 : memref<10240x128xf32, #tpu.memory_space<hbm>>) target(%arg16 : memref<120x128xf32, #tpu.memory_space<vmem>>) offsets(%arg10 : memref<120xi32, #tpu.memory_space<vmem>>) semaphore(%arg22 : memref<!tpu.dma_semaphore, #tpu.memory_space<semaphore_mem>>)
    } else {
    }
    %add3A_67 = arith.constant 120 : i32
    %add3A_68 = arith.addi %mul3A_50, %add3A_67 : i32
    "tpu.region"() ({
      %run_scoped3A = tpu.sem_alloc : memref<!tpu.dma_semaphore, #tpu.memory_space<semaphore_mem>>
      %dma_start3A_128 = tpu.memref_slice %arg4[%add3A_68] : memref<641280xi32, #tpu.memory_space<hbm>> -> memref<120xi32, #tpu.memory_space<hbm>>
      %dma_start3A_129 = tpu.memref_slice %arg4[%add3A_68] : memref<641280xi32, #tpu.memory_space<hbm>> -> memref<120xi32, #tpu.memory_space<hbm>>
      tpu.enqueue_dma source(%dma_start3A_129 : memref<120xi32, #tpu.memory_space<hbm>>) target(%arg11 : memref<120xi32, #tpu.memory_space<vmem>>) target_semaphore(%run_scoped3A : memref<!tpu.dma_semaphore, #tpu.memory_space<semaphore_mem>>)
      %dma_wait3A_130 = tpu.memref_slice %arg4[%add3A_68] : memref<641280xi32, #tpu.memory_space<hbm>> -> memref<120xi32, #tpu.memory_space<hbm>>
      %dma_wait3A_131 = tpu.memref_slice %arg4[%add3A_68] : memref<641280xi32, #tpu.memory_space<hbm>> -> memref<120xi32, #tpu.memory_space<hbm>>
      tpu.wait_dma2 semaphore(%run_scoped3A : memref<!tpu.dma_semaphore, #tpu.memory_space<semaphore_mem>>) src(%dma_wait3A_131 : memref<120xi32, #tpu.memory_space<hbm>>) dst(%arg11 : memref<120xi32, #tpu.memory_space<vmem>>)
      tpu.yield
    }) : () -> ()
    %add3A_69 = arith.constant 120 : i32
    %add3A_70 = arith.addi %mul3A_50, %add3A_69 : i32
    %add3A_71 = arith.constant 320640 : i32
    %add3A_72 = arith.addi %add3A_71, %add3A_70 : i32
    %dma_start3A_73 = tpu.memref_slice %arg4[%add3A_72] : memref<641280xi32, #tpu.memory_space<hbm>> -> memref<120xi32, #tpu.memory_space<hbm>>
    %dma_start3A_74 = tpu.memref_slice %arg4[%add3A_72] : memref<641280xi32, #tpu.memory_space<hbm>> -> memref<120xi32, #tpu.memory_space<hbm>>
    tpu.enqueue_dma source(%dma_start3A_74 : memref<120xi32, #tpu.memory_space<hbm>>) target(%arg14 : memref<120xi32, #tpu.memory_space<vmem>>) target_semaphore(%arg29 : memref<!tpu.dma_semaphore, #tpu.memory_space<semaphore_mem>>)
    %eq3A_75 = arith.constant 0 : i32
    %eq3A_76 = arith.cmpi eq, %arg0, %eq3A_75 : i32
    %convert_element_type3A_77 = arith.extui %eq3A_76 : i1 to i32
    %cond3A_78 = arith.constant 0 : i32
    %cond3A_79 = arith.cmpi ne, %convert_element_type3A_77, %cond3A_78 : i32
    scf.if %cond3A_79 {
      %dma_start3A_128 = arith.constant 0 : i32
      %dma_start3A_129 = arith.constant 0 : i32
      %dma_start3A_130 = tpu.memref_slice %arg2[%dma_start3A_128, %dma_start3A_129] : memref<10240x128xf32, #tpu.memory_space<hbm>> -> memref<10240x128xf32, #tpu.memory_space<hbm>>
      tpu.enqueue_indirect_dma source(%dma_start3A_130 : memref<10240x128xf32, #tpu.memory_space<hbm>>) target(%arg17 : memref<120x128xf32, #tpu.memory_space<vmem>>) offsets(%arg11 : memref<120xi32, #tpu.memory_space<vmem>>) semaphore(%arg23 : memref<!tpu.dma_semaphore, #tpu.memory_space<semaphore_mem>>)
    } else {
    }
    %eq3A_80 = arith.constant 1 : i32
    %eq3A_81 = arith.cmpi eq, %arg0, %eq3A_80 : i32
    %convert_element_type3A_82 = arith.extui %eq3A_81 : i1 to i32
    %cond3A_83 = arith.constant 0 : i32
    %cond3A_84 = arith.cmpi ne, %convert_element_type3A_82, %cond3A_83 : i32
    scf.if %cond3A_84 {
      %dma_start3A_128 = arith.constant 0 : i32
      %dma_start3A_129 = arith.constant 0 : i32
      %dma_start3A_130 = tpu.memref_slice %arg3[%dma_start3A_128, %dma_start3A_129] : memref<10240x128xf32, #tpu.memory_space<hbm>> -> memref<10240x128xf32, #tpu.memory_space<hbm>>
      tpu.enqueue_indirect_dma source(%dma_start3A_130 : memref<10240x128xf32, #tpu.memory_space<hbm>>) target(%arg17 : memref<120x128xf32, #tpu.memory_space<vmem>>) offsets(%arg11 : memref<120xi32, #tpu.memory_space<vmem>>) semaphore(%arg23 : memref<!tpu.dma_semaphore, #tpu.memory_space<semaphore_mem>>)
    } else {
    }
    %add3A_85 = arith.constant 240 : i32
    %add3A_86 = arith.addi %mul3A_50, %add3A_85 : i32
    %dma_start3A_87 = tpu.memref_slice %arg4[%add3A_86] : memref<641280xi32, #tpu.memory_space<hbm>> -> memref<120xi32, #tpu.memory_space<hbm>>
    %dma_start3A_88 = tpu.memref_slice %arg4[%add3A_86] : memref<641280xi32, #tpu.memory_space<hbm>> -> memref<120xi32, #tpu.memory_space<hbm>>
    tpu.enqueue_dma source(%dma_start3A_88 : memref<120xi32, #tpu.memory_space<hbm>>) target(%arg12 : memref<120xi32, #tpu.memory_space<vmem>>) target_semaphore(%arg33 : memref<!tpu.dma_semaphore, #tpu.memory_space<semaphore_mem>>)
    %scan3A = arith.constant 0 : i32
    %scan3A_89 = arith.constant 0 : i32
    %scan3A_90 = arith.constant 56 : i32
    %scan3A_91 = arith.addi %scan3A_89, %scan3A_90 : i32
    %scan3A_92 = arith.constant 1 : i32
    scf.for %scan3A_128 = %scan3A_89 to %scan3A_91 step %scan3A_92  : i32 {
      %mul3A_129 = arith.constant 3 : i32
      %mul3A_130 = arith.muli %mul3A_129, %scan3A_128 : i32
      %add3A_131 = arith.constant 0 : i32
      %add3A_132 = arith.addi %mul3A_130, %add3A_131 : i32
      %lt3A = arith.constant 167 : i32
      %lt3A_133 = arith.cmpi slt, %add3A_132, %lt3A : i32
      %convert_element_type3A_134 = arith.extui %lt3A_133 : i1 to i32
      %cond3A_135 = arith.constant 0 : i32
      %cond3A_136 = arith.cmpi ne, %convert_element_type3A_134, %cond3A_135 : i32
      scf.if %cond3A_136 {
        %add3A_151 = arith.constant 0 : i32
        %add3A_152 = arith.addi %mul3A_130, %add3A_151 : i32
        %eq3A_153 = arith.constant 0 : i32
        %eq3A_154 = arith.cmpi eq, %arg0, %eq3A_153 : i32
        %convert_element_type3A_155 = arith.extui %eq3A_154 : i1 to i32
        %cond3A_156 = arith.constant 0 : i32
        %cond3A_157 = arith.cmpi ne, %convert_element_type3A_155, %cond3A_156 : i32
        scf.if %cond3A_157 {
          %dma_wait3A_192 = arith.constant 0 : i32
          %dma_wait3A_193 = arith.constant 0 : i32
          %dma_wait3A_194 = tpu.memref_slice %arg2[%dma_wait3A_192, %dma_wait3A_193] : memref<10240x128xf32, #tpu.memory_space<hbm>> -> memref<10240x128xf32, #tpu.memory_space<hbm>>
          tpu.wait_indirect_dma semaphore(%arg22 : memref<!tpu.dma_semaphore, #tpu.memory_space<semaphore_mem>>) src(%dma_wait3A_194 : memref<10240x128xf32, #tpu.memory_space<hbm>>) dst(%arg16 : memref<120x128xf32, #tpu.memory_space<vmem>>)
        } else {
        }
        %eq3A_158 = arith.constant 1 : i32
        %eq3A_159 = arith.cmpi eq, %arg0, %eq3A_158 : i32
        %convert_element_type3A_160 = arith.extui %eq3A_159 : i1 to i32
        %cond3A_161 = arith.constant 0 : i32
        %cond3A_162 = arith.cmpi ne, %convert_element_type3A_160, %cond3A_161 : i32
        scf.if %cond3A_162 {
          %dma_wait3A_192 = arith.constant 0 : i32
          %dma_wait3A_193 = arith.constant 0 : i32
          %dma_wait3A_194 = tpu.memref_slice %arg3[%dma_wait3A_192, %dma_wait3A_193] : memref<10240x128xf32, #tpu.memory_space<hbm>> -> memref<10240x128xf32, #tpu.memory_space<hbm>>
          tpu.wait_indirect_dma semaphore(%arg22 : memref<!tpu.dma_semaphore, #tpu.memory_space<semaphore_mem>>) src(%dma_wait3A_194 : memref<10240x128xf32, #tpu.memory_space<hbm>>) dst(%arg16 : memref<120x128xf32, #tpu.memory_space<vmem>>)
        } else {
        }
        %add3A_163 = arith.constant 3 : i32
        %add3A_164 = arith.addi %add3A_152, %add3A_163 : i32
        %lt3A_165 = arith.constant 167 : i32
        %lt3A_166 = arith.cmpi slt, %add3A_164, %lt3A_165 : i32
        %convert_element_type3A_167 = arith.extui %lt3A_166 : i1 to i32
        %cond3A_168 = arith.constant 0 : i32
        %cond3A_169 = arith.cmpi ne, %convert_element_type3A_167, %cond3A_168 : i32
        scf.if %cond3A_169 {
          %add3A_192 = arith.constant 3 : i32
          %add3A_193 = arith.addi %add3A_152, %add3A_192 : i32
          %mul3A_194 = arith.constant 120 : i32
          %mul3A_195 = arith.muli %add3A_193, %mul3A_194 : i32
          %add3A_196 = arith.addi %mul3A_50, %mul3A_195 : i32
          %dma_start3A_197 = tpu.memref_slice %arg4[%add3A_196] : memref<641280xi32, #tpu.memory_space<hbm>> -> memref<120xi32, #tpu.memory_space<hbm>>
          %dma_start3A_198 = tpu.memref_slice %arg4[%add3A_196] : memref<641280xi32, #tpu.memory_space<hbm>> -> memref<120xi32, #tpu.memory_space<hbm>>
          tpu.enqueue_dma source(%dma_start3A_198 : memref<120xi32, #tpu.memory_space<hbm>>) target(%arg10 : memref<120xi32, #tpu.memory_space<vmem>>) target_semaphore(%arg31 : memref<!tpu.dma_semaphore, #tpu.memory_space<semaphore_mem>>)
        } else {
        }
        %mul3A_170 = arith.constant 120 : i32
        %mul3A_171 = arith.muli %add3A_152, %mul3A_170 : i32
        %add3A_172 = arith.addi %mul3A_50, %mul3A_171 : i32
        %add3A_173 = arith.constant 320640 : i32
        %add3A_174 = arith.addi %add3A_173, %add3A_172 : i32
        %dma_wait3A_175 = tpu.memref_slice %arg4[%add3A_174] : memref<641280xi32, #tpu.memory_space<hbm>> -> memref<120xi32, #tpu.memory_space<hbm>>
        %dma_wait3A_176 = tpu.memref_slice %arg4[%add3A_174] : memref<641280xi32, #tpu.memory_space<hbm>> -> memref<120xi32, #tpu.memory_space<hbm>>
        tpu.wait_dma2 semaphore(%arg28 : memref<!tpu.dma_semaphore, #tpu.memory_space<semaphore_mem>>) src(%dma_wait3A_176 : memref<120xi32, #tpu.memory_space<hbm>>) dst(%arg13 : memref<120xi32, #tpu.memory_space<vmem>>)
        %dma_start3A_177 = arith.constant 0 : i32
        %dma_start3A_178 = arith.constant 0 : i32
        %dma_start3A_179 = tpu.memref_slice %arg20[%dma_start3A_177, %dma_start3A_178] : memref<10240x128xf32, #tpu.memory_space<vmem_shared>> -> memref<10240x128xf32, #tpu.memory_space<vmem_shared>>
        tpu.enqueue_indirect_dma source(%arg16 : memref<120x128xf32, #tpu.memory_space<vmem>>) target(%dma_start3A_179 : memref<10240x128xf32, #tpu.memory_space<vmem_shared>>) offsets(%arg13 : memref<120xi32, #tpu.memory_space<vmem>>) semaphore(%arg25 : memref<!tpu.dma_semaphore, #tpu.memory_space<semaphore_mem>>) {add = true}
        %eq3A_180 = arith.constant 0 : i32
        %eq3A_181 = arith.cmpi eq, %arg0, %eq3A_180 : i32
        %convert_element_type3A_182 = arith.extui %eq3A_181 : i1 to i32
        %cond3A_183 = arith.constant 0 : i32
        %cond3A_184 = arith.cmpi ne, %convert_element_type3A_182, %cond3A_183 : i32
        scf.if %cond3A_184 {
          %dma_start3A_192 = arith.constant 0 : i32
          %dma_start3A_193 = tpu.memref_slice %arg19[%dma_start3A_192] : memref<128xf32, #tpu.memory_space<vmem>> -> memref<120xf32, #tpu.memory_space<vmem>>
          %dma_start3A_194 = arith.constant 0 : i32
          %dma_start3A_195 = tpu.memref_slice %arg21[%dma_start3A_194] : memref<10240xf32, #tpu.memory_space<vmem_shared>> -> memref<10240xf32, #tpu.memory_space<vmem_shared>>
          tpu.enqueue_indirect_dma source(%dma_start3A_193 : memref<120xf32, #tpu.memory_space<vmem>>) target(%dma_start3A_195 : memref<10240xf32, #tpu.memory_space<vmem_shared>>) offsets(%arg13 : memref<120xi32, #tpu.memory_space<vmem>>) semaphore(%arg25 : memref<!tpu.dma_semaphore, #tpu.memory_space<semaphore_mem>>) {add = true}
        } else {
        }
        %add3A_185 = arith.constant 2 : i32
        %add3A_186 = arith.addi %add3A_152, %add3A_185 : i32
        %lt3A_187 = arith.constant 167 : i32
        %lt3A_188 = arith.cmpi slt, %add3A_186, %lt3A_187 : i32
        %convert_element_type3A_189 = arith.extui %lt3A_188 : i1 to i32
        %cond3A_190 = arith.constant 0 : i32
        %cond3A_191 = arith.cmpi ne, %convert_element_type3A_189, %cond3A_190 : i32
        scf.if %cond3A_191 {
          %add3A_192 = arith.constant 2 : i32
          %add3A_193 = arith.addi %add3A_152, %add3A_192 : i32
          %mul3A_194 = arith.constant 120 : i32
          %mul3A_195 = arith.muli %add3A_193, %mul3A_194 : i32
          %add3A_196 = arith.addi %mul3A_50, %mul3A_195 : i32
          %dma_wait3A_197 = tpu.memref_slice %arg4[%add3A_196] : memref<641280xi32, #tpu.memory_space<hbm>> -> memref<120xi32, #tpu.memory_space<hbm>>
          %dma_wait3A_198 = tpu.memref_slice %arg4[%add3A_196] : memref<641280xi32, #tpu.memory_space<hbm>> -> memref<120xi32, #tpu.memory_space<hbm>>
          tpu.wait_dma2 semaphore(%arg33 : memref<!tpu.dma_semaphore, #tpu.memory_space<semaphore_mem>>) src(%dma_wait3A_198 : memref<120xi32, #tpu.memory_space<hbm>>) dst(%arg12 : memref<120xi32, #tpu.memory_space<vmem>>)
          %sub3A = arith.constant 1 : i32
          %sub3A_199 = arith.subi %add3A_152, %sub3A : i32
          %ge3A = arith.constant 0 : i32
          %ge3A_200 = arith.cmpi sge, %sub3A_199, %ge3A : i32
          %convert_element_type3A_201 = arith.extui %ge3A_200 : i1 to i32
          %cond3A_202 = arith.constant 0 : i32
          %cond3A_203 = arith.cmpi ne, %convert_element_type3A_201, %cond3A_202 : i32
          scf.if %cond3A_203 {
            %sub3A_223 = arith.constant 1 : i32
            %sub3A_224 = arith.subi %add3A_152, %sub3A_223 : i32
            %dma_wait3A_225 = arith.constant 0 : i32
            %dma_wait3A_226 = arith.constant 0 : i32
            %dma_wait3A_227 = tpu.memref_slice %arg20[%dma_wait3A_225, %dma_wait3A_226] : memref<10240x128xf32, #tpu.memory_space<vmem_shared>> -> memref<10240x128xf32, #tpu.memory_space<vmem_shared>>
            tpu.wait_indirect_dma semaphore(%arg27 : memref<!tpu.dma_semaphore, #tpu.memory_space<semaphore_mem>>) src(%arg18 : memref<120x128xf32, #tpu.memory_space<vmem>>) dst(%dma_wait3A_227 : memref<10240x128xf32, #tpu.memory_space<vmem_shared>>)
            %eq3A_228 = arith.constant 0 : i32
            %eq3A_229 = arith.cmpi eq, %arg0, %eq3A_228 : i32
            %convert_element_type3A_230 = arith.extui %eq3A_229 : i1 to i32
            %cond3A_231 = arith.constant 0 : i32
            %cond3A_232 = arith.cmpi ne, %convert_element_type3A_230, %cond3A_231 : i32
            scf.if %cond3A_232 {
              %dma_wait3A_233 = arith.constant 0 : i32
              %dma_wait3A_234 = tpu.memref_slice %arg19[%dma_wait3A_233] : memref<128xf32, #tpu.memory_space<vmem>> -> memref<120xf32, #tpu.memory_space<vmem>>
              %dma_wait3A_235 = arith.constant 0 : i32
              %dma_wait3A_236 = tpu.memref_slice %arg21[%dma_wait3A_235] : memref<10240xf32, #tpu.memory_space<vmem_shared>> -> memref<10240xf32, #tpu.memory_space<vmem_shared>>
              tpu.wait_indirect_dma semaphore(%arg27 : memref<!tpu.dma_semaphore, #tpu.memory_space<semaphore_mem>>) src(%dma_wait3A_234 : memref<120xf32, #tpu.memory_space<vmem>>) dst(%dma_wait3A_236 : memref<10240xf32, #tpu.memory_space<vmem_shared>>)
            } else {
            }
          } else {
          }
          %add3A_204 = arith.constant 2 : i32
          %add3A_205 = arith.addi %add3A_152, %add3A_204 : i32
          %mul3A_206 = arith.constant 120 : i32
          %mul3A_207 = arith.muli %add3A_205, %mul3A_206 : i32
          %add3A_208 = arith.addi %mul3A_50, %mul3A_207 : i32
          %add3A_209 = arith.constant 320640 : i32
          %add3A_210 = arith.addi %add3A_209, %add3A_208 : i32
          %dma_start3A_211 = tpu.memref_slice %arg4[%add3A_210] : memref<641280xi32, #tpu.memory_space<hbm>> -> memref<120xi32, #tpu.memory_space<hbm>>
          %dma_start3A_212 = tpu.memref_slice %arg4[%add3A_210] : memref<641280xi32, #tpu.memory_space<hbm>> -> memref<120xi32, #tpu.memory_space<hbm>>
          tpu.enqueue_dma source(%dma_start3A_212 : memref<120xi32, #tpu.memory_space<hbm>>) target(%arg15 : memref<120xi32, #tpu.memory_space<vmem>>) target_semaphore(%arg30 : memref<!tpu.dma_semaphore, #tpu.memory_space<semaphore_mem>>)
          %eq3A_213 = arith.constant 0 : i32
          %eq3A_214 = arith.cmpi eq, %arg0, %eq3A_213 : i32
          %convert_element_type3A_215 = arith.extui %eq3A_214 : i1 to i32
          %cond3A_216 = arith.constant 0 : i32
          %cond3A_217 = arith.cmpi ne, %convert_element_type3A_215, %cond3A_216 : i32
          scf.if %cond3A_217 {
            %dma_start3A_223 = arith.constant 0 : i32
            %dma_start3A_224 = arith.constant 0 : i32
            %dma_start3A_225 = tpu.memref_slice %arg2[%dma_start3A_223, %dma_start3A_224] : memref<10240x128xf32, #tpu.memory_space<hbm>> -> memref<10240x128xf32, #tpu.memory_space<hbm>>
            tpu.enqueue_indirect_dma source(%dma_start3A_225 : memref<10240x128xf32, #tpu.memory_space<hbm>>) target(%arg18 : memref<120x128xf32, #tpu.memory_space<vmem>>) offsets(%arg12 : memref<120xi32, #tpu.memory_space<vmem>>) semaphore(%arg24 : memref<!tpu.dma_semaphore, #tpu.memory_space<semaphore_mem>>)
          } else {
          }
          %eq3A_218 = arith.constant 1 : i32
          %eq3A_219 = arith.cmpi eq, %arg0, %eq3A_218 : i32
          %convert_element_type3A_220 = arith.extui %eq3A_219 : i1 to i32
          %cond3A_221 = arith.constant 0 : i32
          %cond3A_222 = arith.cmpi ne, %convert_element_type3A_220, %cond3A_221 : i32
          scf.if %cond3A_222 {
            %dma_start3A_223 = arith.constant 0 : i32
            %dma_start3A_224 = arith.constant 0 : i32
            %dma_start3A_225 = tpu.memref_slice %arg3[%dma_start3A_223, %dma_start3A_224] : memref<10240x128xf32, #tpu.memory_space<hbm>> -> memref<10240x128xf32, #tpu.memory_space<hbm>>
            tpu.enqueue_indirect_dma source(%dma_start3A_225 : memref<10240x128xf32, #tpu.memory_space<hbm>>) target(%arg18 : memref<120x128xf32, #tpu.memory_space<vmem>>) offsets(%arg12 : memref<120xi32, #tpu.memory_space<vmem>>) semaphore(%arg24 : memref<!tpu.dma_semaphore, #tpu.memory_space<semaphore_mem>>)
          } else {
          }
        } else {
        }
      } else {
      }
      %add3A_137 = arith.constant 1 : i32
      %add3A_138 = arith.addi %mul3A_130, %add3A_137 : i32
      %lt3A_139 = arith.constant 167 : i32
      %lt3A_140 = arith.cmpi slt, %add3A_138, %lt3A_139 : i32
      %convert_element_type3A_141 = arith.extui %lt3A_140 : i1 to i32
      %cond3A_142 = arith.constant 0 : i32
      %cond3A_143 = arith.cmpi ne, %convert_element_type3A_141, %cond3A_142 : i32
      scf.if %cond3A_143 {
        %add3A_151 = arith.constant 1 : i32
        %add3A_152 = arith.addi %mul3A_130, %add3A_151 : i32
        %eq3A_153 = arith.constant 0 : i32
        %eq3A_154 = arith.cmpi eq, %arg0, %eq3A_153 : i32
        %convert_element_type3A_155 = arith.extui %eq3A_154 : i1 to i32
        %cond3A_156 = arith.constant 0 : i32
        %cond3A_157 = arith.cmpi ne, %convert_element_type3A_155, %cond3A_156 : i32
        scf.if %cond3A_157 {
          %dma_wait3A_192 = arith.constant 0 : i32
          %dma_wait3A_193 = arith.constant 0 : i32
          %dma_wait3A_194 = tpu.memref_slice %arg2[%dma_wait3A_192, %dma_wait3A_193] : memref<10240x128xf32, #tpu.memory_space<hbm>> -> memref<10240x128xf32, #tpu.memory_space<hbm>>
          tpu.wait_indirect_dma semaphore(%arg23 : memref<!tpu.dma_semaphore, #tpu.memory_space<semaphore_mem>>) src(%dma_wait3A_194 : memref<10240x128xf32, #tpu.memory_space<hbm>>) dst(%arg17 : memref<120x128xf32, #tpu.memory_space<vmem>>)
        } else {
        }
        %eq3A_158 = arith.constant 1 : i32
        %eq3A_159 = arith.cmpi eq, %arg0, %eq3A_158 : i32
        %convert_element_type3A_160 = arith.extui %eq3A_159 : i1 to i32
        %cond3A_161 = arith.constant 0 : i32
        %cond3A_162 = arith.cmpi ne, %convert_element_type3A_160, %cond3A_161 : i32
        scf.if %cond3A_162 {
          %dma_wait3A_192 = arith.constant 0 : i32
          %dma_wait3A_193 = arith.constant 0 : i32
          %dma_wait3A_194 = tpu.memref_slice %arg3[%dma_wait3A_192, %dma_wait3A_193] : memref<10240x128xf32, #tpu.memory_space<hbm>> -> memref<10240x128xf32, #tpu.memory_space<hbm>>
          tpu.wait_indirect_dma semaphore(%arg23 : memref<!tpu.dma_semaphore, #tpu.memory_space<semaphore_mem>>) src(%dma_wait3A_194 : memref<10240x128xf32, #tpu.memory_space<hbm>>) dst(%arg17 : memref<120x128xf32, #tpu.memory_space<vmem>>)
        } else {
        }
        %add3A_163 = arith.constant 3 : i32
        %add3A_164 = arith.addi %add3A_152, %add3A_163 : i32
        %lt3A_165 = arith.constant 167 : i32
        %lt3A_166 = arith.cmpi slt, %add3A_164, %lt3A_165 : i32
        %convert_element_type3A_167 = arith.extui %lt3A_166 : i1 to i32
        %cond3A_168 = arith.constant 0 : i32
        %cond3A_169 = arith.cmpi ne, %convert_element_type3A_167, %cond3A_168 : i32
        scf.if %cond3A_169 {
          %add3A_192 = arith.constant 3 : i32
          %add3A_193 = arith.addi %add3A_152, %add3A_192 : i32
          %mul3A_194 = arith.constant 120 : i32
          %mul3A_195 = arith.muli %add3A_193, %mul3A_194 : i32
          %add3A_196 = arith.addi %mul3A_50, %mul3A_195 : i32
          %dma_start3A_197 = tpu.memref_slice %arg4[%add3A_196] : memref<641280xi32, #tpu.memory_space<hbm>> -> memref<120xi32, #tpu.memory_space<hbm>>
          %dma_start3A_198 = tpu.memref_slice %arg4[%add3A_196] : memref<641280xi32, #tpu.memory_space<hbm>> -> memref<120xi32, #tpu.memory_space<hbm>>
          tpu.enqueue_dma source(%dma_start3A_198 : memref<120xi32, #tpu.memory_space<hbm>>) target(%arg11 : memref<120xi32, #tpu.memory_space<vmem>>) target_semaphore(%arg32 : memref<!tpu.dma_semaphore, #tpu.memory_space<semaphore_mem>>)
        } else {
        }
        %mul3A_170 = arith.constant 120 : i32
        %mul3A_171 = arith.muli %add3A_152, %mul3A_170 : i32
        %add3A_172 = arith.addi %mul3A_50, %mul3A_171 : i32
        %add3A_173 = arith.constant 320640 : i32
        %add3A_174 = arith.addi %add3A_173, %add3A_172 : i32
        %dma_wait3A_175 = tpu.memref_slice %arg4[%add3A_174] : memref<641280xi32, #tpu.memory_space<hbm>> -> memref<120xi32, #tpu.memory_space<hbm>>
        %dma_wait3A_176 = tpu.memref_slice %arg4[%add3A_174] : memref<641280xi32, #tpu.memory_space<hbm>> -> memref<120xi32, #tpu.memory_space<hbm>>
        tpu.wait_dma2 semaphore(%arg29 : memref<!tpu.dma_semaphore, #tpu.memory_space<semaphore_mem>>) src(%dma_wait3A_176 : memref<120xi32, #tpu.memory_space<hbm>>) dst(%arg14 : memref<120xi32, #tpu.memory_space<vmem>>)
        %dma_start3A_177 = arith.constant 0 : i32
        %dma_start3A_178 = arith.constant 0 : i32
        %dma_start3A_179 = tpu.memref_slice %arg20[%dma_start3A_177, %dma_start3A_178] : memref<10240x128xf32, #tpu.memory_space<vmem_shared>> -> memref<10240x128xf32, #tpu.memory_space<vmem_shared>>
        tpu.enqueue_indirect_dma source(%arg17 : memref<120x128xf32, #tpu.memory_space<vmem>>) target(%dma_start3A_179 : memref<10240x128xf32, #tpu.memory_space<vmem_shared>>) offsets(%arg14 : memref<120xi32, #tpu.memory_space<vmem>>) semaphore(%arg26 : memref<!tpu.dma_semaphore, #tpu.memory_space<semaphore_mem>>) {add = true}
        %eq3A_180 = arith.constant 0 : i32
        %eq3A_181 = arith.cmpi eq, %arg0, %eq3A_180 : i32
        %convert_element_type3A_182 = arith.extui %eq3A_181 : i1 to i32
        %cond3A_183 = arith.constant 0 : i32
        %cond3A_184 = arith.cmpi ne, %convert_element_type3A_182, %cond3A_183 : i32
        scf.if %cond3A_184 {
          %dma_start3A_192 = arith.constant 0 : i32
          %dma_start3A_193 = tpu.memref_slice %arg19[%dma_start3A_192] : memref<128xf32, #tpu.memory_space<vmem>> -> memref<120xf32, #tpu.memory_space<vmem>>
          %dma_start3A_194 = arith.constant 0 : i32
          %dma_start3A_195 = tpu.memref_slice %arg21[%dma_start3A_194] : memref<10240xf32, #tpu.memory_space<vmem_shared>> -> memref<10240xf32, #tpu.memory_space<vmem_shared>>
          tpu.enqueue_indirect_dma source(%dma_start3A_193 : memref<120xf32, #tpu.memory_space<vmem>>) target(%dma_start3A_195 : memref<10240xf32, #tpu.memory_space<vmem_shared>>) offsets(%arg14 : memref<120xi32, #tpu.memory_space<vmem>>) semaphore(%arg26 : memref<!tpu.dma_semaphore, #tpu.memory_space<semaphore_mem>>) {add = true}
        } else {
        }
        %add3A_185 = arith.constant 2 : i32
        %add3A_186 = arith.addi %add3A_152, %add3A_185 : i32
        %lt3A_187 = arith.constant 167 : i32
        %lt3A_188 = arith.cmpi slt, %add3A_186, %lt3A_187 : i32
        %convert_element_type3A_189 = arith.extui %lt3A_188 : i1 to i32
        %cond3A_190 = arith.constant 0 : i32
        %cond3A_191 = arith.cmpi ne, %convert_element_type3A_189, %cond3A_190 : i32
        scf.if %cond3A_191 {
          %add3A_192 = arith.constant 2 : i32
          %add3A_193 = arith.addi %add3A_152, %add3A_192 : i32
          %mul3A_194 = arith.constant 120 : i32
          %mul3A_195 = arith.muli %add3A_193, %mul3A_194 : i32
          %add3A_196 = arith.addi %mul3A_50, %mul3A_195 : i32
          %dma_wait3A_197 = tpu.memref_slice %arg4[%add3A_196] : memref<641280xi32, #tpu.memory_space<hbm>> -> memref<120xi32, #tpu.memory_space<hbm>>
          %dma_wait3A_198 = tpu.memref_slice %arg4[%add3A_196] : memref<641280xi32, #tpu.memory_space<hbm>> -> memref<120xi32, #tpu.memory_space<hbm>>
          tpu.wait_dma2 semaphore(%arg31 : memref<!tpu.dma_semaphore, #tpu.memory_space<semaphore_mem>>) src(%dma_wait3A_198 : memref<120xi32, #tpu.memory_space<hbm>>) dst(%arg10 : memref<120xi32, #tpu.memory_space<vmem>>)
          %sub3A = arith.constant 1 : i32
          %sub3A_199 = arith.subi %add3A_152, %sub3A : i32
          %ge3A = arith.constant 0 : i32
          %ge3A_200 = arith.cmpi sge, %sub3A_199, %ge3A : i32
          %convert_element_type3A_201 = arith.extui %ge3A_200 : i1 to i32
          %cond3A_202 = arith.constant 0 : i32
          %cond3A_203 = arith.cmpi ne, %convert_element_type3A_201, %cond3A_202 : i32
          scf.if %cond3A_203 {
            %sub3A_223 = arith.constant 1 : i32
            %sub3A_224 = arith.subi %add3A_152, %sub3A_223 : i32
            %dma_wait3A_225 = arith.constant 0 : i32
            %dma_wait3A_226 = arith.constant 0 : i32
            %dma_wait3A_227 = tpu.memref_slice %arg20[%dma_wait3A_225, %dma_wait3A_226] : memref<10240x128xf32, #tpu.memory_space<vmem_shared>> -> memref<10240x128xf32, #tpu.memory_space<vmem_shared>>
            tpu.wait_indirect_dma semaphore(%arg25 : memref<!tpu.dma_semaphore, #tpu.memory_space<semaphore_mem>>) src(%arg16 : memref<120x128xf32, #tpu.memory_space<vmem>>) dst(%dma_wait3A_227 : memref<10240x128xf32, #tpu.memory_space<vmem_shared>>)
            %eq3A_228 = arith.constant 0 : i32
            %eq3A_229 = arith.cmpi eq, %arg0, %eq3A_228 : i32
            %convert_element_type3A_230 = arith.extui %eq3A_229 : i1 to i32
            %cond3A_231 = arith.constant 0 : i32
            %cond3A_232 = arith.cmpi ne, %convert_element_type3A_230, %cond3A_231 : i32
            scf.if %cond3A_232 {
              %dma_wait3A_233 = arith.constant 0 : i32
              %dma_wait3A_234 = tpu.memref_slice %arg19[%dma_wait3A_233] : memref<128xf32, #tpu.memory_space<vmem>> -> memref<120xf32, #tpu.memory_space<vmem>>
              %dma_wait3A_235 = arith.constant 0 : i32
              %dma_wait3A_236 = tpu.memref_slice %arg21[%dma_wait3A_235] : memref<10240xf32, #tpu.memory_space<vmem_shared>> -> memref<10240xf32, #tpu.memory_space<vmem_shared>>
              tpu.wait_indirect_dma semaphore(%arg25 : memref<!tpu.dma_semaphore, #tpu.memory_space<semaphore_mem>>) src(%dma_wait3A_234 : memref<120xf32, #tpu.memory_space<vmem>>) dst(%dma_wait3A_236 : memref<10240xf32, #tpu.memory_space<vmem_shared>>)
            } else {
            }
          } else {
          }
          %add3A_204 = arith.constant 2 : i32
          %add3A_205 = arith.addi %add3A_152, %add3A_204 : i32
          %mul3A_206 = arith.constant 120 : i32
          %mul3A_207 = arith.muli %add3A_205, %mul3A_206 : i32
          %add3A_208 = arith.addi %mul3A_50, %mul3A_207 : i32
          %add3A_209 = arith.constant 320640 : i32
          %add3A_210 = arith.addi %add3A_209, %add3A_208 : i32
          %dma_start3A_211 = tpu.memref_slice %arg4[%add3A_210] : memref<641280xi32, #tpu.memory_space<hbm>> -> memref<120xi32, #tpu.memory_space<hbm>>
          %dma_start3A_212 = tpu.memref_slice %arg4[%add3A_210] : memref<641280xi32, #tpu.memory_space<hbm>> -> memref<120xi32, #tpu.memory_space<hbm>>
          tpu.enqueue_dma source(%dma_start3A_212 : memref<120xi32, #tpu.memory_space<hbm>>) target(%arg13 : memref<120xi32, #tpu.memory_space<vmem>>) target_semaphore(%arg28 : memref<!tpu.dma_semaphore, #tpu.memory_space<semaphore_mem>>)
          %eq3A_213 = arith.constant 0 : i32
          %eq3A_214 = arith.cmpi eq, %arg0, %eq3A_213 : i32
          %convert_element_type3A_215 = arith.extui %eq3A_214 : i1 to i32
          %cond3A_216 = arith.constant 0 : i32
          %cond3A_217 = arith.cmpi ne, %convert_element_type3A_215, %cond3A_216 : i32
          scf.if %cond3A_217 {
            %dma_start3A_223 = arith.constant 0 : i32
            %dma_start3A_224 = arith.constant 0 : i32
            %dma_start3A_225 = tpu.memref_slice %arg2[%dma_start3A_223, %dma_start3A_224] : memref<10240x128xf32, #tpu.memory_space<hbm>> -> memref<10240x128xf32, #tpu.memory_space<hbm>>
            tpu.enqueue_indirect_dma source(%dma_start3A_225 : memref<10240x128xf32, #tpu.memory_space<hbm>>) target(%arg16 : memref<120x128xf32, #tpu.memory_space<vmem>>) offsets(%arg10 : memref<120xi32, #tpu.memory_space<vmem>>) semaphore(%arg22 : memref<!tpu.dma_semaphore, #tpu.memory_space<semaphore_mem>>)
          } else {
          }
          %eq3A_218 = arith.constant 1 : i32
          %eq3A_219 = arith.cmpi eq, %arg0, %eq3A_218 : i32
          %convert_element_type3A_220 = arith.extui %eq3A_219 : i1 to i32
          %cond3A_221 = arith.constant 0 : i32
          %cond3A_222 = arith.cmpi ne, %convert_element_type3A_220, %cond3A_221 : i32
          scf.if %cond3A_222 {
            %dma_start3A_223 = arith.constant 0 : i32
            %dma_start3A_224 = arith.constant 0 : i32
            %dma_start3A_225 = tpu.memref_slice %arg3[%dma_start3A_223, %dma_start3A_224] : memref<10240x128xf32, #tpu.memory_space<hbm>> -> memref<10240x128xf32, #tpu.memory_space<hbm>>
            tpu.enqueue_indirect_dma source(%dma_start3A_225 : memref<10240x128xf32, #tpu.memory_space<hbm>>) target(%arg16 : memref<120x128xf32, #tpu.memory_space<vmem>>) offsets(%arg10 : memref<120xi32, #tpu.memory_space<vmem>>) semaphore(%arg22 : memref<!tpu.dma_semaphore, #tpu.memory_space<semaphore_mem>>)
          } else {
          }
        } else {
        }
      } else {
      }
      %add3A_144 = arith.constant 2 : i32
      %add3A_145 = arith.addi %mul3A_130, %add3A_144 : i32
      %lt3A_146 = arith.constant 167 : i32
      %lt3A_147 = arith.cmpi slt, %add3A_145, %lt3A_146 : i32
      %convert_element_type3A_148 = arith.extui %lt3A_147 : i1 to i32
      %cond3A_149 = arith.constant 0 : i32
      %cond3A_150 = arith.cmpi ne, %convert_element_type3A_148, %cond3A_149 : i32
      scf.if %cond3A_150 {
        %add3A_151 = arith.constant 2 : i32
        %add3A_152 = arith.addi %mul3A_130, %add3A_151 : i32
        %eq3A_153 = arith.constant 0 : i32
        %eq3A_154 = arith.cmpi eq, %arg0, %eq3A_153 : i32
        %convert_element_type3A_155 = arith.extui %eq3A_154 : i1 to i32
        %cond3A_156 = arith.constant 0 : i32
        %cond3A_157 = arith.cmpi ne, %convert_element_type3A_155, %cond3A_156 : i32
        scf.if %cond3A_157 {
          %dma_wait3A_192 = arith.constant 0 : i32
          %dma_wait3A_193 = arith.constant 0 : i32
          %dma_wait3A_194 = tpu.memref_slice %arg2[%dma_wait3A_192, %dma_wait3A_193] : memref<10240x128xf32, #tpu.memory_space<hbm>> -> memref<10240x128xf32, #tpu.memory_space<hbm>>
          tpu.wait_indirect_dma semaphore(%arg24 : memref<!tpu.dma_semaphore, #tpu.memory_space<semaphore_mem>>) src(%dma_wait3A_194 : memref<10240x128xf32, #tpu.memory_space<hbm>>) dst(%arg18 : memref<120x128xf32, #tpu.memory_space<vmem>>)
        } else {
        }
        %eq3A_158 = arith.constant 1 : i32
        %eq3A_159 = arith.cmpi eq, %arg0, %eq3A_158 : i32
        %convert_element_type3A_160 = arith.extui %eq3A_159 : i1 to i32
        %cond3A_161 = arith.constant 0 : i32
        %cond3A_162 = arith.cmpi ne, %convert_element_type3A_160, %cond3A_161 : i32
        scf.if %cond3A_162 {
          %dma_wait3A_192 = arith.constant 0 : i32
          %dma_wait3A_193 = arith.constant 0 : i32
          %dma_wait3A_194 = tpu.memref_slice %arg3[%dma_wait3A_192, %dma_wait3A_193] : memref<10240x128xf32, #tpu.memory_space<hbm>> -> memref<10240x128xf32, #tpu.memory_space<hbm>>
          tpu.wait_indirect_dma semaphore(%arg24 : memref<!tpu.dma_semaphore, #tpu.memory_space<semaphore_mem>>) src(%dma_wait3A_194 : memref<10240x128xf32, #tpu.memory_space<hbm>>) dst(%arg18 : memref<120x128xf32, #tpu.memory_space<vmem>>)
        } else {
        }
        %add3A_163 = arith.constant 3 : i32
        %add3A_164 = arith.addi %add3A_152, %add3A_163 : i32
        %lt3A_165 = arith.constant 167 : i32
        %lt3A_166 = arith.cmpi slt, %add3A_164, %lt3A_165 : i32
        %convert_element_type3A_167 = arith.extui %lt3A_166 : i1 to i32
        %cond3A_168 = arith.constant 0 : i32
        %cond3A_169 = arith.cmpi ne, %convert_element_type3A_167, %cond3A_168 : i32
        scf.if %cond3A_169 {
          %add3A_192 = arith.constant 3 : i32
          %add3A_193 = arith.addi %add3A_152, %add3A_192 : i32
          %mul3A_194 = arith.constant 120 : i32
          %mul3A_195 = arith.muli %add3A_193, %mul3A_194 : i32
          %add3A_196 = arith.addi %mul3A_50, %mul3A_195 : i32
          %dma_start3A_197 = tpu.memref_slice %arg4[%add3A_196] : memref<641280xi32, #tpu.memory_space<hbm>> -> memref<120xi32, #tpu.memory_space<hbm>>
          %dma_start3A_198 = tpu.memref_slice %arg4[%add3A_196] : memref<641280xi32, #tpu.memory_space<hbm>> -> memref<120xi32, #tpu.memory_space<hbm>>
          tpu.enqueue_dma source(%dma_start3A_198 : memref<120xi32, #tpu.memory_space<hbm>>) target(%arg12 : memref<120xi32, #tpu.memory_space<vmem>>) target_semaphore(%arg33 : memref<!tpu.dma_semaphore, #tpu.memory_space<semaphore_mem>>)
        } else {
        }
        %mul3A_170 = arith.constant 120 : i32
        %mul3A_171 = arith.muli %add3A_152, %mul3A_170 : i32
        %add3A_172 = arith.addi %mul3A_50, %mul3A_171 : i32
        %add3A_173 = arith.constant 320640 : i32
        %add3A_174 = arith.addi %add3A_173, %add3A_172 : i32
        %dma_wait3A_175 = tpu.memref_slice %arg4[%add3A_174] : memref<641280xi32, #tpu.memory_space<hbm>> -> memref<120xi32, #tpu.memory_space<hbm>>
        %dma_wait3A_176 = tpu.memref_slice %arg4[%add3A_174] : memref<641280xi32, #tpu.memory_space<hbm>> -> memref<120xi32, #tpu.memory_space<hbm>>
        tpu.wait_dma2 semaphore(%arg30 : memref<!tpu.dma_semaphore, #tpu.memory_space<semaphore_mem>>) src(%dma_wait3A_176 : memref<120xi32, #tpu.memory_space<hbm>>) dst(%arg15 : memref<120xi32, #tpu.memory_space<vmem>>)
        %dma_start3A_177 = arith.constant 0 : i32
        %dma_start3A_178 = arith.constant 0 : i32
        %dma_start3A_179 = tpu.memref_slice %arg20[%dma_start3A_177, %dma_start3A_178] : memref<10240x128xf32, #tpu.memory_space<vmem_shared>> -> memref<10240x128xf32, #tpu.memory_space<vmem_shared>>
        tpu.enqueue_indirect_dma source(%arg18 : memref<120x128xf32, #tpu.memory_space<vmem>>) target(%dma_start3A_179 : memref<10240x128xf32, #tpu.memory_space<vmem_shared>>) offsets(%arg15 : memref<120xi32, #tpu.memory_space<vmem>>) semaphore(%arg27 : memref<!tpu.dma_semaphore, #tpu.memory_space<semaphore_mem>>) {add = true}
        %eq3A_180 = arith.constant 0 : i32
        %eq3A_181 = arith.cmpi eq, %arg0, %eq3A_180 : i32
        %convert_element_type3A_182 = arith.extui %eq3A_181 : i1 to i32
        %cond3A_183 = arith.constant 0 : i32
        %cond3A_184 = arith.cmpi ne, %convert_element_type3A_182, %cond3A_183 : i32
        scf.if %cond3A_184 {
          %dma_start3A_192 = arith.constant 0 : i32
          %dma_start3A_193 = tpu.memref_slice %arg19[%dma_start3A_192] : memref<128xf32, #tpu.memory_space<vmem>> -> memref<120xf32, #tpu.memory_space<vmem>>
          %dma_start3A_194 = arith.constant 0 : i32
          %dma_start3A_195 = tpu.memref_slice %arg21[%dma_start3A_194] : memref<10240xf32, #tpu.memory_space<vmem_shared>> -> memref<10240xf32, #tpu.memory_space<vmem_shared>>
          tpu.enqueue_indirect_dma source(%dma_start3A_193 : memref<120xf32, #tpu.memory_space<vmem>>) target(%dma_start3A_195 : memref<10240xf32, #tpu.memory_space<vmem_shared>>) offsets(%arg15 : memref<120xi32, #tpu.memory_space<vmem>>) semaphore(%arg27 : memref<!tpu.dma_semaphore, #tpu.memory_space<semaphore_mem>>) {add = true}
        } else {
        }
        %add3A_185 = arith.constant 2 : i32
        %add3A_186 = arith.addi %add3A_152, %add3A_185 : i32
        %lt3A_187 = arith.constant 167 : i32
        %lt3A_188 = arith.cmpi slt, %add3A_186, %lt3A_187 : i32
        %convert_element_type3A_189 = arith.extui %lt3A_188 : i1 to i32
        %cond3A_190 = arith.constant 0 : i32
        %cond3A_191 = arith.cmpi ne, %convert_element_type3A_189, %cond3A_190 : i32
        scf.if %cond3A_191 {
          %add3A_192 = arith.constant 2 : i32
          %add3A_193 = arith.addi %add3A_152, %add3A_192 : i32
          %mul3A_194 = arith.constant 120 : i32
          %mul3A_195 = arith.muli %add3A_193, %mul3A_194 : i32
          %add3A_196 = arith.addi %mul3A_50, %mul3A_195 : i32
          %dma_wait3A_197 = tpu.memref_slice %arg4[%add3A_196] : memref<641280xi32, #tpu.memory_space<hbm>> -> memref<120xi32, #tpu.memory_space<hbm>>
          %dma_wait3A_198 = tpu.memref_slice %arg4[%add3A_196] : memref<641280xi32, #tpu.memory_space<hbm>> -> memref<120xi32, #tpu.memory_space<hbm>>
          tpu.wait_dma2 semaphore(%arg32 : memref<!tpu.dma_semaphore, #tpu.memory_space<semaphore_mem>>) src(%dma_wait3A_198 : memref<120xi32, #tpu.memory_space<hbm>>) dst(%arg11 : memref<120xi32, #tpu.memory_space<vmem>>)
          %sub3A = arith.constant 1 : i32
          %sub3A_199 = arith.subi %add3A_152, %sub3A : i32
          %ge3A = arith.constant 0 : i32
          %ge3A_200 = arith.cmpi sge, %sub3A_199, %ge3A : i32
          %convert_element_type3A_201 = arith.extui %ge3A_200 : i1 to i32
          %cond3A_202 = arith.constant 0 : i32
          %cond3A_203 = arith.cmpi ne, %convert_element_type3A_201, %cond3A_202 : i32
          scf.if %cond3A_203 {
            %sub3A_223 = arith.constant 1 : i32
            %sub3A_224 = arith.subi %add3A_152, %sub3A_223 : i32
            %dma_wait3A_225 = arith.constant 0 : i32
            %dma_wait3A_226 = arith.constant 0 : i32
            %dma_wait3A_227 = tpu.memref_slice %arg20[%dma_wait3A_225, %dma_wait3A_226] : memref<10240x128xf32, #tpu.memory_space<vmem_shared>> -> memref<10240x128xf32, #tpu.memory_space<vmem_shared>>
            tpu.wait_indirect_dma semaphore(%arg26 : memref<!tpu.dma_semaphore, #tpu.memory_space<semaphore_mem>>) src(%arg17 : memref<120x128xf32, #tpu.memory_space<vmem>>) dst(%dma_wait3A_227 : memref<10240x128xf32, #tpu.memory_space<vmem_shared>>)
            %eq3A_228 = arith.constant 0 : i32
            %eq3A_229 = arith.cmpi eq, %arg0, %eq3A_228 : i32
            %convert_element_type3A_230 = arith.extui %eq3A_229 : i1 to i32
            %cond3A_231 = arith.constant 0 : i32
            %cond3A_232 = arith.cmpi ne, %convert_element_type3A_230, %cond3A_231 : i32
            scf.if %cond3A_232 {
              %dma_wait3A_233 = arith.constant 0 : i32
              %dma_wait3A_234 = tpu.memref_slice %arg19[%dma_wait3A_233] : memref<128xf32, #tpu.memory_space<vmem>> -> memref<120xf32, #tpu.memory_space<vmem>>
              %dma_wait3A_235 = arith.constant 0 : i32
              %dma_wait3A_236 = tpu.memref_slice %arg21[%dma_wait3A_235] : memref<10240xf32, #tpu.memory_space<vmem_shared>> -> memref<10240xf32, #tpu.memory_space<vmem_shared>>
              tpu.wait_indirect_dma semaphore(%arg26 : memref<!tpu.dma_semaphore, #tpu.memory_space<semaphore_mem>>) src(%dma_wait3A_234 : memref<120xf32, #tpu.memory_space<vmem>>) dst(%dma_wait3A_236 : memref<10240xf32, #tpu.memory_space<vmem_shared>>)
            } else {
            }
          } else {
          }
          %add3A_204 = arith.constant 2 : i32
          %add3A_205 = arith.addi %add3A_152, %add3A_204 : i32
          %mul3A_206 = arith.constant 120 : i32
          %mul3A_207 = arith.muli %add3A_205, %mul3A_206 : i32
          %add3A_208 = arith.addi %mul3A_50, %mul3A_207 : i32
          %add3A_209 = arith.constant 320640 : i32
          %add3A_210 = arith.addi %add3A_209, %add3A_208 : i32
          %dma_start3A_211 = tpu.memref_slice %arg4[%add3A_210] : memref<641280xi32, #tpu.memory_space<hbm>> -> memref<120xi32, #tpu.memory_space<hbm>>
          %dma_start3A_212 = tpu.memref_slice %arg4[%add3A_210] : memref<641280xi32, #tpu.memory_space<hbm>> -> memref<120xi32, #tpu.memory_space<hbm>>
          tpu.enqueue_dma source(%dma_start3A_212 : memref<120xi32, #tpu.memory_space<hbm>>) target(%arg14 : memref<120xi32, #tpu.memory_space<vmem>>) target_semaphore(%arg29 : memref<!tpu.dma_semaphore, #tpu.memory_space<semaphore_mem>>)
          %eq3A_213 = arith.constant 0 : i32
          %eq3A_214 = arith.cmpi eq, %arg0, %eq3A_213 : i32
          %convert_element_type3A_215 = arith.extui %eq3A_214 : i1 to i32
          %cond3A_216 = arith.constant 0 : i32
          %cond3A_217 = arith.cmpi ne, %convert_element_type3A_215, %cond3A_216 : i32
          scf.if %cond3A_217 {
            %dma_start3A_223 = arith.constant 0 : i32
            %dma_start3A_224 = arith.constant 0 : i32
            %dma_start3A_225 = tpu.memref_slice %arg2[%dma_start3A_223, %dma_start3A_224] : memref<10240x128xf32, #tpu.memory_space<hbm>> -> memref<10240x128xf32, #tpu.memory_space<hbm>>
            tpu.enqueue_indirect_dma source(%dma_start3A_225 : memref<10240x128xf32, #tpu.memory_space<hbm>>) target(%arg17 : memref<120x128xf32, #tpu.memory_space<vmem>>) offsets(%arg11 : memref<120xi32, #tpu.memory_space<vmem>>) semaphore(%arg23 : memref<!tpu.dma_semaphore, #tpu.memory_space<semaphore_mem>>)
          } else {
          }
          %eq3A_218 = arith.constant 1 : i32
          %eq3A_219 = arith.cmpi eq, %arg0, %eq3A_218 : i32
          %convert_element_type3A_220 = arith.extui %eq3A_219 : i1 to i32
          %cond3A_221 = arith.constant 0 : i32
          %cond3A_222 = arith.cmpi ne, %convert_element_type3A_220, %cond3A_221 : i32
          scf.if %cond3A_222 {
            %dma_start3A_223 = arith.constant 0 : i32
            %dma_start3A_224 = arith.constant 0 : i32
            %dma_start3A_225 = tpu.memref_slice %arg3[%dma_start3A_223, %dma_start3A_224] : memref<10240x128xf32, #tpu.memory_space<hbm>> -> memref<10240x128xf32, #tpu.memory_space<hbm>>
            tpu.enqueue_indirect_dma source(%dma_start3A_225 : memref<10240x128xf32, #tpu.memory_space<hbm>>) target(%arg17 : memref<120x128xf32, #tpu.memory_space<vmem>>) offsets(%arg11 : memref<120xi32, #tpu.memory_space<vmem>>) semaphore(%arg23 : memref<!tpu.dma_semaphore, #tpu.memory_space<semaphore_mem>>)
          } else {
          }
        } else {
        }
      } else {
      }
    }
    %scan3A_93 = arith.constant 56 : i32
    %dma_wait3A = arith.constant 0 : i32
    %dma_wait3A_94 = arith.constant 0 : i32
    %dma_wait3A_95 = tpu.memref_slice %arg20[%dma_wait3A, %dma_wait3A_94] : memref<10240x128xf32, #tpu.memory_space<vmem_shared>> -> memref<10240x128xf32, #tpu.memory_space<vmem_shared>>
    tpu.wait_indirect_dma semaphore(%arg25 : memref<!tpu.dma_semaphore, #tpu.memory_space<semaphore_mem>>) src(%arg16 : memref<120x128xf32, #tpu.memory_space<vmem>>) dst(%dma_wait3A_95 : memref<10240x128xf32, #tpu.memory_space<vmem_shared>>)
    %eq3A_96 = arith.constant 0 : i32
    %eq3A_97 = arith.cmpi eq, %arg0, %eq3A_96 : i32
    %convert_element_type3A_98 = arith.extui %eq3A_97 : i1 to i32
    %cond3A_99 = arith.constant 0 : i32
    %cond3A_100 = arith.cmpi ne, %convert_element_type3A_98, %cond3A_99 : i32
    scf.if %cond3A_100 {
      %dma_wait3A_128 = arith.constant 0 : i32
      %dma_wait3A_129 = tpu.memref_slice %arg19[%dma_wait3A_128] : memref<128xf32, #tpu.memory_space<vmem>> -> memref<120xf32, #tpu.memory_space<vmem>>
      %dma_wait3A_130 = arith.constant 0 : i32
      %dma_wait3A_131 = tpu.memref_slice %arg21[%dma_wait3A_130] : memref<10240xf32, #tpu.memory_space<vmem_shared>> -> memref<10240xf32, #tpu.memory_space<vmem_shared>>
      tpu.wait_indirect_dma semaphore(%arg25 : memref<!tpu.dma_semaphore, #tpu.memory_space<semaphore_mem>>) src(%dma_wait3A_129 : memref<120xf32, #tpu.memory_space<vmem>>) dst(%dma_wait3A_131 : memref<10240xf32, #tpu.memory_space<vmem_shared>>)
    } else {
    }
    %dma_wait3A_101 = arith.constant 0 : i32
    %dma_wait3A_102 = arith.constant 0 : i32
    %dma_wait3A_103 = tpu.memref_slice %arg20[%dma_wait3A_101, %dma_wait3A_102] : memref<10240x128xf32, #tpu.memory_space<vmem_shared>> -> memref<10240x128xf32, #tpu.memory_space<vmem_shared>>
    tpu.wait_indirect_dma semaphore(%arg26 : memref<!tpu.dma_semaphore, #tpu.memory_space<semaphore_mem>>) src(%arg17 : memref<120x128xf32, #tpu.memory_space<vmem>>) dst(%dma_wait3A_103 : memref<10240x128xf32, #tpu.memory_space<vmem_shared>>)
    %eq3A_104 = arith.constant 0 : i32
    %eq3A_105 = arith.cmpi eq, %arg0, %eq3A_104 : i32
    %convert_element_type3A_106 = arith.extui %eq3A_105 : i1 to i32
    %cond3A_107 = arith.constant 0 : i32
    %cond3A_108 = arith.cmpi ne, %convert_element_type3A_106, %cond3A_107 : i32
    scf.if %cond3A_108 {
      %dma_wait3A_128 = arith.constant 0 : i32
      %dma_wait3A_129 = tpu.memref_slice %arg19[%dma_wait3A_128] : memref<128xf32, #tpu.memory_space<vmem>> -> memref<120xf32, #tpu.memory_space<vmem>>
      %dma_wait3A_130 = arith.constant 0 : i32
      %dma_wait3A_131 = tpu.memref_slice %arg21[%dma_wait3A_130] : memref<10240xf32, #tpu.memory_space<vmem_shared>> -> memref<10240xf32, #tpu.memory_space<vmem_shared>>
      tpu.wait_indirect_dma semaphore(%arg26 : memref<!tpu.dma_semaphore, #tpu.memory_space<semaphore_mem>>) src(%dma_wait3A_129 : memref<120xf32, #tpu.memory_space<vmem>>) dst(%dma_wait3A_131 : memref<10240xf32, #tpu.memory_space<vmem_shared>>)
    } else {
    }
    %dma_wait3A_109 = arith.constant 0 : i32
    %dma_wait3A_110 = arith.constant 0 : i32
    %dma_wait3A_111 = tpu.memref_slice %arg20[%dma_wait3A_109, %dma_wait3A_110] : memref<10240x128xf32, #tpu.memory_space<vmem_shared>> -> memref<10240x128xf32, #tpu.memory_space<vmem_shared>>
    tpu.wait_indirect_dma semaphore(%arg27 : memref<!tpu.dma_semaphore, #tpu.memory_space<semaphore_mem>>) src(%arg18 : memref<120x128xf32, #tpu.memory_space<vmem>>) dst(%dma_wait3A_111 : memref<10240x128xf32, #tpu.memory_space<vmem_shared>>)
    %eq3A_112 = arith.constant 0 : i32
    %eq3A_113 = arith.cmpi eq, %arg0, %eq3A_112 : i32
    %convert_element_type3A_114 = arith.extui %eq3A_113 : i1 to i32
    %cond3A_115 = arith.constant 0 : i32
    %cond3A_116 = arith.cmpi ne, %convert_element_type3A_114, %cond3A_115 : i32
    scf.if %cond3A_116 {
      %dma_wait3A_128 = arith.constant 0 : i32
      %dma_wait3A_129 = tpu.memref_slice %arg19[%dma_wait3A_128] : memref<128xf32, #tpu.memory_space<vmem>> -> memref<120xf32, #tpu.memory_space<vmem>>
      %dma_wait3A_130 = arith.constant 0 : i32
      %dma_wait3A_131 = tpu.memref_slice %arg21[%dma_wait3A_130] : memref<10240xf32, #tpu.memory_space<vmem_shared>> -> memref<10240xf32, #tpu.memory_space<vmem_shared>>
      tpu.wait_indirect_dma semaphore(%arg27 : memref<!tpu.dma_semaphore, #tpu.memory_space<semaphore_mem>>) src(%dma_wait3A_129 : memref<120xf32, #tpu.memory_space<vmem>>) dst(%dma_wait3A_131 : memref<10240xf32, #tpu.memory_space<vmem_shared>>)
    } else {
    }
    %barrier3A_117 = arith.constant 0 : index
    tpu.barrier barrier_id(%barrier3A_117)
    %eq3A_118 = arith.constant 0 : i32
    %eq3A_119 = arith.cmpi eq, %arg0, %eq3A_118 : i32
    %convert_element_type3A_120 = arith.extui %eq3A_119 : i1 to i32
    %cond3A_121 = arith.constant 0 : i32
    %cond3A_122 = arith.cmpi ne, %convert_element_type3A_120, %cond3A_121 : i32
    scf.if %cond3A_122 {
      "tpu.region"() ({
        %run_scoped3A = tpu.sem_alloc : memref<!tpu.dma_semaphore, #tpu.memory_space<semaphore_mem>>
        %dma_start3A_128 = arith.constant 0 : i32
        %dma_start3A_129 = tpu.memref_slice %arg7[%mul3A_0, %dma_start3A_128] : memref<10240x128xf32, #tpu.memory_space<hbm>> -> memref<640x128xf32, #tpu.memory_space<hbm>>
        %dma_start3A_130 = arith.constant 0 : i32
        %dma_start3A_131 = tpu.memref_slice %arg20[%mul3A_0, %dma_start3A_130] : memref<10240x128xf32, #tpu.memory_space<vmem_shared>> -> memref<640x128xf32, #tpu.memory_space<vmem_shared>>
        tpu.enqueue_dma source(%dma_start3A_131 : memref<640x128xf32, #tpu.memory_space<vmem_shared>>) target(%dma_start3A_129 : memref<640x128xf32, #tpu.memory_space<hbm>>) target_semaphore(%run_scoped3A : memref<!tpu.dma_semaphore, #tpu.memory_space<semaphore_mem>>)
        %dma_wait3A_132 = arith.constant 0 : i32
        %dma_wait3A_133 = tpu.memref_slice %arg7[%mul3A_0, %dma_wait3A_132] : memref<10240x128xf32, #tpu.memory_space<hbm>> -> memref<640x128xf32, #tpu.memory_space<hbm>>
        %dma_wait3A_134 = arith.constant 0 : i32
        %dma_wait3A_135 = tpu.memref_slice %arg20[%mul3A_0, %dma_wait3A_134] : memref<10240x128xf32, #tpu.memory_space<vmem_shared>> -> memref<640x128xf32, #tpu.memory_space<vmem_shared>>
        tpu.wait_dma2 semaphore(%run_scoped3A : memref<!tpu.dma_semaphore, #tpu.memory_space<semaphore_mem>>) src(%dma_wait3A_135 : memref<640x128xf32, #tpu.memory_space<vmem_shared>>) dst(%dma_wait3A_133 : memref<640x128xf32, #tpu.memory_space<hbm>>)
        tpu.yield
      }) : () -> ()
      "tpu.region"() ({
        %run_scoped3A = tpu.sem_alloc : memref<!tpu.dma_semaphore, #tpu.memory_space<semaphore_mem>>
        %dma_start3A_128 = tpu.memref_slice %arg9[%mul3A_0] : memref<10240xf32, #tpu.memory_space<hbm>> -> memref<640xf32, #tpu.memory_space<hbm>>
        %dma_start3A_129 = tpu.memref_slice %arg21[%mul3A_0] : memref<10240xf32, #tpu.memory_space<vmem_shared>> -> memref<640xf32, #tpu.memory_space<vmem_shared>>
        tpu.enqueue_dma source(%dma_start3A_129 : memref<640xf32, #tpu.memory_space<vmem_shared>>) target(%dma_start3A_128 : memref<640xf32, #tpu.memory_space<hbm>>) target_semaphore(%run_scoped3A : memref<!tpu.dma_semaphore, #tpu.memory_space<semaphore_mem>>)
        %dma_wait3A_130 = tpu.memref_slice %arg9[%mul3A_0] : memref<10240xf32, #tpu.memory_space<hbm>> -> memref<640xf32, #tpu.memory_space<hbm>>
        %dma_wait3A_131 = tpu.memref_slice %arg21[%mul3A_0] : memref<10240xf32, #tpu.memory_space<vmem_shared>> -> memref<640xf32, #tpu.memory_space<vmem_shared>>
        tpu.wait_dma2 semaphore(%run_scoped3A : memref<!tpu.dma_semaphore, #tpu.memory_space<semaphore_mem>>) src(%dma_wait3A_131 : memref<640xf32, #tpu.memory_space<vmem_shared>>) dst(%dma_wait3A_130 : memref<640xf32, #tpu.memory_space<hbm>>)
        tpu.yield
      }) : () -> ()
    } else {
    }
    %eq3A_123 = arith.constant 1 : i32
    %eq3A_124 = arith.cmpi eq, %arg0, %eq3A_123 : i32
    %convert_element_type3A_125 = arith.extui %eq3A_124 : i1 to i32
    %cond3A_126 = arith.constant 0 : i32
    %cond3A_127 = arith.cmpi ne, %convert_element_type3A_125, %cond3A_126 : i32
    scf.if %cond3A_127 {
      "tpu.region"() ({
        %run_scoped3A = tpu.sem_alloc : memref<!tpu.dma_semaphore, #tpu.memory_space<semaphore_mem>>
        %dma_start3A_128 = arith.constant 0 : i32
        %dma_start3A_129 = tpu.memref_slice %arg8[%mul3A_0, %dma_start3A_128] : memref<10240x128xf32, #tpu.memory_space<hbm>> -> memref<640x128xf32, #tpu.memory_space<hbm>>
        %dma_start3A_130 = arith.constant 0 : i32
        %dma_start3A_131 = tpu.memref_slice %arg20[%mul3A_0, %dma_start3A_130] : memref<10240x128xf32, #tpu.memory_space<vmem_shared>> -> memref<640x128xf32, #tpu.memory_space<vmem_shared>>
        tpu.enqueue_dma source(%dma_start3A_131 : memref<640x128xf32, #tpu.memory_space<vmem_shared>>) target(%dma_start3A_129 : memref<640x128xf32, #tpu.memory_space<hbm>>) target_semaphore(%run_scoped3A : memref<!tpu.dma_semaphore, #tpu.memory_space<semaphore_mem>>)
        %dma_wait3A_132 = arith.constant 0 : i32
        %dma_wait3A_133 = tpu.memref_slice %arg8[%mul3A_0, %dma_wait3A_132] : memref<10240x128xf32, #tpu.memory_space<hbm>> -> memref<640x128xf32, #tpu.memory_space<hbm>>
        %dma_wait3A_134 = arith.constant 0 : i32
        %dma_wait3A_135 = tpu.memref_slice %arg20[%mul3A_0, %dma_wait3A_134] : memref<10240x128xf32, #tpu.memory_space<vmem_shared>> -> memref<640x128xf32, #tpu.memory_space<vmem_shared>>
        tpu.wait_dma2 semaphore(%run_scoped3A : memref<!tpu.dma_semaphore, #tpu.memory_space<semaphore_mem>>) src(%dma_wait3A_135 : memref<640x128xf32, #tpu.memory_space<vmem_shared>>) dst(%dma_wait3A_133 : memref<640x128xf32, #tpu.memory_space<hbm>>)
        tpu.yield
      }) : () -> ()
    } else {
    }
    return
  }
}

#map = affine_map<(d0, d1) -> (0, 0)>
#map1 = affine_map<(d0, d1) -> (0)>
module attributes {stable_mosaic.version = 14 : i64} {
  func.func @k(%arg0: i32, %arg1: i32, %arg2: memref<10240x128xf32, #tpu.memory_space<hbm>>, %arg3: memref<10240x128xf32, #tpu.memory_space<hbm>>, %arg4: memref<641280xi32, #tpu.memory_space<hbm>>, %arg5: memref<10240x128xf32, #tpu.memory_space<hbm>>, %arg6: memref<10240xf32, #tpu.memory_space<hbm>>, %arg7: memref<10240x128xf32, #tpu.memory_space<hbm>>, %arg8: memref<10240x128xf32, #tpu.memory_space<hbm>>, %arg9: memref<10240xf32, #tpu.memory_space<hbm>>, %arg10: memref<120xi32, #tpu.memory_space<vmem>>, %arg11: memref<120xi32, #tpu.memory_space<vmem>>, %arg12: memref<120xi32, #tpu.memory_space<vmem>>, %arg13: memref<120xi32, #tpu.memory_space<vmem>>, %arg14: memref<120xi32, #tpu.memory_space<vmem>>, %arg15: memref<120xi32, #tpu.memory_space<vmem>>, %arg16: memref<120x128xf32, #tpu.memory_space<vmem>>, %arg17: memref<120x128xf32, #tpu.memory_space<vmem>>, %arg18: memref<120x128xf32, #tpu.memory_space<vmem>>, %arg19: memref<128xf32, #tpu.memory_space<vmem>>, %arg20: memref<10240x128xf32, #tpu.memory_space<vmem_shared>>, %arg21: memref<10240xf32, #tpu.memory_space<vmem_shared>>, %arg22: memref<!tpu.dma_semaphore, #tpu.memory_space<semaphore_mem>>, %arg23: memref<!tpu.dma_semaphore, #tpu.memory_space<semaphore_mem>>, %arg24: memref<!tpu.dma_semaphore, #tpu.memory_space<semaphore_mem>>, %arg25: memref<!tpu.dma_semaphore, #tpu.memory_space<semaphore_mem>>, %arg26: memref<!tpu.dma_semaphore, #tpu.memory_space<semaphore_mem>>, %arg27: memref<!tpu.dma_semaphore, #tpu.memory_space<semaphore_mem>>, %arg28: memref<!tpu.dma_semaphore, #tpu.memory_space<semaphore_mem>>, %arg29: memref<!tpu.dma_semaphore, #tpu.memory_space<semaphore_mem>>, %arg30: memref<!tpu.dma_semaphore, #tpu.memory_space<semaphore_mem>>, %arg31: memref<!tpu.dma_semaphore, #tpu.memory_space<semaphore_mem>>, %arg32: memref<!tpu.dma_semaphore, #tpu.memory_space<semaphore_mem>>, %arg33: memref<!tpu.dma_semaphore, #tpu.memory_space<semaphore_mem>>) attributes {dimension_semantics = [#tpu.dimension_semantics<core_parallel>, #tpu.dimension_semantics<subcore_parallel>], iteration_bounds = array<i64: 2, 16>, scalar_prefetch = 0 : i64, scratch_operands = 24 : i64, tpu.core_type = #tpu.core_type<sc_vector_subcore>, window_params = [{transform_indices = #map}, {transform_indices = #map}, {transform_indices = #map1}, {transform_indices = #map}, {transform_indices = #map1}, {transform_indices = #map}, {transform_indices = #map}, {transform_indices = #map1}]} {
    %mul3A = arith.constant 640 : i32
    %mul3A_0 = arith.muli %arg1, %mul3A : i32
    "tpu.region"() ({
      %run_scoped3A = tpu.sem_alloc : memref<!tpu.dma_semaphore, #tpu.memory_space<semaphore_mem>>
      %dma_start3A_128 = arith.constant 0 : i32
      %dma_start3A_129 = tpu.memref_slice %arg20[%mul3A_0, %dma_start3A_128] : memref<10240x128xf32, #tpu.memory_space<vmem_shared>> -> memref<640x128xf32, #tpu.memory_space<vmem_shared>>
      %dma_start3A_130 = arith.constant 0 : i32
      %dma_start3A_131 = tpu.memref_slice %arg5[%mul3A_0, %dma_start3A_130] : memref<10240x128xf32, #tpu.memory_space<hbm>> -> memref<640x128xf32, #tpu.memory_space<hbm>>
      tpu.enqueue_dma source(%dma_start3A_131 : memref<640x128xf32, #tpu.memory_space<hbm>>) target(%dma_start3A_129 : memref<640x128xf32, #tpu.memory_space<vmem_shared>>) target_semaphore(%run_scoped3A : memref<!tpu.dma_semaphore, #tpu.memory_space<semaphore_mem>>)
      %dma_wait3A_132 = arith.constant 0 : i32
      %dma_wait3A_133 = tpu.memref_slice %arg20[%mul3A_0, %dma_wait3A_132] : memref<10240x128xf32, #tpu.memory_space<vmem_shared>> -> memref<640x128xf32, #tpu.memory_space<vmem_shared>>
      %dma_wait3A_134 = arith.constant 0 : i32
      %dma_wait3A_135 = tpu.memref_slice %arg5[%mul3A_0, %dma_wait3A_134] : memref<10240x128xf32, #tpu.memory_space<hbm>> -> memref<640x128xf32, #tpu.memory_space<hbm>>
      tpu.wait_dma2 semaphore(%run_scoped3A : memref<!tpu.dma_semaphore, #tpu.memory_space<semaphore_mem>>) src(%dma_wait3A_135 : memref<640x128xf32, #tpu.memory_space<hbm>>) dst(%dma_wait3A_133 : memref<640x128xf32, #tpu.memory_space<vmem_shared>>)
      tpu.yield
    }) : () -> ()
    %eq3A = arith.constant 0 : i32
    %eq3A_1 = arith.cmpi eq, %arg0, %eq3A : i32
    %convert_element_type3A = arith.extui %eq3A_1 : i1 to i32
    %cond3A = arith.constant 0 : i32
    %cond3A_2 = arith.cmpi ne, %convert_element_type3A, %cond3A : i32
    scf.if %cond3A_2 {
      "tpu.region"() ({
        %run_scoped3A = tpu.sem_alloc : memref<!tpu.dma_semaphore, #tpu.memory_space<semaphore_mem>>
        %dma_start3A_128 = tpu.memref_slice %arg21[%mul3A_0] : memref<10240xf32, #tpu.memory_space<vmem_shared>> -> memref<640xf32, #tpu.memory_space<vmem_shared>>
        %dma_start3A_129 = tpu.memref_slice %arg6[%mul3A_0] : memref<10240xf32, #tpu.memory_space<hbm>> -> memref<640xf32, #tpu.memory_space<hbm>>
        tpu.enqueue_dma source(%dma_start3A_129 : memref<640xf32, #tpu.memory_space<hbm>>) target(%dma_start3A_128 : memref<640xf32, #tpu.memory_space<vmem_shared>>) target_semaphore(%run_scoped3A : memref<!tpu.dma_semaphore, #tpu.memory_space<semaphore_mem>>)
        %dma_wait3A_130 = tpu.memref_slice %arg21[%mul3A_0] : memref<10240xf32, #tpu.memory_space<vmem_shared>> -> memref<640xf32, #tpu.memory_space<vmem_shared>>
        %dma_wait3A_131 = tpu.memref_slice %arg6[%mul3A_0] : memref<10240xf32, #tpu.memory_space<hbm>> -> memref<640xf32, #tpu.memory_space<hbm>>
        tpu.wait_dma2 semaphore(%run_scoped3A : memref<!tpu.dma_semaphore, #tpu.memory_space<semaphore_mem>>) src(%dma_wait3A_131 : memref<640xf32, #tpu.memory_space<hbm>>) dst(%dma_wait3A_130 : memref<640xf32, #tpu.memory_space<vmem_shared>>)
        tpu.yield
      }) : () -> ()
    } else {
    }
    %broadcast_in_dim3A = arith.constant 1.000000e+00 : f32
    %broadcast_in_dim3A_3 = vector.broadcast %broadcast_in_dim3A : f32 to vector<16xf32>
    %swap3A = arith.constant 0 : index
    %swap3A_4 = tpu.vector_load %arg19[%swap3A] {strides = array<i32>} : memref<128xf32, #tpu.memory_space<vmem>>, vector<16xf32>,
    %swap3A_5 = vector.shape_cast %swap3A_4 : vector<16xf32> to vector<16xf32>
    %swap3A_6 = vector.shape_cast %broadcast_in_dim3A_3 : vector<16xf32> to vector<16xf32>
    tpu.vector_store %arg19[%swap3A], %swap3A_6 {strides = array<i32>} : memref<128xf32, #tpu.memory_space<vmem>>, vector<16xf32>,
    %broadcast_in_dim3A_7 = arith.constant 1.000000e+00 : f32
    %broadcast_in_dim3A_8 = vector.broadcast %broadcast_in_dim3A_7 : f32 to vector<16xf32>
    %swap3A_9 = arith.constant 16 : index
    %swap3A_10 = tpu.vector_load %arg19[%swap3A_9] {strides = array<i32>} : memref<128xf32, #tpu.memory_space<vmem>>, vector<16xf32>,
    %swap3A_11 = vector.shape_cast %swap3A_10 : vector<16xf32> to vector<16xf32>
    %swap3A_12 = vector.shape_cast %broadcast_in_dim3A_8 : vector<16xf32> to vector<16xf32>
    tpu.vector_store %arg19[%swap3A_9], %swap3A_12 {strides = array<i32>} : memref<128xf32, #tpu.memory_space<vmem>>, vector<16xf32>,
    %broadcast_in_dim3A_13 = arith.constant 1.000000e+00 : f32
    %broadcast_in_dim3A_14 = vector.broadcast %broadcast_in_dim3A_13 : f32 to vector<16xf32>
    %swap3A_15 = arith.constant 32 : index
    %swap3A_16 = tpu.vector_load %arg19[%swap3A_15] {strides = array<i32>} : memref<128xf32, #tpu.memory_space<vmem>>, vector<16xf32>,
    %swap3A_17 = vector.shape_cast %swap3A_16 : vector<16xf32> to vector<16xf32>
    %swap3A_18 = vector.shape_cast %broadcast_in_dim3A_14 : vector<16xf32> to vector<16xf32>
    tpu.vector_store %arg19[%swap3A_15], %swap3A_18 {strides = array<i32>} : memref<128xf32, #tpu.memory_space<vmem>>, vector<16xf32>,
    %broadcast_in_dim3A_19 = arith.constant 1.000000e+00 : f32
    %broadcast_in_dim3A_20 = vector.broadcast %broadcast_in_dim3A_19 : f32 to vector<16xf32>
    %swap3A_21 = arith.constant 48 : index
    %swap3A_22 = tpu.vector_load %arg19[%swap3A_21] {strides = array<i32>} : memref<128xf32, #tpu.memory_space<vmem>>, vector<16xf32>,
    %swap3A_23 = vector.shape_cast %swap3A_22 : vector<16xf32> to vector<16xf32>
    %swap3A_24 = vector.shape_cast %broadcast_in_dim3A_20 : vector<16xf32> to vector<16xf32>
    tpu.vector_store %arg19[%swap3A_21], %swap3A_24 {strides = array<i32>} : memref<128xf32, #tpu.memory_space<vmem>>, vector<16xf32>,
    %broadcast_in_dim3A_25 = arith.constant 1.000000e+00 : f32
    %broadcast_in_dim3A_26 = vector.broadcast %broadcast_in_dim3A_25 : f32 to vector<16xf32>
    %swap3A_27 = arith.constant 64 : index
    %swap3A_28 = tpu.vector_load %arg19[%swap3A_27] {strides = array<i32>} : memref<128xf32, #tpu.memory_space<vmem>>, vector<16xf32>,
    %swap3A_29 = vector.shape_cast %swap3A_28 : vector<16xf32> to vector<16xf32>
    %swap3A_30 = vector.shape_cast %broadcast_in_dim3A_26 : vector<16xf32> to vector<16xf32>
    tpu.vector_store %arg19[%swap3A_27], %swap3A_30 {strides = array<i32>} : memref<128xf32, #tpu.memory_space<vmem>>, vector<16xf32>,
    %broadcast_in_dim3A_31 = arith.constant 1.000000e+00 : f32
    %broadcast_in_dim3A_32 = vector.broadcast %broadcast_in_dim3A_31 : f32 to vector<16xf32>
    %swap3A_33 = arith.constant 80 : index
    %swap3A_34 = tpu.vector_load %arg19[%swap3A_33] {strides = array<i32>} : memref<128xf32, #tpu.memory_space<vmem>>, vector<16xf32>,
    %swap3A_35 = vector.shape_cast %swap3A_34 : vector<16xf32> to vector<16xf32>
    %swap3A_36 = vector.shape_cast %broadcast_in_dim3A_32 : vector<16xf32> to vector<16xf32>
    tpu.vector_store %arg19[%swap3A_33], %swap3A_36 {strides = array<i32>} : memref<128xf32, #tpu.memory_space<vmem>>, vector<16xf32>,
    %broadcast_in_dim3A_37 = arith.constant 1.000000e+00 : f32
    %broadcast_in_dim3A_38 = vector.broadcast %broadcast_in_dim3A_37 : f32 to vector<16xf32>
    %swap3A_39 = arith.constant 96 : index
    %swap3A_40 = tpu.vector_load %arg19[%swap3A_39] {strides = array<i32>} : memref<128xf32, #tpu.memory_space<vmem>>, vector<16xf32>,
    %swap3A_41 = vector.shape_cast %swap3A_40 : vector<16xf32> to vector<16xf32>
    %swap3A_42 = vector.shape_cast %broadcast_in_dim3A_38 : vector<16xf32> to vector<16xf32>
    tpu.vector_store %arg19[%swap3A_39], %swap3A_42 {strides = array<i32>} : memref<128xf32, #tpu.memory_space<vmem>>, vector<16xf32>,
    %broadcast_in_dim3A_43 = arith.constant 1.000000e+00 : f32
    %broadcast_in_dim3A_44 = vector.broadcast %broadcast_in_dim3A_43 : f32 to vector<16xf32>
    %swap3A_45 = arith.constant 112 : index
    %swap3A_46 = tpu.vector_load %arg19[%swap3A_45] {strides = array<i32>} : memref<128xf32, #tpu.memory_space<vmem>>, vector<16xf32>,
    %swap3A_47 = vector.shape_cast %swap3A_46 : vector<16xf32> to vector<16xf32>
    %swap3A_48 = vector.shape_cast %broadcast_in_dim3A_44 : vector<16xf32> to vector<16xf32>
    tpu.vector_store %arg19[%swap3A_45], %swap3A_48 {strides = array<i32>} : memref<128xf32, #tpu.memory_space<vmem>>, vector<16xf32>,
    %barrier3A = arith.constant 0 : index
    tpu.barrier barrier_id(%barrier3A)
    %mul3A_49 = arith.constant 20040 : i32
    %mul3A_50 = arith.muli %arg1, %mul3A_49 : i32
    %add3A = arith.constant 0 : i32
    %add3A_51 = arith.addi %mul3A_50, %add3A : i32
    "tpu.region"() ({
      %run_scoped3A = tpu.sem_alloc : memref<!tpu.dma_semaphore, #tpu.memory_space<semaphore_mem>>
      %dma_start3A_128 = tpu.memref_slice %arg4[%add3A_51] : memref<641280xi32, #tpu.memory_space<hbm>> -> memref<120xi32, #tpu.memory_space<hbm>>
      %dma_start3A_129 = tpu.memref_slice %arg4[%add3A_51] : memref<641280xi32, #tpu.memory_space<hbm>> -> memref<120xi32, #tpu.memory_space<hbm>>
      tpu.enqueue_dma source(%dma_start3A_129 : memref<120xi32, #tpu.memory_space<hbm>>) target(%arg10 : memref<120xi32, #tpu.memory_space<vmem>>) target_semaphore(%run_scoped3A : memref<!tpu.dma_semaphore, #tpu.memory_space<semaphore_mem>>)
      %dma_wait3A_130 = tpu.memref_slice %arg4[%add3A_51] : memref<641280xi32, #tpu.memory_space<hbm>> -> memref<120xi32, #tpu.memory_space<hbm>>
      %dma_wait3A_131 = tpu.memref_slice %arg4[%add3A_51] : memref<641280xi32, #tpu.memory_space<hbm>> -> memref<120xi32, #tpu.memory_space<hbm>>
      tpu.wait_dma2 semaphore(%run_scoped3A : memref<!tpu.dma_semaphore, #tpu.memory_space<semaphore_mem>>) src(%dma_wait3A_131 : memref<120xi32, #tpu.memory_space<hbm>>) dst(%arg10 : memref<120xi32, #tpu.memory_space<vmem>>)
      tpu.yield
    }) : () -> ()
    %add3A_52 = arith.constant 0 : i32
    %add3A_53 = arith.addi %mul3A_50, %add3A_52 : i32
    %add3A_54 = arith.constant 320640 : i32
    %add3A_55 = arith.addi %add3A_54, %add3A_53 : i32
    %dma_start3A = tpu.memref_slice %arg4[%add3A_55] : memref<641280xi32, #tpu.memory_space<hbm>> -> memref<120xi32, #tpu.memory_space<hbm>>
    %dma_start3A_56 = tpu.memref_slice %arg4[%add3A_55] : memref<641280xi32, #tpu.memory_space<hbm>> -> memref<120xi32, #tpu.memory_space<hbm>>
    tpu.enqueue_dma source(%dma_start3A_56 : memref<120xi32, #tpu.memory_space<hbm>>) target(%arg13 : memref<120xi32, #tpu.memory_space<vmem>>) target_semaphore(%arg28 : memref<!tpu.dma_semaphore, #tpu.memory_space<semaphore_mem>>)
    %eq3A_57 = arith.constant 0 : i32
    %eq3A_58 = arith.cmpi eq, %arg0, %eq3A_57 : i32
    %convert_element_type3A_59 = arith.extui %eq3A_58 : i1 to i32
    %cond3A_60 = arith.constant 0 : i32
    %cond3A_61 = arith.cmpi ne, %convert_element_type3A_59, %cond3A_60 : i32
    scf.if %cond3A_61 {
      %dma_start3A_128 = arith.constant 0 : i32
      %dma_start3A_129 = arith.constant 0 : i32
      %dma_start3A_130 = tpu.memref_slice %arg2[%dma_start3A_128, %dma_start3A_129] : memref<10240x128xf32, #tpu.memory_space<hbm>> -> memref<10240x128xf32, #tpu.memory_space<hbm>>
      tpu.enqueue_indirect_dma source(%dma_start3A_130 : memref<10240x128xf32, #tpu.memory_space<hbm>>) target(%arg16 : memref<120x128xf32, #tpu.memory_space<vmem>>) offsets(%arg10 : memref<120xi32, #tpu.memory_space<vmem>>) semaphore(%arg22 : memref<!tpu.dma_semaphore, #tpu.memory_space<semaphore_mem>>)
    } else {
    }
    %eq3A_62 = arith.constant 1 : i32
    %eq3A_63 = arith.cmpi eq, %arg0, %eq3A_62 : i32
    %convert_element_type3A_64 = arith.extui %eq3A_63 : i1 to i32
    %cond3A_65 = arith.constant 0 : i32
    %cond3A_66 = arith.cmpi ne, %convert_element_type3A_64, %cond3A_65 : i32
    scf.if %cond3A_66 {
      %dma_start3A_128 = arith.constant 0 : i32
      %dma_start3A_129 = arith.constant 0 : i32
      %dma_start3A_130 = tpu.memref_slice %arg3[%dma_start3A_128, %dma_start3A_129] : memref<10240x128xf32, #tpu.memory_space<hbm>> -> memref<10240x128xf32, #tpu.memory_space<hbm>>
      tpu.enqueue_indirect_dma source(%dma_start3A_130 : memref<10240x128xf32, #tpu.memory_space<hbm>>) target(%arg16 : memref<120x128xf32, #tpu.memory_space<vmem>>) offsets(%arg10 : memref<120xi32, #tpu.memory_space<vmem>>) semaphore(%arg22 : memref<!tpu.dma_semaphore, #tpu.memory_space<semaphore_mem>>)
    } else {
    }
    %add3A_67 = arith.constant 120 : i32
    %add3A_68 = arith.addi %mul3A_50, %add3A_67 : i32
    "tpu.region"() ({
      %run_scoped3A = tpu.sem_alloc : memref<!tpu.dma_semaphore, #tpu.memory_space<semaphore_mem>>
      %dma_start3A_128 = tpu.memref_slice %arg4[%add3A_68] : memref<641280xi32, #tpu.memory_space<hbm>> -> memref<120xi32, #tpu.memory_space<hbm>>
      %dma_start3A_129 = tpu.memref_slice %arg4[%add3A_68] : memref<641280xi32, #tpu.memory_space<hbm>> -> memref<120xi32, #tpu.memory_space<hbm>>
      tpu.enqueue_dma source(%dma_start3A_129 : memref<120xi32, #tpu.memory_space<hbm>>) target(%arg11 : memref<120xi32, #tpu.memory_space<vmem>>) target_semaphore(%run_scoped3A : memref<!tpu.dma_semaphore, #tpu.memory_space<semaphore_mem>>)
      %dma_wait3A_130 = tpu.memref_slice %arg4[%add3A_68] : memref<641280xi32, #tpu.memory_space<hbm>> -> memref<120xi32, #tpu.memory_space<hbm>>
      %dma_wait3A_131 = tpu.memref_slice %arg4[%add3A_68] : memref<641280xi32, #tpu.memory_space<hbm>> -> memref<120xi32, #tpu.memory_space<hbm>>
      tpu.wait_dma2 semaphore(%run_scoped3A : memref<!tpu.dma_semaphore, #tpu.memory_space<semaphore_mem>>) src(%dma_wait3A_131 : memref<120xi32, #tpu.memory_space<hbm>>) dst(%arg11 : memref<120xi32, #tpu.memory_space<vmem>>)
      tpu.yield
    }) : () -> ()
    %add3A_69 = arith.constant 120 : i32
    %add3A_70 = arith.addi %mul3A_50, %add3A_69 : i32
    %add3A_71 = arith.constant 320640 : i32
    %add3A_72 = arith.addi %add3A_71, %add3A_70 : i32
    %dma_start3A_73 = tpu.memref_slice %arg4[%add3A_72] : memref<641280xi32, #tpu.memory_space<hbm>> -> memref<120xi32, #tpu.memory_space<hbm>>
    %dma_start3A_74 = tpu.memref_slice %arg4[%add3A_72] : memref<641280xi32, #tpu.memory_space<hbm>> -> memref<120xi32, #tpu.memory_space<hbm>>
    tpu.enqueue_dma source(%dma_start3A_74 : memref<120xi32, #tpu.memory_space<hbm>>) target(%arg14 : memref<120xi32, #tpu.memory_space<vmem>>) target_semaphore(%arg29 : memref<!tpu.dma_semaphore, #tpu.memory_space<semaphore_mem>>)
    %eq3A_75 = arith.constant 0 : i32
    %eq3A_76 = arith.cmpi eq, %arg0, %eq3A_75 : i32
    %convert_element_type3A_77 = arith.extui %eq3A_76 : i1 to i32
    %cond3A_78 = arith.constant 0 : i32
    %cond3A_79 = arith.cmpi ne, %convert_element_type3A_77, %cond3A_78 : i32
    scf.if %cond3A_79 {
      %dma_start3A_128 = arith.constant 0 : i32
      %dma_start3A_129 = arith.constant 0 : i32
      %dma_start3A_130 = tpu.memref_slice %arg2[%dma_start3A_128, %dma_start3A_129] : memref<10240x128xf32, #tpu.memory_space<hbm>> -> memref<10240x128xf32, #tpu.memory_space<hbm>>
      tpu.enqueue_indirect_dma source(%dma_start3A_130 : memref<10240x128xf32, #tpu.memory_space<hbm>>) target(%arg17 : memref<120x128xf32, #tpu.memory_space<vmem>>) offsets(%arg11 : memref<120xi32, #tpu.memory_space<vmem>>) semaphore(%arg23 : memref<!tpu.dma_semaphore, #tpu.memory_space<semaphore_mem>>)
    } else {
    }
    %eq3A_80 = arith.constant 1 : i32
    %eq3A_81 = arith.cmpi eq, %arg0, %eq3A_80 : i32
    %convert_element_type3A_82 = arith.extui %eq3A_81 : i1 to i32
    %cond3A_83 = arith.constant 0 : i32
    %cond3A_84 = arith.cmpi ne, %convert_element_type3A_82, %cond3A_83 : i32
    scf.if %cond3A_84 {
      %dma_start3A_128 = arith.constant 0 : i32
      %dma_start3A_129 = arith.constant 0 : i32
      %dma_start3A_130 = tpu.memref_slice %arg3[%dma_start3A_128, %dma_start3A_129] : memref<10240x128xf32, #tpu.memory_space<hbm>> -> memref<10240x128xf32, #tpu.memory_space<hbm>>
      tpu.enqueue_indirect_dma source(%dma_start3A_130 : memref<10240x128xf32, #tpu.memory_space<hbm>>) target(%arg17 : memref<120x128xf32, #tpu.memory_space<vmem>>) offsets(%arg11 : memref<120xi32, #tpu.memory_space<vmem>>) semaphore(%arg23 : memref<!tpu.dma_semaphore, #tpu.memory_space<semaphore_mem>>)
    } else {
    }
    %add3A_85 = arith.constant 240 : i32
    %add3A_86 = arith.addi %mul3A_50, %add3A_85 : i32
    %dma_start3A_87 = tpu.memref_slice %arg4[%add3A_86] : memref<641280xi32, #tpu.memory_space<hbm>> -> memref<120xi32, #tpu.memory_space<hbm>>
    %dma_start3A_88 = tpu.memref_slice %arg4[%add3A_86] : memref<641280xi32, #tpu.memory_space<hbm>> -> memref<120xi32, #tpu.memory_space<hbm>>
    tpu.enqueue_dma source(%dma_start3A_88 : memref<120xi32, #tpu.memory_space<hbm>>) target(%arg12 : memref<120xi32, #tpu.memory_space<vmem>>) target_semaphore(%arg33 : memref<!tpu.dma_semaphore, #tpu.memory_space<semaphore_mem>>)
    %scan3A = arith.constant 0 : i32
    %scan3A_89 = arith.constant 0 : i32
    %scan3A_90 = arith.constant 56 : i32
    %scan3A_91 = arith.addi %scan3A_89, %scan3A_90 : i32
    %scan3A_92 = arith.constant 1 : i32
    scf.for %scan3A_128 = %scan3A_89 to %scan3A_91 step %scan3A_92  : i32 {
      %mul3A_129 = arith.constant 3 : i32
      %mul3A_130 = arith.muli %mul3A_129, %scan3A_128 : i32
      %add3A_131 = arith.constant 0 : i32
      %add3A_132 = arith.addi %mul3A_130, %add3A_131 : i32
      %lt3A = arith.constant 167 : i32
      %lt3A_133 = arith.cmpi slt, %add3A_132, %lt3A : i32
      %convert_element_type3A_134 = arith.extui %lt3A_133 : i1 to i32
      %cond3A_135 = arith.constant 0 : i32
      %cond3A_136 = arith.cmpi ne, %convert_element_type3A_134, %cond3A_135 : i32
      scf.if %cond3A_136 {
        %add3A_151 = arith.constant 0 : i32
        %add3A_152 = arith.addi %mul3A_130, %add3A_151 : i32
        %eq3A_153 = arith.constant 0 : i32
        %eq3A_154 = arith.cmpi eq, %arg0, %eq3A_153 : i32
        %convert_element_type3A_155 = arith.extui %eq3A_154 : i1 to i32
        %cond3A_156 = arith.constant 0 : i32
        %cond3A_157 = arith.cmpi ne, %convert_element_type3A_155, %cond3A_156 : i32
        scf.if %cond3A_157 {
          %dma_wait3A_192 = arith.constant 0 : i32
          %dma_wait3A_193 = arith.constant 0 : i32
          %dma_wait3A_194 = tpu.memref_slice %arg2[%dma_wait3A_192, %dma_wait3A_193] : memref<10240x128xf32, #tpu.memory_space<hbm>> -> memref<10240x128xf32, #tpu.memory_space<hbm>>
          tpu.wait_indirect_dma semaphore(%arg22 : memref<!tpu.dma_semaphore, #tpu.memory_space<semaphore_mem>>) src(%dma_wait3A_194 : memref<10240x128xf32, #tpu.memory_space<hbm>>) dst(%arg16 : memref<120x128xf32, #tpu.memory_space<vmem>>)
        } else {
        }
        %eq3A_158 = arith.constant 1 : i32
        %eq3A_159 = arith.cmpi eq, %arg0, %eq3A_158 : i32
        %convert_element_type3A_160 = arith.extui %eq3A_159 : i1 to i32
        %cond3A_161 = arith.constant 0 : i32
        %cond3A_162 = arith.cmpi ne, %convert_element_type3A_160, %cond3A_161 : i32
        scf.if %cond3A_162 {
          %dma_wait3A_192 = arith.constant 0 : i32
          %dma_wait3A_193 = arith.constant 0 : i32
          %dma_wait3A_194 = tpu.memref_slice %arg3[%dma_wait3A_192, %dma_wait3A_193] : memref<10240x128xf32, #tpu.memory_space<hbm>> -> memref<10240x128xf32, #tpu.memory_space<hbm>>
          tpu.wait_indirect_dma semaphore(%arg22 : memref<!tpu.dma_semaphore, #tpu.memory_space<semaphore_mem>>) src(%dma_wait3A_194 : memref<10240x128xf32, #tpu.memory_space<hbm>>) dst(%arg16 : memref<120x128xf32, #tpu.memory_space<vmem>>)
        } else {
        }
        %add3A_163 = arith.constant 3 : i32
        %add3A_164 = arith.addi %add3A_152, %add3A_163 : i32
        %lt3A_165 = arith.constant 167 : i32
        %lt3A_166 = arith.cmpi slt, %add3A_164, %lt3A_165 : i32
        %convert_element_type3A_167 = arith.extui %lt3A_166 : i1 to i32
        %cond3A_168 = arith.constant 0 : i32
        %cond3A_169 = arith.cmpi ne, %convert_element_type3A_167, %cond3A_168 : i32
        scf.if %cond3A_169 {
          %add3A_192 = arith.constant 3 : i32
          %add3A_193 = arith.addi %add3A_152, %add3A_192 : i32
          %mul3A_194 = arith.constant 120 : i32
          %mul3A_195 = arith.muli %add3A_193, %mul3A_194 : i32
          %add3A_196 = arith.addi %mul3A_50, %mul3A_195 : i32
          %dma_start3A_197 = tpu.memref_slice %arg4[%add3A_196] : memref<641280xi32, #tpu.memory_space<hbm>> -> memref<120xi32, #tpu.memory_space<hbm>>
          %dma_start3A_198 = tpu.memref_slice %arg4[%add3A_196] : memref<641280xi32, #tpu.memory_space<hbm>> -> memref<120xi32, #tpu.memory_space<hbm>>
          tpu.enqueue_dma source(%dma_start3A_198 : memref<120xi32, #tpu.memory_space<hbm>>) target(%arg10 : memref<120xi32, #tpu.memory_space<vmem>>) target_semaphore(%arg31 : memref<!tpu.dma_semaphore, #tpu.memory_space<semaphore_mem>>)
        } else {
        }
        %mul3A_170 = arith.constant 120 : i32
        %mul3A_171 = arith.muli %add3A_152, %mul3A_170 : i32
        %add3A_172 = arith.addi %mul3A_50, %mul3A_171 : i32
        %add3A_173 = arith.constant 320640 : i32
        %add3A_174 = arith.addi %add3A_173, %add3A_172 : i32
        %dma_wait3A_175 = tpu.memref_slice %arg4[%add3A_174] : memref<641280xi32, #tpu.memory_space<hbm>> -> memref<120xi32, #tpu.memory_space<hbm>>
        %dma_wait3A_176 = tpu.memref_slice %arg4[%add3A_174] : memref<641280xi32, #tpu.memory_space<hbm>> -> memref<120xi32, #tpu.memory_space<hbm>>
        tpu.wait_dma2 semaphore(%arg28 : memref<!tpu.dma_semaphore, #tpu.memory_space<semaphore_mem>>) src(%dma_wait3A_176 : memref<120xi32, #tpu.memory_space<hbm>>) dst(%arg13 : memref<120xi32, #tpu.memory_space<vmem>>)
        %dma_start3A_177 = arith.constant 0 : i32
        %dma_start3A_178 = arith.constant 0 : i32
        %dma_start3A_179 = tpu.memref_slice %arg20[%dma_start3A_177, %dma_start3A_178] : memref<10240x128xf32, #tpu.memory_space<vmem_shared>> -> memref<10240x128xf32, #tpu.memory_space<vmem_shared>>
        tpu.enqueue_indirect_dma source(%arg16 : memref<120x128xf32, #tpu.memory_space<vmem>>) target(%dma_start3A_179 : memref<10240x128xf32, #tpu.memory_space<vmem_shared>>) offsets(%arg13 : memref<120xi32, #tpu.memory_space<vmem>>) semaphore(%arg25 : memref<!tpu.dma_semaphore, #tpu.memory_space<semaphore_mem>>) {add = true}
        %eq3A_180 = arith.constant 0 : i32
        %eq3A_181 = arith.cmpi eq, %arg0, %eq3A_180 : i32
        %convert_element_type3A_182 = arith.extui %eq3A_181 : i1 to i32
        %cond3A_183 = arith.constant 0 : i32
        %cond3A_184 = arith.cmpi ne, %convert_element_type3A_182, %cond3A_183 : i32
        scf.if %cond3A_184 {
          %dma_start3A_192 = arith.constant 0 : i32
          %dma_start3A_193 = tpu.memref_slice %arg19[%dma_start3A_192] : memref<128xf32, #tpu.memory_space<vmem>> -> memref<120xf32, #tpu.memory_space<vmem>>
          %dma_start3A_194 = arith.constant 0 : i32
          %dma_start3A_195 = tpu.memref_slice %arg21[%dma_start3A_194] : memref<10240xf32, #tpu.memory_space<vmem_shared>> -> memref<10240xf32, #tpu.memory_space<vmem_shared>>
          tpu.enqueue_indirect_dma source(%dma_start3A_193 : memref<120xf32, #tpu.memory_space<vmem>>) target(%dma_start3A_195 : memref<10240xf32, #tpu.memory_space<vmem_shared>>) offsets(%arg13 : memref<120xi32, #tpu.memory_space<vmem>>) semaphore(%arg25 : memref<!tpu.dma_semaphore, #tpu.memory_space<semaphore_mem>>) {add = true}
        } else {
        }
        %add3A_185 = arith.constant 2 : i32
        %add3A_186 = arith.addi %add3A_152, %add3A_185 : i32
        %lt3A_187 = arith.constant 167 : i32
        %lt3A_188 = arith.cmpi slt, %add3A_186, %lt3A_187 : i32
        %convert_element_type3A_189 = arith.extui %lt3A_188 : i1 to i32
        %cond3A_190 = arith.constant 0 : i32
        %cond3A_191 = arith.cmpi ne, %convert_element_type3A_189, %cond3A_190 : i32
        scf.if %cond3A_191 {
          %add3A_192 = arith.constant 2 : i32
          %add3A_193 = arith.addi %add3A_152, %add3A_192 : i32
          %mul3A_194 = arith.constant 120 : i32
          %mul3A_195 = arith.muli %add3A_193, %mul3A_194 : i32
          %add3A_196 = arith.addi %mul3A_50, %mul3A_195 : i32
          %dma_wait3A_197 = tpu.memref_slice %arg4[%add3A_196] : memref<641280xi32, #tpu.memory_space<hbm>> -> memref<120xi32, #tpu.memory_space<hbm>>
          %dma_wait3A_198 = tpu.memref_slice %arg4[%add3A_196] : memref<641280xi32, #tpu.memory_space<hbm>> -> memref<120xi32, #tpu.memory_space<hbm>>
          tpu.wait_dma2 semaphore(%arg33 : memref<!tpu.dma_semaphore, #tpu.memory_space<semaphore_mem>>) src(%dma_wait3A_198 : memref<120xi32, #tpu.memory_space<hbm>>) dst(%arg12 : memref<120xi32, #tpu.memory_space<vmem>>)
          %sub3A = arith.constant 1 : i32
          %sub3A_199 = arith.subi %add3A_152, %sub3A : i32
          %ge3A = arith.constant 0 : i32
          %ge3A_200 = arith.cmpi sge, %sub3A_199, %ge3A : i32
          %convert_element_type3A_201 = arith.extui %ge3A_200 : i1 to i32
          %cond3A_202 = arith.constant 0 : i32
          %cond3A_203 = arith.cmpi ne, %convert_element_type3A_201, %cond3A_202 : i32
          scf.if %cond3A_203 {
            %sub3A_223 = arith.constant 1 : i32
            %sub3A_224 = arith.subi %add3A_152, %sub3A_223 : i32
            %dma_wait3A_225 = arith.constant 0 : i32
            %dma_wait3A_226 = arith.constant 0 : i32
            %dma_wait3A_227 = tpu.memref_slice %arg20[%dma_wait3A_225, %dma_wait3A_226] : memref<10240x128xf32, #tpu.memory_space<vmem_shared>> -> memref<10240x128xf32, #tpu.memory_space<vmem_shared>>
            tpu.wait_indirect_dma semaphore(%arg27 : memref<!tpu.dma_semaphore, #tpu.memory_space<semaphore_mem>>) src(%arg18 : memref<120x128xf32, #tpu.memory_space<vmem>>) dst(%dma_wait3A_227 : memref<10240x128xf32, #tpu.memory_space<vmem_shared>>)
            %eq3A_228 = arith.constant 0 : i32
            %eq3A_229 = arith.cmpi eq, %arg0, %eq3A_228 : i32
            %convert_element_type3A_230 = arith.extui %eq3A_229 : i1 to i32
            %cond3A_231 = arith.constant 0 : i32
            %cond3A_232 = arith.cmpi ne, %convert_element_type3A_230, %cond3A_231 : i32
            scf.if %cond3A_232 {
              %dma_wait3A_233 = arith.constant 0 : i32
              %dma_wait3A_234 = tpu.memref_slice %arg19[%dma_wait3A_233] : memref<128xf32, #tpu.memory_space<vmem>> -> memref<120xf32, #tpu.memory_space<vmem>>
              %dma_wait3A_235 = arith.constant 0 : i32
              %dma_wait3A_236 = tpu.memref_slice %arg21[%dma_wait3A_235] : memref<10240xf32, #tpu.memory_space<vmem_shared>> -> memref<10240xf32, #tpu.memory_space<vmem_shared>>
              tpu.wait_indirect_dma semaphore(%arg27 : memref<!tpu.dma_semaphore, #tpu.memory_space<semaphore_mem>>) src(%dma_wait3A_234 : memref<120xf32, #tpu.memory_space<vmem>>) dst(%dma_wait3A_236 : memref<10240xf32, #tpu.memory_space<vmem_shared>>)
            } else {
            }
          } else {
          }
          %add3A_204 = arith.constant 2 : i32
          %add3A_205 = arith.addi %add3A_152, %add3A_204 : i32
          %mul3A_206 = arith.constant 120 : i32
          %mul3A_207 = arith.muli %add3A_205, %mul3A_206 : i32
          %add3A_208 = arith.addi %mul3A_50, %mul3A_207 : i32
          %add3A_209 = arith.constant 320640 : i32
          %add3A_210 = arith.addi %add3A_209, %add3A_208 : i32
          %dma_start3A_211 = tpu.memref_slice %arg4[%add3A_210] : memref<641280xi32, #tpu.memory_space<hbm>> -> memref<120xi32, #tpu.memory_space<hbm>>
          %dma_start3A_212 = tpu.memref_slice %arg4[%add3A_210] : memref<641280xi32, #tpu.memory_space<hbm>> -> memref<120xi32, #tpu.memory_space<hbm>>
          tpu.enqueue_dma source(%dma_start3A_212 : memref<120xi32, #tpu.memory_space<hbm>>) target(%arg15 : memref<120xi32, #tpu.memory_space<vmem>>) target_semaphore(%arg30 : memref<!tpu.dma_semaphore, #tpu.memory_space<semaphore_mem>>)
          %eq3A_213 = arith.constant 0 : i32
          %eq3A_214 = arith.cmpi eq, %arg0, %eq3A_213 : i32
          %convert_element_type3A_215 = arith.extui %eq3A_214 : i1 to i32
          %cond3A_216 = arith.constant 0 : i32
          %cond3A_217 = arith.cmpi ne, %convert_element_type3A_215, %cond3A_216 : i32
          scf.if %cond3A_217 {
            %dma_start3A_223 = arith.constant 0 : i32
            %dma_start3A_224 = arith.constant 0 : i32
            %dma_start3A_225 = tpu.memref_slice %arg2[%dma_start3A_223, %dma_start3A_224] : memref<10240x128xf32, #tpu.memory_space<hbm>> -> memref<10240x128xf32, #tpu.memory_space<hbm>>
            tpu.enqueue_indirect_dma source(%dma_start3A_225 : memref<10240x128xf32, #tpu.memory_space<hbm>>) target(%arg18 : memref<120x128xf32, #tpu.memory_space<vmem>>) offsets(%arg12 : memref<120xi32, #tpu.memory_space<vmem>>) semaphore(%arg24 : memref<!tpu.dma_semaphore, #tpu.memory_space<semaphore_mem>>)
          } else {
          }
          %eq3A_218 = arith.constant 1 : i32
          %eq3A_219 = arith.cmpi eq, %arg0, %eq3A_218 : i32
          %convert_element_type3A_220 = arith.extui %eq3A_219 : i1 to i32
          %cond3A_221 = arith.constant 0 : i32
          %cond3A_222 = arith.cmpi ne, %convert_element_type3A_220, %cond3A_221 : i32
          scf.if %cond3A_222 {
            %dma_start3A_223 = arith.constant 0 : i32
            %dma_start3A_224 = arith.constant 0 : i32
            %dma_start3A_225 = tpu.memref_slice %arg3[%dma_start3A_223, %dma_start3A_224] : memref<10240x128xf32, #tpu.memory_space<hbm>> -> memref<10240x128xf32, #tpu.memory_space<hbm>>
            tpu.enqueue_indirect_dma source(%dma_start3A_225 : memref<10240x128xf32, #tpu.memory_space<hbm>>) target(%arg18 : memref<120x128xf32, #tpu.memory_space<vmem>>) offsets(%arg12 : memref<120xi32, #tpu.memory_space<vmem>>) semaphore(%arg24 : memref<!tpu.dma_semaphore, #tpu.memory_space<semaphore_mem>>)
          } else {
          }
        } else {
        }
      } else {
      }
      %add3A_137 = arith.constant 1 : i32
      %add3A_138 = arith.addi %mul3A_130, %add3A_137 : i32
      %lt3A_139 = arith.constant 167 : i32
      %lt3A_140 = arith.cmpi slt, %add3A_138, %lt3A_139 : i32
      %convert_element_type3A_141 = arith.extui %lt3A_140 : i1 to i32
      %cond3A_142 = arith.constant 0 : i32
      %cond3A_143 = arith.cmpi ne, %convert_element_type3A_141, %cond3A_142 : i32
      scf.if %cond3A_143 {
        %add3A_151 = arith.constant 1 : i32
        %add3A_152 = arith.addi %mul3A_130, %add3A_151 : i32
        %eq3A_153 = arith.constant 0 : i32
        %eq3A_154 = arith.cmpi eq, %arg0, %eq3A_153 : i32
        %convert_element_type3A_155 = arith.extui %eq3A_154 : i1 to i32
        %cond3A_156 = arith.constant 0 : i32
        %cond3A_157 = arith.cmpi ne, %convert_element_type3A_155, %cond3A_156 : i32
        scf.if %cond3A_157 {
          %dma_wait3A_192 = arith.constant 0 : i32
          %dma_wait3A_193 = arith.constant 0 : i32
          %dma_wait3A_194 = tpu.memref_slice %arg2[%dma_wait3A_192, %dma_wait3A_193] : memref<10240x128xf32, #tpu.memory_space<hbm>> -> memref<10240x128xf32, #tpu.memory_space<hbm>>
          tpu.wait_indirect_dma semaphore(%arg23 : memref<!tpu.dma_semaphore, #tpu.memory_space<semaphore_mem>>) src(%dma_wait3A_194 : memref<10240x128xf32, #tpu.memory_space<hbm>>) dst(%arg17 : memref<120x128xf32, #tpu.memory_space<vmem>>)
        } else {
        }
        %eq3A_158 = arith.constant 1 : i32
        %eq3A_159 = arith.cmpi eq, %arg0, %eq3A_158 : i32
        %convert_element_type3A_160 = arith.extui %eq3A_159 : i1 to i32
        %cond3A_161 = arith.constant 0 : i32
        %cond3A_162 = arith.cmpi ne, %convert_element_type3A_160, %cond3A_161 : i32
        scf.if %cond3A_162 {
          %dma_wait3A_192 = arith.constant 0 : i32
          %dma_wait3A_193 = arith.constant 0 : i32
          %dma_wait3A_194 = tpu.memref_slice %arg3[%dma_wait3A_192, %dma_wait3A_193] : memref<10240x128xf32, #tpu.memory_space<hbm>> -> memref<10240x128xf32, #tpu.memory_space<hbm>>
          tpu.wait_indirect_dma semaphore(%arg23 : memref<!tpu.dma_semaphore, #tpu.memory_space<semaphore_mem>>) src(%dma_wait3A_194 : memref<10240x128xf32, #tpu.memory_space<hbm>>) dst(%arg17 : memref<120x128xf32, #tpu.memory_space<vmem>>)
        } else {
        }
        %add3A_163 = arith.constant 3 : i32
        %add3A_164 = arith.addi %add3A_152, %add3A_163 : i32
        %lt3A_165 = arith.constant 167 : i32
        %lt3A_166 = arith.cmpi slt, %add3A_164, %lt3A_165 : i32
        %convert_element_type3A_167 = arith.extui %lt3A_166 : i1 to i32
        %cond3A_168 = arith.constant 0 : i32
        %cond3A_169 = arith.cmpi ne, %convert_element_type3A_167, %cond3A_168 : i32
        scf.if %cond3A_169 {
          %add3A_192 = arith.constant 3 : i32
          %add3A_193 = arith.addi %add3A_152, %add3A_192 : i32
          %mul3A_194 = arith.constant 120 : i32
          %mul3A_195 = arith.muli %add3A_193, %mul3A_194 : i32
          %add3A_196 = arith.addi %mul3A_50, %mul3A_195 : i32
          %dma_start3A_197 = tpu.memref_slice %arg4[%add3A_196] : memref<641280xi32, #tpu.memory_space<hbm>> -> memref<120xi32, #tpu.memory_space<hbm>>
          %dma_start3A_198 = tpu.memref_slice %arg4[%add3A_196] : memref<641280xi32, #tpu.memory_space<hbm>> -> memref<120xi32, #tpu.memory_space<hbm>>
          tpu.enqueue_dma source(%dma_start3A_198 : memref<120xi32, #tpu.memory_space<hbm>>) target(%arg11 : memref<120xi32, #tpu.memory_space<vmem>>) target_semaphore(%arg32 : memref<!tpu.dma_semaphore, #tpu.memory_space<semaphore_mem>>)
        } else {
        }
        %mul3A_170 = arith.constant 120 : i32
        %mul3A_171 = arith.muli %add3A_152, %mul3A_170 : i32
        %add3A_172 = arith.addi %mul3A_50, %mul3A_171 : i32
        %add3A_173 = arith.constant 320640 : i32
        %add3A_174 = arith.addi %add3A_173, %add3A_172 : i32
        %dma_wait3A_175 = tpu.memref_slice %arg4[%add3A_174] : memref<641280xi32, #tpu.memory_space<hbm>> -> memref<120xi32, #tpu.memory_space<hbm>>
        %dma_wait3A_176 = tpu.memref_slice %arg4[%add3A_174] : memref<641280xi32, #tpu.memory_space<hbm>> -> memref<120xi32, #tpu.memory_space<hbm>>
        tpu.wait_dma2 semaphore(%arg29 : memref<!tpu.dma_semaphore, #tpu.memory_space<semaphore_mem>>) src(%dma_wait3A_176 : memref<120xi32, #tpu.memory_space<hbm>>) dst(%arg14 : memref<120xi32, #tpu.memory_space<vmem>>)
        %dma_start3A_177 = arith.constant 0 : i32
        %dma_start3A_178 = arith.constant 0 : i32
        %dma_start3A_179 = tpu.memref_slice %arg20[%dma_start3A_177, %dma_start3A_178] : memref<10240x128xf32, #tpu.memory_space<vmem_shared>> -> memref<10240x128xf32, #tpu.memory_space<vmem_shared>>
        tpu.enqueue_indirect_dma source(%arg17 : memref<120x128xf32, #tpu.memory_space<vmem>>) target(%dma_start3A_179 : memref<10240x128xf32, #tpu.memory_space<vmem_shared>>) offsets(%arg14 : memref<120xi32, #tpu.memory_space<vmem>>) semaphore(%arg26 : memref<!tpu.dma_semaphore, #tpu.memory_space<semaphore_mem>>) {add = true}
        %eq3A_180 = arith.constant 0 : i32
        %eq3A_181 = arith.cmpi eq, %arg0, %eq3A_180 : i32
        %convert_element_type3A_182 = arith.extui %eq3A_181 : i1 to i32
        %cond3A_183 = arith.constant 0 : i32
        %cond3A_184 = arith.cmpi ne, %convert_element_type3A_182, %cond3A_183 : i32
        scf.if %cond3A_184 {
          %dma_start3A_192 = arith.constant 0 : i32
          %dma_start3A_193 = tpu.memref_slice %arg19[%dma_start3A_192] : memref<128xf32, #tpu.memory_space<vmem>> -> memref<120xf32, #tpu.memory_space<vmem>>
          %dma_start3A_194 = arith.constant 0 : i32
          %dma_start3A_195 = tpu.memref_slice %arg21[%dma_start3A_194] : memref<10240xf32, #tpu.memory_space<vmem_shared>> -> memref<10240xf32, #tpu.memory_space<vmem_shared>>
          tpu.enqueue_indirect_dma source(%dma_start3A_193 : memref<120xf32, #tpu.memory_space<vmem>>) target(%dma_start3A_195 : memref<10240xf32, #tpu.memory_space<vmem_shared>>) offsets(%arg14 : memref<120xi32, #tpu.memory_space<vmem>>) semaphore(%arg26 : memref<!tpu.dma_semaphore, #tpu.memory_space<semaphore_mem>>) {add = true}
        } else {
        }
        %add3A_185 = arith.constant 2 : i32
        %add3A_186 = arith.addi %add3A_152, %add3A_185 : i32
        %lt3A_187 = arith.constant 167 : i32
        %lt3A_188 = arith.cmpi slt, %add3A_186, %lt3A_187 : i32
        %convert_element_type3A_189 = arith.extui %lt3A_188 : i1 to i32
        %cond3A_190 = arith.constant 0 : i32
        %cond3A_191 = arith.cmpi ne, %convert_element_type3A_189, %cond3A_190 : i32
        scf.if %cond3A_191 {
          %add3A_192 = arith.constant 2 : i32
          %add3A_193 = arith.addi %add3A_152, %add3A_192 : i32
          %mul3A_194 = arith.constant 120 : i32
          %mul3A_195 = arith.muli %add3A_193, %mul3A_194 : i32
          %add3A_196 = arith.addi %mul3A_50, %mul3A_195 : i32
          %dma_wait3A_197 = tpu.memref_slice %arg4[%add3A_196] : memref<641280xi32, #tpu.memory_space<hbm>> -> memref<120xi32, #tpu.memory_space<hbm>>
          %dma_wait3A_198 = tpu.memref_slice %arg4[%add3A_196] : memref<641280xi32, #tpu.memory_space<hbm>> -> memref<120xi32, #tpu.memory_space<hbm>>
          tpu.wait_dma2 semaphore(%arg31 : memref<!tpu.dma_semaphore, #tpu.memory_space<semaphore_mem>>) src(%dma_wait3A_198 : memref<120xi32, #tpu.memory_space<hbm>>) dst(%arg10 : memref<120xi32, #tpu.memory_space<vmem>>)
          %sub3A = arith.constant 1 : i32
          %sub3A_199 = arith.subi %add3A_152, %sub3A : i32
          %ge3A = arith.constant 0 : i32
          %ge3A_200 = arith.cmpi sge, %sub3A_199, %ge3A : i32
          %convert_element_type3A_201 = arith.extui %ge3A_200 : i1 to i32
          %cond3A_202 = arith.constant 0 : i32
          %cond3A_203 = arith.cmpi ne, %convert_element_type3A_201, %cond3A_202 : i32
          scf.if %cond3A_203 {
            %sub3A_223 = arith.constant 1 : i32
            %sub3A_224 = arith.subi %add3A_152, %sub3A_223 : i32
            %dma_wait3A_225 = arith.constant 0 : i32
            %dma_wait3A_226 = arith.constant 0 : i32
            %dma_wait3A_227 = tpu.memref_slice %arg20[%dma_wait3A_225, %dma_wait3A_226] : memref<10240x128xf32, #tpu.memory_space<vmem_shared>> -> memref<10240x128xf32, #tpu.memory_space<vmem_shared>>
            tpu.wait_indirect_dma semaphore(%arg25 : memref<!tpu.dma_semaphore, #tpu.memory_space<semaphore_mem>>) src(%arg16 : memref<120x128xf32, #tpu.memory_space<vmem>>) dst(%dma_wait3A_227 : memref<10240x128xf32, #tpu.memory_space<vmem_shared>>)
            %eq3A_228 = arith.constant 0 : i32
            %eq3A_229 = arith.cmpi eq, %arg0, %eq3A_228 : i32
            %convert_element_type3A_230 = arith.extui %eq3A_229 : i1 to i32
            %cond3A_231 = arith.constant 0 : i32
            %cond3A_232 = arith.cmpi ne, %convert_element_type3A_230, %cond3A_231 : i32
            scf.if %cond3A_232 {
              %dma_wait3A_233 = arith.constant 0 : i32
              %dma_wait3A_234 = tpu.memref_slice %arg19[%dma_wait3A_233] : memref<128xf32, #tpu.memory_space<vmem>> -> memref<120xf32, #tpu.memory_space<vmem>>
              %dma_wait3A_235 = arith.constant 0 : i32
              %dma_wait3A_236 = tpu.memref_slice %arg21[%dma_wait3A_235] : memref<10240xf32, #tpu.memory_space<vmem_shared>> -> memref<10240xf32, #tpu.memory_space<vmem_shared>>
              tpu.wait_indirect_dma semaphore(%arg25 : memref<!tpu.dma_semaphore, #tpu.memory_space<semaphore_mem>>) src(%dma_wait3A_234 : memref<120xf32, #tpu.memory_space<vmem>>) dst(%dma_wait3A_236 : memref<10240xf32, #tpu.memory_space<vmem_shared>>)
            } else {
            }
          } else {
          }
          %add3A_204 = arith.constant 2 : i32
          %add3A_205 = arith.addi %add3A_152, %add3A_204 : i32
          %mul3A_206 = arith.constant 120 : i32
          %mul3A_207 = arith.muli %add3A_205, %mul3A_206 : i32
          %add3A_208 = arith.addi %mul3A_50, %mul3A_207 : i32
          %add3A_209 = arith.constant 320640 : i32
          %add3A_210 = arith.addi %add3A_209, %add3A_208 : i32
          %dma_start3A_211 = tpu.memref_slice %arg4[%add3A_210] : memref<641280xi32, #tpu.memory_space<hbm>> -> memref<120xi32, #tpu.memory_space<hbm>>
          %dma_start3A_212 = tpu.memref_slice %arg4[%add3A_210] : memref<641280xi32, #tpu.memory_space<hbm>> -> memref<120xi32, #tpu.memory_space<hbm>>
          tpu.enqueue_dma source(%dma_start3A_212 : memref<120xi32, #tpu.memory_space<hbm>>) target(%arg13 : memref<120xi32, #tpu.memory_space<vmem>>) target_semaphore(%arg28 : memref<!tpu.dma_semaphore, #tpu.memory_space<semaphore_mem>>)
          %eq3A_213 = arith.constant 0 : i32
          %eq3A_214 = arith.cmpi eq, %arg0, %eq3A_213 : i32
          %convert_element_type3A_215 = arith.extui %eq3A_214 : i1 to i32
          %cond3A_216 = arith.constant 0 : i32
          %cond3A_217 = arith.cmpi ne, %convert_element_type3A_215, %cond3A_216 : i32
          scf.if %cond3A_217 {
            %dma_start3A_223 = arith.constant 0 : i32
            %dma_start3A_224 = arith.constant 0 : i32
            %dma_start3A_225 = tpu.memref_slice %arg2[%dma_start3A_223, %dma_start3A_224] : memref<10240x128xf32, #tpu.memory_space<hbm>> -> memref<10240x128xf32, #tpu.memory_space<hbm>>
            tpu.enqueue_indirect_dma source(%dma_start3A_225 : memref<10240x128xf32, #tpu.memory_space<hbm>>) target(%arg16 : memref<120x128xf32, #tpu.memory_space<vmem>>) offsets(%arg10 : memref<120xi32, #tpu.memory_space<vmem>>) semaphore(%arg22 : memref<!tpu.dma_semaphore, #tpu.memory_space<semaphore_mem>>)
          } else {
          }
          %eq3A_218 = arith.constant 1 : i32
          %eq3A_219 = arith.cmpi eq, %arg0, %eq3A_218 : i32
          %convert_element_type3A_220 = arith.extui %eq3A_219 : i1 to i32
          %cond3A_221 = arith.constant 0 : i32
          %cond3A_222 = arith.cmpi ne, %convert_element_type3A_220, %cond3A_221 : i32
          scf.if %cond3A_222 {
            %dma_start3A_223 = arith.constant 0 : i32
            %dma_start3A_224 = arith.constant 0 : i32
            %dma_start3A_225 = tpu.memref_slice %arg3[%dma_start3A_223, %dma_start3A_224] : memref<10240x128xf32, #tpu.memory_space<hbm>> -> memref<10240x128xf32, #tpu.memory_space<hbm>>
            tpu.enqueue_indirect_dma source(%dma_start3A_225 : memref<10240x128xf32, #tpu.memory_space<hbm>>) target(%arg16 : memref<120x128xf32, #tpu.memory_space<vmem>>) offsets(%arg10 : memref<120xi32, #tpu.memory_space<vmem>>) semaphore(%arg22 : memref<!tpu.dma_semaphore, #tpu.memory_space<semaphore_mem>>)
          } else {
          }
        } else {
        }
      } else {
      }
      %add3A_144 = arith.constant 2 : i32
      %add3A_145 = arith.addi %mul3A_130, %add3A_144 : i32
      %lt3A_146 = arith.constant 167 : i32
      %lt3A_147 = arith.cmpi slt, %add3A_145, %lt3A_146 : i32
      %convert_element_type3A_148 = arith.extui %lt3A_147 : i1 to i32
      %cond3A_149 = arith.constant 0 : i32
      %cond3A_150 = arith.cmpi ne, %convert_element_type3A_148, %cond3A_149 : i32
      scf.if %cond3A_150 {
        %add3A_151 = arith.constant 2 : i32
        %add3A_152 = arith.addi %mul3A_130, %add3A_151 : i32
        %eq3A_153 = arith.constant 0 : i32
        %eq3A_154 = arith.cmpi eq, %arg0, %eq3A_153 : i32
        %convert_element_type3A_155 = arith.extui %eq3A_154 : i1 to i32
        %cond3A_156 = arith.constant 0 : i32
        %cond3A_157 = arith.cmpi ne, %convert_element_type3A_155, %cond3A_156 : i32
        scf.if %cond3A_157 {
          %dma_wait3A_192 = arith.constant 0 : i32
          %dma_wait3A_193 = arith.constant 0 : i32
          %dma_wait3A_194 = tpu.memref_slice %arg2[%dma_wait3A_192, %dma_wait3A_193] : memref<10240x128xf32, #tpu.memory_space<hbm>> -> memref<10240x128xf32, #tpu.memory_space<hbm>>
          tpu.wait_indirect_dma semaphore(%arg24 : memref<!tpu.dma_semaphore, #tpu.memory_space<semaphore_mem>>) src(%dma_wait3A_194 : memref<10240x128xf32, #tpu.memory_space<hbm>>) dst(%arg18 : memref<120x128xf32, #tpu.memory_space<vmem>>)
        } else {
        }
        %eq3A_158 = arith.constant 1 : i32
        %eq3A_159 = arith.cmpi eq, %arg0, %eq3A_158 : i32
        %convert_element_type3A_160 = arith.extui %eq3A_159 : i1 to i32
        %cond3A_161 = arith.constant 0 : i32
        %cond3A_162 = arith.cmpi ne, %convert_element_type3A_160, %cond3A_161 : i32
        scf.if %cond3A_162 {
          %dma_wait3A_192 = arith.constant 0 : i32
          %dma_wait3A_193 = arith.constant 0 : i32
          %dma_wait3A_194 = tpu.memref_slice %arg3[%dma_wait3A_192, %dma_wait3A_193] : memref<10240x128xf32, #tpu.memory_space<hbm>> -> memref<10240x128xf32, #tpu.memory_space<hbm>>
          tpu.wait_indirect_dma semaphore(%arg24 : memref<!tpu.dma_semaphore, #tpu.memory_space<semaphore_mem>>) src(%dma_wait3A_194 : memref<10240x128xf32, #tpu.memory_space<hbm>>) dst(%arg18 : memref<120x128xf32, #tpu.memory_space<vmem>>)
        } else {
        }
        %add3A_163 = arith.constant 3 : i32
        %add3A_164 = arith.addi %add3A_152, %add3A_163 : i32
        %lt3A_165 = arith.constant 167 : i32
        %lt3A_166 = arith.cmpi slt, %add3A_164, %lt3A_165 : i32
        %convert_element_type3A_167 = arith.extui %lt3A_166 : i1 to i32
        %cond3A_168 = arith.constant 0 : i32
        %cond3A_169 = arith.cmpi ne, %convert_element_type3A_167, %cond3A_168 : i32
        scf.if %cond3A_169 {
          %add3A_192 = arith.constant 3 : i32
          %add3A_193 = arith.addi %add3A_152, %add3A_192 : i32
          %mul3A_194 = arith.constant 120 : i32
          %mul3A_195 = arith.muli %add3A_193, %mul3A_194 : i32
          %add3A_196 = arith.addi %mul3A_50, %mul3A_195 : i32
          %dma_start3A_197 = tpu.memref_slice %arg4[%add3A_196] : memref<641280xi32, #tpu.memory_space<hbm>> -> memref<120xi32, #tpu.memory_space<hbm>>
          %dma_start3A_198 = tpu.memref_slice %arg4[%add3A_196] : memref<641280xi32, #tpu.memory_space<hbm>> -> memref<120xi32, #tpu.memory_space<hbm>>
          tpu.enqueue_dma source(%dma_start3A_198 : memref<120xi32, #tpu.memory_space<hbm>>) target(%arg12 : memref<120xi32, #tpu.memory_space<vmem>>) target_semaphore(%arg33 : memref<!tpu.dma_semaphore, #tpu.memory_space<semaphore_mem>>)
        } else {
        }
        %mul3A_170 = arith.constant 120 : i32
        %mul3A_171 = arith.muli %add3A_152, %mul3A_170 : i32
        %add3A_172 = arith.addi %mul3A_50, %mul3A_171 : i32
        %add3A_173 = arith.constant 320640 : i32
        %add3A_174 = arith.addi %add3A_173, %add3A_172 : i32
        %dma_wait3A_175 = tpu.memref_slice %arg4[%add3A_174] : memref<641280xi32, #tpu.memory_space<hbm>> -> memref<120xi32, #tpu.memory_space<hbm>>
        %dma_wait3A_176 = tpu.memref_slice %arg4[%add3A_174] : memref<641280xi32, #tpu.memory_space<hbm>> -> memref<120xi32, #tpu.memory_space<hbm>>
        tpu.wait_dma2 semaphore(%arg30 : memref<!tpu.dma_semaphore, #tpu.memory_space<semaphore_mem>>) src(%dma_wait3A_176 : memref<120xi32, #tpu.memory_space<hbm>>) dst(%arg15 : memref<120xi32, #tpu.memory_space<vmem>>)
        %dma_start3A_177 = arith.constant 0 : i32
        %dma_start3A_178 = arith.constant 0 : i32
        %dma_start3A_179 = tpu.memref_slice %arg20[%dma_start3A_177, %dma_start3A_178] : memref<10240x128xf32, #tpu.memory_space<vmem_shared>> -> memref<10240x128xf32, #tpu.memory_space<vmem_shared>>
        tpu.enqueue_indirect_dma source(%arg18 : memref<120x128xf32, #tpu.memory_space<vmem>>) target(%dma_start3A_179 : memref<10240x128xf32, #tpu.memory_space<vmem_shared>>) offsets(%arg15 : memref<120xi32, #tpu.memory_space<vmem>>) semaphore(%arg27 : memref<!tpu.dma_semaphore, #tpu.memory_space<semaphore_mem>>) {add = true}
        %eq3A_180 = arith.constant 0 : i32
        %eq3A_181 = arith.cmpi eq, %arg0, %eq3A_180 : i32
        %convert_element_type3A_182 = arith.extui %eq3A_181 : i1 to i32
        %cond3A_183 = arith.constant 0 : i32
        %cond3A_184 = arith.cmpi ne, %convert_element_type3A_182, %cond3A_183 : i32
        scf.if %cond3A_184 {
          %dma_start3A_192 = arith.constant 0 : i32
          %dma_start3A_193 = tpu.memref_slice %arg19[%dma_start3A_192] : memref<128xf32, #tpu.memory_space<vmem>> -> memref<120xf32, #tpu.memory_space<vmem>>
          %dma_start3A_194 = arith.constant 0 : i32
          %dma_start3A_195 = tpu.memref_slice %arg21[%dma_start3A_194] : memref<10240xf32, #tpu.memory_space<vmem_shared>> -> memref<10240xf32, #tpu.memory_space<vmem_shared>>
          tpu.enqueue_indirect_dma source(%dma_start3A_193 : memref<120xf32, #tpu.memory_space<vmem>>) target(%dma_start3A_195 : memref<10240xf32, #tpu.memory_space<vmem_shared>>) offsets(%arg15 : memref<120xi32, #tpu.memory_space<vmem>>) semaphore(%arg27 : memref<!tpu.dma_semaphore, #tpu.memory_space<semaphore_mem>>) {add = true}
        } else {
        }
        %add3A_185 = arith.constant 2 : i32
        %add3A_186 = arith.addi %add3A_152, %add3A_185 : i32
        %lt3A_187 = arith.constant 167 : i32
        %lt3A_188 = arith.cmpi slt, %add3A_186, %lt3A_187 : i32
        %convert_element_type3A_189 = arith.extui %lt3A_188 : i1 to i32
        %cond3A_190 = arith.constant 0 : i32
        %cond3A_191 = arith.cmpi ne, %convert_element_type3A_189, %cond3A_190 : i32
        scf.if %cond3A_191 {
          %add3A_192 = arith.constant 2 : i32
          %add3A_193 = arith.addi %add3A_152, %add3A_192 : i32
          %mul3A_194 = arith.constant 120 : i32
          %mul3A_195 = arith.muli %add3A_193, %mul3A_194 : i32
          %add3A_196 = arith.addi %mul3A_50, %mul3A_195 : i32
          %dma_wait3A_197 = tpu.memref_slice %arg4[%add3A_196] : memref<641280xi32, #tpu.memory_space<hbm>> -> memref<120xi32, #tpu.memory_space<hbm>>
          %dma_wait3A_198 = tpu.memref_slice %arg4[%add3A_196] : memref<641280xi32, #tpu.memory_space<hbm>> -> memref<120xi32, #tpu.memory_space<hbm>>
          tpu.wait_dma2 semaphore(%arg32 : memref<!tpu.dma_semaphore, #tpu.memory_space<semaphore_mem>>) src(%dma_wait3A_198 : memref<120xi32, #tpu.memory_space<hbm>>) dst(%arg11 : memref<120xi32, #tpu.memory_space<vmem>>)
          %sub3A = arith.constant 1 : i32
          %sub3A_199 = arith.subi %add3A_152, %sub3A : i32
          %ge3A = arith.constant 0 : i32
          %ge3A_200 = arith.cmpi sge, %sub3A_199, %ge3A : i32
          %convert_element_type3A_201 = arith.extui %ge3A_200 : i1 to i32
          %cond3A_202 = arith.constant 0 : i32
          %cond3A_203 = arith.cmpi ne, %convert_element_type3A_201, %cond3A_202 : i32
          scf.if %cond3A_203 {
            %sub3A_223 = arith.constant 1 : i32
            %sub3A_224 = arith.subi %add3A_152, %sub3A_223 : i32
            %dma_wait3A_225 = arith.constant 0 : i32
            %dma_wait3A_226 = arith.constant 0 : i32
            %dma_wait3A_227 = tpu.memref_slice %arg20[%dma_wait3A_225, %dma_wait3A_226] : memref<10240x128xf32, #tpu.memory_space<vmem_shared>> -> memref<10240x128xf32, #tpu.memory_space<vmem_shared>>
            tpu.wait_indirect_dma semaphore(%arg26 : memref<!tpu.dma_semaphore, #tpu.memory_space<semaphore_mem>>) src(%arg17 : memref<120x128xf32, #tpu.memory_space<vmem>>) dst(%dma_wait3A_227 : memref<10240x128xf32, #tpu.memory_space<vmem_shared>>)
            %eq3A_228 = arith.constant 0 : i32
            %eq3A_229 = arith.cmpi eq, %arg0, %eq3A_228 : i32
            %convert_element_type3A_230 = arith.extui %eq3A_229 : i1 to i32
            %cond3A_231 = arith.constant 0 : i32
            %cond3A_232 = arith.cmpi ne, %convert_element_type3A_230, %cond3A_231 : i32
            scf.if %cond3A_232 {
              %dma_wait3A_233 = arith.constant 0 : i32
              %dma_wait3A_234 = tpu.memref_slice %arg19[%dma_wait3A_233] : memref<128xf32, #tpu.memory_space<vmem>> -> memref<120xf32, #tpu.memory_space<vmem>>
              %dma_wait3A_235 = arith.constant 0 : i32
              %dma_wait3A_236 = tpu.memref_slice %arg21[%dma_wait3A_235] : memref<10240xf32, #tpu.memory_space<vmem_shared>> -> memref<10240xf32, #tpu.memory_space<vmem_shared>>
              tpu.wait_indirect_dma semaphore(%arg26 : memref<!tpu.dma_semaphore, #tpu.memory_space<semaphore_mem>>) src(%dma_wait3A_234 : memref<120xf32, #tpu.memory_space<vmem>>) dst(%dma_wait3A_236 : memref<10240xf32, #tpu.memory_space<vmem_shared>>)
            } else {
            }
          } else {
          }
          %add3A_204 = arith.constant 2 : i32
          %add3A_205 = arith.addi %add3A_152, %add3A_204 : i32
          %mul3A_206 = arith.constant 120 : i32
          %mul3A_207 = arith.muli %add3A_205, %mul3A_206 : i32
          %add3A_208 = arith.addi %mul3A_50, %mul3A_207 : i32
          %add3A_209 = arith.constant 320640 : i32
          %add3A_210 = arith.addi %add3A_209, %add3A_208 : i32
          %dma_start3A_211 = tpu.memref_slice %arg4[%add3A_210] : memref<641280xi32, #tpu.memory_space<hbm>> -> memref<120xi32, #tpu.memory_space<hbm>>
          %dma_start3A_212 = tpu.memref_slice %arg4[%add3A_210] : memref<641280xi32, #tpu.memory_space<hbm>> -> memref<120xi32, #tpu.memory_space<hbm>>
          tpu.enqueue_dma source(%dma_start3A_212 : memref<120xi32, #tpu.memory_space<hbm>>) target(%arg14 : memref<120xi32, #tpu.memory_space<vmem>>) target_semaphore(%arg29 : memref<!tpu.dma_semaphore, #tpu.memory_space<semaphore_mem>>)
          %eq3A_213 = arith.constant 0 : i32
          %eq3A_214 = arith.cmpi eq, %arg0, %eq3A_213 : i32
          %convert_element_type3A_215 = arith.extui %eq3A_214 : i1 to i32
          %cond3A_216 = arith.constant 0 : i32
          %cond3A_217 = arith.cmpi ne, %convert_element_type3A_215, %cond3A_216 : i32
          scf.if %cond3A_217 {
            %dma_start3A_223 = arith.constant 0 : i32
            %dma_start3A_224 = arith.constant 0 : i32
            %dma_start3A_225 = tpu.memref_slice %arg2[%dma_start3A_223, %dma_start3A_224] : memref<10240x128xf32, #tpu.memory_space<hbm>> -> memref<10240x128xf32, #tpu.memory_space<hbm>>
            tpu.enqueue_indirect_dma source(%dma_start3A_225 : memref<10240x128xf32, #tpu.memory_space<hbm>>) target(%arg17 : memref<120x128xf32, #tpu.memory_space<vmem>>) offsets(%arg11 : memref<120xi32, #tpu.memory_space<vmem>>) semaphore(%arg23 : memref<!tpu.dma_semaphore, #tpu.memory_space<semaphore_mem>>)
          } else {
          }
          %eq3A_218 = arith.constant 1 : i32
          %eq3A_219 = arith.cmpi eq, %arg0, %eq3A_218 : i32
          %convert_element_type3A_220 = arith.extui %eq3A_219 : i1 to i32
          %cond3A_221 = arith.constant 0 : i32
          %cond3A_222 = arith.cmpi ne, %convert_element_type3A_220, %cond3A_221 : i32
          scf.if %cond3A_222 {
            %dma_start3A_223 = arith.constant 0 : i32
            %dma_start3A_224 = arith.constant 0 : i32
            %dma_start3A_225 = tpu.memref_slice %arg3[%dma_start3A_223, %dma_start3A_224] : memref<10240x128xf32, #tpu.memory_space<hbm>> -> memref<10240x128xf32, #tpu.memory_space<hbm>>
            tpu.enqueue_indirect_dma source(%dma_start3A_225 : memref<10240x128xf32, #tpu.memory_space<hbm>>) target(%arg17 : memref<120x128xf32, #tpu.memory_space<vmem>>) offsets(%arg11 : memref<120xi32, #tpu.memory_space<vmem>>) semaphore(%arg23 : memref<!tpu.dma_semaphore, #tpu.memory_space<semaphore_mem>>)
          } else {
          }
        } else {
        }
      } else {
      }
    }
    %scan3A_93 = arith.constant 56 : i32
    %dma_wait3A = arith.constant 0 : i32
    %dma_wait3A_94 = arith.constant 0 : i32
    %dma_wait3A_95 = tpu.memref_slice %arg20[%dma_wait3A, %dma_wait3A_94] : memref<10240x128xf32, #tpu.memory_space<vmem_shared>> -> memref<10240x128xf32, #tpu.memory_space<vmem_shared>>
    tpu.wait_indirect_dma semaphore(%arg25 : memref<!tpu.dma_semaphore, #tpu.memory_space<semaphore_mem>>) src(%arg16 : memref<120x128xf32, #tpu.memory_space<vmem>>) dst(%dma_wait3A_95 : memref<10240x128xf32, #tpu.memory_space<vmem_shared>>)
    %eq3A_96 = arith.constant 0 : i32
    %eq3A_97 = arith.cmpi eq, %arg0, %eq3A_96 : i32
    %convert_element_type3A_98 = arith.extui %eq3A_97 : i1 to i32
    %cond3A_99 = arith.constant 0 : i32
    %cond3A_100 = arith.cmpi ne, %convert_element_type3A_98, %cond3A_99 : i32
    scf.if %cond3A_100 {
      %dma_wait3A_128 = arith.constant 0 : i32
      %dma_wait3A_129 = tpu.memref_slice %arg19[%dma_wait3A_128] : memref<128xf32, #tpu.memory_space<vmem>> -> memref<120xf32, #tpu.memory_space<vmem>>
      %dma_wait3A_130 = arith.constant 0 : i32
      %dma_wait3A_131 = tpu.memref_slice %arg21[%dma_wait3A_130] : memref<10240xf32, #tpu.memory_space<vmem_shared>> -> memref<10240xf32, #tpu.memory_space<vmem_shared>>
      tpu.wait_indirect_dma semaphore(%arg25 : memref<!tpu.dma_semaphore, #tpu.memory_space<semaphore_mem>>) src(%dma_wait3A_129 : memref<120xf32, #tpu.memory_space<vmem>>) dst(%dma_wait3A_131 : memref<10240xf32, #tpu.memory_space<vmem_shared>>)
    } else {
    }
    %dma_wait3A_101 = arith.constant 0 : i32
    %dma_wait3A_102 = arith.constant 0 : i32
    %dma_wait3A_103 = tpu.memref_slice %arg20[%dma_wait3A_101, %dma_wait3A_102] : memref<10240x128xf32, #tpu.memory_space<vmem_shared>> -> memref<10240x128xf32, #tpu.memory_space<vmem_shared>>
    tpu.wait_indirect_dma semaphore(%arg26 : memref<!tpu.dma_semaphore, #tpu.memory_space<semaphore_mem>>) src(%arg17 : memref<120x128xf32, #tpu.memory_space<vmem>>) dst(%dma_wait3A_103 : memref<10240x128xf32, #tpu.memory_space<vmem_shared>>)
    %eq3A_104 = arith.constant 0 : i32
    %eq3A_105 = arith.cmpi eq, %arg0, %eq3A_104 : i32
    %convert_element_type3A_106 = arith.extui %eq3A_105 : i1 to i32
    %cond3A_107 = arith.constant 0 : i32
    %cond3A_108 = arith.cmpi ne, %convert_element_type3A_106, %cond3A_107 : i32
    scf.if %cond3A_108 {
      %dma_wait3A_128 = arith.constant 0 : i32
      %dma_wait3A_129 = tpu.memref_slice %arg19[%dma_wait3A_128] : memref<128xf32, #tpu.memory_space<vmem>> -> memref<120xf32, #tpu.memory_space<vmem>>
      %dma_wait3A_130 = arith.constant 0 : i32
      %dma_wait3A_131 = tpu.memref_slice %arg21[%dma_wait3A_130] : memref<10240xf32, #tpu.memory_space<vmem_shared>> -> memref<10240xf32, #tpu.memory_space<vmem_shared>>
      tpu.wait_indirect_dma semaphore(%arg26 : memref<!tpu.dma_semaphore, #tpu.memory_space<semaphore_mem>>) src(%dma_wait3A_129 : memref<120xf32, #tpu.memory_space<vmem>>) dst(%dma_wait3A_131 : memref<10240xf32, #tpu.memory_space<vmem_shared>>)
    } else {
    }
    %dma_wait3A_109 = arith.constant 0 : i32
    %dma_wait3A_110 = arith.constant 0 : i32
    %dma_wait3A_111 = tpu.memref_slice %arg20[%dma_wait3A_109, %dma_wait3A_110] : memref<10240x128xf32, #tpu.memory_space<vmem_shared>> -> memref<10240x128xf32, #tpu.memory_space<vmem_shared>>
    tpu.wait_indirect_dma semaphore(%arg27 : memref<!tpu.dma_semaphore, #tpu.memory_space<semaphore_mem>>) src(%arg18 : memref<120x128xf32, #tpu.memory_space<vmem>>) dst(%dma_wait3A_111 : memref<10240x128xf32, #tpu.memory_space<vmem_shared>>)
    %eq3A_112 = arith.constant 0 : i32
    %eq3A_113 = arith.cmpi eq, %arg0, %eq3A_112 : i32
    %convert_element_type3A_114 = arith.extui %eq3A_113 : i1 to i32
    %cond3A_115 = arith.constant 0 : i32
    %cond3A_116 = arith.cmpi ne, %convert_element_type3A_114, %cond3A_115 : i32
    scf.if %cond3A_116 {
      %dma_wait3A_128 = arith.constant 0 : i32
      %dma_wait3A_129 = tpu.memref_slice %arg19[%dma_wait3A_128] : memref<128xf32, #tpu.memory_space<vmem>> -> memref<120xf32, #tpu.memory_space<vmem>>
      %dma_wait3A_130 = arith.constant 0 : i32
      %dma_wait3A_131 = tpu.memref_slice %arg21[%dma_wait3A_130] : memref<10240xf32, #tpu.memory_space<vmem_shared>> -> memref<10240xf32, #tpu.memory_space<vmem_shared>>
      tpu.wait_indirect_dma semaphore(%arg27 : memref<!tpu.dma_semaphore, #tpu.memory_space<semaphore_mem>>) src(%dma_wait3A_129 : memref<120xf32, #tpu.memory_space<vmem>>) dst(%dma_wait3A_131 : memref<10240xf32, #tpu.memory_space<vmem_shared>>)
    } else {
    }
    %barrier3A_117 = arith.constant 0 : index
    tpu.barrier barrier_id(%barrier3A_117)
    %eq3A_118 = arith.constant 0 : i32
    %eq3A_119 = arith.cmpi eq, %arg0, %eq3A_118 : i32
    %convert_element_type3A_120 = arith.extui %eq3A_119 : i1 to i32
    %cond3A_121 = arith.constant 0 : i32
    %cond3A_122 = arith.cmpi ne, %convert_element_type3A_120, %cond3A_121 : i32
    scf.if %cond3A_122 {
      "tpu.region"() ({
        %run_scoped3A = tpu.sem_alloc : memref<!tpu.dma_semaphore, #tpu.memory_space<semaphore_mem>>
        %dma_start3A_128 = arith.constant 0 : i32
        %dma_start3A_129 = tpu.memref_slice %arg7[%mul3A_0, %dma_start3A_128] : memref<10240x128xf32, #tpu.memory_space<hbm>> -> memref<640x128xf32, #tpu.memory_space<hbm>>
        %dma_start3A_130 = arith.constant 0 : i32
        %dma_start3A_131 = tpu.memref_slice %arg20[%mul3A_0, %dma_start3A_130] : memref<10240x128xf32, #tpu.memory_space<vmem_shared>> -> memref<640x128xf32, #tpu.memory_space<vmem_shared>>
        tpu.enqueue_dma source(%dma_start3A_131 : memref<640x128xf32, #tpu.memory_space<vmem_shared>>) target(%dma_start3A_129 : memref<640x128xf32, #tpu.memory_space<hbm>>) target_semaphore(%run_scoped3A : memref<!tpu.dma_semaphore, #tpu.memory_space<semaphore_mem>>)
        %dma_wait3A_132 = arith.constant 0 : i32
        %dma_wait3A_133 = tpu.memref_slice %arg7[%mul3A_0, %dma_wait3A_132] : memref<10240x128xf32, #tpu.memory_space<hbm>> -> memref<640x128xf32, #tpu.memory_space<hbm>>
        %dma_wait3A_134 = arith.constant 0 : i32
        %dma_wait3A_135 = tpu.memref_slice %arg20[%mul3A_0, %dma_wait3A_134] : memref<10240x128xf32, #tpu.memory_space<vmem_shared>> -> memref<640x128xf32, #tpu.memory_space<vmem_shared>>
        tpu.wait_dma2 semaphore(%run_scoped3A : memref<!tpu.dma_semaphore, #tpu.memory_space<semaphore_mem>>) src(%dma_wait3A_135 : memref<640x128xf32, #tpu.memory_space<vmem_shared>>) dst(%dma_wait3A_133 : memref<640x128xf32, #tpu.memory_space<hbm>>)
        tpu.yield
      }) : () -> ()
      "tpu.region"() ({
        %run_scoped3A = tpu.sem_alloc : memref<!tpu.dma_semaphore, #tpu.memory_space<semaphore_mem>>
        %dma_start3A_128 = tpu.memref_slice %arg9[%mul3A_0] : memref<10240xf32, #tpu.memory_space<hbm>> -> memref<640xf32, #tpu.memory_space<hbm>>
        %dma_start3A_129 = tpu.memref_slice %arg21[%mul3A_0] : memref<10240xf32, #tpu.memory_space<vmem_shared>> -> memref<640xf32, #tpu.memory_space<vmem_shared>>
        tpu.enqueue_dma source(%dma_start3A_129 : memref<640xf32, #tpu.memory_space<vmem_shared>>) target(%dma_start3A_128 : memref<640xf32, #tpu.memory_space<hbm>>) target_semaphore(%run_scoped3A : memref<!tpu.dma_semaphore, #tpu.memory_space<semaphore_mem>>)
        %dma_wait3A_130 = tpu.memref_slice %arg9[%mul3A_0] : memref<10240xf32, #tpu.memory_space<hbm>> -> memref<640xf32, #tpu.memory_space<hbm>>
        %dma_wait3A_131 = tpu.memref_slice %arg21[%mul3A_0] : memref<10240xf32, #tpu.memory_space<vmem_shared>> -> memref<640xf32, #tpu.memory_space<vmem_shared>>
        tpu.wait_dma2 semaphore(%run_scoped3A : memref<!tpu.dma_semaphore, #tpu.memory_space<semaphore_mem>>) src(%dma_wait3A_131 : memref<640xf32, #tpu.memory_space<vmem_shared>>) dst(%dma_wait3A_130 : memref<640xf32, #tpu.memory_space<hbm>>)
        tpu.yield
      }) : () -> ()
    } else {
    }
    %eq3A_123 = arith.constant 1 : i32
    %eq3A_124 = arith.cmpi eq, %arg0, %eq3A_123 : i32
    %convert_element_type3A_125 = arith.extui %eq3A_124 : i1 to i32
    %cond3A_126 = arith.constant 0 : i32
    %cond3A_127 = arith.cmpi ne, %convert_element_type3A_125, %cond3A_126 : i32
    scf.if %cond3A_127 {
      "tpu.region"() ({
        %run_scoped3A = tpu.sem_alloc : memref<!tpu.dma_semaphore, #tpu.memory_space<semaphore_mem>>
        %dma_start3A_128 = arith.constant 0 : i32
        %dma_start3A_129 = tpu.memref_slice %arg8[%mul3A_0, %dma_start3A_128] : memref<10240x128xf32, #tpu.memory_space<hbm>> -> memref<640x128xf32, #tpu.memory_space<hbm>>
        %dma_start3A_130 = arith.constant 0 : i32
        %dma_start3A_131 = tpu.memref_slice %arg20[%mul3A_0, %dma_start3A_130] : memref<10240x128xf32, #tpu.memory_space<vmem_shared>> -> memref<640x128xf32, #tpu.memory_space<vmem_shared>>
        tpu.enqueue_dma source(%dma_start3A_131 : memref<640x128xf32, #tpu.memory_space<vmem_shared>>) target(%dma_start3A_129 : memref<640x128xf32, #tpu.memory_space<hbm>>) target_semaphore(%run_scoped3A : memref<!tpu.dma_semaphore, #tpu.memory_space<semaphore_mem>>)
        %dma_wait3A_132 = arith.constant 0 : i32
        %dma_wait3A_133 = tpu.memref_slice %arg8[%mul3A_0, %dma_wait3A_132] : memref<10240x128xf32, #tpu.memory_space<hbm>> -> memref<640x128xf32, #tpu.memory_space<hbm>>
        %dma_wait3A_134 = arith.constant 0 : i32
        %dma_wait3A_135 = tpu.memref_slice %arg20[%mul3A_0, %dma_wait3A_134] : memref<10240x128xf32, #tpu.memory_space<vmem_shared>> -> memref<640x128xf32, #tpu.memory_space<vmem_shared>>
        tpu.wait_dma2 semaphore(%run_scoped3A : memref<!tpu.dma_semaphore, #tpu.memory_space<semaphore_mem>>) src(%dma_wait3A_135 : memref<640x128xf32, #tpu.memory_space<vmem_shared>>) dst(%dma_wait3A_133 : memref<640x128xf32, #tpu.memory_space<hbm>>)
        tpu.yield
      }) : () -> ()
    } else {
    }
    return
  }
}

#map = affine_map<(d0, d1) -> (0, 0)>
#map1 = affine_map<(d0, d1) -> (0)>
module attributes {stable_mosaic.version = 14 : i64} {
  func.func @k(%arg0: i32, %arg1: i32, %arg2: memref<10240x128xf32, #tpu.memory_space<hbm>>, %arg3: memref<10240x128xf32, #tpu.memory_space<hbm>>, %arg4: memref<641280xi32, #tpu.memory_space<hbm>>, %arg5: memref<10240x128xf32, #tpu.memory_space<hbm>>, %arg6: memref<10240xf32, #tpu.memory_space<hbm>>, %arg7: memref<10240x128xf32, #tpu.memory_space<hbm>>, %arg8: memref<10240x128xf32, #tpu.memory_space<hbm>>, %arg9: memref<10240xf32, #tpu.memory_space<hbm>>, %arg10: memref<120xi32, #tpu.memory_space<vmem>>, %arg11: memref<120xi32, #tpu.memory_space<vmem>>, %arg12: memref<120xi32, #tpu.memory_space<vmem>>, %arg13: memref<120xi32, #tpu.memory_space<vmem>>, %arg14: memref<120xi32, #tpu.memory_space<vmem>>, %arg15: memref<120xi32, #tpu.memory_space<vmem>>, %arg16: memref<120x128xf32, #tpu.memory_space<vmem>>, %arg17: memref<120x128xf32, #tpu.memory_space<vmem>>, %arg18: memref<120x128xf32, #tpu.memory_space<vmem>>, %arg19: memref<128xf32, #tpu.memory_space<vmem>>, %arg20: memref<10240x128xf32, #tpu.memory_space<vmem_shared>>, %arg21: memref<10240xf32, #tpu.memory_space<vmem_shared>>, %arg22: memref<!tpu.dma_semaphore, #tpu.memory_space<semaphore_mem>>, %arg23: memref<!tpu.dma_semaphore, #tpu.memory_space<semaphore_mem>>, %arg24: memref<!tpu.dma_semaphore, #tpu.memory_space<semaphore_mem>>, %arg25: memref<!tpu.dma_semaphore, #tpu.memory_space<semaphore_mem>>, %arg26: memref<!tpu.dma_semaphore, #tpu.memory_space<semaphore_mem>>, %arg27: memref<!tpu.dma_semaphore, #tpu.memory_space<semaphore_mem>>, %arg28: memref<!tpu.dma_semaphore, #tpu.memory_space<semaphore_mem>>, %arg29: memref<!tpu.dma_semaphore, #tpu.memory_space<semaphore_mem>>, %arg30: memref<!tpu.dma_semaphore, #tpu.memory_space<semaphore_mem>>, %arg31: memref<!tpu.dma_semaphore, #tpu.memory_space<semaphore_mem>>, %arg32: memref<!tpu.dma_semaphore, #tpu.memory_space<semaphore_mem>>, %arg33: memref<!tpu.dma_semaphore, #tpu.memory_space<semaphore_mem>>) attributes {dimension_semantics = [#tpu.dimension_semantics<core_parallel>, #tpu.dimension_semantics<subcore_parallel>], iteration_bounds = array<i64: 2, 16>, scalar_prefetch = 0 : i64, scratch_operands = 24 : i64, tpu.core_type = #tpu.core_type<sc_vector_subcore>, window_params = [{transform_indices = #map}, {transform_indices = #map}, {transform_indices = #map1}, {transform_indices = #map}, {transform_indices = #map1}, {transform_indices = #map}, {transform_indices = #map}, {transform_indices = #map1}]} {
    %mul3A = arith.constant 640 : i32
    %mul3A_0 = arith.muli %arg1, %mul3A : i32
    "tpu.region"() ({
      %run_scoped3A = tpu.sem_alloc : memref<!tpu.dma_semaphore, #tpu.memory_space<semaphore_mem>>
      %dma_start3A_128 = arith.constant 0 : i32
      %dma_start3A_129 = tpu.memref_slice %arg20[%mul3A_0, %dma_start3A_128] : memref<10240x128xf32, #tpu.memory_space<vmem_shared>> -> memref<640x128xf32, #tpu.memory_space<vmem_shared>>
      %dma_start3A_130 = arith.constant 0 : i32
      %dma_start3A_131 = tpu.memref_slice %arg5[%mul3A_0, %dma_start3A_130] : memref<10240x128xf32, #tpu.memory_space<hbm>> -> memref<640x128xf32, #tpu.memory_space<hbm>>
      tpu.enqueue_dma source(%dma_start3A_131 : memref<640x128xf32, #tpu.memory_space<hbm>>) target(%dma_start3A_129 : memref<640x128xf32, #tpu.memory_space<vmem_shared>>) target_semaphore(%run_scoped3A : memref<!tpu.dma_semaphore, #tpu.memory_space<semaphore_mem>>)
      %dma_wait3A_132 = arith.constant 0 : i32
      %dma_wait3A_133 = tpu.memref_slice %arg20[%mul3A_0, %dma_wait3A_132] : memref<10240x128xf32, #tpu.memory_space<vmem_shared>> -> memref<640x128xf32, #tpu.memory_space<vmem_shared>>
      %dma_wait3A_134 = arith.constant 0 : i32
      %dma_wait3A_135 = tpu.memref_slice %arg5[%mul3A_0, %dma_wait3A_134] : memref<10240x128xf32, #tpu.memory_space<hbm>> -> memref<640x128xf32, #tpu.memory_space<hbm>>
      tpu.wait_dma2 semaphore(%run_scoped3A : memref<!tpu.dma_semaphore, #tpu.memory_space<semaphore_mem>>) src(%dma_wait3A_135 : memref<640x128xf32, #tpu.memory_space<hbm>>) dst(%dma_wait3A_133 : memref<640x128xf32, #tpu.memory_space<vmem_shared>>)
      tpu.yield
    }) : () -> ()
    %eq3A = arith.constant 0 : i32
    %eq3A_1 = arith.cmpi eq, %arg0, %eq3A : i32
    %convert_element_type3A = arith.extui %eq3A_1 : i1 to i32
    %cond3A = arith.constant 0 : i32
    %cond3A_2 = arith.cmpi ne, %convert_element_type3A, %cond3A : i32
    scf.if %cond3A_2 {
      "tpu.region"() ({
        %run_scoped3A = tpu.sem_alloc : memref<!tpu.dma_semaphore, #tpu.memory_space<semaphore_mem>>
        %dma_start3A_128 = tpu.memref_slice %arg21[%mul3A_0] : memref<10240xf32, #tpu.memory_space<vmem_shared>> -> memref<640xf32, #tpu.memory_space<vmem_shared>>
        %dma_start3A_129 = tpu.memref_slice %arg6[%mul3A_0] : memref<10240xf32, #tpu.memory_space<hbm>> -> memref<640xf32, #tpu.memory_space<hbm>>
        tpu.enqueue_dma source(%dma_start3A_129 : memref<640xf32, #tpu.memory_space<hbm>>) target(%dma_start3A_128 : memref<640xf32, #tpu.memory_space<vmem_shared>>) target_semaphore(%run_scoped3A : memref<!tpu.dma_semaphore, #tpu.memory_space<semaphore_mem>>)
        %dma_wait3A_130 = tpu.memref_slice %arg21[%mul3A_0] : memref<10240xf32, #tpu.memory_space<vmem_shared>> -> memref<640xf32, #tpu.memory_space<vmem_shared>>
        %dma_wait3A_131 = tpu.memref_slice %arg6[%mul3A_0] : memref<10240xf32, #tpu.memory_space<hbm>> -> memref<640xf32, #tpu.memory_space<hbm>>
        tpu.wait_dma2 semaphore(%run_scoped3A : memref<!tpu.dma_semaphore, #tpu.memory_space<semaphore_mem>>) src(%dma_wait3A_131 : memref<640xf32, #tpu.memory_space<hbm>>) dst(%dma_wait3A_130 : memref<640xf32, #tpu.memory_space<vmem_shared>>)
        tpu.yield
      }) : () -> ()
    } else {
    }
    %broadcast_in_dim3A = arith.constant 1.000000e+00 : f32
    %broadcast_in_dim3A_3 = vector.broadcast %broadcast_in_dim3A : f32 to vector<16xf32>
    %swap3A = arith.constant 0 : index
    %swap3A_4 = tpu.vector_load %arg19[%swap3A] {strides = array<i32>} : memref<128xf32, #tpu.memory_space<vmem>>, vector<16xf32>,
    %swap3A_5 = vector.shape_cast %swap3A_4 : vector<16xf32> to vector<16xf32>
    %swap3A_6 = vector.shape_cast %broadcast_in_dim3A_3 : vector<16xf32> to vector<16xf32>
    tpu.vector_store %arg19[%swap3A], %swap3A_6 {strides = array<i32>} : memref<128xf32, #tpu.memory_space<vmem>>, vector<16xf32>,
    %broadcast_in_dim3A_7 = arith.constant 1.000000e+00 : f32
    %broadcast_in_dim3A_8 = vector.broadcast %broadcast_in_dim3A_7 : f32 to vector<16xf32>
    %swap3A_9 = arith.constant 16 : index
    %swap3A_10 = tpu.vector_load %arg19[%swap3A_9] {strides = array<i32>} : memref<128xf32, #tpu.memory_space<vmem>>, vector<16xf32>,
    %swap3A_11 = vector.shape_cast %swap3A_10 : vector<16xf32> to vector<16xf32>
    %swap3A_12 = vector.shape_cast %broadcast_in_dim3A_8 : vector<16xf32> to vector<16xf32>
    tpu.vector_store %arg19[%swap3A_9], %swap3A_12 {strides = array<i32>} : memref<128xf32, #tpu.memory_space<vmem>>, vector<16xf32>,
    %broadcast_in_dim3A_13 = arith.constant 1.000000e+00 : f32
    %broadcast_in_dim3A_14 = vector.broadcast %broadcast_in_dim3A_13 : f32 to vector<16xf32>
    %swap3A_15 = arith.constant 32 : index
    %swap3A_16 = tpu.vector_load %arg19[%swap3A_15] {strides = array<i32>} : memref<128xf32, #tpu.memory_space<vmem>>, vector<16xf32>,
    %swap3A_17 = vector.shape_cast %swap3A_16 : vector<16xf32> to vector<16xf32>
    %swap3A_18 = vector.shape_cast %broadcast_in_dim3A_14 : vector<16xf32> to vector<16xf32>
    tpu.vector_store %arg19[%swap3A_15], %swap3A_18 {strides = array<i32>} : memref<128xf32, #tpu.memory_space<vmem>>, vector<16xf32>,
    %broadcast_in_dim3A_19 = arith.constant 1.000000e+00 : f32
    %broadcast_in_dim3A_20 = vector.broadcast %broadcast_in_dim3A_19 : f32 to vector<16xf32>
    %swap3A_21 = arith.constant 48 : index
    %swap3A_22 = tpu.vector_load %arg19[%swap3A_21] {strides = array<i32>} : memref<128xf32, #tpu.memory_space<vmem>>, vector<16xf32>,
    %swap3A_23 = vector.shape_cast %swap3A_22 : vector<16xf32> to vector<16xf32>
    %swap3A_24 = vector.shape_cast %broadcast_in_dim3A_20 : vector<16xf32> to vector<16xf32>
    tpu.vector_store %arg19[%swap3A_21], %swap3A_24 {strides = array<i32>} : memref<128xf32, #tpu.memory_space<vmem>>, vector<16xf32>,
    %broadcast_in_dim3A_25 = arith.constant 1.000000e+00 : f32
    %broadcast_in_dim3A_26 = vector.broadcast %broadcast_in_dim3A_25 : f32 to vector<16xf32>
    %swap3A_27 = arith.constant 64 : index
    %swap3A_28 = tpu.vector_load %arg19[%swap3A_27] {strides = array<i32>} : memref<128xf32, #tpu.memory_space<vmem>>, vector<16xf32>,
    %swap3A_29 = vector.shape_cast %swap3A_28 : vector<16xf32> to vector<16xf32>
    %swap3A_30 = vector.shape_cast %broadcast_in_dim3A_26 : vector<16xf32> to vector<16xf32>
    tpu.vector_store %arg19[%swap3A_27], %swap3A_30 {strides = array<i32>} : memref<128xf32, #tpu.memory_space<vmem>>, vector<16xf32>,
    %broadcast_in_dim3A_31 = arith.constant 1.000000e+00 : f32
    %broadcast_in_dim3A_32 = vector.broadcast %broadcast_in_dim3A_31 : f32 to vector<16xf32>
    %swap3A_33 = arith.constant 80 : index
    %swap3A_34 = tpu.vector_load %arg19[%swap3A_33] {strides = array<i32>} : memref<128xf32, #tpu.memory_space<vmem>>, vector<16xf32>,
    %swap3A_35 = vector.shape_cast %swap3A_34 : vector<16xf32> to vector<16xf32>
    %swap3A_36 = vector.shape_cast %broadcast_in_dim3A_32 : vector<16xf32> to vector<16xf32>
    tpu.vector_store %arg19[%swap3A_33], %swap3A_36 {strides = array<i32>} : memref<128xf32, #tpu.memory_space<vmem>>, vector<16xf32>,
    %broadcast_in_dim3A_37 = arith.constant 1.000000e+00 : f32
    %broadcast_in_dim3A_38 = vector.broadcast %broadcast_in_dim3A_37 : f32 to vector<16xf32>
    %swap3A_39 = arith.constant 96 : index
    %swap3A_40 = tpu.vector_load %arg19[%swap3A_39] {strides = array<i32>} : memref<128xf32, #tpu.memory_space<vmem>>, vector<16xf32>,
    %swap3A_41 = vector.shape_cast %swap3A_40 : vector<16xf32> to vector<16xf32>
    %swap3A_42 = vector.shape_cast %broadcast_in_dim3A_38 : vector<16xf32> to vector<16xf32>
    tpu.vector_store %arg19[%swap3A_39], %swap3A_42 {strides = array<i32>} : memref<128xf32, #tpu.memory_space<vmem>>, vector<16xf32>,
    %broadcast_in_dim3A_43 = arith.constant 1.000000e+00 : f32
    %broadcast_in_dim3A_44 = vector.broadcast %broadcast_in_dim3A_43 : f32 to vector<16xf32>
    %swap3A_45 = arith.constant 112 : index
    %swap3A_46 = tpu.vector_load %arg19[%swap3A_45] {strides = array<i32>} : memref<128xf32, #tpu.memory_space<vmem>>, vector<16xf32>,
    %swap3A_47 = vector.shape_cast %swap3A_46 : vector<16xf32> to vector<16xf32>
    %swap3A_48 = vector.shape_cast %broadcast_in_dim3A_44 : vector<16xf32> to vector<16xf32>
    tpu.vector_store %arg19[%swap3A_45], %swap3A_48 {strides = array<i32>} : memref<128xf32, #tpu.memory_space<vmem>>, vector<16xf32>,
    %barrier3A = arith.constant 0 : index
    tpu.barrier barrier_id(%barrier3A)
    %mul3A_49 = arith.constant 20040 : i32
    %mul3A_50 = arith.muli %arg1, %mul3A_49 : i32
    %add3A = arith.constant 0 : i32
    %add3A_51 = arith.addi %mul3A_50, %add3A : i32
    "tpu.region"() ({
      %run_scoped3A = tpu.sem_alloc : memref<!tpu.dma_semaphore, #tpu.memory_space<semaphore_mem>>
      %dma_start3A_128 = tpu.memref_slice %arg4[%add3A_51] : memref<641280xi32, #tpu.memory_space<hbm>> -> memref<120xi32, #tpu.memory_space<hbm>>
      %dma_start3A_129 = tpu.memref_slice %arg4[%add3A_51] : memref<641280xi32, #tpu.memory_space<hbm>> -> memref<120xi32, #tpu.memory_space<hbm>>
      tpu.enqueue_dma source(%dma_start3A_129 : memref<120xi32, #tpu.memory_space<hbm>>) target(%arg10 : memref<120xi32, #tpu.memory_space<vmem>>) target_semaphore(%run_scoped3A : memref<!tpu.dma_semaphore, #tpu.memory_space<semaphore_mem>>)
      %dma_wait3A_130 = tpu.memref_slice %arg4[%add3A_51] : memref<641280xi32, #tpu.memory_space<hbm>> -> memref<120xi32, #tpu.memory_space<hbm>>
      %dma_wait3A_131 = tpu.memref_slice %arg4[%add3A_51] : memref<641280xi32, #tpu.memory_space<hbm>> -> memref<120xi32, #tpu.memory_space<hbm>>
      tpu.wait_dma2 semaphore(%run_scoped3A : memref<!tpu.dma_semaphore, #tpu.memory_space<semaphore_mem>>) src(%dma_wait3A_131 : memref<120xi32, #tpu.memory_space<hbm>>) dst(%arg10 : memref<120xi32, #tpu.memory_space<vmem>>)
      tpu.yield
    }) : () -> ()
    %add3A_52 = arith.constant 0 : i32
    %add3A_53 = arith.addi %mul3A_50, %add3A_52 : i32
    %add3A_54 = arith.constant 320640 : i32
    %add3A_55 = arith.addi %add3A_54, %add3A_53 : i32
    %dma_start3A = tpu.memref_slice %arg4[%add3A_55] : memref<641280xi32, #tpu.memory_space<hbm>> -> memref<120xi32, #tpu.memory_space<hbm>>
    %dma_start3A_56 = tpu.memref_slice %arg4[%add3A_55] : memref<641280xi32, #tpu.memory_space<hbm>> -> memref<120xi32, #tpu.memory_space<hbm>>
    tpu.enqueue_dma source(%dma_start3A_56 : memref<120xi32, #tpu.memory_space<hbm>>) target(%arg13 : memref<120xi32, #tpu.memory_space<vmem>>) target_semaphore(%arg28 : memref<!tpu.dma_semaphore, #tpu.memory_space<semaphore_mem>>)
    %eq3A_57 = arith.constant 0 : i32
    %eq3A_58 = arith.cmpi eq, %arg0, %eq3A_57 : i32
    %convert_element_type3A_59 = arith.extui %eq3A_58 : i1 to i32
    %cond3A_60 = arith.constant 0 : i32
    %cond3A_61 = arith.cmpi ne, %convert_element_type3A_59, %cond3A_60 : i32
    scf.if %cond3A_61 {
      %dma_start3A_128 = arith.constant 0 : i32
      %dma_start3A_129 = arith.constant 0 : i32
      %dma_start3A_130 = tpu.memref_slice %arg2[%dma_start3A_128, %dma_start3A_129] : memref<10240x128xf32, #tpu.memory_space<hbm>> -> memref<10240x128xf32, #tpu.memory_space<hbm>>
      tpu.enqueue_indirect_dma source(%dma_start3A_130 : memref<10240x128xf32, #tpu.memory_space<hbm>>) target(%arg16 : memref<120x128xf32, #tpu.memory_space<vmem>>) offsets(%arg10 : memref<120xi32, #tpu.memory_space<vmem>>) semaphore(%arg22 : memref<!tpu.dma_semaphore, #tpu.memory_space<semaphore_mem>>)
    } else {
    }
    %eq3A_62 = arith.constant 1 : i32
    %eq3A_63 = arith.cmpi eq, %arg0, %eq3A_62 : i32
    %convert_element_type3A_64 = arith.extui %eq3A_63 : i1 to i32
    %cond3A_65 = arith.constant 0 : i32
    %cond3A_66 = arith.cmpi ne, %convert_element_type3A_64, %cond3A_65 : i32
    scf.if %cond3A_66 {
      %dma_start3A_128 = arith.constant 0 : i32
      %dma_start3A_129 = arith.constant 0 : i32
      %dma_start3A_130 = tpu.memref_slice %arg3[%dma_start3A_128, %dma_start3A_129] : memref<10240x128xf32, #tpu.memory_space<hbm>> -> memref<10240x128xf32, #tpu.memory_space<hbm>>
      tpu.enqueue_indirect_dma source(%dma_start3A_130 : memref<10240x128xf32, #tpu.memory_space<hbm>>) target(%arg16 : memref<120x128xf32, #tpu.memory_space<vmem>>) offsets(%arg10 : memref<120xi32, #tpu.memory_space<vmem>>) semaphore(%arg22 : memref<!tpu.dma_semaphore, #tpu.memory_space<semaphore_mem>>)
    } else {
    }
    %add3A_67 = arith.constant 120 : i32
    %add3A_68 = arith.addi %mul3A_50, %add3A_67 : i32
    "tpu.region"() ({
      %run_scoped3A = tpu.sem_alloc : memref<!tpu.dma_semaphore, #tpu.memory_space<semaphore_mem>>
      %dma_start3A_128 = tpu.memref_slice %arg4[%add3A_68] : memref<641280xi32, #tpu.memory_space<hbm>> -> memref<120xi32, #tpu.memory_space<hbm>>
      %dma_start3A_129 = tpu.memref_slice %arg4[%add3A_68] : memref<641280xi32, #tpu.memory_space<hbm>> -> memref<120xi32, #tpu.memory_space<hbm>>
      tpu.enqueue_dma source(%dma_start3A_129 : memref<120xi32, #tpu.memory_space<hbm>>) target(%arg11 : memref<120xi32, #tpu.memory_space<vmem>>) target_semaphore(%run_scoped3A : memref<!tpu.dma_semaphore, #tpu.memory_space<semaphore_mem>>)
      %dma_wait3A_130 = tpu.memref_slice %arg4[%add3A_68] : memref<641280xi32, #tpu.memory_space<hbm>> -> memref<120xi32, #tpu.memory_space<hbm>>
      %dma_wait3A_131 = tpu.memref_slice %arg4[%add3A_68] : memref<641280xi32, #tpu.memory_space<hbm>> -> memref<120xi32, #tpu.memory_space<hbm>>
      tpu.wait_dma2 semaphore(%run_scoped3A : memref<!tpu.dma_semaphore, #tpu.memory_space<semaphore_mem>>) src(%dma_wait3A_131 : memref<120xi32, #tpu.memory_space<hbm>>) dst(%arg11 : memref<120xi32, #tpu.memory_space<vmem>>)
      tpu.yield
    }) : () -> ()
    %add3A_69 = arith.constant 120 : i32
    %add3A_70 = arith.addi %mul3A_50, %add3A_69 : i32
    %add3A_71 = arith.constant 320640 : i32
    %add3A_72 = arith.addi %add3A_71, %add3A_70 : i32
    %dma_start3A_73 = tpu.memref_slice %arg4[%add3A_72] : memref<641280xi32, #tpu.memory_space<hbm>> -> memref<120xi32, #tpu.memory_space<hbm>>
    %dma_start3A_74 = tpu.memref_slice %arg4[%add3A_72] : memref<641280xi32, #tpu.memory_space<hbm>> -> memref<120xi32, #tpu.memory_space<hbm>>
    tpu.enqueue_dma source(%dma_start3A_74 : memref<120xi32, #tpu.memory_space<hbm>>) target(%arg14 : memref<120xi32, #tpu.memory_space<vmem>>) target_semaphore(%arg29 : memref<!tpu.dma_semaphore, #tpu.memory_space<semaphore_mem>>)
    %eq3A_75 = arith.constant 0 : i32
    %eq3A_76 = arith.cmpi eq, %arg0, %eq3A_75 : i32
    %convert_element_type3A_77 = arith.extui %eq3A_76 : i1 to i32
    %cond3A_78 = arith.constant 0 : i32
    %cond3A_79 = arith.cmpi ne, %convert_element_type3A_77, %cond3A_78 : i32
    scf.if %cond3A_79 {
      %dma_start3A_128 = arith.constant 0 : i32
      %dma_start3A_129 = arith.constant 0 : i32
      %dma_start3A_130 = tpu.memref_slice %arg2[%dma_start3A_128, %dma_start3A_129] : memref<10240x128xf32, #tpu.memory_space<hbm>> -> memref<10240x128xf32, #tpu.memory_space<hbm>>
      tpu.enqueue_indirect_dma source(%dma_start3A_130 : memref<10240x128xf32, #tpu.memory_space<hbm>>) target(%arg17 : memref<120x128xf32, #tpu.memory_space<vmem>>) offsets(%arg11 : memref<120xi32, #tpu.memory_space<vmem>>) semaphore(%arg23 : memref<!tpu.dma_semaphore, #tpu.memory_space<semaphore_mem>>)
    } else {
    }
    %eq3A_80 = arith.constant 1 : i32
    %eq3A_81 = arith.cmpi eq, %arg0, %eq3A_80 : i32
    %convert_element_type3A_82 = arith.extui %eq3A_81 : i1 to i32
    %cond3A_83 = arith.constant 0 : i32
    %cond3A_84 = arith.cmpi ne, %convert_element_type3A_82, %cond3A_83 : i32
    scf.if %cond3A_84 {
      %dma_start3A_128 = arith.constant 0 : i32
      %dma_start3A_129 = arith.constant 0 : i32
      %dma_start3A_130 = tpu.memref_slice %arg3[%dma_start3A_128, %dma_start3A_129] : memref<10240x128xf32, #tpu.memory_space<hbm>> -> memref<10240x128xf32, #tpu.memory_space<hbm>>
      tpu.enqueue_indirect_dma source(%dma_start3A_130 : memref<10240x128xf32, #tpu.memory_space<hbm>>) target(%arg17 : memref<120x128xf32, #tpu.memory_space<vmem>>) offsets(%arg11 : memref<120xi32, #tpu.memory_space<vmem>>) semaphore(%arg23 : memref<!tpu.dma_semaphore, #tpu.memory_space<semaphore_mem>>)
    } else {
    }
    %add3A_85 = arith.constant 240 : i32
    %add3A_86 = arith.addi %mul3A_50, %add3A_85 : i32
    %dma_start3A_87 = tpu.memref_slice %arg4[%add3A_86] : memref<641280xi32, #tpu.memory_space<hbm>> -> memref<120xi32, #tpu.memory_space<hbm>>
    %dma_start3A_88 = tpu.memref_slice %arg4[%add3A_86] : memref<641280xi32, #tpu.memory_space<hbm>> -> memref<120xi32, #tpu.memory_space<hbm>>
    tpu.enqueue_dma source(%dma_start3A_88 : memref<120xi32, #tpu.memory_space<hbm>>) target(%arg12 : memref<120xi32, #tpu.memory_space<vmem>>) target_semaphore(%arg33 : memref<!tpu.dma_semaphore, #tpu.memory_space<semaphore_mem>>)
    %scan3A = arith.constant 0 : i32
    %scan3A_89 = arith.constant 0 : i32
    %scan3A_90 = arith.constant 56 : i32
    %scan3A_91 = arith.addi %scan3A_89, %scan3A_90 : i32
    %scan3A_92 = arith.constant 1 : i32
    scf.for %scan3A_128 = %scan3A_89 to %scan3A_91 step %scan3A_92  : i32 {
      %mul3A_129 = arith.constant 3 : i32
      %mul3A_130 = arith.muli %mul3A_129, %scan3A_128 : i32
      %add3A_131 = arith.constant 0 : i32
      %add3A_132 = arith.addi %mul3A_130, %add3A_131 : i32
      %lt3A = arith.constant 167 : i32
      %lt3A_133 = arith.cmpi slt, %add3A_132, %lt3A : i32
      %convert_element_type3A_134 = arith.extui %lt3A_133 : i1 to i32
      %cond3A_135 = arith.constant 0 : i32
      %cond3A_136 = arith.cmpi ne, %convert_element_type3A_134, %cond3A_135 : i32
      scf.if %cond3A_136 {
        %add3A_151 = arith.constant 0 : i32
        %add3A_152 = arith.addi %mul3A_130, %add3A_151 : i32
        %eq3A_153 = arith.constant 0 : i32
        %eq3A_154 = arith.cmpi eq, %arg0, %eq3A_153 : i32
        %convert_element_type3A_155 = arith.extui %eq3A_154 : i1 to i32
        %cond3A_156 = arith.constant 0 : i32
        %cond3A_157 = arith.cmpi ne, %convert_element_type3A_155, %cond3A_156 : i32
        scf.if %cond3A_157 {
          %dma_wait3A_192 = arith.constant 0 : i32
          %dma_wait3A_193 = arith.constant 0 : i32
          %dma_wait3A_194 = tpu.memref_slice %arg2[%dma_wait3A_192, %dma_wait3A_193] : memref<10240x128xf32, #tpu.memory_space<hbm>> -> memref<10240x128xf32, #tpu.memory_space<hbm>>
          tpu.wait_indirect_dma semaphore(%arg22 : memref<!tpu.dma_semaphore, #tpu.memory_space<semaphore_mem>>) src(%dma_wait3A_194 : memref<10240x128xf32, #tpu.memory_space<hbm>>) dst(%arg16 : memref<120x128xf32, #tpu.memory_space<vmem>>)
        } else {
        }
        %eq3A_158 = arith.constant 1 : i32
        %eq3A_159 = arith.cmpi eq, %arg0, %eq3A_158 : i32
        %convert_element_type3A_160 = arith.extui %eq3A_159 : i1 to i32
        %cond3A_161 = arith.constant 0 : i32
        %cond3A_162 = arith.cmpi ne, %convert_element_type3A_160, %cond3A_161 : i32
        scf.if %cond3A_162 {
          %dma_wait3A_192 = arith.constant 0 : i32
          %dma_wait3A_193 = arith.constant 0 : i32
          %dma_wait3A_194 = tpu.memref_slice %arg3[%dma_wait3A_192, %dma_wait3A_193] : memref<10240x128xf32, #tpu.memory_space<hbm>> -> memref<10240x128xf32, #tpu.memory_space<hbm>>
          tpu.wait_indirect_dma semaphore(%arg22 : memref<!tpu.dma_semaphore, #tpu.memory_space<semaphore_mem>>) src(%dma_wait3A_194 : memref<10240x128xf32, #tpu.memory_space<hbm>>) dst(%arg16 : memref<120x128xf32, #tpu.memory_space<vmem>>)
        } else {
        }
        %add3A_163 = arith.constant 3 : i32
        %add3A_164 = arith.addi %add3A_152, %add3A_163 : i32
        %lt3A_165 = arith.constant 167 : i32
        %lt3A_166 = arith.cmpi slt, %add3A_164, %lt3A_165 : i32
        %convert_element_type3A_167 = arith.extui %lt3A_166 : i1 to i32
        %cond3A_168 = arith.constant 0 : i32
        %cond3A_169 = arith.cmpi ne, %convert_element_type3A_167, %cond3A_168 : i32
        scf.if %cond3A_169 {
          %add3A_192 = arith.constant 3 : i32
          %add3A_193 = arith.addi %add3A_152, %add3A_192 : i32
          %mul3A_194 = arith.constant 120 : i32
          %mul3A_195 = arith.muli %add3A_193, %mul3A_194 : i32
          %add3A_196 = arith.addi %mul3A_50, %mul3A_195 : i32
          %dma_start3A_197 = tpu.memref_slice %arg4[%add3A_196] : memref<641280xi32, #tpu.memory_space<hbm>> -> memref<120xi32, #tpu.memory_space<hbm>>
          %dma_start3A_198 = tpu.memref_slice %arg4[%add3A_196] : memref<641280xi32, #tpu.memory_space<hbm>> -> memref<120xi32, #tpu.memory_space<hbm>>
          tpu.enqueue_dma source(%dma_start3A_198 : memref<120xi32, #tpu.memory_space<hbm>>) target(%arg10 : memref<120xi32, #tpu.memory_space<vmem>>) target_semaphore(%arg31 : memref<!tpu.dma_semaphore, #tpu.memory_space<semaphore_mem>>)
        } else {
        }
        %mul3A_170 = arith.constant 120 : i32
        %mul3A_171 = arith.muli %add3A_152, %mul3A_170 : i32
        %add3A_172 = arith.addi %mul3A_50, %mul3A_171 : i32
        %add3A_173 = arith.constant 320640 : i32
        %add3A_174 = arith.addi %add3A_173, %add3A_172 : i32
        %dma_wait3A_175 = tpu.memref_slice %arg4[%add3A_174] : memref<641280xi32, #tpu.memory_space<hbm>> -> memref<120xi32, #tpu.memory_space<hbm>>
        %dma_wait3A_176 = tpu.memref_slice %arg4[%add3A_174] : memref<641280xi32, #tpu.memory_space<hbm>> -> memref<120xi32, #tpu.memory_space<hbm>>
        tpu.wait_dma2 semaphore(%arg28 : memref<!tpu.dma_semaphore, #tpu.memory_space<semaphore_mem>>) src(%dma_wait3A_176 : memref<120xi32, #tpu.memory_space<hbm>>) dst(%arg13 : memref<120xi32, #tpu.memory_space<vmem>>)
        %dma_start3A_177 = arith.constant 0 : i32
        %dma_start3A_178 = arith.constant 0 : i32
        %dma_start3A_179 = tpu.memref_slice %arg20[%dma_start3A_177, %dma_start3A_178] : memref<10240x128xf32, #tpu.memory_space<vmem_shared>> -> memref<10240x128xf32, #tpu.memory_space<vmem_shared>>
        tpu.enqueue_indirect_dma source(%arg16 : memref<120x128xf32, #tpu.memory_space<vmem>>) target(%dma_start3A_179 : memref<10240x128xf32, #tpu.memory_space<vmem_shared>>) offsets(%arg13 : memref<120xi32, #tpu.memory_space<vmem>>) semaphore(%arg25 : memref<!tpu.dma_semaphore, #tpu.memory_space<semaphore_mem>>) {add = true}
        %eq3A_180 = arith.constant 0 : i32
        %eq3A_181 = arith.cmpi eq, %arg0, %eq3A_180 : i32
        %convert_element_type3A_182 = arith.extui %eq3A_181 : i1 to i32
        %cond3A_183 = arith.constant 0 : i32
        %cond3A_184 = arith.cmpi ne, %convert_element_type3A_182, %cond3A_183 : i32
        scf.if %cond3A_184 {
          %dma_start3A_192 = arith.constant 0 : i32
          %dma_start3A_193 = tpu.memref_slice %arg19[%dma_start3A_192] : memref<128xf32, #tpu.memory_space<vmem>> -> memref<120xf32, #tpu.memory_space<vmem>>
          %dma_start3A_194 = arith.constant 0 : i32
          %dma_start3A_195 = tpu.memref_slice %arg21[%dma_start3A_194] : memref<10240xf32, #tpu.memory_space<vmem_shared>> -> memref<10240xf32, #tpu.memory_space<vmem_shared>>
          tpu.enqueue_indirect_dma source(%dma_start3A_193 : memref<120xf32, #tpu.memory_space<vmem>>) target(%dma_start3A_195 : memref<10240xf32, #tpu.memory_space<vmem_shared>>) offsets(%arg13 : memref<120xi32, #tpu.memory_space<vmem>>) semaphore(%arg25 : memref<!tpu.dma_semaphore, #tpu.memory_space<semaphore_mem>>) {add = true}
        } else {
        }
        %add3A_185 = arith.constant 2 : i32
        %add3A_186 = arith.addi %add3A_152, %add3A_185 : i32
        %lt3A_187 = arith.constant 167 : i32
        %lt3A_188 = arith.cmpi slt, %add3A_186, %lt3A_187 : i32
        %convert_element_type3A_189 = arith.extui %lt3A_188 : i1 to i32
        %cond3A_190 = arith.constant 0 : i32
        %cond3A_191 = arith.cmpi ne, %convert_element_type3A_189, %cond3A_190 : i32
        scf.if %cond3A_191 {
          %add3A_192 = arith.constant 2 : i32
          %add3A_193 = arith.addi %add3A_152, %add3A_192 : i32
          %mul3A_194 = arith.constant 120 : i32
          %mul3A_195 = arith.muli %add3A_193, %mul3A_194 : i32
          %add3A_196 = arith.addi %mul3A_50, %mul3A_195 : i32
          %dma_wait3A_197 = tpu.memref_slice %arg4[%add3A_196] : memref<641280xi32, #tpu.memory_space<hbm>> -> memref<120xi32, #tpu.memory_space<hbm>>
          %dma_wait3A_198 = tpu.memref_slice %arg4[%add3A_196] : memref<641280xi32, #tpu.memory_space<hbm>> -> memref<120xi32, #tpu.memory_space<hbm>>
          tpu.wait_dma2 semaphore(%arg33 : memref<!tpu.dma_semaphore, #tpu.memory_space<semaphore_mem>>) src(%dma_wait3A_198 : memref<120xi32, #tpu.memory_space<hbm>>) dst(%arg12 : memref<120xi32, #tpu.memory_space<vmem>>)
          %sub3A = arith.constant 1 : i32
          %sub3A_199 = arith.subi %add3A_152, %sub3A : i32
          %ge3A = arith.constant 0 : i32
          %ge3A_200 = arith.cmpi sge, %sub3A_199, %ge3A : i32
          %convert_element_type3A_201 = arith.extui %ge3A_200 : i1 to i32
          %cond3A_202 = arith.constant 0 : i32
          %cond3A_203 = arith.cmpi ne, %convert_element_type3A_201, %cond3A_202 : i32
          scf.if %cond3A_203 {
            %sub3A_223 = arith.constant 1 : i32
            %sub3A_224 = arith.subi %add3A_152, %sub3A_223 : i32
            %dma_wait3A_225 = arith.constant 0 : i32
            %dma_wait3A_226 = arith.constant 0 : i32
            %dma_wait3A_227 = tpu.memref_slice %arg20[%dma_wait3A_225, %dma_wait3A_226] : memref<10240x128xf32, #tpu.memory_space<vmem_shared>> -> memref<10240x128xf32, #tpu.memory_space<vmem_shared>>
            tpu.wait_indirect_dma semaphore(%arg27 : memref<!tpu.dma_semaphore, #tpu.memory_space<semaphore_mem>>) src(%arg18 : memref<120x128xf32, #tpu.memory_space<vmem>>) dst(%dma_wait3A_227 : memref<10240x128xf32, #tpu.memory_space<vmem_shared>>)
            %eq3A_228 = arith.constant 0 : i32
            %eq3A_229 = arith.cmpi eq, %arg0, %eq3A_228 : i32
            %convert_element_type3A_230 = arith.extui %eq3A_229 : i1 to i32
            %cond3A_231 = arith.constant 0 : i32
            %cond3A_232 = arith.cmpi ne, %convert_element_type3A_230, %cond3A_231 : i32
            scf.if %cond3A_232 {
              %dma_wait3A_233 = arith.constant 0 : i32
              %dma_wait3A_234 = tpu.memref_slice %arg19[%dma_wait3A_233] : memref<128xf32, #tpu.memory_space<vmem>> -> memref<120xf32, #tpu.memory_space<vmem>>
              %dma_wait3A_235 = arith.constant 0 : i32
              %dma_wait3A_236 = tpu.memref_slice %arg21[%dma_wait3A_235] : memref<10240xf32, #tpu.memory_space<vmem_shared>> -> memref<10240xf32, #tpu.memory_space<vmem_shared>>
              tpu.wait_indirect_dma semaphore(%arg27 : memref<!tpu.dma_semaphore, #tpu.memory_space<semaphore_mem>>) src(%dma_wait3A_234 : memref<120xf32, #tpu.memory_space<vmem>>) dst(%dma_wait3A_236 : memref<10240xf32, #tpu.memory_space<vmem_shared>>)
            } else {
            }
          } else {
          }
          %add3A_204 = arith.constant 2 : i32
          %add3A_205 = arith.addi %add3A_152, %add3A_204 : i32
          %mul3A_206 = arith.constant 120 : i32
          %mul3A_207 = arith.muli %add3A_205, %mul3A_206 : i32
          %add3A_208 = arith.addi %mul3A_50, %mul3A_207 : i32
          %add3A_209 = arith.constant 320640 : i32
          %add3A_210 = arith.addi %add3A_209, %add3A_208 : i32
          %dma_start3A_211 = tpu.memref_slice %arg4[%add3A_210] : memref<641280xi32, #tpu.memory_space<hbm>> -> memref<120xi32, #tpu.memory_space<hbm>>
          %dma_start3A_212 = tpu.memref_slice %arg4[%add3A_210] : memref<641280xi32, #tpu.memory_space<hbm>> -> memref<120xi32, #tpu.memory_space<hbm>>
          tpu.enqueue_dma source(%dma_start3A_212 : memref<120xi32, #tpu.memory_space<hbm>>) target(%arg15 : memref<120xi32, #tpu.memory_space<vmem>>) target_semaphore(%arg30 : memref<!tpu.dma_semaphore, #tpu.memory_space<semaphore_mem>>)
          %eq3A_213 = arith.constant 0 : i32
          %eq3A_214 = arith.cmpi eq, %arg0, %eq3A_213 : i32
          %convert_element_type3A_215 = arith.extui %eq3A_214 : i1 to i32
          %cond3A_216 = arith.constant 0 : i32
          %cond3A_217 = arith.cmpi ne, %convert_element_type3A_215, %cond3A_216 : i32
          scf.if %cond3A_217 {
            %dma_start3A_223 = arith.constant 0 : i32
            %dma_start3A_224 = arith.constant 0 : i32
            %dma_start3A_225 = tpu.memref_slice %arg2[%dma_start3A_223, %dma_start3A_224] : memref<10240x128xf32, #tpu.memory_space<hbm>> -> memref<10240x128xf32, #tpu.memory_space<hbm>>
            tpu.enqueue_indirect_dma source(%dma_start3A_225 : memref<10240x128xf32, #tpu.memory_space<hbm>>) target(%arg18 : memref<120x128xf32, #tpu.memory_space<vmem>>) offsets(%arg12 : memref<120xi32, #tpu.memory_space<vmem>>) semaphore(%arg24 : memref<!tpu.dma_semaphore, #tpu.memory_space<semaphore_mem>>)
          } else {
          }
          %eq3A_218 = arith.constant 1 : i32
          %eq3A_219 = arith.cmpi eq, %arg0, %eq3A_218 : i32
          %convert_element_type3A_220 = arith.extui %eq3A_219 : i1 to i32
          %cond3A_221 = arith.constant 0 : i32
          %cond3A_222 = arith.cmpi ne, %convert_element_type3A_220, %cond3A_221 : i32
          scf.if %cond3A_222 {
            %dma_start3A_223 = arith.constant 0 : i32
            %dma_start3A_224 = arith.constant 0 : i32
            %dma_start3A_225 = tpu.memref_slice %arg3[%dma_start3A_223, %dma_start3A_224] : memref<10240x128xf32, #tpu.memory_space<hbm>> -> memref<10240x128xf32, #tpu.memory_space<hbm>>
            tpu.enqueue_indirect_dma source(%dma_start3A_225 : memref<10240x128xf32, #tpu.memory_space<hbm>>) target(%arg18 : memref<120x128xf32, #tpu.memory_space<vmem>>) offsets(%arg12 : memref<120xi32, #tpu.memory_space<vmem>>) semaphore(%arg24 : memref<!tpu.dma_semaphore, #tpu.memory_space<semaphore_mem>>)
          } else {
          }
        } else {
        }
      } else {
      }
      %add3A_137 = arith.constant 1 : i32
      %add3A_138 = arith.addi %mul3A_130, %add3A_137 : i32
      %lt3A_139 = arith.constant 167 : i32
      %lt3A_140 = arith.cmpi slt, %add3A_138, %lt3A_139 : i32
      %convert_element_type3A_141 = arith.extui %lt3A_140 : i1 to i32
      %cond3A_142 = arith.constant 0 : i32
      %cond3A_143 = arith.cmpi ne, %convert_element_type3A_141, %cond3A_142 : i32
      scf.if %cond3A_143 {
        %add3A_151 = arith.constant 1 : i32
        %add3A_152 = arith.addi %mul3A_130, %add3A_151 : i32
        %eq3A_153 = arith.constant 0 : i32
        %eq3A_154 = arith.cmpi eq, %arg0, %eq3A_153 : i32
        %convert_element_type3A_155 = arith.extui %eq3A_154 : i1 to i32
        %cond3A_156 = arith.constant 0 : i32
        %cond3A_157 = arith.cmpi ne, %convert_element_type3A_155, %cond3A_156 : i32
        scf.if %cond3A_157 {
          %dma_wait3A_192 = arith.constant 0 : i32
          %dma_wait3A_193 = arith.constant 0 : i32
          %dma_wait3A_194 = tpu.memref_slice %arg2[%dma_wait3A_192, %dma_wait3A_193] : memref<10240x128xf32, #tpu.memory_space<hbm>> -> memref<10240x128xf32, #tpu.memory_space<hbm>>
          tpu.wait_indirect_dma semaphore(%arg23 : memref<!tpu.dma_semaphore, #tpu.memory_space<semaphore_mem>>) src(%dma_wait3A_194 : memref<10240x128xf32, #tpu.memory_space<hbm>>) dst(%arg17 : memref<120x128xf32, #tpu.memory_space<vmem>>)
        } else {
        }
        %eq3A_158 = arith.constant 1 : i32
        %eq3A_159 = arith.cmpi eq, %arg0, %eq3A_158 : i32
        %convert_element_type3A_160 = arith.extui %eq3A_159 : i1 to i32
        %cond3A_161 = arith.constant 0 : i32
        %cond3A_162 = arith.cmpi ne, %convert_element_type3A_160, %cond3A_161 : i32
        scf.if %cond3A_162 {
          %dma_wait3A_192 = arith.constant 0 : i32
          %dma_wait3A_193 = arith.constant 0 : i32
          %dma_wait3A_194 = tpu.memref_slice %arg3[%dma_wait3A_192, %dma_wait3A_193] : memref<10240x128xf32, #tpu.memory_space<hbm>> -> memref<10240x128xf32, #tpu.memory_space<hbm>>
          tpu.wait_indirect_dma semaphore(%arg23 : memref<!tpu.dma_semaphore, #tpu.memory_space<semaphore_mem>>) src(%dma_wait3A_194 : memref<10240x128xf32, #tpu.memory_space<hbm>>) dst(%arg17 : memref<120x128xf32, #tpu.memory_space<vmem>>)
        } else {
        }
        %add3A_163 = arith.constant 3 : i32
        %add3A_164 = arith.addi %add3A_152, %add3A_163 : i32
        %lt3A_165 = arith.constant 167 : i32
        %lt3A_166 = arith.cmpi slt, %add3A_164, %lt3A_165 : i32
        %convert_element_type3A_167 = arith.extui %lt3A_166 : i1 to i32
        %cond3A_168 = arith.constant 0 : i32
        %cond3A_169 = arith.cmpi ne, %convert_element_type3A_167, %cond3A_168 : i32
        scf.if %cond3A_169 {
          %add3A_192 = arith.constant 3 : i32
          %add3A_193 = arith.addi %add3A_152, %add3A_192 : i32
          %mul3A_194 = arith.constant 120 : i32
          %mul3A_195 = arith.muli %add3A_193, %mul3A_194 : i32
          %add3A_196 = arith.addi %mul3A_50, %mul3A_195 : i32
          %dma_start3A_197 = tpu.memref_slice %arg4[%add3A_196] : memref<641280xi32, #tpu.memory_space<hbm>> -> memref<120xi32, #tpu.memory_space<hbm>>
          %dma_start3A_198 = tpu.memref_slice %arg4[%add3A_196] : memref<641280xi32, #tpu.memory_space<hbm>> -> memref<120xi32, #tpu.memory_space<hbm>>
          tpu.enqueue_dma source(%dma_start3A_198 : memref<120xi32, #tpu.memory_space<hbm>>) target(%arg11 : memref<120xi32, #tpu.memory_space<vmem>>) target_semaphore(%arg32 : memref<!tpu.dma_semaphore, #tpu.memory_space<semaphore_mem>>)
        } else {
        }
        %mul3A_170 = arith.constant 120 : i32
        %mul3A_171 = arith.muli %add3A_152, %mul3A_170 : i32
        %add3A_172 = arith.addi %mul3A_50, %mul3A_171 : i32
        %add3A_173 = arith.constant 320640 : i32
        %add3A_174 = arith.addi %add3A_173, %add3A_172 : i32
        %dma_wait3A_175 = tpu.memref_slice %arg4[%add3A_174] : memref<641280xi32, #tpu.memory_space<hbm>> -> memref<120xi32, #tpu.memory_space<hbm>>
        %dma_wait3A_176 = tpu.memref_slice %arg4[%add3A_174] : memref<641280xi32, #tpu.memory_space<hbm>> -> memref<120xi32, #tpu.memory_space<hbm>>
        tpu.wait_dma2 semaphore(%arg29 : memref<!tpu.dma_semaphore, #tpu.memory_space<semaphore_mem>>) src(%dma_wait3A_176 : memref<120xi32, #tpu.memory_space<hbm>>) dst(%arg14 : memref<120xi32, #tpu.memory_space<vmem>>)
        %dma_start3A_177 = arith.constant 0 : i32
        %dma_start3A_178 = arith.constant 0 : i32
        %dma_start3A_179 = tpu.memref_slice %arg20[%dma_start3A_177, %dma_start3A_178] : memref<10240x128xf32, #tpu.memory_space<vmem_shared>> -> memref<10240x128xf32, #tpu.memory_space<vmem_shared>>
        tpu.enqueue_indirect_dma source(%arg17 : memref<120x128xf32, #tpu.memory_space<vmem>>) target(%dma_start3A_179 : memref<10240x128xf32, #tpu.memory_space<vmem_shared>>) offsets(%arg14 : memref<120xi32, #tpu.memory_space<vmem>>) semaphore(%arg26 : memref<!tpu.dma_semaphore, #tpu.memory_space<semaphore_mem>>) {add = true}
        %eq3A_180 = arith.constant 0 : i32
        %eq3A_181 = arith.cmpi eq, %arg0, %eq3A_180 : i32
        %convert_element_type3A_182 = arith.extui %eq3A_181 : i1 to i32
        %cond3A_183 = arith.constant 0 : i32
        %cond3A_184 = arith.cmpi ne, %convert_element_type3A_182, %cond3A_183 : i32
        scf.if %cond3A_184 {
          %dma_start3A_192 = arith.constant 0 : i32
          %dma_start3A_193 = tpu.memref_slice %arg19[%dma_start3A_192] : memref<128xf32, #tpu.memory_space<vmem>> -> memref<120xf32, #tpu.memory_space<vmem>>
          %dma_start3A_194 = arith.constant 0 : i32
          %dma_start3A_195 = tpu.memref_slice %arg21[%dma_start3A_194] : memref<10240xf32, #tpu.memory_space<vmem_shared>> -> memref<10240xf32, #tpu.memory_space<vmem_shared>>
          tpu.enqueue_indirect_dma source(%dma_start3A_193 : memref<120xf32, #tpu.memory_space<vmem>>) target(%dma_start3A_195 : memref<10240xf32, #tpu.memory_space<vmem_shared>>) offsets(%arg14 : memref<120xi32, #tpu.memory_space<vmem>>) semaphore(%arg26 : memref<!tpu.dma_semaphore, #tpu.memory_space<semaphore_mem>>) {add = true}
        } else {
        }
        %add3A_185 = arith.constant 2 : i32
        %add3A_186 = arith.addi %add3A_152, %add3A_185 : i32
        %lt3A_187 = arith.constant 167 : i32
        %lt3A_188 = arith.cmpi slt, %add3A_186, %lt3A_187 : i32
        %convert_element_type3A_189 = arith.extui %lt3A_188 : i1 to i32
        %cond3A_190 = arith.constant 0 : i32
        %cond3A_191 = arith.cmpi ne, %convert_element_type3A_189, %cond3A_190 : i32
        scf.if %cond3A_191 {
          %add3A_192 = arith.constant 2 : i32
          %add3A_193 = arith.addi %add3A_152, %add3A_192 : i32
          %mul3A_194 = arith.constant 120 : i32
          %mul3A_195 = arith.muli %add3A_193, %mul3A_194 : i32
          %add3A_196 = arith.addi %mul3A_50, %mul3A_195 : i32
          %dma_wait3A_197 = tpu.memref_slice %arg4[%add3A_196] : memref<641280xi32, #tpu.memory_space<hbm>> -> memref<120xi32, #tpu.memory_space<hbm>>
          %dma_wait3A_198 = tpu.memref_slice %arg4[%add3A_196] : memref<641280xi32, #tpu.memory_space<hbm>> -> memref<120xi32, #tpu.memory_space<hbm>>
          tpu.wait_dma2 semaphore(%arg31 : memref<!tpu.dma_semaphore, #tpu.memory_space<semaphore_mem>>) src(%dma_wait3A_198 : memref<120xi32, #tpu.memory_space<hbm>>) dst(%arg10 : memref<120xi32, #tpu.memory_space<vmem>>)
          %sub3A = arith.constant 1 : i32
          %sub3A_199 = arith.subi %add3A_152, %sub3A : i32
          %ge3A = arith.constant 0 : i32
          %ge3A_200 = arith.cmpi sge, %sub3A_199, %ge3A : i32
          %convert_element_type3A_201 = arith.extui %ge3A_200 : i1 to i32
          %cond3A_202 = arith.constant 0 : i32
          %cond3A_203 = arith.cmpi ne, %convert_element_type3A_201, %cond3A_202 : i32
          scf.if %cond3A_203 {
            %sub3A_223 = arith.constant 1 : i32
            %sub3A_224 = arith.subi %add3A_152, %sub3A_223 : i32
            %dma_wait3A_225 = arith.constant 0 : i32
            %dma_wait3A_226 = arith.constant 0 : i32
            %dma_wait3A_227 = tpu.memref_slice %arg20[%dma_wait3A_225, %dma_wait3A_226] : memref<10240x128xf32, #tpu.memory_space<vmem_shared>> -> memref<10240x128xf32, #tpu.memory_space<vmem_shared>>
            tpu.wait_indirect_dma semaphore(%arg25 : memref<!tpu.dma_semaphore, #tpu.memory_space<semaphore_mem>>) src(%arg16 : memref<120x128xf32, #tpu.memory_space<vmem>>) dst(%dma_wait3A_227 : memref<10240x128xf32, #tpu.memory_space<vmem_shared>>)
            %eq3A_228 = arith.constant 0 : i32
            %eq3A_229 = arith.cmpi eq, %arg0, %eq3A_228 : i32
            %convert_element_type3A_230 = arith.extui %eq3A_229 : i1 to i32
            %cond3A_231 = arith.constant 0 : i32
            %cond3A_232 = arith.cmpi ne, %convert_element_type3A_230, %cond3A_231 : i32
            scf.if %cond3A_232 {
              %dma_wait3A_233 = arith.constant 0 : i32
              %dma_wait3A_234 = tpu.memref_slice %arg19[%dma_wait3A_233] : memref<128xf32, #tpu.memory_space<vmem>> -> memref<120xf32, #tpu.memory_space<vmem>>
              %dma_wait3A_235 = arith.constant 0 : i32
              %dma_wait3A_236 = tpu.memref_slice %arg21[%dma_wait3A_235] : memref<10240xf32, #tpu.memory_space<vmem_shared>> -> memref<10240xf32, #tpu.memory_space<vmem_shared>>
              tpu.wait_indirect_dma semaphore(%arg25 : memref<!tpu.dma_semaphore, #tpu.memory_space<semaphore_mem>>) src(%dma_wait3A_234 : memref<120xf32, #tpu.memory_space<vmem>>) dst(%dma_wait3A_236 : memref<10240xf32, #tpu.memory_space<vmem_shared>>)
            } else {
            }
          } else {
          }
          %add3A_204 = arith.constant 2 : i32
          %add3A_205 = arith.addi %add3A_152, %add3A_204 : i32
          %mul3A_206 = arith.constant 120 : i32
          %mul3A_207 = arith.muli %add3A_205, %mul3A_206 : i32
          %add3A_208 = arith.addi %mul3A_50, %mul3A_207 : i32
          %add3A_209 = arith.constant 320640 : i32
          %add3A_210 = arith.addi %add3A_209, %add3A_208 : i32
          %dma_start3A_211 = tpu.memref_slice %arg4[%add3A_210] : memref<641280xi32, #tpu.memory_space<hbm>> -> memref<120xi32, #tpu.memory_space<hbm>>
          %dma_start3A_212 = tpu.memref_slice %arg4[%add3A_210] : memref<641280xi32, #tpu.memory_space<hbm>> -> memref<120xi32, #tpu.memory_space<hbm>>
          tpu.enqueue_dma source(%dma_start3A_212 : memref<120xi32, #tpu.memory_space<hbm>>) target(%arg13 : memref<120xi32, #tpu.memory_space<vmem>>) target_semaphore(%arg28 : memref<!tpu.dma_semaphore, #tpu.memory_space<semaphore_mem>>)
          %eq3A_213 = arith.constant 0 : i32
          %eq3A_214 = arith.cmpi eq, %arg0, %eq3A_213 : i32
          %convert_element_type3A_215 = arith.extui %eq3A_214 : i1 to i32
          %cond3A_216 = arith.constant 0 : i32
          %cond3A_217 = arith.cmpi ne, %convert_element_type3A_215, %cond3A_216 : i32
          scf.if %cond3A_217 {
            %dma_start3A_223 = arith.constant 0 : i32
            %dma_start3A_224 = arith.constant 0 : i32
            %dma_start3A_225 = tpu.memref_slice %arg2[%dma_start3A_223, %dma_start3A_224] : memref<10240x128xf32, #tpu.memory_space<hbm>> -> memref<10240x128xf32, #tpu.memory_space<hbm>>
            tpu.enqueue_indirect_dma source(%dma_start3A_225 : memref<10240x128xf32, #tpu.memory_space<hbm>>) target(%arg16 : memref<120x128xf32, #tpu.memory_space<vmem>>) offsets(%arg10 : memref<120xi32, #tpu.memory_space<vmem>>) semaphore(%arg22 : memref<!tpu.dma_semaphore, #tpu.memory_space<semaphore_mem>>)
          } else {
          }
          %eq3A_218 = arith.constant 1 : i32
          %eq3A_219 = arith.cmpi eq, %arg0, %eq3A_218 : i32
          %convert_element_type3A_220 = arith.extui %eq3A_219 : i1 to i32
          %cond3A_221 = arith.constant 0 : i32
          %cond3A_222 = arith.cmpi ne, %convert_element_type3A_220, %cond3A_221 : i32
          scf.if %cond3A_222 {
            %dma_start3A_223 = arith.constant 0 : i32
            %dma_start3A_224 = arith.constant 0 : i32
            %dma_start3A_225 = tpu.memref_slice %arg3[%dma_start3A_223, %dma_start3A_224] : memref<10240x128xf32, #tpu.memory_space<hbm>> -> memref<10240x128xf32, #tpu.memory_space<hbm>>
            tpu.enqueue_indirect_dma source(%dma_start3A_225 : memref<10240x128xf32, #tpu.memory_space<hbm>>) target(%arg16 : memref<120x128xf32, #tpu.memory_space<vmem>>) offsets(%arg10 : memref<120xi32, #tpu.memory_space<vmem>>) semaphore(%arg22 : memref<!tpu.dma_semaphore, #tpu.memory_space<semaphore_mem>>)
          } else {
          }
        } else {
        }
      } else {
      }
      %add3A_144 = arith.constant 2 : i32
      %add3A_145 = arith.addi %mul3A_130, %add3A_144 : i32
      %lt3A_146 = arith.constant 167 : i32
      %lt3A_147 = arith.cmpi slt, %add3A_145, %lt3A_146 : i32
      %convert_element_type3A_148 = arith.extui %lt3A_147 : i1 to i32
      %cond3A_149 = arith.constant 0 : i32
      %cond3A_150 = arith.cmpi ne, %convert_element_type3A_148, %cond3A_149 : i32
      scf.if %cond3A_150 {
        %add3A_151 = arith.constant 2 : i32
        %add3A_152 = arith.addi %mul3A_130, %add3A_151 : i32
        %eq3A_153 = arith.constant 0 : i32
        %eq3A_154 = arith.cmpi eq, %arg0, %eq3A_153 : i32
        %convert_element_type3A_155 = arith.extui %eq3A_154 : i1 to i32
        %cond3A_156 = arith.constant 0 : i32
        %cond3A_157 = arith.cmpi ne, %convert_element_type3A_155, %cond3A_156 : i32
        scf.if %cond3A_157 {
          %dma_wait3A_192 = arith.constant 0 : i32
          %dma_wait3A_193 = arith.constant 0 : i32
          %dma_wait3A_194 = tpu.memref_slice %arg2[%dma_wait3A_192, %dma_wait3A_193] : memref<10240x128xf32, #tpu.memory_space<hbm>> -> memref<10240x128xf32, #tpu.memory_space<hbm>>
          tpu.wait_indirect_dma semaphore(%arg24 : memref<!tpu.dma_semaphore, #tpu.memory_space<semaphore_mem>>) src(%dma_wait3A_194 : memref<10240x128xf32, #tpu.memory_space<hbm>>) dst(%arg18 : memref<120x128xf32, #tpu.memory_space<vmem>>)
        } else {
        }
        %eq3A_158 = arith.constant 1 : i32
        %eq3A_159 = arith.cmpi eq, %arg0, %eq3A_158 : i32
        %convert_element_type3A_160 = arith.extui %eq3A_159 : i1 to i32
        %cond3A_161 = arith.constant 0 : i32
        %cond3A_162 = arith.cmpi ne, %convert_element_type3A_160, %cond3A_161 : i32
        scf.if %cond3A_162 {
          %dma_wait3A_192 = arith.constant 0 : i32
          %dma_wait3A_193 = arith.constant 0 : i32
          %dma_wait3A_194 = tpu.memref_slice %arg3[%dma_wait3A_192, %dma_wait3A_193] : memref<10240x128xf32, #tpu.memory_space<hbm>> -> memref<10240x128xf32, #tpu.memory_space<hbm>>
          tpu.wait_indirect_dma semaphore(%arg24 : memref<!tpu.dma_semaphore, #tpu.memory_space<semaphore_mem>>) src(%dma_wait3A_194 : memref<10240x128xf32, #tpu.memory_space<hbm>>) dst(%arg18 : memref<120x128xf32, #tpu.memory_space<vmem>>)
        } else {
        }
        %add3A_163 = arith.constant 3 : i32
        %add3A_164 = arith.addi %add3A_152, %add3A_163 : i32
        %lt3A_165 = arith.constant 167 : i32
        %lt3A_166 = arith.cmpi slt, %add3A_164, %lt3A_165 : i32
        %convert_element_type3A_167 = arith.extui %lt3A_166 : i1 to i32
        %cond3A_168 = arith.constant 0 : i32
        %cond3A_169 = arith.cmpi ne, %convert_element_type3A_167, %cond3A_168 : i32
        scf.if %cond3A_169 {
          %add3A_192 = arith.constant 3 : i32
          %add3A_193 = arith.addi %add3A_152, %add3A_192 : i32
          %mul3A_194 = arith.constant 120 : i32
          %mul3A_195 = arith.muli %add3A_193, %mul3A_194 : i32
          %add3A_196 = arith.addi %mul3A_50, %mul3A_195 : i32
          %dma_start3A_197 = tpu.memref_slice %arg4[%add3A_196] : memref<641280xi32, #tpu.memory_space<hbm>> -> memref<120xi32, #tpu.memory_space<hbm>>
          %dma_start3A_198 = tpu.memref_slice %arg4[%add3A_196] : memref<641280xi32, #tpu.memory_space<hbm>> -> memref<120xi32, #tpu.memory_space<hbm>>
          tpu.enqueue_dma source(%dma_start3A_198 : memref<120xi32, #tpu.memory_space<hbm>>) target(%arg12 : memref<120xi32, #tpu.memory_space<vmem>>) target_semaphore(%arg33 : memref<!tpu.dma_semaphore, #tpu.memory_space<semaphore_mem>>)
        } else {
        }
        %mul3A_170 = arith.constant 120 : i32
        %mul3A_171 = arith.muli %add3A_152, %mul3A_170 : i32
        %add3A_172 = arith.addi %mul3A_50, %mul3A_171 : i32
        %add3A_173 = arith.constant 320640 : i32
        %add3A_174 = arith.addi %add3A_173, %add3A_172 : i32
        %dma_wait3A_175 = tpu.memref_slice %arg4[%add3A_174] : memref<641280xi32, #tpu.memory_space<hbm>> -> memref<120xi32, #tpu.memory_space<hbm>>
        %dma_wait3A_176 = tpu.memref_slice %arg4[%add3A_174] : memref<641280xi32, #tpu.memory_space<hbm>> -> memref<120xi32, #tpu.memory_space<hbm>>
        tpu.wait_dma2 semaphore(%arg30 : memref<!tpu.dma_semaphore, #tpu.memory_space<semaphore_mem>>) src(%dma_wait3A_176 : memref<120xi32, #tpu.memory_space<hbm>>) dst(%arg15 : memref<120xi32, #tpu.memory_space<vmem>>)
        %dma_start3A_177 = arith.constant 0 : i32
        %dma_start3A_178 = arith.constant 0 : i32
        %dma_start3A_179 = tpu.memref_slice %arg20[%dma_start3A_177, %dma_start3A_178] : memref<10240x128xf32, #tpu.memory_space<vmem_shared>> -> memref<10240x128xf32, #tpu.memory_space<vmem_shared>>
        tpu.enqueue_indirect_dma source(%arg18 : memref<120x128xf32, #tpu.memory_space<vmem>>) target(%dma_start3A_179 : memref<10240x128xf32, #tpu.memory_space<vmem_shared>>) offsets(%arg15 : memref<120xi32, #tpu.memory_space<vmem>>) semaphore(%arg27 : memref<!tpu.dma_semaphore, #tpu.memory_space<semaphore_mem>>) {add = true}
        %eq3A_180 = arith.constant 0 : i32
        %eq3A_181 = arith.cmpi eq, %arg0, %eq3A_180 : i32
        %convert_element_type3A_182 = arith.extui %eq3A_181 : i1 to i32
        %cond3A_183 = arith.constant 0 : i32
        %cond3A_184 = arith.cmpi ne, %convert_element_type3A_182, %cond3A_183 : i32
        scf.if %cond3A_184 {
          %dma_start3A_192 = arith.constant 0 : i32
          %dma_start3A_193 = tpu.memref_slice %arg19[%dma_start3A_192] : memref<128xf32, #tpu.memory_space<vmem>> -> memref<120xf32, #tpu.memory_space<vmem>>
          %dma_start3A_194 = arith.constant 0 : i32
          %dma_start3A_195 = tpu.memref_slice %arg21[%dma_start3A_194] : memref<10240xf32, #tpu.memory_space<vmem_shared>> -> memref<10240xf32, #tpu.memory_space<vmem_shared>>
          tpu.enqueue_indirect_dma source(%dma_start3A_193 : memref<120xf32, #tpu.memory_space<vmem>>) target(%dma_start3A_195 : memref<10240xf32, #tpu.memory_space<vmem_shared>>) offsets(%arg15 : memref<120xi32, #tpu.memory_space<vmem>>) semaphore(%arg27 : memref<!tpu.dma_semaphore, #tpu.memory_space<semaphore_mem>>) {add = true}
        } else {
        }
        %add3A_185 = arith.constant 2 : i32
        %add3A_186 = arith.addi %add3A_152, %add3A_185 : i32
        %lt3A_187 = arith.constant 167 : i32
        %lt3A_188 = arith.cmpi slt, %add3A_186, %lt3A_187 : i32
        %convert_element_type3A_189 = arith.extui %lt3A_188 : i1 to i32
        %cond3A_190 = arith.constant 0 : i32
        %cond3A_191 = arith.cmpi ne, %convert_element_type3A_189, %cond3A_190 : i32
        scf.if %cond3A_191 {
          %add3A_192 = arith.constant 2 : i32
          %add3A_193 = arith.addi %add3A_152, %add3A_192 : i32
          %mul3A_194 = arith.constant 120 : i32
          %mul3A_195 = arith.muli %add3A_193, %mul3A_194 : i32
          %add3A_196 = arith.addi %mul3A_50, %mul3A_195 : i32
          %dma_wait3A_197 = tpu.memref_slice %arg4[%add3A_196] : memref<641280xi32, #tpu.memory_space<hbm>> -> memref<120xi32, #tpu.memory_space<hbm>>
          %dma_wait3A_198 = tpu.memref_slice %arg4[%add3A_196] : memref<641280xi32, #tpu.memory_space<hbm>> -> memref<120xi32, #tpu.memory_space<hbm>>
          tpu.wait_dma2 semaphore(%arg32 : memref<!tpu.dma_semaphore, #tpu.memory_space<semaphore_mem>>) src(%dma_wait3A_198 : memref<120xi32, #tpu.memory_space<hbm>>) dst(%arg11 : memref<120xi32, #tpu.memory_space<vmem>>)
          %sub3A = arith.constant 1 : i32
          %sub3A_199 = arith.subi %add3A_152, %sub3A : i32
          %ge3A = arith.constant 0 : i32
          %ge3A_200 = arith.cmpi sge, %sub3A_199, %ge3A : i32
          %convert_element_type3A_201 = arith.extui %ge3A_200 : i1 to i32
          %cond3A_202 = arith.constant 0 : i32
          %cond3A_203 = arith.cmpi ne, %convert_element_type3A_201, %cond3A_202 : i32
          scf.if %cond3A_203 {
            %sub3A_223 = arith.constant 1 : i32
            %sub3A_224 = arith.subi %add3A_152, %sub3A_223 : i32
            %dma_wait3A_225 = arith.constant 0 : i32
            %dma_wait3A_226 = arith.constant 0 : i32
            %dma_wait3A_227 = tpu.memref_slice %arg20[%dma_wait3A_225, %dma_wait3A_226] : memref<10240x128xf32, #tpu.memory_space<vmem_shared>> -> memref<10240x128xf32, #tpu.memory_space<vmem_shared>>
            tpu.wait_indirect_dma semaphore(%arg26 : memref<!tpu.dma_semaphore, #tpu.memory_space<semaphore_mem>>) src(%arg17 : memref<120x128xf32, #tpu.memory_space<vmem>>) dst(%dma_wait3A_227 : memref<10240x128xf32, #tpu.memory_space<vmem_shared>>)
            %eq3A_228 = arith.constant 0 : i32
            %eq3A_229 = arith.cmpi eq, %arg0, %eq3A_228 : i32
            %convert_element_type3A_230 = arith.extui %eq3A_229 : i1 to i32
            %cond3A_231 = arith.constant 0 : i32
            %cond3A_232 = arith.cmpi ne, %convert_element_type3A_230, %cond3A_231 : i32
            scf.if %cond3A_232 {
              %dma_wait3A_233 = arith.constant 0 : i32
              %dma_wait3A_234 = tpu.memref_slice %arg19[%dma_wait3A_233] : memref<128xf32, #tpu.memory_space<vmem>> -> memref<120xf32, #tpu.memory_space<vmem>>
              %dma_wait3A_235 = arith.constant 0 : i32
              %dma_wait3A_236 = tpu.memref_slice %arg21[%dma_wait3A_235] : memref<10240xf32, #tpu.memory_space<vmem_shared>> -> memref<10240xf32, #tpu.memory_space<vmem_shared>>
              tpu.wait_indirect_dma semaphore(%arg26 : memref<!tpu.dma_semaphore, #tpu.memory_space<semaphore_mem>>) src(%dma_wait3A_234 : memref<120xf32, #tpu.memory_space<vmem>>) dst(%dma_wait3A_236 : memref<10240xf32, #tpu.memory_space<vmem_shared>>)
            } else {
            }
          } else {
          }
          %add3A_204 = arith.constant 2 : i32
          %add3A_205 = arith.addi %add3A_152, %add3A_204 : i32
          %mul3A_206 = arith.constant 120 : i32
          %mul3A_207 = arith.muli %add3A_205, %mul3A_206 : i32
          %add3A_208 = arith.addi %mul3A_50, %mul3A_207 : i32
          %add3A_209 = arith.constant 320640 : i32
          %add3A_210 = arith.addi %add3A_209, %add3A_208 : i32
          %dma_start3A_211 = tpu.memref_slice %arg4[%add3A_210] : memref<641280xi32, #tpu.memory_space<hbm>> -> memref<120xi32, #tpu.memory_space<hbm>>
          %dma_start3A_212 = tpu.memref_slice %arg4[%add3A_210] : memref<641280xi32, #tpu.memory_space<hbm>> -> memref<120xi32, #tpu.memory_space<hbm>>
          tpu.enqueue_dma source(%dma_start3A_212 : memref<120xi32, #tpu.memory_space<hbm>>) target(%arg14 : memref<120xi32, #tpu.memory_space<vmem>>) target_semaphore(%arg29 : memref<!tpu.dma_semaphore, #tpu.memory_space<semaphore_mem>>)
          %eq3A_213 = arith.constant 0 : i32
          %eq3A_214 = arith.cmpi eq, %arg0, %eq3A_213 : i32
          %convert_element_type3A_215 = arith.extui %eq3A_214 : i1 to i32
          %cond3A_216 = arith.constant 0 : i32
          %cond3A_217 = arith.cmpi ne, %convert_element_type3A_215, %cond3A_216 : i32
          scf.if %cond3A_217 {
            %dma_start3A_223 = arith.constant 0 : i32
            %dma_start3A_224 = arith.constant 0 : i32
            %dma_start3A_225 = tpu.memref_slice %arg2[%dma_start3A_223, %dma_start3A_224] : memref<10240x128xf32, #tpu.memory_space<hbm>> -> memref<10240x128xf32, #tpu.memory_space<hbm>>
            tpu.enqueue_indirect_dma source(%dma_start3A_225 : memref<10240x128xf32, #tpu.memory_space<hbm>>) target(%arg17 : memref<120x128xf32, #tpu.memory_space<vmem>>) offsets(%arg11 : memref<120xi32, #tpu.memory_space<vmem>>) semaphore(%arg23 : memref<!tpu.dma_semaphore, #tpu.memory_space<semaphore_mem>>)
          } else {
          }
          %eq3A_218 = arith.constant 1 : i32
          %eq3A_219 = arith.cmpi eq, %arg0, %eq3A_218 : i32
          %convert_element_type3A_220 = arith.extui %eq3A_219 : i1 to i32
          %cond3A_221 = arith.constant 0 : i32
          %cond3A_222 = arith.cmpi ne, %convert_element_type3A_220, %cond3A_221 : i32
          scf.if %cond3A_222 {
            %dma_start3A_223 = arith.constant 0 : i32
            %dma_start3A_224 = arith.constant 0 : i32
            %dma_start3A_225 = tpu.memref_slice %arg3[%dma_start3A_223, %dma_start3A_224] : memref<10240x128xf32, #tpu.memory_space<hbm>> -> memref<10240x128xf32, #tpu.memory_space<hbm>>
            tpu.enqueue_indirect_dma source(%dma_start3A_225 : memref<10240x128xf32, #tpu.memory_space<hbm>>) target(%arg17 : memref<120x128xf32, #tpu.memory_space<vmem>>) offsets(%arg11 : memref<120xi32, #tpu.memory_space<vmem>>) semaphore(%arg23 : memref<!tpu.dma_semaphore, #tpu.memory_space<semaphore_mem>>)
          } else {
          }
        } else {
        }
      } else {
      }
    }
    %scan3A_93 = arith.constant 56 : i32
    %dma_wait3A = arith.constant 0 : i32
    %dma_wait3A_94 = arith.constant 0 : i32
    %dma_wait3A_95 = tpu.memref_slice %arg20[%dma_wait3A, %dma_wait3A_94] : memref<10240x128xf32, #tpu.memory_space<vmem_shared>> -> memref<10240x128xf32, #tpu.memory_space<vmem_shared>>
    tpu.wait_indirect_dma semaphore(%arg25 : memref<!tpu.dma_semaphore, #tpu.memory_space<semaphore_mem>>) src(%arg16 : memref<120x128xf32, #tpu.memory_space<vmem>>) dst(%dma_wait3A_95 : memref<10240x128xf32, #tpu.memory_space<vmem_shared>>)
    %eq3A_96 = arith.constant 0 : i32
    %eq3A_97 = arith.cmpi eq, %arg0, %eq3A_96 : i32
    %convert_element_type3A_98 = arith.extui %eq3A_97 : i1 to i32
    %cond3A_99 = arith.constant 0 : i32
    %cond3A_100 = arith.cmpi ne, %convert_element_type3A_98, %cond3A_99 : i32
    scf.if %cond3A_100 {
      %dma_wait3A_128 = arith.constant 0 : i32
      %dma_wait3A_129 = tpu.memref_slice %arg19[%dma_wait3A_128] : memref<128xf32, #tpu.memory_space<vmem>> -> memref<120xf32, #tpu.memory_space<vmem>>
      %dma_wait3A_130 = arith.constant 0 : i32
      %dma_wait3A_131 = tpu.memref_slice %arg21[%dma_wait3A_130] : memref<10240xf32, #tpu.memory_space<vmem_shared>> -> memref<10240xf32, #tpu.memory_space<vmem_shared>>
      tpu.wait_indirect_dma semaphore(%arg25 : memref<!tpu.dma_semaphore, #tpu.memory_space<semaphore_mem>>) src(%dma_wait3A_129 : memref<120xf32, #tpu.memory_space<vmem>>) dst(%dma_wait3A_131 : memref<10240xf32, #tpu.memory_space<vmem_shared>>)
    } else {
    }
    %dma_wait3A_101 = arith.constant 0 : i32
    %dma_wait3A_102 = arith.constant 0 : i32
    %dma_wait3A_103 = tpu.memref_slice %arg20[%dma_wait3A_101, %dma_wait3A_102] : memref<10240x128xf32, #tpu.memory_space<vmem_shared>> -> memref<10240x128xf32, #tpu.memory_space<vmem_shared>>
    tpu.wait_indirect_dma semaphore(%arg26 : memref<!tpu.dma_semaphore, #tpu.memory_space<semaphore_mem>>) src(%arg17 : memref<120x128xf32, #tpu.memory_space<vmem>>) dst(%dma_wait3A_103 : memref<10240x128xf32, #tpu.memory_space<vmem_shared>>)
    %eq3A_104 = arith.constant 0 : i32
    %eq3A_105 = arith.cmpi eq, %arg0, %eq3A_104 : i32
    %convert_element_type3A_106 = arith.extui %eq3A_105 : i1 to i32
    %cond3A_107 = arith.constant 0 : i32
    %cond3A_108 = arith.cmpi ne, %convert_element_type3A_106, %cond3A_107 : i32
    scf.if %cond3A_108 {
      %dma_wait3A_128 = arith.constant 0 : i32
      %dma_wait3A_129 = tpu.memref_slice %arg19[%dma_wait3A_128] : memref<128xf32, #tpu.memory_space<vmem>> -> memref<120xf32, #tpu.memory_space<vmem>>
      %dma_wait3A_130 = arith.constant 0 : i32
      %dma_wait3A_131 = tpu.memref_slice %arg21[%dma_wait3A_130] : memref<10240xf32, #tpu.memory_space<vmem_shared>> -> memref<10240xf32, #tpu.memory_space<vmem_shared>>
      tpu.wait_indirect_dma semaphore(%arg26 : memref<!tpu.dma_semaphore, #tpu.memory_space<semaphore_mem>>) src(%dma_wait3A_129 : memref<120xf32, #tpu.memory_space<vmem>>) dst(%dma_wait3A_131 : memref<10240xf32, #tpu.memory_space<vmem_shared>>)
    } else {
    }
    %dma_wait3A_109 = arith.constant 0 : i32
    %dma_wait3A_110 = arith.constant 0 : i32
    %dma_wait3A_111 = tpu.memref_slice %arg20[%dma_wait3A_109, %dma_wait3A_110] : memref<10240x128xf32, #tpu.memory_space<vmem_shared>> -> memref<10240x128xf32, #tpu.memory_space<vmem_shared>>
    tpu.wait_indirect_dma semaphore(%arg27 : memref<!tpu.dma_semaphore, #tpu.memory_space<semaphore_mem>>) src(%arg18 : memref<120x128xf32, #tpu.memory_space<vmem>>) dst(%dma_wait3A_111 : memref<10240x128xf32, #tpu.memory_space<vmem_shared>>)
    %eq3A_112 = arith.constant 0 : i32
    %eq3A_113 = arith.cmpi eq, %arg0, %eq3A_112 : i32
    %convert_element_type3A_114 = arith.extui %eq3A_113 : i1 to i32
    %cond3A_115 = arith.constant 0 : i32
    %cond3A_116 = arith.cmpi ne, %convert_element_type3A_114, %cond3A_115 : i32
    scf.if %cond3A_116 {
      %dma_wait3A_128 = arith.constant 0 : i32
      %dma_wait3A_129 = tpu.memref_slice %arg19[%dma_wait3A_128] : memref<128xf32, #tpu.memory_space<vmem>> -> memref<120xf32, #tpu.memory_space<vmem>>
      %dma_wait3A_130 = arith.constant 0 : i32
      %dma_wait3A_131 = tpu.memref_slice %arg21[%dma_wait3A_130] : memref<10240xf32, #tpu.memory_space<vmem_shared>> -> memref<10240xf32, #tpu.memory_space<vmem_shared>>
      tpu.wait_indirect_dma semaphore(%arg27 : memref<!tpu.dma_semaphore, #tpu.memory_space<semaphore_mem>>) src(%dma_wait3A_129 : memref<120xf32, #tpu.memory_space<vmem>>) dst(%dma_wait3A_131 : memref<10240xf32, #tpu.memory_space<vmem_shared>>)
    } else {
    }
    %barrier3A_117 = arith.constant 0 : index
    tpu.barrier barrier_id(%barrier3A_117)
    %eq3A_118 = arith.constant 0 : i32
    %eq3A_119 = arith.cmpi eq, %arg0, %eq3A_118 : i32
    %convert_element_type3A_120 = arith.extui %eq3A_119 : i1 to i32
    %cond3A_121 = arith.constant 0 : i32
    %cond3A_122 = arith.cmpi ne, %convert_element_type3A_120, %cond3A_121 : i32
    scf.if %cond3A_122 {
      "tpu.region"() ({
        %run_scoped3A = tpu.sem_alloc : memref<!tpu.dma_semaphore, #tpu.memory_space<semaphore_mem>>
        %dma_start3A_128 = arith.constant 0 : i32
        %dma_start3A_129 = tpu.memref_slice %arg7[%mul3A_0, %dma_start3A_128] : memref<10240x128xf32, #tpu.memory_space<hbm>> -> memref<640x128xf32, #tpu.memory_space<hbm>>
        %dma_start3A_130 = arith.constant 0 : i32
        %dma_start3A_131 = tpu.memref_slice %arg20[%mul3A_0, %dma_start3A_130] : memref<10240x128xf32, #tpu.memory_space<vmem_shared>> -> memref<640x128xf32, #tpu.memory_space<vmem_shared>>
        tpu.enqueue_dma source(%dma_start3A_131 : memref<640x128xf32, #tpu.memory_space<vmem_shared>>) target(%dma_start3A_129 : memref<640x128xf32, #tpu.memory_space<hbm>>) target_semaphore(%run_scoped3A : memref<!tpu.dma_semaphore, #tpu.memory_space<semaphore_mem>>)
        %dma_wait3A_132 = arith.constant 0 : i32
        %dma_wait3A_133 = tpu.memref_slice %arg7[%mul3A_0, %dma_wait3A_132] : memref<10240x128xf32, #tpu.memory_space<hbm>> -> memref<640x128xf32, #tpu.memory_space<hbm>>
        %dma_wait3A_134 = arith.constant 0 : i32
        %dma_wait3A_135 = tpu.memref_slice %arg20[%mul3A_0, %dma_wait3A_134] : memref<10240x128xf32, #tpu.memory_space<vmem_shared>> -> memref<640x128xf32, #tpu.memory_space<vmem_shared>>
        tpu.wait_dma2 semaphore(%run_scoped3A : memref<!tpu.dma_semaphore, #tpu.memory_space<semaphore_mem>>) src(%dma_wait3A_135 : memref<640x128xf32, #tpu.memory_space<vmem_shared>>) dst(%dma_wait3A_133 : memref<640x128xf32, #tpu.memory_space<hbm>>)
        tpu.yield
      }) : () -> ()
      "tpu.region"() ({
        %run_scoped3A = tpu.sem_alloc : memref<!tpu.dma_semaphore, #tpu.memory_space<semaphore_mem>>
        %dma_start3A_128 = tpu.memref_slice %arg9[%mul3A_0] : memref<10240xf32, #tpu.memory_space<hbm>> -> memref<640xf32, #tpu.memory_space<hbm>>
        %dma_start3A_129 = tpu.memref_slice %arg21[%mul3A_0] : memref<10240xf32, #tpu.memory_space<vmem_shared>> -> memref<640xf32, #tpu.memory_space<vmem_shared>>
        tpu.enqueue_dma source(%dma_start3A_129 : memref<640xf32, #tpu.memory_space<vmem_shared>>) target(%dma_start3A_128 : memref<640xf32, #tpu.memory_space<hbm>>) target_semaphore(%run_scoped3A : memref<!tpu.dma_semaphore, #tpu.memory_space<semaphore_mem>>)
        %dma_wait3A_130 = tpu.memref_slice %arg9[%mul3A_0] : memref<10240xf32, #tpu.memory_space<hbm>> -> memref<640xf32, #tpu.memory_space<hbm>>
        %dma_wait3A_131 = tpu.memref_slice %arg21[%mul3A_0] : memref<10240xf32, #tpu.memory_space<vmem_shared>> -> memref<640xf32, #tpu.memory_space<vmem_shared>>
        tpu.wait_dma2 semaphore(%run_scoped3A : memref<!tpu.dma_semaphore, #tpu.memory_space<semaphore_mem>>) src(%dma_wait3A_131 : memref<640xf32, #tpu.memory_space<vmem_shared>>) dst(%dma_wait3A_130 : memref<640xf32, #tpu.memory_space<hbm>>)
        tpu.yield
      }) : () -> ()
    } else {
    }
    %eq3A_123 = arith.constant 1 : i32
    %eq3A_124 = arith.cmpi eq, %arg0, %eq3A_123 : i32
    %convert_element_type3A_125 = arith.extui %eq3A_124 : i1 to i32
    %cond3A_126 = arith.constant 0 : i32
    %cond3A_127 = arith.cmpi ne, %convert_element_type3A_125, %cond3A_126 : i32
    scf.if %cond3A_127 {
      "tpu.region"() ({
        %run_scoped3A = tpu.sem_alloc : memref<!tpu.dma_semaphore, #tpu.memory_space<semaphore_mem>>
        %dma_start3A_128 = arith.constant 0 : i32
        %dma_start3A_129 = tpu.memref_slice %arg8[%mul3A_0, %dma_start3A_128] : memref<10240x128xf32, #tpu.memory_space<hbm>> -> memref<640x128xf32, #tpu.memory_space<hbm>>
        %dma_start3A_130 = arith.constant 0 : i32
        %dma_start3A_131 = tpu.memref_slice %arg20[%mul3A_0, %dma_start3A_130] : memref<10240x128xf32, #tpu.memory_space<vmem_shared>> -> memref<640x128xf32, #tpu.memory_space<vmem_shared>>
        tpu.enqueue_dma source(%dma_start3A_131 : memref<640x128xf32, #tpu.memory_space<vmem_shared>>) target(%dma_start3A_129 : memref<640x128xf32, #tpu.memory_space<hbm>>) target_semaphore(%run_scoped3A : memref<!tpu.dma_semaphore, #tpu.memory_space<semaphore_mem>>)
        %dma_wait3A_132 = arith.constant 0 : i32
        %dma_wait3A_133 = tpu.memref_slice %arg8[%mul3A_0, %dma_wait3A_132] : memref<10240x128xf32, #tpu.memory_space<hbm>> -> memref<640x128xf32, #tpu.memory_space<hbm>>
        %dma_wait3A_134 = arith.constant 0 : i32
        %dma_wait3A_135 = tpu.memref_slice %arg20[%mul3A_0, %dma_wait3A_134] : memref<10240x128xf32, #tpu.memory_space<vmem_shared>> -> memref<640x128xf32, #tpu.memory_space<vmem_shared>>
        tpu.wait_dma2 semaphore(%run_scoped3A : memref<!tpu.dma_semaphore, #tpu.memory_space<semaphore_mem>>) src(%dma_wait3A_135 : memref<640x128xf32, #tpu.memory_space<vmem_shared>>) dst(%dma_wait3A_133 : memref<640x128xf32, #tpu.memory_space<hbm>>)
        tpu.yield
      }) : () -> ()
    } else {
    }
    return
  }
}

module attributes {stable_mosaic.version = 14 : i64} {
  func.func @_proj_body(%arg0: i32, %arg1: memref<512x128xf32, #tpu.memory_space<vmem>>, %arg2: memref<512x128xf32, #tpu.memory_space<vmem>>, %arg3: memref<128x256xf32, #tpu.memory_space<vmem>>, %arg4: memref<1x256xf32, #tpu.memory_space<vmem>>, %arg5: memref<128x256xf32, #tpu.memory_space<vmem>>, %arg6: memref<1x256xf32, #tpu.memory_space<vmem>>, %arg7: memref<256x256xf32, #tpu.memory_space<vmem>>, %arg8: memref<256x256xf32, #tpu.memory_space<vmem>>, %arg9: memref<256x256xf32, #tpu.memory_space<vmem>>, %arg10: memref<512x128xf32, #tpu.memory_space<vmem>>, %arg11: memref<512x128xf32, #tpu.memory_space<vmem>>, %arg12: memref<512x128xf32, #tpu.memory_space<vmem>>, %arg13: memref<512x128xf32, #tpu.memory_space<vmem>>, %arg14: memref<512x256xf32, #tpu.memory_space<vmem>>, %arg15: memref<512x256xf32, #tpu.memory_space<vmem>>, %arg16: memref<512x256xf32, #tpu.memory_space<vmem>>) attributes {dimension_semantics = [#tpu.dimension_semantics<arbitrary>], iteration_bounds = array<i64: 20>, scalar_prefetch = 0 : i64, scratch_operands = 0 : i64, tpu.core_type = #tpu.core_type<tc>, window_params = [{transform_indices = @transform_0, window_bounds = array<i64: 512, 128>}, {transform_indices = @transform_1, window_bounds = array<i64: 512, 128>}, {pipeline_mode = #tpu.pipeline_mode<synchronous>, transform_indices = @transform_2, window_bounds = array<i64: 128, 256>}, {pipeline_mode = #tpu.pipeline_mode<synchronous>, transform_indices = @transform_3, window_bounds = array<i64: 1, 256>}, {pipeline_mode = #tpu.pipeline_mode<synchronous>, transform_indices = @transform_4, window_bounds = array<i64: 128, 256>}, {pipeline_mode = #tpu.pipeline_mode<synchronous>, transform_indices = @transform_5, window_bounds = array<i64: 1, 256>}, {pipeline_mode = #tpu.pipeline_mode<synchronous>, transform_indices = @transform_6, window_bounds = array<i64: 256, 256>}, {pipeline_mode = #tpu.pipeline_mode<synchronous>, transform_indices = @transform_7, window_bounds = array<i64: 256, 256>}, {pipeline_mode = #tpu.pipeline_mode<synchronous>, transform_indices = @transform_8, window_bounds = array<i64: 256, 256>}, {transform_indices = @transform_9, window_bounds = array<i64: 512, 128>}, {transform_indices = @transform_10, window_bounds = array<i64: 512, 128>}, {transform_indices = @transform_11, window_bounds = array<i64: 512, 128>}, {transform_indices = @transform_12, window_bounds = array<i64: 512, 128>}, {transform_indices = @transform_13, window_bounds = array<i64: 512, 256>}, {transform_indices = @transform_14, window_bounds = array<i64: 512, 256>}, {transform_indices = @transform_15, window_bounds = array<i64: 512, 256>}]} {
    %get3A = arith.constant 0 : index
    %get3A_0 = arith.constant 0 : index
    %get3A_1 = vector.load %arg1[%get3A, %get3A_0] : memref<512x128xf32, #tpu.memory_space<vmem>>, vector<512x128xf32>
    %get3A_2 = arith.constant 0 : index
    %get3A_3 = arith.constant 0 : index
    %get3A_4 = vector.load %arg3[%get3A_2, %get3A_3] : memref<128x256xf32, #tpu.memory_space<vmem>>, vector<128x256xf32>
    %dot_general3A = arith.constant dense<0.000000e+00> : vector<512x256xf32>
    %dot_general3A_5 = tpu.matmul %get3A_1, %get3A_4, %dot_general3A {dimension_numbers = #tpu.dot_dimension_numbers<[1], [0], [0], [1], [0, 0, 1, 1], [], []>, transpose_lhs_hint = false} : vector<512x128xf32>, vector<128x256xf32>, vector<512x256xf32> -> vector<512x256xf32>
    %get3A_6 = arith.constant 0 : index
    %get3A_7 = arith.constant 0 : index
    %get3A_8 = vector.load %arg4[%get3A_6, %get3A_7] : memref<1x256xf32, #tpu.memory_space<vmem>>, vector<1x256xf32>
    %add3A = vector.broadcast %get3A_8 : vector<1x256xf32> to vector<512x256xf32>
    %add3A_9 = arith.addf %dot_general3A_5, %add3A : vector<512x256xf32>
    %max3A = arith.constant 0.000000e+00 : f32
    %max3A_10 = vector.broadcast %max3A : f32 to vector<512x256xf32>
    %max3A_11 = arith.maximumf %add3A_9, %max3A_10 : vector<512x256xf32>
    %get3A_12 = arith.constant 0 : index
    %get3A_13 = arith.constant 0 : index
    %get3A_14 = vector.load %arg2[%get3A_12, %get3A_13] : memref<512x128xf32, #tpu.memory_space<vmem>>, vector<512x128xf32>
    %get3A_15 = arith.constant 0 : index
    %get3A_16 = arith.constant 0 : index
    %get3A_17 = vector.load %arg5[%get3A_15, %get3A_16] : memref<128x256xf32, #tpu.memory_space<vmem>>, vector<128x256xf32>
    %dot_general3A_18 = arith.constant dense<0.000000e+00> : vector<512x256xf32>
    %dot_general3A_19 = tpu.matmul %get3A_14, %get3A_17, %dot_general3A_18 {dimension_numbers = #tpu.dot_dimension_numbers<[1], [0], [0], [1], [0, 0, 1, 1], [], []>, transpose_lhs_hint = false} : vector<512x128xf32>, vector<128x256xf32>, vector<512x256xf32> -> vector<512x256xf32>
    %get3A_20 = arith.constant 0 : index
    %get3A_21 = arith.constant 0 : index
    %get3A_22 = vector.load %arg6[%get3A_20, %get3A_21] : memref<1x256xf32, #tpu.memory_space<vmem>>, vector<1x256xf32>
    %add3A_23 = vector.broadcast %get3A_22 : vector<1x256xf32> to vector<512x256xf32>
    %add3A_24 = arith.addf %dot_general3A_19, %add3A_23 : vector<512x256xf32>
    %max3A_25 = arith.constant 0.000000e+00 : f32
    %max3A_26 = vector.broadcast %max3A_25 : f32 to vector<512x256xf32>
    %max3A_27 = arith.maximumf %add3A_24, %max3A_26 : vector<512x256xf32>
    %slice3A = vector.extract_strided_slice %max3A_11 {offsets = [0, 0], sizes = [512, 128], strides = [1, 1]} : vector<512x256xf32> to vector<512x128xf32>
    %swap3A = arith.constant 0 : index
    %swap3A_28 = arith.constant 0 : index
    %swap3A_29 = vector.load %arg10[%swap3A, %swap3A_28] : memref<512x128xf32, #tpu.memory_space<vmem>>, vector<512x128xf32>
    tpu.vector_store %arg10[%swap3A, %swap3A_28], %slice3A {strides = array<i32>} : memref<512x128xf32, #tpu.memory_space<vmem>>, vector<512x128xf32>,
    %slice3A_30 = vector.extract_strided_slice %max3A_11 {offsets = [0, 128], sizes = [512, 128], strides = [1, 1]} : vector<512x256xf32> to vector<512x128xf32>
    %swap3A_31 = arith.constant 0 : index
    %swap3A_32 = arith.constant 0 : index
    %swap3A_33 = vector.load %arg11[%swap3A_31, %swap3A_32] : memref<512x128xf32, #tpu.memory_space<vmem>>, vector<512x128xf32>
    tpu.vector_store %arg11[%swap3A_31, %swap3A_32], %slice3A_30 {strides = array<i32>} : memref<512x128xf32, #tpu.memory_space<vmem>>, vector<512x128xf32>,
    %slice3A_34 = vector.extract_strided_slice %max3A_27 {offsets = [0, 0], sizes = [512, 128], strides = [1, 1]} : vector<512x256xf32> to vector<512x128xf32>
    %swap3A_35 = arith.constant 0 : index
    %swap3A_36 = arith.constant 0 : index
    %swap3A_37 = vector.load %arg12[%swap3A_35, %swap3A_36] : memref<512x128xf32, #tpu.memory_space<vmem>>, vector<512x128xf32>
    tpu.vector_store %arg12[%swap3A_35, %swap3A_36], %slice3A_34 {strides = array<i32>} : memref<512x128xf32, #tpu.memory_space<vmem>>, vector<512x128xf32>,
    %slice3A_38 = vector.extract_strided_slice %max3A_27 {offsets = [0, 128], sizes = [512, 128], strides = [1, 1]} : vector<512x256xf32> to vector<512x128xf32>
    %swap3A_39 = arith.constant 0 : index
    %swap3A_40 = arith.constant 0 : index
    %swap3A_41 = vector.load %arg13[%swap3A_39, %swap3A_40] : memref<512x128xf32, #tpu.memory_space<vmem>>, vector<512x128xf32>
    tpu.vector_store %arg13[%swap3A_39, %swap3A_40], %slice3A_38 {strides = array<i32>} : memref<512x128xf32, #tpu.memory_space<vmem>>, vector<512x128xf32>,
    %get3A_42 = arith.constant 0 : index
    %get3A_43 = arith.constant 0 : index
    %get3A_44 = vector.load %arg7[%get3A_42, %get3A_43] : memref<256x256xf32, #tpu.memory_space<vmem>>, vector<256x256xf32>
    %dot_general3A_45 = arith.constant dense<0.000000e+00> : vector<512x256xf32>
    %dot_general3A_46 = tpu.matmul %max3A_27, %get3A_44, %dot_general3A_45 {dimension_numbers = #tpu.dot_dimension_numbers<[1], [0], [0], [1], [0, 0, 1, 1], [], []>, transpose_lhs_hint = false} : vector<512x256xf32>, vector<256x256xf32>, vector<512x256xf32> -> vector<512x256xf32>
    %swap3A_47 = arith.constant 0 : index
    %swap3A_48 = arith.constant 0 : index
    %swap3A_49 = vector.load %arg14[%swap3A_47, %swap3A_48] : memref<512x256xf32, #tpu.memory_space<vmem>>, vector<512x256xf32>
    tpu.vector_store %arg14[%swap3A_47, %swap3A_48], %dot_general3A_46 {strides = array<i32>} : memref<512x256xf32, #tpu.memory_space<vmem>>, vector<512x256xf32>,
    %get3A_50 = arith.constant 0 : index
    %get3A_51 = arith.constant 0 : index
    %get3A_52 = vector.load %arg8[%get3A_50, %get3A_51] : memref<256x256xf32, #tpu.memory_space<vmem>>, vector<256x256xf32>
    %dot_general3A_53 = arith.constant dense<0.000000e+00> : vector<512x256xf32>
    %dot_general3A_54 = tpu.matmul %max3A_11, %get3A_52, %dot_general3A_53 {dimension_numbers = #tpu.dot_dimension_numbers<[1], [0], [0], [1], [0, 0, 1, 1], [], []>, transpose_lhs_hint = false} : vector<512x256xf32>, vector<256x256xf32>, vector<512x256xf32> -> vector<512x256xf32>
    %swap3A_55 = arith.constant 0 : index
    %swap3A_56 = arith.constant 0 : index
    %swap3A_57 = vector.load %arg15[%swap3A_55, %swap3A_56] : memref<512x256xf32, #tpu.memory_space<vmem>>, vector<512x256xf32>
    tpu.vector_store %arg15[%swap3A_55, %swap3A_56], %dot_general3A_54 {strides = array<i32>} : memref<512x256xf32, #tpu.memory_space<vmem>>, vector<512x256xf32>,
    %get3A_58 = arith.constant 0 : index
    %get3A_59 = arith.constant 0 : index
    %get3A_60 = vector.load %arg9[%get3A_58, %get3A_59] : memref<256x256xf32, #tpu.memory_space<vmem>>, vector<256x256xf32>
    %dot_general3A_61 = arith.constant dense<0.000000e+00> : vector<512x256xf32>
    %dot_general3A_62 = tpu.matmul %max3A_27, %get3A_60, %dot_general3A_61 {dimension_numbers = #tpu.dot_dimension_numbers<[1], [0], [0], [1], [0, 0, 1, 1], [], []>, transpose_lhs_hint = false} : vector<512x256xf32>, vector<256x256xf32>, vector<512x256xf32> -> vector<512x256xf32>
    %swap3A_63 = arith.constant 0 : index
    %swap3A_64 = arith.constant 0 : index
    %swap3A_65 = vector.load %arg16[%swap3A_63, %swap3A_64] : memref<512x256xf32, #tpu.memory_space<vmem>>, vector<512x256xf32>
    tpu.vector_store %arg16[%swap3A_63, %swap3A_64], %dot_general3A_62 {strides = array<i32>} : memref<512x256xf32, #tpu.memory_space<vmem>>, vector<512x256xf32>,
    return
  }
  func.func @transform_0(%arg0: i32) -> (i32, i32) {
    %c0_i32 = arith.constant 0 : i32
    %c0_i32_0 = arith.constant 0 : i32
    return %arg0, %c0_i32 : i32, i32
  }
  func.func @transform_1(%arg0: i32) -> (i32, i32) {
    %c0_i32 = arith.constant 0 : i32
    %c0_i32_0 = arith.constant 0 : i32
    return %arg0, %c0_i32 : i32, i32
  }
  func.func @transform_2(%arg0: i32) -> (i32, i32) {
    %c0_i32 = arith.constant 0 : i32
    %c0_i32_0 = arith.constant 0 : i32
    %c0_i32_1 = arith.constant 0 : i32
    return %c0_i32, %c0_i32_0 : i32, i32
  }
  func.func @transform_3(%arg0: i32) -> (i32, i32) {
    %c0_i32 = arith.constant 0 : i32
    %c0_i32_0 = arith.constant 0 : i32
    %c0_i32_1 = arith.constant 0 : i32
    return %c0_i32, %c0_i32_0 : i32, i32
  }
  func.func @transform_4(%arg0: i32) -> (i32, i32) {
    %c0_i32 = arith.constant 0 : i32
    %c0_i32_0 = arith.constant 0 : i32
    %c0_i32_1 = arith.constant 0 : i32
    return %c0_i32, %c0_i32_0 : i32, i32
  }
  func.func @transform_5(%arg0: i32) -> (i32, i32) {
    %c0_i32 = arith.constant 0 : i32
    %c0_i32_0 = arith.constant 0 : i32
    %c0_i32_1 = arith.constant 0 : i32
    return %c0_i32, %c0_i32_0 : i32, i32
  }
  func.func @transform_6(%arg0: i32) -> (i32, i32) {
    %c0_i32 = arith.constant 0 : i32
    %c0_i32_0 = arith.constant 0 : i32
    %c0_i32_1 = arith.constant 0 : i32
    return %c0_i32, %c0_i32_0 : i32, i32
  }
  func.func @transform_7(%arg0: i32) -> (i32, i32) {
    %c0_i32 = arith.constant 0 : i32
    %c0_i32_0 = arith.constant 0 : i32
    %c0_i32_1 = arith.constant 0 : i32
    return %c0_i32, %c0_i32_0 : i32, i32
  }
  func.func @transform_8(%arg0: i32) -> (i32, i32) {
    %c0_i32 = arith.constant 0 : i32
    %c0_i32_0 = arith.constant 0 : i32
    %c0_i32_1 = arith.constant 0 : i32
    return %c0_i32, %c0_i32_0 : i32, i32
  }
  func.func @transform_9(%arg0: i32) -> (i32, i32) {
    %c0_i32 = arith.constant 0 : i32
    %c0_i32_0 = arith.constant 0 : i32
    return %arg0, %c0_i32 : i32, i32
  }
  func.func @transform_10(%arg0: i32) -> (i32, i32) {
    %c0_i32 = arith.constant 0 : i32
    %c0_i32_0 = arith.constant 0 : i32
    return %arg0, %c0_i32 : i32, i32
  }
  func.func @transform_11(%arg0: i32) -> (i32, i32) {
    %c0_i32 = arith.constant 0 : i32
    %c0_i32_0 = arith.constant 0 : i32
    return %arg0, %c0_i32 : i32, i32
  }
  func.func @transform_12(%arg0: i32) -> (i32, i32) {
    %c0_i32 = arith.constant 0 : i32
    %c0_i32_0 = arith.constant 0 : i32
    return %arg0, %c0_i32 : i32, i32
  }
  func.func @transform_13(%arg0: i32) -> (i32, i32) {
    %c0_i32 = arith.constant 0 : i32
    %c0_i32_0 = arith.constant 0 : i32
    return %arg0, %c0_i32 : i32, i32
  }
  func.func @transform_14(%arg0: i32) -> (i32, i32) {
    %c0_i32 = arith.constant 0 : i32
    %c0_i32_0 = arith.constant 0 : i32
    return %arg0, %c0_i32 : i32, i32
  }
  func.func @transform_15(%arg0: i32) -> (i32, i32) {
    %c0_i32 = arith.constant 0 : i32
    %c0_i32_0 = arith.constant 0 : i32
    return %arg0, %c0_i32 : i32, i32
  }
}

module attributes {stable_mosaic.version = 14 : i64} {
  func.func @_post_body(%arg0: i32, %arg1: memref<512x128xf32, #tpu.memory_space<vmem>>, %arg2: memref<512x128xf32, #tpu.memory_space<vmem>>, %arg3: memref<512x1xf32, #tpu.memory_space<vmem>>, %arg4: memref<512x128xf32, #tpu.memory_space<vmem>>, %arg5: memref<512x128xf32, #tpu.memory_space<vmem>>, %arg6: memref<512x1xf32, #tpu.memory_space<vmem>>, %arg7: memref<512x128xf32, #tpu.memory_space<vmem>>, %arg8: memref<512x128xf32, #tpu.memory_space<vmem>>, %arg9: memref<512x1xf32, #tpu.memory_space<vmem>>, %arg10: memref<512x256xf32, #tpu.memory_space<vmem>>, %arg11: memref<512x256xf32, #tpu.memory_space<vmem>>, %arg12: memref<512x256xf32, #tpu.memory_space<vmem>>, %arg13: memref<128x256xf32, #tpu.memory_space<vmem>>, %arg14: memref<128x256xf32, #tpu.memory_space<vmem>>, %arg15: memref<1x256xf32, #tpu.memory_space<vmem>>, %arg16: memref<128x256xf32, #tpu.memory_space<vmem>>, %arg17: memref<128x256xf32, #tpu.memory_space<vmem>>, %arg18: memref<1x256xf32, #tpu.memory_space<vmem>>, %arg19: memref<128x256xf32, #tpu.memory_space<vmem>>, %arg20: memref<128x256xf32, #tpu.memory_space<vmem>>, %arg21: memref<1x256xf32, #tpu.memory_space<vmem>>, %arg22: memref<256x256xf32, #tpu.memory_space<vmem>>, %arg23: memref<1x256xf32, #tpu.memory_space<vmem>>, %arg24: memref<256x1xf32, #tpu.memory_space<vmem>>, %arg25: memref<512x256xf32, #tpu.memory_space<vmem>>, %arg26: memref<512x256xf32, #tpu.memory_space<vmem>>, %arg27: memref<512x256xf32, #tpu.memory_space<vmem>>, %arg28: memref<8x256xf32, #tpu.memory_space<vmem>>) attributes {dimension_semantics = [#tpu.dimension_semantics<arbitrary>], iteration_bounds = array<i64: 20>, scalar_prefetch = 0 : i64, scratch_operands = 0 : i64, tpu.core_type = #tpu.core_type<tc>, window_params = [{transform_indices = @transform_0, window_bounds = array<i64: 512, 128>}, {transform_indices = @transform_1, window_bounds = array<i64: 512, 128>}, {transform_indices = @transform_2, window_bounds = array<i64: 512, 1>}, {transform_indices = @transform_3, window_bounds = array<i64: 512, 128>}, {transform_indices = @transform_4, window_bounds = array<i64: 512, 128>}, {transform_indices = @transform_5, window_bounds = array<i64: 512, 1>}, {transform_indices = @transform_6, window_bounds = array<i64: 512, 128>}, {transform_indices = @transform_7, window_bounds = array<i64: 512, 128>}, {transform_indices = @transform_8, window_bounds = array<i64: 512, 1>}, {transform_indices = @transform_9, window_bounds = array<i64: 512, 256>}, {transform_indices = @transform_10, window_bounds = array<i64: 512, 256>}, {transform_indices = @transform_11, window_bounds = array<i64: 512, 256>}, {pipeline_mode = #tpu.pipeline_mode<synchronous>, transform_indices = @transform_12, window_bounds = array<i64: 128, 256>}, {pipeline_mode = #tpu.pipeline_mode<synchronous>, transform_indices = @transform_13, window_bounds = array<i64: 128, 256>}, {pipeline_mode = #tpu.pipeline_mode<synchronous>, transform_indices = @transform_14, window_bounds = array<i64: 1, 256>}, {pipeline_mode = #tpu.pipeline_mode<synchronous>, transform_indices = @transform_15, window_bounds = array<i64: 128, 256>}, {pipeline_mode = #tpu.pipeline_mode<synchronous>, transform_indices = @transform_16, window_bounds = array<i64: 128, 256>}, {pipeline_mode = #tpu.pipeline_mode<synchronous>, transform_indices = @transform_17, window_bounds = array<i64: 1, 256>}, {pipeline_mode = #tpu.pipeline_mode<synchronous>, transform_indices = @transform_18, window_bounds = array<i64: 128, 256>}, {pipeline_mode = #tpu.pipeline_mode<synchronous>, transform_indices = @transform_19, window_bounds = array<i64: 128, 256>}, {pipeline_mode = #tpu.pipeline_mode<synchronous>, transform_indices = @transform_20, window_bounds = array<i64: 1, 256>}, {pipeline_mode = #tpu.pipeline_mode<synchronous>, transform_indices = @transform_21, window_bounds = array<i64: 256, 256>}, {pipeline_mode = #tpu.pipeline_mode<synchronous>, transform_indices = @transform_22, window_bounds = array<i64: 1, 256>}, {pipeline_mode = #tpu.pipeline_mode<synchronous>, transform_indices = @transform_23, window_bounds = array<i64: 256, 1>}, {transform_indices = @transform_24, window_bounds = array<i64: 512, 256>}, {transform_indices = @transform_25, window_bounds = array<i64: 512, 256>}, {transform_indices = @transform_26, window_bounds = array<i64: 512, 256>}, {pipeline_mode = #tpu.pipeline_mode<synchronous>, transform_indices = @transform_27, window_bounds = array<i64: 8, 256>}]} {
    %get3A = arith.constant 0 : index
    %get3A_0 = arith.constant 0 : index
    %get3A_1 = vector.load %arg1[%get3A, %get3A_0] : memref<512x128xf32, #tpu.memory_space<vmem>>, vector<512x128xf32>
    %get3A_2 = arith.constant 0 : index
    %get3A_3 = arith.constant 0 : index
    %get3A_4 = vector.load %arg13[%get3A_2, %get3A_3] : memref<128x256xf32, #tpu.memory_space<vmem>>, vector<128x256xf32>
    %dot_general3A = arith.constant dense<0.000000e+00> : vector<512x256xf32>
    %dot_general3A_5 = tpu.matmul %get3A_1, %get3A_4, %dot_general3A {dimension_numbers = #tpu.dot_dimension_numbers<[1], [0], [0], [1], [0, 0, 1, 1], [], []>, transpose_lhs_hint = false} : vector<512x128xf32>, vector<128x256xf32>, vector<512x256xf32> -> vector<512x256xf32>
    %get3A_6 = arith.constant 0 : index
    %get3A_7 = arith.constant 0 : index
    %get3A_8 = vector.load %arg2[%get3A_6, %get3A_7] : memref<512x128xf32, #tpu.memory_space<vmem>>, vector<512x128xf32>
    %get3A_9 = arith.constant 0 : index
    %get3A_10 = arith.constant 0 : index
    %get3A_11 = vector.load %arg14[%get3A_9, %get3A_10] : memref<128x256xf32, #tpu.memory_space<vmem>>, vector<128x256xf32>
    %dot_general3A_12 = arith.constant dense<0.000000e+00> : vector<512x256xf32>
    %dot_general3A_13 = tpu.matmul %get3A_8, %get3A_11, %dot_general3A_12 {dimension_numbers = #tpu.dot_dimension_numbers<[1], [0], [0], [1], [0, 0, 1, 1], [], []>, transpose_lhs_hint = false} : vector<512x128xf32>, vector<128x256xf32>, vector<512x256xf32> -> vector<512x256xf32>
    %add3A = arith.addf %dot_general3A_5, %dot_general3A_13 : vector<512x256xf32>
    %get3A_14 = arith.constant 0 : index
    %get3A_15 = arith.constant 0 : index
    %get3A_16 = vector.load %arg3[%get3A_14, %get3A_15] : memref<512x1xf32, #tpu.memory_space<vmem>>, vector<512x1xf32>
    %max3A = arith.constant 1.000000e+00 : f32
    %max3A_17 = vector.broadcast %max3A : f32 to vector<512x1xf32>
    %max3A_18 = arith.maximumf %get3A_16, %max3A_17 : vector<512x1xf32>
    %div3A = arith.constant 1.000000e+00 : f32
    %div3A_19 = vector.broadcast %div3A : f32 to vector<512x1xf32>
    %div3A_20 = arith.divf %div3A_19, %max3A_18 : vector<512x1xf32>
    %mul3A = vector.broadcast %div3A_20 : vector<512x1xf32> to vector<512x256xf32>
    %mul3A_21 = arith.mulf %add3A, %mul3A : vector<512x256xf32>
    %get3A_22 = arith.constant 0 : index
    %get3A_23 = arith.constant 0 : index
    %get3A_24 = vector.load %arg15[%get3A_22, %get3A_23] : memref<1x256xf32, #tpu.memory_space<vmem>>, vector<1x256xf32>
    %add3A_25 = vector.broadcast %get3A_24 : vector<1x256xf32> to vector<512x256xf32>
    %add3A_26 = arith.addf %mul3A_21, %add3A_25 : vector<512x256xf32>
    %get3A_27 = arith.constant 0 : index
    %get3A_28 = arith.constant 0 : index
    %get3A_29 = vector.load %arg10[%get3A_27, %get3A_28] : memref<512x256xf32, #tpu.memory_space<vmem>>, vector<512x256xf32>
    %add3A_30 = arith.addf %add3A_26, %get3A_29 : vector<512x256xf32>
    %max3A_31 = arith.constant 0.000000e+00 : f32
    %max3A_32 = vector.broadcast %max3A_31 : f32 to vector<512x256xf32>
    %max3A_33 = arith.maximumf %add3A_30, %max3A_32 : vector<512x256xf32>
    %get3A_34 = arith.constant 0 : index
    %get3A_35 = arith.constant 0 : index
    %get3A_36 = vector.load %arg4[%get3A_34, %get3A_35] : memref<512x128xf32, #tpu.memory_space<vmem>>, vector<512x128xf32>
    %get3A_37 = arith.constant 0 : index
    %get3A_38 = arith.constant 0 : index
    %get3A_39 = vector.load %arg16[%get3A_37, %get3A_38] : memref<128x256xf32, #tpu.memory_space<vmem>>, vector<128x256xf32>
    %dot_general3A_40 = arith.constant dense<0.000000e+00> : vector<512x256xf32>
    %dot_general3A_41 = tpu.matmul %get3A_36, %get3A_39, %dot_general3A_40 {dimension_numbers = #tpu.dot_dimension_numbers<[1], [0], [0], [1], [0, 0, 1, 1], [], []>, transpose_lhs_hint = false} : vector<512x128xf32>, vector<128x256xf32>, vector<512x256xf32> -> vector<512x256xf32>
    %get3A_42 = arith.constant 0 : index
    %get3A_43 = arith.constant 0 : index
    %get3A_44 = vector.load %arg5[%get3A_42, %get3A_43] : memref<512x128xf32, #tpu.memory_space<vmem>>, vector<512x128xf32>
    %get3A_45 = arith.constant 0 : index
    %get3A_46 = arith.constant 0 : index
    %get3A_47 = vector.load %arg17[%get3A_45, %get3A_46] : memref<128x256xf32, #tpu.memory_space<vmem>>, vector<128x256xf32>
    %dot_general3A_48 = arith.constant dense<0.000000e+00> : vector<512x256xf32>
    %dot_general3A_49 = tpu.matmul %get3A_44, %get3A_47, %dot_general3A_48 {dimension_numbers = #tpu.dot_dimension_numbers<[1], [0], [0], [1], [0, 0, 1, 1], [], []>, transpose_lhs_hint = false} : vector<512x128xf32>, vector<128x256xf32>, vector<512x256xf32> -> vector<512x256xf32>
    %add3A_50 = arith.addf %dot_general3A_41, %dot_general3A_49 : vector<512x256xf32>
    %get3A_51 = arith.constant 0 : index
    %get3A_52 = arith.constant 0 : index
    %get3A_53 = vector.load %arg6[%get3A_51, %get3A_52] : memref<512x1xf32, #tpu.memory_space<vmem>>, vector<512x1xf32>
    %max3A_54 = arith.constant 1.000000e+00 : f32
    %max3A_55 = vector.broadcast %max3A_54 : f32 to vector<512x1xf32>
    %max3A_56 = arith.maximumf %get3A_53, %max3A_55 : vector<512x1xf32>
    %div3A_57 = arith.constant 1.000000e+00 : f32
    %div3A_58 = vector.broadcast %div3A_57 : f32 to vector<512x1xf32>
    %div3A_59 = arith.divf %div3A_58, %max3A_56 : vector<512x1xf32>
    %mul3A_60 = vector.broadcast %div3A_59 : vector<512x1xf32> to vector<512x256xf32>
    %mul3A_61 = arith.mulf %add3A_50, %mul3A_60 : vector<512x256xf32>
    %get3A_62 = arith.constant 0 : index
    %get3A_63 = arith.constant 0 : index
    %get3A_64 = vector.load %arg18[%get3A_62, %get3A_63] : memref<1x256xf32, #tpu.memory_space<vmem>>, vector<1x256xf32>
    %add3A_65 = vector.broadcast %get3A_64 : vector<1x256xf32> to vector<512x256xf32>
    %add3A_66 = arith.addf %mul3A_61, %add3A_65 : vector<512x256xf32>
    %get3A_67 = arith.constant 0 : index
    %get3A_68 = arith.constant 0 : index
    %get3A_69 = vector.load %arg11[%get3A_67, %get3A_68] : memref<512x256xf32, #tpu.memory_space<vmem>>, vector<512x256xf32>
    %add3A_70 = arith.addf %add3A_66, %get3A_69 : vector<512x256xf32>
    %max3A_71 = arith.constant 0.000000e+00 : f32
    %max3A_72 = vector.broadcast %max3A_71 : f32 to vector<512x256xf32>
    %max3A_73 = arith.maximumf %add3A_70, %max3A_72 : vector<512x256xf32>
    %get3A_74 = arith.constant 0 : index
    %get3A_75 = arith.constant 0 : index
    %get3A_76 = vector.load %arg7[%get3A_74, %get3A_75] : memref<512x128xf32, #tpu.memory_space<vmem>>, vector<512x128xf32>
    %get3A_77 = arith.constant 0 : index
    %get3A_78 = arith.constant 0 : index
    %get3A_79 = vector.load %arg19[%get3A_77, %get3A_78] : memref<128x256xf32, #tpu.memory_space<vmem>>, vector<128x256xf32>
    %dot_general3A_80 = arith.constant dense<0.000000e+00> : vector<512x256xf32>
    %dot_general3A_81 = tpu.matmul %get3A_76, %get3A_79, %dot_general3A_80 {dimension_numbers = #tpu.dot_dimension_numbers<[1], [0], [0], [1], [0, 0, 1, 1], [], []>, transpose_lhs_hint = false} : vector<512x128xf32>, vector<128x256xf32>, vector<512x256xf32> -> vector<512x256xf32>
    %get3A_82 = arith.constant 0 : index
    %get3A_83 = arith.constant 0 : index
    %get3A_84 = vector.load %arg8[%get3A_82, %get3A_83] : memref<512x128xf32, #tpu.memory_space<vmem>>, vector<512x128xf32>
    %get3A_85 = arith.constant 0 : index
    %get3A_86 = arith.constant 0 : index
    %get3A_87 = vector.load %arg20[%get3A_85, %get3A_86] : memref<128x256xf32, #tpu.memory_space<vmem>>, vector<128x256xf32>
    %dot_general3A_88 = arith.constant dense<0.000000e+00> : vector<512x256xf32>
    %dot_general3A_89 = tpu.matmul %get3A_84, %get3A_87, %dot_general3A_88 {dimension_numbers = #tpu.dot_dimension_numbers<[1], [0], [0], [1], [0, 0, 1, 1], [], []>, transpose_lhs_hint = false} : vector<512x128xf32>, vector<128x256xf32>, vector<512x256xf32> -> vector<512x256xf32>
    %add3A_90 = arith.addf %dot_general3A_81, %dot_general3A_89 : vector<512x256xf32>
    %get3A_91 = arith.constant 0 : index
    %get3A_92 = arith.constant 0 : index
    %get3A_93 = vector.load %arg9[%get3A_91, %get3A_92] : memref<512x1xf32, #tpu.memory_space<vmem>>, vector<512x1xf32>
    %max3A_94 = arith.constant 1.000000e+00 : f32
    %max3A_95 = vector.broadcast %max3A_94 : f32 to vector<512x1xf32>
    %max3A_96 = arith.maximumf %get3A_93, %max3A_95 : vector<512x1xf32>
    %div3A_97 = arith.constant 1.000000e+00 : f32
    %div3A_98 = vector.broadcast %div3A_97 : f32 to vector<512x1xf32>
    %div3A_99 = arith.divf %div3A_98, %max3A_96 : vector<512x1xf32>
    %mul3A_100 = vector.broadcast %div3A_99 : vector<512x1xf32> to vector<512x256xf32>
    %mul3A_101 = arith.mulf %add3A_90, %mul3A_100 : vector<512x256xf32>
    %get3A_102 = arith.constant 0 : index
    %get3A_103 = arith.constant 0 : index
    %get3A_104 = vector.load %arg21[%get3A_102, %get3A_103] : memref<1x256xf32, #tpu.memory_space<vmem>>, vector<1x256xf32>
    %add3A_105 = vector.broadcast %get3A_104 : vector<1x256xf32> to vector<512x256xf32>
    %add3A_106 = arith.addf %mul3A_101, %add3A_105 : vector<512x256xf32>
    %get3A_107 = arith.constant 0 : index
    %get3A_108 = arith.constant 0 : index
    %get3A_109 = vector.load %arg12[%get3A_107, %get3A_108] : memref<512x256xf32, #tpu.memory_space<vmem>>, vector<512x256xf32>
    %add3A_110 = arith.addf %add3A_106, %get3A_109 : vector<512x256xf32>
    %max3A_111 = arith.constant 0.000000e+00 : f32
    %max3A_112 = vector.broadcast %max3A_111 : f32 to vector<512x256xf32>
    %max3A_113 = arith.maximumf %add3A_110, %max3A_112 : vector<512x256xf32>
    %swap3A = arith.constant 0 : index
    %swap3A_114 = arith.constant 0 : index
    %swap3A_115 = vector.load %arg25[%swap3A, %swap3A_114] : memref<512x256xf32, #tpu.memory_space<vmem>>, vector<512x256xf32>
    tpu.vector_store %arg25[%swap3A, %swap3A_114], %max3A_73 {strides = array<i32>} : memref<512x256xf32, #tpu.memory_space<vmem>>, vector<512x256xf32>,
    %swap3A_116 = arith.constant 0 : index
    %swap3A_117 = arith.constant 0 : index
    %swap3A_118 = vector.load %arg26[%swap3A_116, %swap3A_117] : memref<512x256xf32, #tpu.memory_space<vmem>>, vector<512x256xf32>
    tpu.vector_store %arg26[%swap3A_116, %swap3A_117], %max3A_33 {strides = array<i32>} : memref<512x256xf32, #tpu.memory_space<vmem>>, vector<512x256xf32>,
    %swap3A_119 = arith.constant 0 : index
    %swap3A_120 = arith.constant 0 : index
    %swap3A_121 = vector.load %arg27[%swap3A_119, %swap3A_120] : memref<512x256xf32, #tpu.memory_space<vmem>>, vector<512x256xf32>
    tpu.vector_store %arg27[%swap3A_119, %swap3A_120], %max3A_113 {strides = array<i32>} : memref<512x256xf32, #tpu.memory_space<vmem>>, vector<512x256xf32>,
    %iota3A = tpu.iota {dimensions = array<i32: 0>} : vector<512x1xi32>
    %mul3A_122 = arith.constant 512 : i32
    %mul3A_123 = arith.muli %arg0, %mul3A_122 : i32
    %add3A_124 = vector.broadcast %mul3A_123 : i32 to vector<512x1xi32>
    %add3A_125 = arith.addi %iota3A, %add3A_124 : vector<512x1xi32>
    %lt3A = arith.constant 10000 : i32
    %lt3A_126 = vector.broadcast %lt3A : i32 to vector<512x1xi32>
    %lt3A_127 = arith.cmpi slt, %add3A_125, %lt3A_126 : vector<512x1xi32>
    %get3A_128 = arith.constant 0 : index
    %get3A_129 = arith.constant 0 : index
    %get3A_130 = vector.load %arg22[%get3A_128, %get3A_129] : memref<256x256xf32, #tpu.memory_space<vmem>>, vector<256x256xf32>
    %dot_general3A_131 = arith.constant dense<0.000000e+00> : vector<512x256xf32>
    %dot_general3A_132 = tpu.matmul %max3A_33, %get3A_130, %dot_general3A_131 {dimension_numbers = #tpu.dot_dimension_numbers<[1], [0], [0], [1], [0, 0, 1, 1], [], []>, transpose_lhs_hint = false} : vector<512x256xf32>, vector<256x256xf32>, vector<512x256xf32> -> vector<512x256xf32>
    %get3A_133 = arith.constant 0 : index
    %get3A_134 = arith.constant 0 : index
    %get3A_135 = vector.load %arg23[%get3A_133, %get3A_134] : memref<1x256xf32, #tpu.memory_space<vmem>>, vector<1x256xf32>
    %add3A_136 = vector.broadcast %get3A_135 : vector<1x256xf32> to vector<512x256xf32>
    %add3A_137 = arith.addf %dot_general3A_132, %add3A_136 : vector<512x256xf32>
    %tanh3A = math.tanh %add3A_137 : vector<512x256xf32>
    %get3A_138 = arith.constant 0 : index
    %get3A_139 = arith.constant 0 : index
    %get3A_140 = vector.load %arg24[%get3A_138, %get3A_139] : memref<256x1xf32, #tpu.memory_space<vmem>>, vector<256x1xf32>
    %dot_general3A_141 = arith.constant dense<0.000000e+00> : vector<512x1xf32>
    %dot_general3A_142 = tpu.matmul %tanh3A, %get3A_140, %dot_general3A_141 {dimension_numbers = #tpu.dot_dimension_numbers<[1], [0], [0], [1], [0, 0, 1, 1], [], []>, transpose_lhs_hint = false} : vector<512x256xf32>, vector<256x1xf32>, vector<512x1xf32> -> vector<512x1xf32>
    %get3A_143 = arith.constant 0 : index
    %get3A_144 = arith.constant 0 : index
    %get3A_145 = vector.load %arg22[%get3A_143, %get3A_144] : memref<256x256xf32, #tpu.memory_space<vmem>>, vector<256x256xf32>
    %dot_general3A_146 = arith.constant dense<0.000000e+00> : vector<512x256xf32>
    %dot_general3A_147 = tpu.matmul %max3A_113, %get3A_145, %dot_general3A_146 {dimension_numbers = #tpu.dot_dimension_numbers<[1], [0], [0], [1], [0, 0, 1, 1], [], []>, transpose_lhs_hint = false} : vector<512x256xf32>, vector<256x256xf32>, vector<512x256xf32> -> vector<512x256xf32>
    %get3A_148 = arith.constant 0 : index
    %get3A_149 = arith.constant 0 : index
    %get3A_150 = vector.load %arg23[%get3A_148, %get3A_149] : memref<1x256xf32, #tpu.memory_space<vmem>>, vector<1x256xf32>
    %add3A_151 = vector.broadcast %get3A_150 : vector<1x256xf32> to vector<512x256xf32>
    %add3A_152 = arith.addf %dot_general3A_147, %add3A_151 : vector<512x256xf32>
    %tanh3A_153 = math.tanh %add3A_152 : vector<512x256xf32>
    %get3A_154 = arith.constant 0 : index
    %get3A_155 = arith.constant 0 : index
    %get3A_156 = vector.load %arg24[%get3A_154, %get3A_155] : memref<256x1xf32, #tpu.memory_space<vmem>>, vector<256x1xf32>
    %dot_general3A_157 = arith.constant dense<0.000000e+00> : vector<512x1xf32>
    %dot_general3A_158 = tpu.matmul %tanh3A_153, %get3A_156, %dot_general3A_157 {dimension_numbers = #tpu.dot_dimension_numbers<[1], [0], [0], [1], [0, 0, 1, 1], [], []>, transpose_lhs_hint = false} : vector<512x256xf32>, vector<256x1xf32>, vector<512x1xf32> -> vector<512x1xf32>
    %jit3A = arith.constant 0.000000e+00 : f32
    %broadcast_in_dim3A = vector.shape_cast %lt3A_127 : vector<512x1xi1> to vector<512x1xi1>
    %broadcast_in_dim3A_159 = vector.broadcast %broadcast_in_dim3A : vector<512x1xi1> to vector<512x256xi1>
    %broadcast_in_dim3A_160 = vector.broadcast %jit3A : f32 to vector<512x256xf32>
    %select_n3A = arith.select %broadcast_in_dim3A_159, %max3A_73, %broadcast_in_dim3A_160 : vector<512x256xi1>, vector<512x256xf32>
    %reduce_sum3A = arith.constant dense<0.000000e+00> : vector<256xf32>
    %reduce_sum3A_161 = vector.multi_reduction <add>, %select_n3A, %reduce_sum3A [0] : vector<512x256xf32> to vector<256xf32>
    %broadcast_in_dim3A_162 = vector.shape_cast %reduce_sum3A_161 : vector<256xf32> to vector<1x256xf32>
    %jit3A_163 = arith.constant 0.000000e+00 : f32
    %broadcast_in_dim3A_164 = vector.shape_cast %lt3A_127 : vector<512x1xi1> to vector<512x1xi1>
    %broadcast_in_dim3A_165 = vector.broadcast %broadcast_in_dim3A_164 : vector<512x1xi1> to vector<512x256xi1>
    %broadcast_in_dim3A_166 = vector.broadcast %jit3A_163 : f32 to vector<512x256xf32>
    %select_n3A_167 = arith.select %broadcast_in_dim3A_165, %max3A_33, %broadcast_in_dim3A_166 : vector<512x256xi1>, vector<512x256xf32>
    %reduce_sum3A_168 = arith.constant dense<0.000000e+00> : vector<256xf32>
    %reduce_sum3A_169 = vector.multi_reduction <add>, %select_n3A_167, %reduce_sum3A_168 [0] : vector<512x256xf32> to vector<256xf32>
    %broadcast_in_dim3A_170 = vector.shape_cast %reduce_sum3A_169 : vector<256xf32> to vector<1x256xf32>
    %jit3A_171 = arith.constant 0.000000e+00 : f32
    %broadcast_in_dim3A_172 = vector.shape_cast %lt3A_127 : vector<512x1xi1> to vector<512x1xi1>
    %broadcast_in_dim3A_173 = vector.broadcast %broadcast_in_dim3A_172 : vector<512x1xi1> to vector<512x256xi1>
    %broadcast_in_dim3A_174 = vector.broadcast %jit3A_171 : f32 to vector<512x256xf32>
    %select_n3A_175 = arith.select %broadcast_in_dim3A_173, %max3A_113, %broadcast_in_dim3A_174 : vector<512x256xi1>, vector<512x256xf32>
    %reduce_sum3A_176 = arith.constant dense<0.000000e+00> : vector<256xf32>
    %reduce_sum3A_177 = vector.multi_reduction <add>, %select_n3A_175, %reduce_sum3A_176 [0] : vector<512x256xf32> to vector<256xf32>
    %broadcast_in_dim3A_178 = vector.shape_cast %reduce_sum3A_177 : vector<256xf32> to vector<1x256xf32>
    %jit3A_179 = arith.constant 0.000000e+00 : f32
    %broadcast_in_dim3A_180 = vector.broadcast %jit3A_179 : f32 to vector<512x1xf32>
    %select_n3A_181 = arith.select %lt3A_127, %dot_general3A_142, %broadcast_in_dim3A_180 : vector<512x1xi1>, vector<512x1xf32>
    %reduce_sum3A_182 = vector.shape_cast %select_n3A_181 : vector<512x1xf32> to vector<1x512x1xf32>
    %reduce_sum3A_183 = arith.constant dense<0.000000e+00> : vector<1xf32>
    %reduce_sum3A_184 = vector.multi_reduction <add>, %reduce_sum3A_182, %reduce_sum3A_183 [1, 2] : vector<1x512x1xf32> to vector<1xf32>
    %reduce_sum3A_185 = vector.shape_cast %reduce_sum3A_184 : vector<1xf32> to vector<1x1x1xf32>
    %reduce_sum3A_186 = vector.extract %reduce_sum3A_185[0, 0, 0] : f32 from vector<1x1x1xf32>
    %jit3A_187 = arith.constant 0.000000e+00 : f32
    %broadcast_in_dim3A_188 = vector.broadcast %jit3A_187 : f32 to vector<512x1xf32>
    %select_n3A_189 = arith.select %lt3A_127, %dot_general3A_158, %broadcast_in_dim3A_188 : vector<512x1xi1>, vector<512x1xf32>
    %reduce_sum3A_190 = vector.shape_cast %select_n3A_189 : vector<512x1xf32> to vector<1x512x1xf32>
    %reduce_sum3A_191 = arith.constant dense<0.000000e+00> : vector<1xf32>
    %reduce_sum3A_192 = vector.multi_reduction <add>, %reduce_sum3A_190, %reduce_sum3A_191 [1, 2] : vector<1x512x1xf32> to vector<1xf32>
    %reduce_sum3A_193 = vector.shape_cast %reduce_sum3A_192 : vector<1xf32> to vector<1x1x1xf32>
    %reduce_sum3A_194 = vector.extract %reduce_sum3A_193[0, 0, 0] : f32 from vector<1x1x1xf32>
    %iota3A_195 = tpu.iota {dimensions = array<i32: 1>} : vector<1x256xi32>
    %eq3A = arith.constant 0 : i32
    %eq3A_196 = vector.broadcast %eq3A : i32 to vector<1x256xi32>
    %eq3A_197 = arith.cmpi eq, %iota3A_195, %eq3A_196 : vector<1x256xi32>
    %jit3A_198 = arith.constant 0.000000e+00 : f32
    %broadcast_in_dim3A_199 = vector.broadcast %reduce_sum3A_186 : f32 to vector<1x256xf32>
    %broadcast_in_dim3A_200 = vector.broadcast %jit3A_198 : f32 to vector<1x256xf32>
    %select_n3A_201 = arith.select %eq3A_197, %broadcast_in_dim3A_199, %broadcast_in_dim3A_200 : vector<1x256xi1>, vector<1x256xf32>
    %eq3A_202 = arith.constant 1 : i32
    %eq3A_203 = vector.broadcast %eq3A_202 : i32 to vector<1x256xi32>
    %eq3A_204 = arith.cmpi eq, %iota3A_195, %eq3A_203 : vector<1x256xi32>
    %jit3A_205 = arith.constant 0.000000e+00 : f32
    %broadcast_in_dim3A_206 = vector.broadcast %reduce_sum3A_194 : f32 to vector<1x256xf32>
    %broadcast_in_dim3A_207 = vector.broadcast %jit3A_205 : f32 to vector<1x256xf32>
    %select_n3A_208 = arith.select %eq3A_204, %broadcast_in_dim3A_206, %broadcast_in_dim3A_207 : vector<1x256xi1>, vector<1x256xf32>
    %add3A_209 = arith.addf %select_n3A_201, %select_n3A_208 : vector<1x256xf32>
    %broadcast_in_dim3A_210 = arith.constant 0.000000e+00 : f32
    %broadcast_in_dim3A_211 = vector.broadcast %broadcast_in_dim3A_210 : f32 to vector<4x256xf32>
    %concatenate3A = tpu.concatenate %broadcast_in_dim3A_162, %broadcast_in_dim3A_170, %broadcast_in_dim3A_178, %add3A_209, %broadcast_in_dim3A_211 in 0 : vector<1x256xf32>, vector<1x256xf32>, vector<1x256xf32>, vector<1x256xf32>, vector<4x256xf32> -> vector<8x256xf32>
    %eq3A_212 = arith.constant 0 : i32
    %eq3A_213 = arith.cmpi eq, %arg0, %eq3A_212 : i32
    %convert_element_type3A = arith.extui %eq3A_213 : i1 to i32
    %cond3A = arith.constant 0 : i32
    %cond3A_214 = arith.cmpi ne, %convert_element_type3A, %cond3A : i32
    scf.if %cond3A_214 {
      %broadcast_in_dim3A_222 = arith.constant 0.000000e+00 : f32
      %broadcast_in_dim3A_223 = vector.broadcast %broadcast_in_dim3A_222 : f32 to vector<8x256xf32>
      %swap3A_224 = arith.constant 0 : index
      %swap3A_225 = arith.constant 0 : index
      %swap3A_226 = vector.load %arg28[%swap3A_224, %swap3A_225] : memref<8x256xf32, #tpu.memory_space<vmem>>, vector<8x256xf32>
      tpu.vector_store %arg28[%swap3A_224, %swap3A_225], %broadcast_in_dim3A_223 {strides = array<i32>} : memref<8x256xf32, #tpu.memory_space<vmem>>, vector<8x256xf32>,
    } else {
    }
    %get3A_215 = arith.constant 0 : index
    %get3A_216 = arith.constant 0 : index
    %get3A_217 = vector.load %arg28[%get3A_215, %get3A_216] : memref<8x256xf32, #tpu.memory_space<vmem>>, vector<8x256xf32>
    %add3A_218 = arith.addf %get3A_217, %concatenate3A : vector<8x256xf32>
    %swap3A_219 = arith.constant 0 : index
    %swap3A_220 = arith.constant 0 : index
    %swap3A_221 = vector.load %arg28[%swap3A_219, %swap3A_220] : memref<8x256xf32, #tpu.memory_space<vmem>>, vector<8x256xf32>
    tpu.vector_store %arg28[%swap3A_219, %swap3A_220], %add3A_218 {strides = array<i32>} : memref<8x256xf32, #tpu.memory_space<vmem>>, vector<8x256xf32>,
    return
  }
  func.func @transform_0(%arg0: i32) -> (i32, i32) {
    %c0_i32 = arith.constant 0 : i32
    %c0_i32_0 = arith.constant 0 : i32
    return %arg0, %c0_i32 : i32, i32
  }
  func.func @transform_1(%arg0: i32) -> (i32, i32) {
    %c0_i32 = arith.constant 0 : i32
    %c0_i32_0 = arith.constant 0 : i32
    return %arg0, %c0_i32 : i32, i32
  }
  func.func @transform_2(%arg0: i32) -> (i32, i32) {
    %c0_i32 = arith.constant 0 : i32
    %c0_i32_0 = arith.constant 0 : i32
    return %arg0, %c0_i32 : i32, i32
  }
  func.func @transform_3(%arg0: i32) -> (i32, i32) {
    %c0_i32 = arith.constant 0 : i32
    %c0_i32_0 = arith.constant 0 : i32
    return %arg0, %c0_i32 : i32, i32
  }
  func.func @transform_4(%arg0: i32) -> (i32, i32) {
    %c0_i32 = arith.constant 0 : i32
    %c0_i32_0 = arith.constant 0 : i32
    return %arg0, %c0_i32 : i32, i32
  }
  func.func @transform_5(%arg0: i32) -> (i32, i32) {
    %c0_i32 = arith.constant 0 : i32
    %c0_i32_0 = arith.constant 0 : i32
    return %arg0, %c0_i32 : i32, i32
  }
  func.func @transform_6(%arg0: i32) -> (i32, i32) {
    %c0_i32 = arith.constant 0 : i32
    %c0_i32_0 = arith.constant 0 : i32
    return %arg0, %c0_i32 : i32, i32
  }
  func.func @transform_7(%arg0: i32) -> (i32, i32) {
    %c0_i32 = arith.constant 0 : i32
    %c0_i32_0 = arith.constant 0 : i32
    return %arg0, %c0_i32 : i32, i32
  }
  func.func @transform_8(%arg0: i32) -> (i32, i32) {
    %c0_i32 = arith.constant 0 : i32
    %c0_i32_0 = arith.constant 0 : i32
    return %arg0, %c0_i32 : i32, i32
  }
  func.func @transform_9(%arg0: i32) -> (i32, i32) {
    %c0_i32 = arith.constant 0 : i32
    %c0_i32_0 = arith.constant 0 : i32
    return %arg0, %c0_i32 : i32, i32
  }
  func.func @transform_10(%arg0: i32) -> (i32, i32) {
    %c0_i32 = arith.constant 0 : i32
    %c0_i32_0 = arith.constant 0 : i32
    return %arg0, %c0_i32 : i32, i32
  }
  func.func @transform_11(%arg0: i32) -> (i32, i32) {
    %c0_i32 = arith.constant 0 : i32
    %c0_i32_0 = arith.constant 0 : i32
    return %arg0, %c0_i32 : i32, i32
  }
  func.func @transform_12(%arg0: i32) -> (i32, i32) {
    %c0_i32 = arith.constant 0 : i32
    %c0_i32_0 = arith.constant 0 : i32
    %c0_i32_1 = arith.constant 0 : i32
    return %c0_i32, %c0_i32_0 : i32, i32
  }
  func.func @transform_13(%arg0: i32) -> (i32, i32) {
    %c0_i32 = arith.constant 0 : i32
    %c0_i32_0 = arith.constant 0 : i32
    %c0_i32_1 = arith.constant 0 : i32
    return %c0_i32, %c0_i32_0 : i32, i32
  }
  func.func @transform_14(%arg0: i32) -> (i32, i32) {
    %c0_i32 = arith.constant 0 : i32
    %c0_i32_0 = arith.constant 0 : i32
    %c0_i32_1 = arith.constant 0 : i32
    return %c0_i32, %c0_i32_0 : i32, i32
  }
  func.func @transform_15(%arg0: i32) -> (i32, i32) {
    %c0_i32 = arith.constant 0 : i32
    %c0_i32_0 = arith.constant 0 : i32
    %c0_i32_1 = arith.constant 0 : i32
    return %c0_i32, %c0_i32_0 : i32, i32
  }
  func.func @transform_16(%arg0: i32) -> (i32, i32) {
    %c0_i32 = arith.constant 0 : i32
    %c0_i32_0 = arith.constant 0 : i32
    %c0_i32_1 = arith.constant 0 : i32
    return %c0_i32, %c0_i32_0 : i32, i32
  }
  func.func @transform_17(%arg0: i32) -> (i32, i32) {
    %c0_i32 = arith.constant 0 : i32
    %c0_i32_0 = arith.constant 0 : i32
    %c0_i32_1 = arith.constant 0 : i32
    return %c0_i32, %c0_i32_0 : i32, i32
  }
  func.func @transform_18(%arg0: i32) -> (i32, i32) {
    %c0_i32 = arith.constant 0 : i32
    %c0_i32_0 = arith.constant 0 : i32
    %c0_i32_1 = arith.constant 0 : i32
    return %c0_i32, %c0_i32_0 : i32, i32
  }
  func.func @transform_19(%arg0: i32) -> (i32, i32) {
    %c0_i32 = arith.constant 0 : i32
    %c0_i32_0 = arith.constant 0 : i32
    %c0_i32_1 = arith.constant 0 : i32
    return %c0_i32, %c0_i32_0 : i32, i32
  }
  func.func @transform_20(%arg0: i32) -> (i32, i32) {
    %c0_i32 = arith.constant 0 : i32
    %c0_i32_0 = arith.constant 0 : i32
    %c0_i32_1 = arith.constant 0 : i32
    return %c0_i32, %c0_i32_0 : i32, i32
  }
  func.func @transform_21(%arg0: i32) -> (i32, i32) {
    %c0_i32 = arith.constant 0 : i32
    %c0_i32_0 = arith.constant 0 : i32
    %c0_i32_1 = arith.constant 0 : i32
    return %c0_i32, %c0_i32_0 : i32, i32
  }
  func.func @transform_22(%arg0: i32) -> (i32, i32) {
    %c0_i32 = arith.constant 0 : i32
    %c0_i32_0 = arith.constant 0 : i32
    %c0_i32_1 = arith.constant 0 : i32
    return %c0_i32, %c0_i32_0 : i32, i32
  }
  func.func @transform_23(%arg0: i32) -> (i32, i32) {
    %c0_i32 = arith.constant 0 : i32
    %c0_i32_0 = arith.constant 0 : i32
    %c0_i32_1 = arith.constant 0 : i32
    return %c0_i32, %c0_i32_0 : i32, i32
  }
  func.func @transform_24(%arg0: i32) -> (i32, i32) {
    %c0_i32 = arith.constant 0 : i32
    %c0_i32_0 = arith.constant 0 : i32
    return %arg0, %c0_i32 : i32, i32
  }
  func.func @transform_25(%arg0: i32) -> (i32, i32) {
    %c0_i32 = arith.constant 0 : i32
    %c0_i32_0 = arith.constant 0 : i32
    return %arg0, %c0_i32 : i32, i32
  }
  func.func @transform_26(%arg0: i32) -> (i32, i32) {
    %c0_i32 = arith.constant 0 : i32
    %c0_i32_0 = arith.constant 0 : i32
    return %arg0, %c0_i32 : i32, i32
  }
  func.func @transform_27(%arg0: i32) -> (i32, i32) {
    %c0_i32 = arith.constant 0 : i32
    %c0_i32_0 = arith.constant 0 : i32
    %c0_i32_1 = arith.constant 0 : i32
    return %c0_i32, %c0_i32_0 : i32, i32
  }
}

module attributes {stable_mosaic.version = 14 : i64} {
  func.func @_combine_body(%arg0: i32, %arg1: memref<512x256xf32, #tpu.memory_space<vmem>>, %arg2: memref<512x256xf32, #tpu.memory_space<vmem>>, %arg3: memref<8x256xf32, #tpu.memory_space<vmem>>, %arg4: memref<512x256xf32, #tpu.memory_space<vmem>>, %arg5: memref<2x256xf32, #tpu.memory_space<vmem>>) attributes {dimension_semantics = [#tpu.dimension_semantics<arbitrary>], iteration_bounds = array<i64: 20>, scalar_prefetch = 0 : i64, scratch_operands = 0 : i64, tpu.core_type = #tpu.core_type<tc>, window_params = [{transform_indices = @transform_0, window_bounds = array<i64: 512, 256>}, {transform_indices = @transform_1, window_bounds = array<i64: 512, 256>}, {pipeline_mode = #tpu.pipeline_mode<synchronous>, transform_indices = @transform_2, window_bounds = array<i64: 8, 256>}, {transform_indices = @transform_3, window_bounds = array<i64: 512, 256>}, {pipeline_mode = #tpu.pipeline_mode<synchronous>, transform_indices = @transform_4, window_bounds = array<i64: 2, 256>}]} {
    %get3A = arith.constant 0 : index
    %get3A_0 = arith.constant 0 : index
    %get3A_1 = vector.load %arg3[%get3A, %get3A_0] : memref<8x256xf32, #tpu.memory_space<vmem>>, vector<8x256xf32>
    %iota3A = tpu.iota {dimensions = array<i32: 1>} : vector<1x256xi32>
    %slice3A = vector.extract_strided_slice %get3A_1 {offsets = [3, 0], sizes = [1, 256], strides = [1, 1]} : vector<8x256xf32> to vector<1x256xf32>
    %eq3A = arith.constant 0 : i32
    %eq3A_2 = vector.broadcast %eq3A : i32 to vector<1x256xi32>
    %eq3A_3 = arith.cmpi eq, %iota3A, %eq3A_2 : vector<1x256xi32>
    %jit3A = arith.constant 0.000000e+00 : f32
    %broadcast_in_dim3A = vector.broadcast %jit3A : f32 to vector<1x256xf32>
    %select_n3A = arith.select %eq3A_3, %slice3A, %broadcast_in_dim3A : vector<1x256xi1>, vector<1x256xf32>
    %reduce_sum3A = vector.shape_cast %select_n3A : vector<1x256xf32> to vector<1x1x256xf32>
    %reduce_sum3A_4 = arith.constant dense<0.000000e+00> : vector<1xf32>
    %reduce_sum3A_5 = vector.multi_reduction <add>, %reduce_sum3A, %reduce_sum3A_4 [1, 2] : vector<1x1x256xf32> to vector<1xf32>
    %reduce_sum3A_6 = vector.shape_cast %reduce_sum3A_5 : vector<1xf32> to vector<1x1x1xf32>
    %reduce_sum3A_7 = vector.extract %reduce_sum3A_6[0, 0, 0] : f32 from vector<1x1x1xf32>
    %div3A = arith.constant 1.000000e+04 : f32
    %div3A_8 = arith.divf %reduce_sum3A_7, %div3A : f32
    %eq3A_9 = arith.constant 1 : i32
    %eq3A_10 = vector.broadcast %eq3A_9 : i32 to vector<1x256xi32>
    %eq3A_11 = arith.cmpi eq, %iota3A, %eq3A_10 : vector<1x256xi32>
    %jit3A_12 = arith.constant 0.000000e+00 : f32
    %broadcast_in_dim3A_13 = vector.broadcast %jit3A_12 : f32 to vector<1x256xf32>
    %select_n3A_14 = arith.select %eq3A_11, %slice3A, %broadcast_in_dim3A_13 : vector<1x256xi1>, vector<1x256xf32>
    %reduce_sum3A_15 = vector.shape_cast %select_n3A_14 : vector<1x256xf32> to vector<1x1x256xf32>
    %reduce_sum3A_16 = arith.constant dense<0.000000e+00> : vector<1xf32>
    %reduce_sum3A_17 = vector.multi_reduction <add>, %reduce_sum3A_15, %reduce_sum3A_16 [1, 2] : vector<1x1x256xf32> to vector<1xf32>
    %reduce_sum3A_18 = vector.shape_cast %reduce_sum3A_17 : vector<1xf32> to vector<1x1x1xf32>
    %reduce_sum3A_19 = vector.extract %reduce_sum3A_18[0, 0, 0] : f32 from vector<1x1x1xf32>
    %div3A_20 = arith.constant 1.000000e+04 : f32
    %div3A_21 = arith.divf %reduce_sum3A_19, %div3A_20 : f32
    %max3A = arith.maximumf %div3A_8, %div3A_21 : f32
    %sub3A = arith.subf %div3A_8, %max3A : f32
    %exp3A = math.exp %sub3A : f32
    %sub3A_22 = arith.subf %div3A_21, %max3A : f32
    %exp3A_23 = math.exp %sub3A_22 : f32
    %add3A = arith.addf %exp3A, %exp3A_23 : f32
    %div3A_24 = arith.divf %exp3A, %add3A : f32
    %div3A_25 = arith.divf %exp3A_23, %add3A : f32
    %get3A_26 = arith.constant 0 : index
    %get3A_27 = arith.constant 0 : index
    %get3A_28 = vector.load %arg1[%get3A_26, %get3A_27] : memref<512x256xf32, #tpu.memory_space<vmem>>, vector<512x256xf32>
    %mul3A = vector.broadcast %div3A_24 : f32 to vector<512x256xf32>
    %mul3A_29 = arith.mulf %mul3A, %get3A_28 : vector<512x256xf32>
    %get3A_30 = arith.constant 0 : index
    %get3A_31 = arith.constant 0 : index
    %get3A_32 = vector.load %arg2[%get3A_30, %get3A_31] : memref<512x256xf32, #tpu.memory_space<vmem>>, vector<512x256xf32>
    %mul3A_33 = vector.broadcast %div3A_25 : f32 to vector<512x256xf32>
    %mul3A_34 = arith.mulf %mul3A_33, %get3A_32 : vector<512x256xf32>
    %add3A_35 = arith.addf %mul3A_29, %mul3A_34 : vector<512x256xf32>
    %swap3A = arith.constant 0 : index
    %swap3A_36 = arith.constant 0 : index
    %swap3A_37 = vector.load %arg4[%swap3A, %swap3A_36] : memref<512x256xf32, #tpu.memory_space<vmem>>, vector<512x256xf32>
    tpu.vector_store %arg4[%swap3A, %swap3A_36], %add3A_35 {strides = array<i32>} : memref<512x256xf32, #tpu.memory_space<vmem>>, vector<512x256xf32>,
    %eq3A_38 = arith.constant 0 : i32
    %eq3A_39 = arith.cmpi eq, %arg0, %eq3A_38 : i32
    %convert_element_type3A = arith.extui %eq3A_39 : i1 to i32
    %cond3A = arith.constant 0 : i32
    %cond3A_40 = arith.cmpi ne, %convert_element_type3A, %cond3A : i32
    scf.if %cond3A_40 {
      %slice3A_41 = vector.extract_strided_slice %get3A_1 {offsets = [0, 0], sizes = [1, 256], strides = [1, 1]} : vector<8x256xf32> to vector<1x256xf32>
      %slice3A_42 = vector.extract_strided_slice %get3A_1 {offsets = [1, 0], sizes = [1, 256], strides = [1, 1]} : vector<8x256xf32> to vector<1x256xf32>
      %mul3A_43 = vector.broadcast %div3A_24 : f32 to vector<1x256xf32>
      %mul3A_44 = arith.mulf %mul3A_43, %slice3A_42 : vector<1x256xf32>
      %slice3A_45 = vector.extract_strided_slice %get3A_1 {offsets = [2, 0], sizes = [1, 256], strides = [1, 1]} : vector<8x256xf32> to vector<1x256xf32>
      %mul3A_46 = vector.broadcast %div3A_25 : f32 to vector<1x256xf32>
      %mul3A_47 = arith.mulf %mul3A_46, %slice3A_45 : vector<1x256xf32>
      %add3A_48 = arith.addf %mul3A_44, %mul3A_47 : vector<1x256xf32>
      %concatenate3A = tpu.concatenate %slice3A_41, %add3A_48 in 0 : vector<1x256xf32>, vector<1x256xf32> -> vector<2x256xf32>
      %div3A_49 = arith.constant 1.000000e+04 : f32
      %div3A_50 = vector.broadcast %div3A_49 : f32 to vector<2x256xf32>
      %div3A_51 = arith.divf %concatenate3A, %div3A_50 : vector<2x256xf32>
      %swap3A_52 = arith.constant 0 : index
      %swap3A_53 = arith.constant 0 : index
      %swap3A_54 = vector.load %arg5[%swap3A_52, %swap3A_53] : memref<2x256xf32, #tpu.memory_space<vmem>>, vector<2x256xf32>
      tpu.vector_store %arg5[%swap3A_52, %swap3A_53], %div3A_51 {strides = array<i32>} : memref<2x256xf32, #tpu.memory_space<vmem>>, vector<2x256xf32>,
    } else {
    }
    return
  }
  func.func @transform_0(%arg0: i32) -> (i32, i32) {
    %c0_i32 = arith.constant 0 : i32
    %c0_i32_0 = arith.constant 0 : i32
    return %arg0, %c0_i32 : i32, i32
  }
  func.func @transform_1(%arg0: i32) -> (i32, i32) {
    %c0_i32 = arith.constant 0 : i32
    %c0_i32_0 = arith.constant 0 : i32
    return %arg0, %c0_i32 : i32, i32
  }
  func.func @transform_2(%arg0: i32) -> (i32, i32) {
    %c0_i32 = arith.constant 0 : i32
    %c0_i32_0 = arith.constant 0 : i32
    %c0_i32_1 = arith.constant 0 : i32
    return %c0_i32, %c0_i32_0 : i32, i32
  }
  func.func @transform_3(%arg0: i32) -> (i32, i32) {
    %c0_i32 = arith.constant 0 : i32
    %c0_i32_0 = arith.constant 0 : i32
    return %arg0, %c0_i32 : i32, i32
  }
  func.func @transform_4(%arg0: i32) -> (i32, i32) {
    %c0_i32 = arith.constant 0 : i32
    %c0_i32_0 = arith.constant 0 : i32
    %c0_i32_1 = arith.constant 0 : i32
    return %c0_i32, %c0_i32_0 : i32, i32
  }
}

</mosaic_0001>

<sc_bundles>
// kernel: kernel.11.cloned.1.call-start
scs
__scs_entry_jumppad:
0x0: {  	(pc) =	sbr.rel $0x88, $3  }
0x1: {  	(tag) =	ssettag $0x0;
	lr =	simm.s32 $0x1  }
0x2: {  	[smem:$0x3F8C] =	sst lr;
	_ =	strace $0xD0000000  }
0x3: {  	_ = 	snop  }
0x4: {  	_ = 	snop  }
0x5: {  	_ = 	snop  }
0x6: {  	_ = 	snop  }
0x7: {  	_ = 	snop  }
__scs_overlays_trampoline_lowered:
0x8: {  	[smem:$0x3F9B] =	sst s0  }
0x9: {  	[smem:$0x3F9C] =	sst s1  }
0xa: {  	[smem:$0x3F9D] =	sst s2  }
0xb: {  	[smem:$0x3F9E] =	sst s3  }
0xc: {  	[smem:$0x3F9F] =	sst s4  }
0xd: {  	[smem:$0x3FA0] =	sst s5  }
0xe: {  	[smem:$0x3FA1] =	sst s6  }
0xf: {  	[smem:$0x3FA2] =	sst s7  }
0x10: {  	[smem:$0x3FA3] =	sst s8  }
0x11: {  	[smem:$0x3FA4] =	sst s9;
	s0 =	simm.s32 @!p0 $0x0  }
0x12: {  	s1 =	sld [smem:$0x3F8A];
	s0 =	simm.s32 @p0 $0x1  }
0x13: {  	[smem:$0x3FA5] =	sst s0;
	s0 =	simm.s32 @!p1 $0x0  }
0x14: {  	s2 =	sld [smem:$0x3F89];
	s0 =	simm.s32 @p1 $0x1  }
0x15: {  	[smem:$0x3FA6] =	sst s0;
	s0 =	simm.s32 @!p2 $0x0  }
0x16: {  	s3 =	sld [smem:$0x3FDB];
	s0 =	simm.s32 @p2 $0x1  }
0x17: {  	s4 =	simm.s32 $0x1BF5;
	[smem:$0x3FA8] =	sst s0  }
0x18: {  	s0 =	sld [smem:$0x3F8B];
	_ =	swait.ge [sflag:s4], $0x0  }
0x19: {  	s7 =	sld [smem:$0x3F8C]  }
0x1a: {  	s8 =	sadd.s32 $0xFFFFE003, lr  }
0x1b: {  	s9 =	sadd.s32 $0xFFFFFEF7, lr;
	s5 =	simm.s32 $0xFFFFFFFF;
	p2 =	slt.u32 s8, $0xFFFFF086  }
0x1c: {  	p1 =	slt.u32 s9, $0xF7A;
	s5 =	simm.s32 @!p2 $0x0  }
0x1d: {  	s5 =	simm.s32 @p1 $0x1;
	p0 =	seq.s32 s7, s2  }
0x1e: {  	s7 =	smul.u32 @!p0 $0xF7A, s2;
	p2 =	seq.s32 @!p0 s5, $0x0  }
0x1f: {  	s9 =	smul.u32 $0xF7A, s1;
	s8 =	simm.s32 @!p0 $0x1BF5;
	p2 =	por !p2, p0  }
0x20: {  	[sflag:s8] =	ssyncset.s32 @!p0 $0xFFFFF086;
	s6 =	sadd.s32 @!p0 s3, s7;
	s7 =	simm.s32 @!p0 $0x108  }
0x21: {  	s3 =	sadd.s32 s3, s9;
	s6 =	sadd.s32 @!p0 $0x88, s6;
	s7 =	simm.s32 @p2 $0x1082  }
0x22: {  	[simem:s7], [sflag:s8] =	dma.local @!p0 [hbm:s6], $0xF7A  }
0x23: {  	s9 =	sor.u32 $0xD0000000, s2;
	s6 =	simm.s32 $0x108;
	_ =	swait.ge @!p0 [sflag:s8], $0x0  }
0x24: {  	s3 =	sadd.s32 $0x88, s3;
	s6 =	simm.s32 @!p1 $0x1082;
	[sflag:s4] =	ssyncset.s32 $0xFFFFF086  }
0x25: {  	[simem:s6], [sflag:s4] =	dma.local [hbm:s3], $0xF7A  }
0x26: {  	[smem:$0x3F8C] =	sst s1;
	(tag) =	ssettag s2;
	_ =	strace s9  }
0x27: {  	s1 =	sld [smem:$0x3F9C]  }
0x28: {  	s2 =	sld [smem:$0x3F9D]  }
0x29: {  	s4 =	sld [smem:$0x3F9F]  }
0x2a: {  	p0 =	seq.s32 s5, $0x0;
	s5 =	sld [smem:$0x3FA0]  }
0x2b: {  	s6 =	sld [smem:$0x3FA1]  }
0x2c: {  	s7 =	sld [smem:$0x3FA2]  }
0x2d: {  	s3 =	simm.s32 $0x108;
	s8 =	sld [smem:$0x3FA3]  }
0x2e: {  	s3 =	simm.s32 @!p0 $0x1082;
	s9 =	sld [smem:$0x3FA4]  }
0x2f: {  	lr =	sadd.s32 s0, s3;
	s0 =	sld [smem:$0x3F9B]  }
0x30: {  	s3 =	sld [smem:$0x3F9E]  }
0x31: {  	[smem:$0x3FA7] =	sst s10  }
0x32: {  	s10 =	sld [smem:$0x3FA5];
	_ =	sdelay $0x3  }
0x33: {  	p0 =	seq.s32 s10, $0x1;
	s10 =	sld [smem:$0x3FA7];
	_ =	sdelay $0x3  }
0x34: {  	[smem:$0x3FA7] =	sst s10  }
0x35: {  	s10 =	sld [smem:$0x3FA6];
	_ =	sdelay $0x3  }
0x36: {  	p1 =	seq.s32 s10, $0x1;
	s10 =	sld [smem:$0x3FA7];
	_ =	sdelay $0x3  }
0x37: {  	[smem:$0x3FA7] =	sst s10  }
0x38: {  	s10 =	sld [smem:$0x3FA8]  }
0x39: {  	_ = 	snop;
	(pc) =	sbr.ind lr, $3  }
0x3a: {  	_ = 	snop  }
0x3b: {  	_ = 	snop  }
0x3c: {  	p2 =	seq.s32 s10, $0x1;
	s10 =	sld [smem:$0x3FA7]  }
0x3d: {  	_ =	shalt  }
0x3e: {  	_ =	shalt  }
0x3f: {  	_ =	shalt  }
0x40: {  	_ =	shalt  }
0x41: {  	_ =	shalt  }
0x42: {  	_ =	shalt  }
0x43: {  	_ =	shalt  }
0x44: {  	_ =	shalt  }
0x45: {  	_ =	shalt  }
0x46: {  	_ =	shalt  }
0x47: {  	_ =	shalt  }
0x48: {  	_ =	shalt  }
0x49: {  	_ =	shalt  }
0x4a: {  	_ =	shalt  }
0x4b: {  	_ =	shalt  }
0x4c: {  	_ =	shalt  }
0x4d: {  	_ =	shalt  }
0x4e: {  	_ =	shalt  }
0x4f: {  	_ =	shalt  }
0x50: {  	_ =	shalt  }
0x51: {  	_ =	shalt  }
0x52: {  	_ =	shalt  }
0x53: {  	_ =	shalt  }
0x54: {  	_ =	shalt  }
0x55: {  	_ =	shalt  }
0x56: {  	_ =	shalt  }
0x57: {  	_ =	shalt  }
0x58: {  	_ =	shalt  }
0x59: {  	_ =	shalt  }
0x5a: {  	_ =	shalt  }
0x5b: {  	_ =	shalt  }
0x5c: {  	_ =	shalt  }
0x5d: {  	_ =	shalt  }
0x5e: {  	_ =	shalt  }
0x5f: {  	_ =	shalt  }
0x60: {  	_ =	shalt  }
0x61: {  	_ =	shalt  }
0x62: {  	_ =	shalt  }
0x63: {  	_ =	shalt  }
0x64: {  	_ =	shalt  }
0x65: {  	_ =	shalt  }
0x66: {  	_ =	shalt  }
0x67: {  	_ =	shalt  }
0x68: {  	_ =	shalt  }
0x69: {  	_ =	shalt  }
0x6a: {  	_ =	shalt  }
0x6b: {  	_ =	shalt  }
0x6c: {  	_ =	shalt  }
0x6d: {  	_ =	shalt  }
0x6e: {  	_ =	shalt  }
0x6f: {  	_ =	shalt  }
0x70: {  	_ =	shalt  }
0x71: {  	_ =	shalt  }
0x72: {  	_ =	shalt  }
0x73: {  	_ =	shalt  }
0x74: {  	_ =	shalt  }
0x75: {  	_ =	shalt  }
0x76: {  	_ =	shalt  }
0x77: {  	_ =	shalt  }
0x78: {  	_ =	shalt  }
0x79: {  	_ =	shalt  }
0x7a: {  	_ =	shalt  }
0x7b: {  	_ =	shalt  }
0x7c: {  	_ =	shalt  }
0x7d: {  	_ =	shalt  }
0x7e: {  	_ =	shalt  }
0x7f: {  	_ =	shalt  }
0x80: {  	_ =	shalt  }
0x81: {  	_ =	shalt  }
0x82: {  	_ =	shalt  }
0x83: {  	_ =	shalt  }
0x84: {  	_ =	shalt  }
0x85: {  	_ =	shalt  }
0x86: {  	_ =	shalt  }
0x87: {  	_ =	shalt  }
.Lfunc_end0:
.L_simem_size_0:
called_computation.1_lowered:
.L_overlay_start_0:
0x88: {  	s2 =	sld [smem:$0x3FD9]  }
0x89: {  	s3 =	sld [smem:$0x3FFE];
	_ =	sdelay $0x1  }
0x8a: {  	s1 =	srdreg.scid  }
0x8b: {  	s0 =	sand.u32 $0x1, s1  }
0x8c: {  	s15 =	sshll.u32 s0, $0xA;
	s2 =	sadd.s32 s3, s2  }
0x8d: {  	s2 =	sadd.s32 s2, s15  }
0x8e: {  	[smem:$0x3FB3] =	sst s2  }
0x8f: {  	_ = 	snop  }
0x90: {  	s2 =	sld [smem:$0x3FD0];
	_ =	sdelay $0x2  }
0x91: {  	s4 =	simm.s32 $0xC;
	s16 =	simm.s32 $0x10  }
0x92: {  	[smem:s16], [sflag:s4] =	dma.local [hbm:s2], $0x1  }
0x93: {  	_ =	swait.eq [sflag:s4], $0x1  }
0x94: {  	[sflag:s4] =	ssyncset.done $0x0  }
0x95: {  	s17 =	sld [smem:$0x11];
	[sflag:s4] =	ssyncadd.s32 $0xFFFFFFFF  }
0x96: {  	s18 =	sld [smem:$0x12];
	(tm) =	ssettm $0x1  }
0x97: {  	s19 =	sld [smem:$0x3FFB];
	_ =	sdelay $0x3  }
0x98: {  	_ =	strace s19  }
0x99: {  	s2 =	sld [smem:$0x3FFC];
	_ =	sdelay $0x3  }
0x9a: {  	_ =	strace s2  }
0x9b: {  	s2 =	sld [smem:$0x3FFD];
	_ =	sdelay $0x3  }
0x9c: {  	_ =	strace s2  }
0x9d: {  	_ =	strace $0x8FFFFFFF  }
0x9e: {  	s20 =	sld [smem:$0x3FDB];
	_ =	sdelay $0x1  }
0x9f: {  	s5 =	simm.s32 $_scs_section_size  }
0xa0: {  	s6 =	simm.s32 $_size__tile_overlayer_lowered;
	s7 =	simm.s32 $_tile_overlayer_lowered  }
0xa1: {  	s8 =	simm.s32 $0x1BFF;
	s21 =	sshll.u32 s7, $0x1;
	s5 =	sadd.s32 s5, s20  }
0xa2: {  	s22 =	simm.s32 $0x0;
	s6 =	sshll.u32 s6, $0x1;
	s7 =	sadd.s32 s21, s5  }
0xa3: {  	[timem:s22], [sflag:s8] =	dma.local [hbm:s7], s6  }
0xa4: {  	_ =	swait.ge [sflag:s8], s6  }
0xa5: {  	s6 =	ssub.s32 $0x0, s6;
	[sflag:s8] =	ssyncset.done $0x0  }
0xa6: {  	[sflag:s8] =	ssyncadd.s32 s6;
	_ =	sdelay $0x1  }
0xa7: {  	s23 =	simm.s32 $0x1B8B  }
0xa8: {  	_ =	swait.ge [sflag:s23], $0x1  }
0xa9: {  	[sflag:s23] =	ssyncset.done $0x0  }
0xaa: {  	[sflag:s23] =	ssyncadd.s32 $0xFFFFFFFF  }
0xab: {  	s6 =	sld [smem:$0x0]  }
0xac: {  	s7 =	sand.u32 $0xFFFFFFFE, s1  }
0xad: {  	p0 =	sne.s32 s1, s7  }
0xae: {  	s7 =	sshll.u32 @p0 s7, $0xE  }
0xaf: {  	s7 =	sadd.s32 @p0 $0x11B8D, s7;
	s8 =	sshll.u32 @p0 s6, $0x11  }
0xb0: {  	s7 =	sor.u32 @p0 s8, s7  }
0xb1: {  	[sflag:s7] =	ssyncadd.remote.s32 @p0 $0x1;
	_ =	sdelay $0x1  }
0xb2: {  	s7 =	simm.s32 @p0 $0x1B8D  }
0xb3: {  	_ =	swait.eq @p0 [sflag:s7], $0x1  }
0xb4: {  	[sflag:s7] =	ssyncadd.s32 @p0 $0xFFFFFFFF  }
0xb5: {  	s8 =	sshll.u32 @!p0 s1, $0xE  }
0xb6: {  	s8 =	sor.u32 @!p0 $0x4000, s8;
	s7 =	simm.s32 @!p0 $0x1B8D  }
0xb7: {  	s6 =	sshll.u32 @!p0 s6, $0x11;
	s8 =	sadd.s32 @!p0 $0x11B8D, s8;
	_ =	swait.eq @!p0 [sflag:s7], $0x1  }
0xb8: {  	s6 =	sor.u32 @!p0 s6, s8;
	[sflag:s7] =	ssyncadd.s32 @!p0 $0xFFFFFFFF  }
0xb9: {  	s25 =	simm.s32 $0x1B8E;
	s24 =	sld [smem:$0x3FFE];
	[sflag:s6] =	ssyncadd.remote.s32 @!p0 $0x1  }
0xba: {  	s26 =	simm.s32 $execute0_lowered;
	[smem:$0x3FD2] =	sst s25  }
0xbb: {  	s7 =	sshll.u32 s26, $0x1;
	_ =	strace $0x8000004C;
	[dreg:$0x1] =	wrdreg $0xFFFFFFFF  }
0xbc: {  	s28 =	simm.s32 $_size_execute0_lowered;
	s5 =	sadd.s32 s5, s7;
	[dreg:$0x0] =	wrdreg $0x0  }
0xbd: {  	s7 =	sshll.u32 s28, $0x1;
	[dreg:$0x2] =	wrdreg s5  }
0xbe: {  	[dreg:$0x3] =	wrdreg s7  }
0xbf: {  	[dreg:$0x4] =	wrdreg $0xC0  }
0xc0: {  	_ =	task [dreg:s22], $0x5FFFF  }
0xc1: {  	[dreg:$0x1] =	wrdreg $0xFFFFFFFF  }
0xc2: {  	[dreg:$0x0] =	wrdreg $0x60  }
0xc3: {  	[dreg:$0x2] =	wrdreg s18  }
0xc4: {  	[dreg:$0x3] =	wrdreg s17  }
0xc5: {  	[dreg:$0x4] =	wrdreg s24  }
0xc6: {  	[dreg:$0x5] =	wrdreg $0xB7800  }
0xc7: {  	[dreg:$0x6] =	wrdreg $0x1F7800  }
0xc8: {  	[dreg:$0x7] =	wrdreg $0xA  }
0xc9: {  	_ =	task.clear_ibuf [dreg:s22], $0x8FFFF;
	_ =	strace $0x9000004C  }
0xca: {  	s29 =	simm.s32 $0xA;
	_ =	strace $0x8000004E  }
0xcb: {  	_ =	swait.ge [sflag:s29], $0x1  }
0xcc: {  	[sflag:s29] =	ssyncadd.s32 $0xFFFFFFFF  }
0xcd: {  	_ =	strace $0x9000004E  }
0xce: {  	_ =	sfence  }
0xcf: {  	s30 =	sld [smem:$0x0];
	_ =	sdelay $0x2  }
0xd0: {  	s31 =	sshll.u32 s1, $0xD;
	s1 =	sshrl.u32 s1, $0x2  }
0xd1: {  	s4 =	sand.u32 $0x4000, s31;
	s1 =	sadd.s32 s1, s30  }
0xd2: {  	s0 =	sor.u32 s4, s0;
	s1 =	sshll.u32 s1, $0x11  }
0xd3: {  	s0 =	sor.u32 s1, s0  }
0xd4: {  	s0 =	sadd.s32 $0x8F2B, s0  }
0xd5: {  	[sflag:s0] =	ssyncadd.remote.s32 $0x1  }
0xd6: {  	_ =	sfence.sel $0xFFFF  }
0xd7: {  	[dreg:$0x0] =	wrdreg $0xFFFFFFFF;
	(pc) =	sbr.abs _section_cstart, $3  }
0xd8: {  	[dreg:$0x1] =	wrdreg $0xFFFFFFFF  }
0xd9: {  	_ =	task.clear_ibuf [dreg:s22], $0x2FFFF;
	_ =	strace $0x9FFFFFFF  }
0xda: {  	(tm) =	ssettm $0x7FFFFFFF  }
0xdb: {  	_ =	shalt  }
tec
execute0_lowered:
.L_overlay_start_1:
0x0: {  	(tag) =	ssettag $0x1  }
0x1: {  	s15 =	rddreg [dreg:$0x0]  }
0x2: {  	s24 =	rddreg [dreg:$0x1]  }
0x3: {  	s0 =	rddreg [dreg:$0x2]  }
0x4: {  	s3 =	rddreg [dreg:$0x3];
	s2 =	stileid.u32  }
0x5: {  	s5 =	rddreg [dreg:$0x4];
	s6 =	simm.s32 $0x0;
	s1 =	smul.u32 $0x2800, s2  }
0x6: {  	s4 =	srdreg.scid;
	s28 =	simm.s32 $0x300;
	s9 =	smul.u32 $0x280, s2  }
0x7: {  	s30 =	simm.s32 $0x200;
	s31 =	simm.s32 $0x3F00;
	s10 =	smul.u32 $0x50000, s2  }
0x8: {  	[smem:$0x7FF] =	sst s6;
	s7 =	sand.u32 $0x1, s4;
	s29 =	smul.u32 $0x4E48, s2  }
0x9: {  	s4 =	sadd.s32 $0x236C00, s0;
	s26 =	sshll.u32 s2, $0x6;
	s23 =	smul.u32 $0x9C9, s2  }
0xa: {  	_ =	strace $0x8000004D;
	s8 =	ssub.s32 $0x2, s7;
	p0 =	sne.s32 s7, $0x0  }
0xb: {  	p1 =	seq.s32 s7, $0x0;
	s1 =	sadd.s32 s1, s0;
	s11 =	sshrl.u32 s9, $0x3  }
0xc: {  	s12 =	sshrl.u32 s8, $0x1;
	s25 =	sshrl.u32 s10, $0x2;
	s10 =	sor.u32 $0x1C0D, s26  }
0xd: {  	s9 =	sadd.s32 s9, s5;
	s16 =	sshrl.u32 s29, $0x3;
	s17 =	sadd.s32 $0x78, s29  }
0xe: {  	s0 =	sadd.s32 s11, s0;
	s11 =	ssub.s32 s8, s12;
	[dreg:$0x9] =	wrdreg s9  }
0xf: {  	s8 =	sadd.s32 s25, s3;
	s13 =	sadd.s32 $0x15A600, s1;
	[dreg:$0x8] =	wrdreg s10  }
0x10: {  	s18 =	sshrl.u32 s17, $0x3;
	s22 =	sadd.s32 $0x272C00, s1;
	[dreg:$0x7] =	wrdreg s13  }
0x11: {  	s12 =	sadd.s32 $0x4E4F8, s29;
	s1 =	sadd.s32 $0x24AC00, s1;
	[dreg:$0xf] =	wrdreg s22  }
0x12: {  	s17 =	simm.s32 $0x280;
	s14 =	sadd.s32 $0x15A000, s0;
	[dreg:$0x11] =	wrdreg s1  }
0x13: {  	s9 =	sadd.s32 s4, s18;
	s20 =	sshrl.u32 s12, $0x3;
	[dreg:$0x6] =	wrdreg s8  }
0x14: {  	s0 =	sadd.s32 $0x24A600, s0;
	s26 =	smax.u32 s11, $0x1;
	[dreg:$0xa] =	wrdreg s14  }
0x15: {  	s22 =	sadd.s32 s23, s4;
	s29 =	sshrl.u32 s8, $0x3;
	[dreg:$0xd] =	wrdreg s9  }
0x16: {  	s11 =	simm.s32 $0xB700;
	s12 =	simm.s32 $0x2;
	[dreg:$0x12] =	wrdreg s0  }
0x17: {  	s18 =	simm.s32 $0x7B00;
	s8 =	simm.s32 $0x0;
	[dreg:$0x13] =	wrdreg s26  }
0x18: {  	s14 =	sadd.s32 s4, s16;
	s25 =	sadd.s32 s4, s20;
	[dreg:$0x14] =	wrdreg s29  }
.Ltmp0:
0x19: {  	s26 =	simm.s32 $0x78;
	s0 =	simm.s32 $0x100;
	(pc) =	sbr.rel .LBB2_1-.Ltmp0, $4  }
0x1a: {  	s4 =	simm.s32 $0x1;
	s9 =	simm.s32 $0x7;
	[dreg:$0xb] =	wrdreg s14  }
0x1b: {  	s16 =	simm.s32 $0xC;
	s19 =	sadd.s32 $0x9C90, s14;
	[dreg:$0x10] =	wrdreg s25  }
0x1c: {  	s21 =	sadd.s32 $0x1E, s14;
	s25 =	simm.s32 $0x180;
	[dreg:$0xc] =	wrdreg s19  }
0x1d: {  	v0 =	vimm.f32 $1.000000000e+00;
	s14 =	simm.s32 $0x8;
	[dreg:$0xe] =	wrdreg s21;
	s19 =	simm.s32 $0x6  }
.LBB2_14:
0x1e: {  	s1 =	simm.s32 $0x4  }
0x1f: {  	_ =	swait.ge [sflag:s1], $0x3C00  }
0x20: {  	[sflag:s1] =	ssyncset.done $0x0  }
0x21: {  	[sflag:s1] =	ssyncadd.s32 $0xFFFFC400;
	s1 =	simm.s32 @p0 $0x5  }
0x22: {  	_ =	swait.ge @p0 [sflag:s1], $0x3C00  }
0x23: {  	[sflag:s1] =	ssyncset.done @p0 $0x0  }
0x24: {  	[sflag:s1] =	ssyncadd.s32 @p0 $0xFFFFC400;
	s1 =	simm.s32 @p0 $0x6  }
0x25: {  	_ =	swait.ge @p0 [sflag:s1], $0x3C00  }
0x26: {  	[sflag:s1] =	ssyncset.done @p0 $0x0  }
0x27: {  	[sflag:s1] =	ssyncadd.s32 @p0 $0xFFFFC400  }
0x28: {  	[bflag:$0x0] =	sbarrier.arrive @p0 $0xFFFF  }
0x29: {  	s2 =	rddreg [dreg:$0x6]  }
0x2a: {  	s10 =	rddreg [dreg:$0x8]  }
0x2b: {  	s8 =	rddreg [dreg:$0xf];
	s1 =	sshrl.u32 @p0 s2, $0x3  }
0x2c: {  	[hbm:s8], [sflag:s10] =	dma.local @p0 [spmem:s1], $0x2800  }
0x2d: {  	s1 =	simm.s32 @p0 $0xD  }
0x2e: {  	_ =	swait.ge @p0 [sflag:s1], $0x2800  }
0x2f: {  	[sflag:s1] =	ssyncset.done @p0 $0x0  }
0x30: {  	[sflag:s1] =	ssyncadd.s32 @p0 $0xFFFFD800;
	s1 =	simm.s32 @!p0 $0x4  }
0x31: {  	_ =	swait.ge @!p0 [sflag:s1], $0x78  }
0x32: {  	[sflag:s1] =	ssyncset.done @!p0 $0x0  }
0x33: {  	[sflag:s1] =	ssyncadd.s32 @!p0 $0xFFFFFF88;
	s1 =	simm.s32 @!p0 $0x5  }
0x34: {  	_ =	swait.ge @!p0 [sflag:s1], $0x3C00  }
0x35: {  	[sflag:s1] =	ssyncset.done @!p0 $0x0  }
0x36: {  	[sflag:s1] =	ssyncadd.s32 @!p0 $0xFFFFC400  }
0x37: {  	_ =	swait.ge @!p0 [sflag:s1], $0x78  }
0x38: {  	[sflag:s1] =	ssyncset.done @!p0 $0x0  }
0x39: {  	[sflag:s1] =	ssyncadd.s32 @!p0 $0xFFFFFF88;
	s1 =	simm.s32 @!p0 $0x6  }
0x3a: {  	_ =	swait.ge @!p0 [sflag:s1], $0x3C00  }
0x3b: {  	[sflag:s1] =	ssyncset.done @!p0 $0x0  }
0x3c: {  	[sflag:s1] =	ssyncadd.s32 @!p0 $0xFFFFC400  }
0x3d: {  	_ =	swait.ge @!p0 [sflag:s1], $0x78  }
0x3e: {  	[sflag:s1] =	ssyncset.done @!p0 $0x0  }
0x3f: {  	[sflag:s1] =	ssyncadd.s32 @!p0 $0xFFFFFF88  }
0x40: {  	[bflag:$0x0] =	sbarrier.arrive @!p0 $0xFFFF  }
0x41: {  	s1 =	sshrl.u32 @!p0 s2, $0x3;
	s2 =	rddreg [dreg:$0x11]  }
0x42: {  	[hbm:s2], [sflag:s10] =	dma.local @!p0 [spmem:s1], $0x2800  }
0x43: {  	s1 =	simm.s32 @!p0 $0xD  }
0x44: {  	_ =	swait.ge @!p0 [sflag:s1], $0x2800  }
0x45: {  	[sflag:s1] =	ssyncset.done @!p0 $0x0;
	s2 =	rddreg [dreg:$0x12]  }
0x46: {  	s8 =	rddreg [dreg:$0x16];
	[sflag:s1] =	ssyncadd.s32 @!p0 $0xFFFFD800  }
0x47: {  	[hbm:s2], [sflag:s10] =	dma.local @!p0 [spmem:s8], $0x50  }
0x48: {  	_ =	swait.ge @!p0 [sflag:s1], $0x50  }
0x49: {  	s23 =	rddreg [dreg:$0x15]  }
0x4a: {  	s29 =	rddreg [dreg:$0x13];
	s8 =	sadd.s32 $0x1, s23  }
0x4b: {  	p2 =	sne.s32 s8, s29  }
.Ltmp1:
0x4c: {  	_ = 	snop;
	(pc) =	sbr.rel @!p2 .LBB2_15-.Ltmp1, $3  }
0x4d: {  	_ =	sdelay $0x1  }
0x4e: {  	[sflag:s1] =	ssyncset.done @!p0 $0x0  }
0x4f: {  	[sflag:s1] =	ssyncadd.s32 @!p0 $0xFFFFFFB0  }
.LBB2_1:
0x50: {  	[dreg:$0x15] =	wrdreg s8  }
0x51: {  	s1 =	rddreg [dreg:$0x7]  }
0x52: {  	s2 =	rddreg [dreg:$0x14];
	s23 =	simm.s32 $0xD  }
0x53: {  	[spmem:s2], [sflag:s10] =	dma.local [hbm:s1], $0x2800  }
0x54: {  	_ =	swait.ge [sflag:s23], $0x2800  }
0x55: {  	s1 =	rddreg [dreg:$0x9]  }
0x56: {  	[sflag:s23] =	ssyncset.done $0x0;
	s2 =	sshrl.u32 @!p0 s1, $0x3;
	s1 =	rddreg [dreg:$0xa]  }
0x57: {  	[sflag:s23] =	ssyncadd.s32 $0xFFFFD800;
	[dreg:$0x16] =	wrdreg s2  }
0x58: {  	[spmem:s2], [sflag:s10] =	dma.local @!p0 [hbm:s1], $0x50  }
0x59: {  	s1 =	simm.s32 @!p0 $0xD  }
0x5a: {  	_ =	swait.ge @!p0 [sflag:s1], $0x50  }
0x5b: {  	[sflag:s1] =	ssyncset.done @!p0 $0x0  }
0x5c: {  	[sflag:s1] =	ssyncadd.s32 @!p0 $0xFFFFFFB0  }
0x5d: {  	[tilespmem:$0xB700] =	vst v0  }
0x5e: {  	[tilespmem:$0xB710] =	vst v0  }
0x5f: {  	[tilespmem:$0xB720] =	vst v0  }
0x60: {  	[tilespmem:$0xB730] =	vst v0  }
0x61: {  	[tilespmem:$0xB740] =	vst v0  }
0x62: {  	[tilespmem:$0xB750] =	vst v0  }
0x63: {  	[tilespmem:$0xB760] =	vst v0  }
0x64: {  	[tilespmem:$0xB770] =	vst v0  }
0x65: {  	[bflag:$0x0] =	sbarrier.arrive $0xFFFF  }
0x66: {  	s2 =	rddreg [dreg:$0xb]  }
0x67: {  	[tilespmem:s6], [sflag:$0xD] =	stream.linear.gather [hbm4b:s2+s6], $0x78, $0x38;
	[tilespmem:$0x1FA00] =	vst v63  }
0x68: {  	_ =	swait.ge [sflag:s23], $0x78  }
0x69: {  	[sflag:s23] =	ssyncset.done $0x0  }
0x6a: {  	s1 =	smov.u32 s15;
	s10 =	rddreg [dreg:$0xc];
	[sflag:s23] =	ssyncadd.s32 $0xFFFFFF88  }
0x6b: {  	[tilespmem:s25], [sflag:$0x7] =	stream.linear.gather [hbm4b:s10+s6], $0x78, $0x38;
	[tilespmem:$0x1FA00] =	vst v63  }
0x6c: {  	s1 =	smov.u32 @p0 s24  }
0x6d: {  	[tilespmem:s28], [sflag:$0x1] =	stream.indirect.gather [hbm4b:s1+s26], $0x80, s6, s26, $0xb8;
	[tilespmem:$0x1FA00] =	vst v63  }
0x6e: {  	s20 =	simm.s32 $0x80;
	s13 =	rddreg [dreg:$0xd]  }
0x6f: {  	[tilespmem:s20], [sflag:$0xD] =	stream.linear.gather [hbm4b:s13+s6], $0x78, $0x38;
	[tilespmem:$0x1FA00] =	vst v63  }
0x70: {  	_ =	swait.ge [sflag:s23], $0x78  }
0x71: {  	[sflag:s23] =	ssyncset.done $0x0  }
0x72: {  	s21 =	rddreg [dreg:$0x10];
	[sflag:s23] =	ssyncadd.s32 $0xFFFFFF88  }
0x73: {  	[tilespmem:s30], [sflag:$0x8] =	stream.linear.gather [hbm4b:s21+s6], $0x78, $0x38;
	[tilespmem:$0x1FA00] =	vst v63  }
.Ltmp2:
0x74: {  	_ = 	snop;
	(pc) =	sbr.rel .LBB2_2-.Ltmp2, $4  }
0x75: {  	[tilespmem:s31], [sflag:$0x2] =	stream.indirect.gather [hbm4b:s1+s26], $0x80, s20, s26, $0xb8;
	[tilespmem:$0x1FA00] =	vst v63  }
0x76: {  	s23 =	rddreg [dreg:$0xe]  }
0x77: {  	[tilespmem:s0], [sflag:$0xC] =	stream.linear.gather [hbm4b:s23+s6], $0x78, $0x38;
	[tilespmem:$0x1FA00] =	vst v63  }
0x78: {  	s29 =	simm.s32 $0x0;
	s23 =	simm.s32 $0x0  }
.LBB2_4:
0x79: {  	_ =	swait.ge [sflag:s12], $0x3C00  }
0x7a: {  	[sflag:s12] =	ssyncset.done $0x0  }
0x7b: {  	[sflag:s12] =	ssyncadd.s32 $0xFFFFC400  }
.LBB2_13:
0x7c: {  	_ =	swait.ge [sflag:s14], $0x78  }
0x7d: {  	[sflag:s14] =	ssyncset.done $0x0  }
0x7e: {  	[sflag:s14] =	ssyncadd.s32 $0xFFFFFF88  }
0x7f: {  	[spmem:s3] =	stream.indirect.scatter.add.f32 [tilespmem:s31], [sflag:$0x5], $0x80, s30, s26, $0xb8;
	[tilespmem:$0x1FA00] =	vst v63  }
0x80: {  	s1 =	simm.s32 @!p0 $0x78;
	s8 =	simm.s32 @!p0 $0x200;
	s21 =	simm.s32 @!p0 $0xB700  }
0x81: {  	[spmem:s5] =	stream.indirect.scatter.add.f32 @!p0 [tilespmem:s21], [sflag:$0x5], $0x1, s8, s1, $0xb8;
	[tilespmem:$0x1FA00] =	vst v63  }
0x82: {  	s1 =	simm.s32 @!p2 $0xA  }
0x83: {  	_ =	swait.ge @!p2 [sflag:s1], $0x78  }
0x84: {  	[sflag:s1] =	ssyncset.done @!p2 $0x0  }
0x85: {  	[sflag:s1] =	ssyncadd.s32 @!p2 $0xFFFFFF88;
	s1 =	simm.s32 @!p2 $0x4  }
0x86: {  	p4 =	sne.s32 @!p2 s7, $0x0;
	_ =	swait.ge @!p2 [sflag:s1], $0x3C00  }
0x87: {  	p3 =	por p4, p2;
	[sflag:s1] =	ssyncset.done @!p2 $0x0  }
0x88: {  	[sflag:s1] =	ssyncadd.s32 @!p2 $0xFFFFC400;
	s1 =	simm.s32 @!p3 $0x4  }
0x89: {  	s2 =	smov.u32 s24;
	_ =	swait.ge @!p3 [sflag:s1], $0x78  }
0x8a: {  	p4 =	por !p4, p2;
	s8 =	simm.s32 @!p2 $0x0;
	[sflag:s1] =	ssyncset.done @!p3 $0x0  }
0x8b: {  	s21 =	simm.s32 @!p2 $0x180;
	[sflag:s1] =	ssyncadd.s32 @!p3 $0xFFFFFF88;
	s1 =	sadd.s32 @!p2 $0x9CBD, s13  }
0x8c: {  	[tilespmem:s21], [sflag:$0x7] =	stream.linear.gather @!p2 [hbm4b:s1+s8], $0x78, $0x38;
	[tilespmem:$0x1FA00] =	vst v63  }
0x8d: {  	s2 =	smov.u32 @p4 s15;
	s1 =	simm.s32 @!p2 $0x78;
	s21 =	simm.s32 @!p2 $0x300  }
0x8e: {  	[tilespmem:s21], [sflag:$0x1] =	stream.indirect.gather @!p2 [hbm4b:s2+s1], $0x80, s8, s1, $0xb8;
	[tilespmem:$0x1FA00] =	vst v63  }
0x8f: {  	s21 =	simm.s32 @!p2 $0x3  }
0x90: {  	p5 =	sgt.u32 @!p2 s29, $0x35;
	_ =	swait.ge @!p2 [sflag:s21], $0x3C00  }
0x91: {  	p5 =	por p5, p2;
	[sflag:s21] =	ssyncset.done @!p2 $0x0  }
0x92: {  	[sflag:s21] =	ssyncadd.s32 @!p2 $0xFFFFC400;
	s21 =	sadd.s32 @!p5 s23, s22  }
0x93: {  	s10 =	simm.s32 @!p5 $0x0;
	s20 =	simm.s32 @!p5 $0x100;
	s21 =	sadd.s32 @!p5 $0x4B, s21  }
0x94: {  	[tilespmem:s20], [sflag:$0xC] =	stream.linear.gather @!p5 [hbm4b:s21+s10], $0x78, $0x38;
	[tilespmem:$0x1FA00] =	vst v63  }
0x95: {  	s10 =	simm.s32 @!p2 $0x9  }
0x96: {  	_ =	swait.ge @!p2 [sflag:s10], $0x78  }
0x97: {  	[sflag:s10] =	ssyncset.done @!p2 $0x0  }
0x98: {  	s20 =	simm.s32 @!p2 $0x7B00;
	[sflag:s10] =	ssyncadd.s32 @!p2 $0xFFFFFF88;
	s10 =	simm.s32 @!p2 $0x280  }
0x99: {  	[spmem:s3] =	stream.indirect.scatter.add.f32 @!p2 [tilespmem:s20], [sflag:$0x6], $0x80, s10, s1, $0xb8;
	[tilespmem:$0x1FA00] =	vst v63  }
0x9a: {  	s10 =	simm.s32 @!p4 $0xB  }
0x9b: {  	_ =	swait.ge @!p4 [sflag:s10], $0x78  }
0x9c: {  	[sflag:s10] =	ssyncset.done @!p4 $0x0  }
0x9d: {  	[sflag:s10] =	ssyncadd.s32 @!p4 $0xFFFFFF88;
	s10 =	simm.s32 @!p4 $0x5  }
0x9e: {  	_ =	swait.ge @!p4 [sflag:s10], $0x3C00  }
0x9f: {  	s21 =	simm.s32 @!p3 $0xB700;
	[sflag:s10] =	ssyncset.done @!p4 $0x0  }
0xa0: {  	s20 =	simm.s32 @!p3 $0x280;
	[sflag:s10] =	ssyncadd.s32 @!p4 $0xFFFFC400;
	s10 =	simm.s32 @!p3 $0x78  }
0xa1: {  	[spmem:s5] =	stream.indirect.scatter.add.f32 @!p3 [tilespmem:s21], [sflag:$0x6], $0x1, s20, s10, $0xb8;
	[tilespmem:$0x1FA00] =	vst v63  }
0xa2: {  	s10 =	simm.s32 @!p3 $0xB  }
0xa3: {  	_ =	swait.ge @!p3 [sflag:s10], $0x78  }
0xa4: {  	[sflag:s10] =	ssyncset.done @!p3 $0x0  }
0xa5: {  	[sflag:s10] =	ssyncadd.s32 @!p3 $0xFFFFFF88;
	s10 =	simm.s32 @!p3 $0x5  }
0xa6: {  	_ =	swait.ge @!p3 [sflag:s10], $0x3C00  }
0xa7: {  	[sflag:s10] =	ssyncset.done @!p3 $0x0  }
0xa8: {  	[sflag:s10] =	ssyncadd.s32 @!p3 $0xFFFFC400  }
0xa9: {  	_ =	swait.ge @!p3 [sflag:s10], $0x78  }
0xaa: {  	s23 =	sadd.s32 @!p2 $0x2D, s23;
	[sflag:s10] =	ssyncset.done @!p3 $0x0  }
0xab: {  	[sflag:s10] =	ssyncadd.s32 @!p3 $0xFFFFFF88;
	p3 =	sne.s32 @!p2 s23, $0x9D8  }
0xac: {  	p3 =	por p2, !p3  }
.Ltmp3:
0xad: {  	_ = 	snop;
	(pc) =	sbr.rel @p3 .LBB2_14-.Ltmp3, $4  }
0xae: {  	s10 =	sadd.s32 @!p2 $0x9CCC, s13;
	s13 =	simm.s32 @!p2 $0x200  }
0xaf: {  	[tilespmem:s13], [sflag:$0x8] =	stream.linear.gather @!p2 [hbm4b:s10+s8], $0x78, $0x38;
	[tilespmem:$0x1FA00] =	vst v63  }
0xb0: {  	s29 =	sadd.s32 @!p2 $0x1, s29;
	s8 =	simm.s32 @!p2 $0x80;
	s10 =	simm.s32 @!p2 $0x3F00  }
0xb1: {  	[tilespmem:s10], [sflag:$0x2] =	stream.indirect.gather @!p2 [hbm4b:s2+s1], $0x80, s8, s1, $0xb8;
	[tilespmem:$0x1FA00] =	vst v63  }
.LBB2_2:
0xb2: {  	_ =	swait.ge [sflag:s4], $0x3C00;
	p2 =	seq.s32 s23, $0x9AB  }
0xb3: {  	[sflag:s4] =	ssyncset.done $0x0;
	s13 =	sadd.s32 @!p2 s23, s22  }
0xb4: {  	s8 =	simm.s32 @!p2 $0x0;
	[sflag:s4] =	ssyncadd.s32 $0xFFFFC400;
	s1 =	sadd.s32 @!p2 $0x2D, s13  }
0xb5: {  	[tilespmem:s8], [sflag:$0xA] =	stream.linear.gather @!p2 [hbm4b:s1+s8], $0x78, $0x38;
	[tilespmem:$0x1FA00] =	vst v63  }
.Ltmp4:
0xb6: {  	_ = 	snop;
	(pc) =	sbr.rel @p0 .LBB2_5-.Ltmp4, $4  }
0xb7: {  	_ =	swait.ge [sflag:s9], $0x78  }
0xb8: {  	[sflag:s9] =	ssyncset.done $0x0  }
0xb9: {  	[sflag:s9] =	ssyncadd.s32 $0xFFFFFF88  }
0xba: {  	[spmem:s3] =	stream.indirect.scatter.add.f32 [tilespmem:s28], [sflag:$0x4], $0x80, s25, s26, $0xb8;
	[tilespmem:$0x1FA00] =	vst v63  }
.Ltmp5:
0xbb: {  	(pc) =	sbr.rel @!p2 .LBB2_6-.Ltmp5, $4  }
.Ltmp6:
0xbc: {  	(pc) =	sbr.rel @p2 .LBB2_4-.Ltmp6, $4  }
0xbd: {  	_ = 	snop  }
0xbe: {  	_ = 	snop  }
0xbf: {  	[spmem:s5] =	stream.indirect.scatter.add.f32 [tilespmem:s11], [sflag:$0x4], $0x1, s25, s26, $0xb8;
	[tilespmem:$0x1FA00] =	vst v63  }
0xc0: {  	_ = 	snop  }
.LBB2_5:
.Ltmp7:
0xc1: {  	(pc) =	sbr.rel @p2 .LBB2_4-.Ltmp7, $1  }
0xc2: {  	_ =	sdelay $0x3  }
.LBB2_6:
0xc3: {  	p3 =	seq.s32 s23, $0x0  }
.Ltmp8:
0xc4: {  	_ = 	snop;
	(pc) =	sbr.rel @p3 .LBB2_9-.Ltmp8, $4  }
0xc5: {  	_ = 	snop  }
0xc6: {  	_ =	swait.ge [sflag:s16], $0x78  }
0xc7: {  	[sflag:s16] =	ssyncset.done $0x0  }
0xc8: {  	[sflag:s16] =	ssyncadd.s32 $0xFFFFFF88  }
.Ltmp9:
0xc9: {  	(pc) =	sbr.rel @p0 .LBB2_10-.Ltmp9, $4  }
0xca: {  	_ = 	snop  }
0xcb: {  	_ =	swait.ge [sflag:s19], $0x3C00  }
0xcc: {  	[sflag:s19] =	ssyncset.done $0x0  }
0xcd: {  	[sflag:s19] =	ssyncadd.s32 $0xFFFFC400  }
0xce: {  	_ =	swait.ge [sflag:s19], $0x78  }
0xcf: {  	[sflag:s19] =	ssyncset.done $0x0  }
0xd0: {  	[sflag:s19] =	ssyncadd.s32 $0xFFFFFF88  }
.LBB2_9:
.Ltmp10:
0xd1: {  	(pc) =	sbr.rel @p1 .LBB2_12-.Ltmp10, $4  }
.Ltmp11:
0xd2: {  	s1 =	sadd.s32 s23, s22;
	(pc) =	sbr.rel @!p1 .LBB2_11-.Ltmp11, $4  }
0xd3: {  	s1 =	sadd.s32 $0x9CAE, s1  }
0xd4: {  	[tilespmem:s17], [sflag:$0x9] =	stream.linear.gather [hbm4b:s1+s6], $0x78, $0x38;
	[tilespmem:$0x1FA00] =	vst v63  }
0xd5: {  	s1 =	smov.u32 s15  }
0xd6: {  	_ = 	snop  }
.LBB2_10:
0xd7: {  	s1 =	sadd.s32 s23, s22  }
0xd8: {  	s1 =	sadd.s32 $0x9CAE, s1  }
0xd9: {  	[tilespmem:s17], [sflag:$0x9] =	stream.linear.gather [hbm4b:s1+s6], $0x78, $0x38;
	[tilespmem:$0x1FA00] =	vst v63  }
.LBB2_11:
0xda: {  	s1 =	smov.u32 s24  }
.LBB2_12:
0xdb: {  	[tilespmem:s18], [sflag:$0x3] =	stream.indirect.gather [hbm4b:s1+s26], $0x80, s0, s26, $0xb8;
	[tilespmem:$0x1FA00] =	vst v63  }
.Ltmp12:
0xdc: {  	_ = 	snop;
	(pc) =	sbr.rel .LBB2_13-.Ltmp12, $4  }
0xdd: {  	_ =	swait.ge [sflag:s12], $0x3C00  }
0xde: {  	s1 =	sadd.s32 @!p2 $0x3C, s13;
	[sflag:s12] =	ssyncset.done $0x0  }
0xdf: {  	s8 =	simm.s32 @!p2 $0x0;
	s21 =	simm.s32 @!p2 $0x80;
	[sflag:s12] =	ssyncadd.s32 $0xFFFFC400  }
0xe0: {  	[tilespmem:s21], [sflag:$0xB] =	stream.linear.gather @!p2 [hbm4b:s1+s8], $0x78, $0x38;
	[tilespmem:$0x1FA00] =	vst v63  }
.LBB2_15:
0xe1: {  	_ =	sfence.sel $0x180000  }
0xe2: {  	[bflag:$0x0] =	sbarrier.arrive $0xFFFF  }
0xe3: {  	_ =	strace $0x9000004D  }
0xe4: {  	s0 =	stileid.u32;
	[bflag:$0x2] =	sbarrier.arrive $0xFFFF  }
0xe5: {  	p0 =	sne.s32 s0, $0x0;
	s0 =	rddreg [dreg:$0x5]  }
0xe6: {  	s0 =	sadd.s32 @!p0 $0x100000, s0  }
0xe7: {  	[sflag:s0] =	ssyncadd.tile.s32 @!p0 $0x1;
	_ =	shalt  }
.Lfunc_end2:
_tile_overlayer_lowered:
.L_overlay_start_2:
0xe8: {  	(tag) =	ssettag $0x2  }
0xe9: {  	s0 =	rddreg [dreg:$0x0];
	s2 =	stileid.u32  }
0xea: {  	s1 =	rddreg [dreg:$0x1];
	p0 =	sne.s32 s2, $0x0  }
0xeb: {  	s3 =	rddreg [dreg:$0x2];
	[bflag:$0x3] =	sbarrier.arrive $0xFFFF;
	s2 =	simm.s32 @!p0 $0x1C0D  }
0xec: {  	[timem:s3], [sflag:s2] =	dma.local @!p0 [hbm:s0], s1  }
0xed: {  	s0 =	simm.s32 @!p0 $0xD  }
0xee: {  	_ =	swait.ge @!p0 [sflag:s0], s1  }
0xef: {  	s1 =	ssub.s32 @!p0 $0x0, s1;
	[sflag:s0] =	ssyncset.done @!p0 $0x0  }
0xf0: {  	[sflag:s0] =	ssyncadd.s32 @!p0 s1  }
0xf1: {  	[bflag:$0x3] =	sbarrier.arrive $0xFFFF  }
0xf2: {  	_ =	shalt  }

// kernel: kernel.14.cloned.1.call-start
scs
__scs_entry_jumppad:
0x0: {  	(pc) =	sbr.rel $0x88, $3  }
0x1: {  	(tag) =	ssettag $0x0;
	lr =	simm.s32 $0x1  }
0x2: {  	[smem:$0x3F8C] =	sst lr;
	_ =	strace $0xD0000000  }
0x3: {  	_ = 	snop  }
0x4: {  	_ = 	snop  }
0x5: {  	_ = 	snop  }
0x6: {  	_ = 	snop  }
0x7: {  	_ = 	snop  }
__scs_overlays_trampoline_lowered:
0x8: {  	[smem:$0x3F9B] =	sst s0  }
0x9: {  	[smem:$0x3F9C] =	sst s1  }
0xa: {  	[smem:$0x3F9D] =	sst s2  }
0xb: {  	[smem:$0x3F9E] =	sst s3  }
0xc: {  	[smem:$0x3F9F] =	sst s4  }
0xd: {  	[smem:$0x3FA0] =	sst s5  }
0xe: {  	[smem:$0x3FA1] =	sst s6  }
0xf: {  	[smem:$0x3FA2] =	sst s7  }
0x10: {  	[smem:$0x3FA3] =	sst s8  }
0x11: {  	[smem:$0x3FA4] =	sst s9;
	s0 =	simm.s32 @!p0 $0x0  }
0x12: {  	s1 =	sld [smem:$0x3F8A];
	s0 =	simm.s32 @p0 $0x1  }
0x13: {  	[smem:$0x3FA5] =	sst s0;
	s0 =	simm.s32 @!p1 $0x0  }
0x14: {  	s2 =	sld [smem:$0x3F89];
	s0 =	simm.s32 @p1 $0x1  }
0x15: {  	[smem:$0x3FA6] =	sst s0;
	s0 =	simm.s32 @!p2 $0x0  }
0x16: {  	s3 =	sld [smem:$0x3FDB];
	s0 =	simm.s32 @p2 $0x1  }
0x17: {  	s4 =	simm.s32 $0x1BF5;
	[smem:$0x3FA8] =	sst s0  }
0x18: {  	s0 =	sld [smem:$0x3F8B];
	_ =	swait.ge [sflag:s4], $0x0  }
0x19: {  	s7 =	sld [smem:$0x3F8C]  }
0x1a: {  	s8 =	sadd.s32 $0xFFFFE003, lr  }
0x1b: {  	s9 =	sadd.s32 $0xFFFFFEF7, lr;
	s5 =	simm.s32 $0xFFFFFFFF;
	p2 =	slt.u32 s8, $0xFFFFF086  }
0x1c: {  	p1 =	slt.u32 s9, $0xF7A;
	s5 =	simm.s32 @!p2 $0x0  }
0x1d: {  	s5 =	simm.s32 @p1 $0x1;
	p0 =	seq.s32 s7, s2  }
0x1e: {  	s7 =	smul.u32 @!p0 $0xF7A, s2;
	p2 =	seq.s32 @!p0 s5, $0x0  }
0x1f: {  	s9 =	smul.u32 $0xF7A, s1;
	s8 =	simm.s32 @!p0 $0x1BF5;
	p2 =	por !p2, p0  }
0x20: {  	[sflag:s8] =	ssyncset.s32 @!p0 $0xFFFFF086;
	s6 =	sadd.s32 @!p0 s3, s7;
	s7 =	simm.s32 @!p0 $0x108  }
0x21: {  	s3 =	sadd.s32 s3, s9;
	s6 =	sadd.s32 @!p0 $0x88, s6;
	s7 =	simm.s32 @p2 $0x1082  }
0x22: {  	[simem:s7], [sflag:s8] =	dma.local @!p0 [hbm:s6], $0xF7A  }
0x23: {  	s9 =	sor.u32 $0xD0000000, s2;
	s6 =	simm.s32 $0x108;
	_ =	swait.ge @!p0 [sflag:s8], $0x0  }
0x24: {  	s3 =	sadd.s32 $0x88, s3;
	s6 =	simm.s32 @!p1 $0x1082;
	[sflag:s4] =	ssyncset.s32 $0xFFFFF086  }
0x25: {  	[simem:s6], [sflag:s4] =	dma.local [hbm:s3], $0xF7A  }
0x26: {  	[smem:$0x3F8C] =	sst s1;
	(tag) =	ssettag s2;
	_ =	strace s9  }
0x27: {  	s1 =	sld [smem:$0x3F9C]  }
0x28: {  	s2 =	sld [smem:$0x3F9D]  }
0x29: {  	s4 =	sld [smem:$0x3F9F]  }
0x2a: {  	p0 =	seq.s32 s5, $0x0;
	s5 =	sld [smem:$0x3FA0]  }
0x2b: {  	s6 =	sld [smem:$0x3FA1]  }
0x2c: {  	s7 =	sld [smem:$0x3FA2]  }
0x2d: {  	s3 =	simm.s32 $0x108;
	s8 =	sld [smem:$0x3FA3]  }
0x2e: {  	s3 =	simm.s32 @!p0 $0x1082;
	s9 =	sld [smem:$0x3FA4]  }
0x2f: {  	lr =	sadd.s32 s0, s3;
	s0 =	sld [smem:$0x3F9B]  }
0x30: {  	s3 =	sld [smem:$0x3F9E]  }
0x31: {  	[smem:$0x3FA7] =	sst s10  }
0x32: {  	s10 =	sld [smem:$0x3FA5];
	_ =	sdelay $0x3  }
0x33: {  	p0 =	seq.s32 s10, $0x1;
	s10 =	sld [smem:$0x3FA7];
	_ =	sdelay $0x3  }
0x34: {  	[smem:$0x3FA7] =	sst s10  }
0x35: {  	s10 =	sld [smem:$0x3FA6];
	_ =	sdelay $0x3  }
0x36: {  	p1 =	seq.s32 s10, $0x1;
	s10 =	sld [smem:$0x3FA7];
	_ =	sdelay $0x3  }
0x37: {  	[smem:$0x3FA7] =	sst s10  }
0x38: {  	s10 =	sld [smem:$0x3FA8]  }
0x39: {  	_ = 	snop;
	(pc) =	sbr.ind lr, $3  }
0x3a: {  	_ = 	snop  }
0x3b: {  	_ = 	snop  }
0x3c: {  	p2 =	seq.s32 s10, $0x1;
	s10 =	sld [smem:$0x3FA7]  }
0x3d: {  	_ =	shalt  }
0x3e: {  	_ =	shalt  }
0x3f: {  	_ =	shalt  }
0x40: {  	_ =	shalt  }
0x41: {  	_ =	shalt  }
0x42: {  	_ =	shalt  }
0x43: {  	_ =	shalt  }
0x44: {  	_ =	shalt  }
0x45: {  	_ =	shalt  }
0x46: {  	_ =	shalt  }
0x47: {  	_ =	shalt  }
0x48: {  	_ =	shalt  }
0x49: {  	_ =	shalt  }
0x4a: {  	_ =	shalt  }
0x4b: {  	_ =	shalt  }
0x4c: {  	_ =	shalt  }
0x4d: {  	_ =	shalt  }
0x4e: {  	_ =	shalt  }
0x4f: {  	_ =	shalt  }
0x50: {  	_ =	shalt  }
0x51: {  	_ =	shalt  }
0x52: {  	_ =	shalt  }
0x53: {  	_ =	shalt  }
0x54: {  	_ =	shalt  }
0x55: {  	_ =	shalt  }
0x56: {  	_ =	shalt  }
0x57: {  	_ =	shalt  }
0x58: {  	_ =	shalt  }
0x59: {  	_ =	shalt  }
0x5a: {  	_ =	shalt  }
0x5b: {  	_ =	shalt  }
0x5c: {  	_ =	shalt  }
0x5d: {  	_ =	shalt  }
0x5e: {  	_ =	shalt  }
0x5f: {  	_ =	shalt  }
0x60: {  	_ =	shalt  }
0x61: {  	_ =	shalt  }
0x62: {  	_ =	shalt  }
0x63: {  	_ =	shalt  }
0x64: {  	_ =	shalt  }
0x65: {  	_ =	shalt  }
0x66: {  	_ =	shalt  }
0x67: {  	_ =	shalt  }
0x68: {  	_ =	shalt  }
0x69: {  	_ =	shalt  }
0x6a: {  	_ =	shalt  }
0x6b: {  	_ =	shalt  }
0x6c: {  	_ =	shalt  }
0x6d: {  	_ =	shalt  }
0x6e: {  	_ =	shalt  }
0x6f: {  	_ =	shalt  }
0x70: {  	_ =	shalt  }
0x71: {  	_ =	shalt  }
0x72: {  	_ =	shalt  }
0x73: {  	_ =	shalt  }
0x74: {  	_ =	shalt  }
0x75: {  	_ =	shalt  }
0x76: {  	_ =	shalt  }
0x77: {  	_ =	shalt  }
0x78: {  	_ =	shalt  }
0x79: {  	_ =	shalt  }
0x7a: {  	_ =	shalt  }
0x7b: {  	_ =	shalt  }
0x7c: {  	_ =	shalt  }
0x7d: {  	_ =	shalt  }
0x7e: {  	_ =	shalt  }
0x7f: {  	_ =	shalt  }
0x80: {  	_ =	shalt  }
0x81: {  	_ =	shalt  }
0x82: {  	_ =	shalt  }
0x83: {  	_ =	shalt  }
0x84: {  	_ =	shalt  }
0x85: {  	_ =	shalt  }
0x86: {  	_ =	shalt  }
0x87: {  	_ =	shalt  }
.Lfunc_end0:
.L_simem_size_0:
called_computation.2_lowered:
.L_overlay_start_0:
0x88: {  	s2 =	sld [smem:$0x3FD9]  }
0x89: {  	s3 =	sld [smem:$0x3FFE];
	_ =	sdelay $0x1  }
0x8a: {  	s1 =	srdreg.scid  }
0x8b: {  	s0 =	sand.u32 $0x1, s1  }
0x8c: {  	s15 =	sshll.u32 s0, $0xA;
	s2 =	sadd.s32 s3, s2  }
0x8d: {  	s2 =	sadd.s32 s2, s15  }
0x8e: {  	[smem:$0x3FB3] =	sst s2  }
0x8f: {  	_ = 	snop  }
0x90: {  	s2 =	sld [smem:$0x3FD0];
	_ =	sdelay $0x2  }
0x91: {  	s4 =	simm.s32 $0xC;
	s16 =	simm.s32 $0x10  }
0x92: {  	[smem:s16], [sflag:s4] =	dma.local [hbm:s2], $0x1  }
0x93: {  	_ =	swait.eq [sflag:s4], $0x1  }
0x94: {  	[sflag:s4] =	ssyncset.done $0x0  }
0x95: {  	s17 =	sld [smem:$0x11];
	[sflag:s4] =	ssyncadd.s32 $0xFFFFFFFF  }
0x96: {  	s18 =	sld [smem:$0x12];
	(tm) =	ssettm $0x1  }
0x97: {  	s19 =	sld [smem:$0x3FFB];
	_ =	sdelay $0x3  }
0x98: {  	_ =	strace s19  }
0x99: {  	s2 =	sld [smem:$0x3FFC];
	_ =	sdelay $0x3  }
0x9a: {  	_ =	strace s2  }
0x9b: {  	s2 =	sld [smem:$0x3FFD];
	_ =	sdelay $0x3  }
0x9c: {  	_ =	strace s2  }
0x9d: {  	_ =	strace $0x8FFFFFFF  }
0x9e: {  	s20 =	sld [smem:$0x3FDB];
	_ =	sdelay $0x1  }
0x9f: {  	s5 =	simm.s32 $_scs_section_size  }
0xa0: {  	s6 =	simm.s32 $_size__tile_overlayer_lowered;
	s7 =	simm.s32 $_tile_overlayer_lowered  }
0xa1: {  	s8 =	simm.s32 $0x1BFF;
	s21 =	sshll.u32 s7, $0x1;
	s5 =	sadd.s32 s5, s20  }
0xa2: {  	s22 =	simm.s32 $0x0;
	s6 =	sshll.u32 s6, $0x1;
	s7 =	sadd.s32 s21, s5  }
0xa3: {  	[timem:s22], [sflag:s8] =	dma.local [hbm:s7], s6  }
0xa4: {  	_ =	swait.ge [sflag:s8], s6  }
0xa5: {  	s6 =	ssub.s32 $0x0, s6;
	[sflag:s8] =	ssyncset.done $0x0  }
0xa6: {  	[sflag:s8] =	ssyncadd.s32 s6;
	_ =	sdelay $0x1  }
0xa7: {  	s23 =	simm.s32 $0x1B8B  }
0xa8: {  	_ =	swait.ge [sflag:s23], $0x1  }
0xa9: {  	[sflag:s23] =	ssyncset.done $0x0  }
0xaa: {  	[sflag:s23] =	ssyncadd.s32 $0xFFFFFFFF  }
0xab: {  	s6 =	sld [smem:$0x0]  }
0xac: {  	s7 =	sand.u32 $0xFFFFFFFE, s1  }
0xad: {  	p0 =	sne.s32 s1, s7  }
0xae: {  	s7 =	sshll.u32 @p0 s7, $0xE  }
0xaf: {  	s7 =	sadd.s32 @p0 $0x11B8D, s7;
	s8 =	sshll.u32 @p0 s6, $0x11  }
0xb0: {  	s7 =	sor.u32 @p0 s8, s7  }
0xb1: {  	[sflag:s7] =	ssyncadd.remote.s32 @p0 $0x1;
	_ =	sdelay $0x1  }
0xb2: {  	s7 =	simm.s32 @p0 $0x1B8D  }
0xb3: {  	_ =	swait.eq @p0 [sflag:s7], $0x1  }
0xb4: {  	[sflag:s7] =	ssyncadd.s32 @p0 $0xFFFFFFFF  }
0xb5: {  	s8 =	sshll.u32 @!p0 s1, $0xE  }
0xb6: {  	s8 =	sor.u32 @!p0 $0x4000, s8;
	s7 =	simm.s32 @!p0 $0x1B8D  }
0xb7: {  	s6 =	sshll.u32 @!p0 s6, $0x11;
	s8 =	sadd.s32 @!p0 $0x11B8D, s8;
	_ =	swait.eq @!p0 [sflag:s7], $0x1  }
0xb8: {  	s6 =	sor.u32 @!p0 s6, s8;
	[sflag:s7] =	ssyncadd.s32 @!p0 $0xFFFFFFFF  }
0xb9: {  	s25 =	simm.s32 $0x1B8E;
	s24 =	sld [smem:$0x3FFE];
	[sflag:s6] =	ssyncadd.remote.s32 @!p0 $0x1  }
0xba: {  	s26 =	simm.s32 $execute0_lowered;
	[smem:$0x3FD2] =	sst s25  }
0xbb: {  	s7 =	sshll.u32 s26, $0x1;
	_ =	strace $0x80000049;
	[dreg:$0x1] =	wrdreg $0xFFFFFFFF  }
0xbc: {  	s28 =	simm.s32 $_size_execute0_lowered;
	s5 =	sadd.s32 s5, s7;
	[dreg:$0x0] =	wrdreg $0x0  }
0xbd: {  	s7 =	sshll.u32 s28, $0x1;
	[dreg:$0x2] =	wrdreg s5  }
0xbe: {  	[dreg:$0x3] =	wrdreg s7  }
0xbf: {  	[dreg:$0x4] =	wrdreg $0xC0  }
0xc0: {  	_ =	task [dreg:s22], $0x5FFFF  }
0xc1: {  	[dreg:$0x1] =	wrdreg $0xFFFFFFFF  }
0xc2: {  	[dreg:$0x0] =	wrdreg $0x60  }
0xc3: {  	[dreg:$0x2] =	wrdreg s18  }
0xc4: {  	[dreg:$0x3] =	wrdreg s17  }
0xc5: {  	[dreg:$0x4] =	wrdreg s24  }
0xc6: {  	[dreg:$0x5] =	wrdreg $0xB7800  }
0xc7: {  	[dreg:$0x6] =	wrdreg $0x1F7800  }
0xc8: {  	[dreg:$0x7] =	wrdreg $0xB  }
0xc9: {  	_ =	task.clear_ibuf [dreg:s22], $0x8FFFF;
	_ =	strace $0x90000049  }
0xca: {  	s29 =	simm.s32 $0xB;
	_ =	strace $0x8000004B  }
0xcb: {  	_ =	swait.ge [sflag:s29], $0x1  }
0xcc: {  	[sflag:s29] =	ssyncadd.s32 $0xFFFFFFFF  }
0xcd: {  	_ =	strace $0x9000004B  }
0xce: {  	_ =	sfence  }
0xcf: {  	s30 =	sld [smem:$0x0];
	_ =	sdelay $0x2  }
0xd0: {  	s31 =	sshll.u32 s1, $0xD;
	s1 =	sshrl.u32 s1, $0x2  }
0xd1: {  	s4 =	sand.u32 $0x4000, s31;
	s1 =	sadd.s32 s1, s30  }
0xd2: {  	s0 =	sor.u32 s4, s0;
	s1 =	sshll.u32 s1, $0x11  }
0xd3: {  	s0 =	sor.u32 s1, s0  }
0xd4: {  	s0 =	sadd.s32 $0x8F2B, s0  }
0xd5: {  	[sflag:s0] =	ssyncadd.remote.s32 $0x1  }
0xd6: {  	_ =	sfence.sel $0xFFFF  }
0xd7: {  	[dreg:$0x0] =	wrdreg $0xFFFFFFFF;
	(pc) =	sbr.abs _section_cstart, $3  }
0xd8: {  	[dreg:$0x1] =	wrdreg $0xFFFFFFFF  }
0xd9: {  	_ =	task.clear_ibuf [dreg:s22], $0x2FFFF;
	_ =	strace $0x9FFFFFFF  }
0xda: {  	(tm) =	ssettm $0x7FFFFFFF  }
0xdb: {  	_ =	shalt  }
tec
execute0_lowered:
.L_overlay_start_1:
0x0: {  	(tag) =	ssettag $0x1  }
0x1: {  	s15 =	rddreg [dreg:$0x0]  }
0x2: {  	s24 =	rddreg [dreg:$0x1]  }
0x3: {  	s0 =	rddreg [dreg:$0x2]  }
0x4: {  	s3 =	rddreg [dreg:$0x3];
	s2 =	stileid.u32  }
0x5: {  	s5 =	rddreg [dreg:$0x4];
	s6 =	simm.s32 $0x0;
	s1 =	smul.u32 $0x2800, s2  }
0x6: {  	s4 =	srdreg.scid;
	s28 =	simm.s32 $0x300;
	s9 =	smul.u32 $0x280, s2  }
0x7: {  	s30 =	simm.s32 $0x200;
	s31 =	simm.s32 $0x3F00;
	s10 =	smul.u32 $0x50000, s2  }
0x8: {  	[smem:$0x7FF] =	sst s6;
	s7 =	sand.u32 $0x1, s4;
	s29 =	smul.u32 $0x4E48, s2  }
0x9: {  	s4 =	sadd.s32 $0x1D2C00, s0;
	s26 =	sshll.u32 s2, $0x6;
	s23 =	smul.u32 $0x9C9, s2  }
0xa: {  	_ =	strace $0x8000004A;
	s8 =	ssub.s32 $0x2, s7;
	p0 =	sne.s32 s7, $0x0  }
0xb: {  	p1 =	seq.s32 s7, $0x0;
	s1 =	sadd.s32 s1, s0;
	s11 =	sshrl.u32 s9, $0x3  }
0xc: {  	s12 =	sshrl.u32 s8, $0x1;
	s25 =	sshrl.u32 s10, $0x2;
	s10 =	sor.u32 $0x1C0D, s26  }
0xd: {  	s9 =	sadd.s32 s9, s5;
	s17 =	sshrl.u32 s29, $0x3;
	s18 =	sadd.s32 $0x78, s29  }
0xe: {  	s0 =	sadd.s32 s11, s0;
	s11 =	ssub.s32 s8, s12;
	[dreg:$0x9] =	wrdreg s9  }
0xf: {  	s8 =	sadd.s32 s25, s3;
	s13 =	sadd.s32 $0x15A600, s1;
	[dreg:$0x8] =	wrdreg s10  }
0x10: {  	s14 =	sadd.s32 s4, s17;
	s22 =	sadd.s32 $0x20EC00, s1;
	[dreg:$0x7] =	wrdreg s13  }
0x11: {  	s19 =	sshrl.u32 s18, $0x3;
	s12 =	sadd.s32 $0x4E4F8, s29;
	[dreg:$0xf] =	wrdreg s22  }
0x12: {  	s1 =	sadd.s32 $0x1E6C00, s1;
	s17 =	simm.s32 $0x280;
	[dreg:$0xb] =	wrdreg s14  }
0x13: {  	s18 =	simm.s32 $0x7B00;
	s16 =	sadd.s32 $0x15A000, s0;
	[dreg:$0x11] =	wrdreg s1  }
0x14: {  	s20 =	sadd.s32 $0x9C90, s14;
	s9 =	sadd.s32 s4, s19;
	[dreg:$0x6] =	wrdreg s8  }
0x15: {  	s21 =	sshrl.u32 s12, $0x3;
	s25 =	sadd.s32 $0x1E, s14;
	[dreg:$0xa] =	wrdreg s16  }
0x16: {  	s0 =	sadd.s32 $0x1E6600, s0;
	s26 =	smax.u32 s11, $0x1;
	[dreg:$0xc] =	wrdreg s20  }
0x17: {  	s22 =	sadd.s32 s23, s4;
	s29 =	sshrl.u32 s8, $0x3;
	[dreg:$0xd] =	wrdreg s9  }
0x18: {  	s11 =	simm.s32 $0xB700;
	s12 =	simm.s32 $0x2;
	[dreg:$0x10] =	wrdreg s25  }
.Ltmp0:
0x19: {  	s14 =	simm.s32 $0x8;
	[dreg:$0x12] =	wrdreg s0;
	(pc) =	sbr.rel .LBB2_1-.Ltmp0, $4  }
0x1a: {  	s19 =	simm.s32 $0x6;
	s8 =	simm.s32 $0x0;
	[dreg:$0x13] =	wrdreg s26  }
0x1b: {  	s9 =	sadd.s32 s4, s21;
	[dreg:$0x14] =	wrdreg s29;
	s25 =	simm.s32 $0x180  }
0x1c: {  	s26 =	simm.s32 $0x78;
	s0 =	simm.s32 $0x100;
	s4 =	simm.s32 $0x1  }
0x1d: {  	v0 =	vimm.f32 $1.000000000e+00;
	s16 =	simm.s32 $0xC;
	[dreg:$0xe] =	wrdreg s9;
	s9 =	simm.s32 $0x7  }
.LBB2_14:
0x1e: {  	s1 =	simm.s32 $0x4  }
0x1f: {  	_ =	swait.ge [sflag:s1], $0x3C00  }
0x20: {  	[sflag:s1] =	ssyncset.done $0x0  }
0x21: {  	[sflag:s1] =	ssyncadd.s32 $0xFFFFC400;
	s1 =	simm.s32 @p0 $0x5  }
0x22: {  	_ =	swait.ge @p0 [sflag:s1], $0x3C00  }
0x23: {  	[sflag:s1] =	ssyncset.done @p0 $0x0  }
0x24: {  	[sflag:s1] =	ssyncadd.s32 @p0 $0xFFFFC400;
	s1 =	simm.s32 @p0 $0x6  }
0x25: {  	_ =	swait.ge @p0 [sflag:s1], $0x3C00  }
0x26: {  	[sflag:s1] =	ssyncset.done @p0 $0x0  }
0x27: {  	[sflag:s1] =	ssyncadd.s32 @p0 $0xFFFFC400  }
0x28: {  	[bflag:$0x0] =	sbarrier.arrive @p0 $0xFFFF  }
0x29: {  	s2 =	rddreg [dreg:$0x6]  }
0x2a: {  	s10 =	rddreg [dreg:$0x8]  }
0x2b: {  	s8 =	rddreg [dreg:$0xf];
	s1 =	sshrl.u32 @p0 s2, $0x3  }
0x2c: {  	[hbm:s8], [sflag:s10] =	dma.local @p0 [spmem:s1], $0x2800  }
0x2d: {  	s1 =	simm.s32 @p0 $0xD  }
0x2e: {  	_ =	swait.ge @p0 [sflag:s1], $0x2800  }
0x2f: {  	[sflag:s1] =	ssyncset.done @p0 $0x0  }
0x30: {  	[sflag:s1] =	ssyncadd.s32 @p0 $0xFFFFD800;
	s1 =	simm.s32 @!p0 $0x4  }
0x31: {  	_ =	swait.ge @!p0 [sflag:s1], $0x78  }
0x32: {  	[sflag:s1] =	ssyncset.done @!p0 $0x0  }
0x33: {  	[sflag:s1] =	ssyncadd.s32 @!p0 $0xFFFFFF88;
	s1 =	simm.s32 @!p0 $0x5  }
0x34: {  	_ =	swait.ge @!p0 [sflag:s1], $0x3C00  }
0x35: {  	[sflag:s1] =	ssyncset.done @!p0 $0x0  }
0x36: {  	[sflag:s1] =	ssyncadd.s32 @!p0 $0xFFFFC400  }
0x37: {  	_ =	swait.ge @!p0 [sflag:s1], $0x78  }
0x38: {  	[sflag:s1] =	ssyncset.done @!p0 $0x0  }
0x39: {  	[sflag:s1] =	ssyncadd.s32 @!p0 $0xFFFFFF88;
	s1 =	simm.s32 @!p0 $0x6  }
0x3a: {  	_ =	swait.ge @!p0 [sflag:s1], $0x3C00  }
0x3b: {  	[sflag:s1] =	ssyncset.done @!p0 $0x0  }
0x3c: {  	[sflag:s1] =	ssyncadd.s32 @!p0 $0xFFFFC400  }
0x3d: {  	_ =	swait.ge @!p0 [sflag:s1], $0x78  }
0x3e: {  	[sflag:s1] =	ssyncset.done @!p0 $0x0  }
0x3f: {  	[sflag:s1] =	ssyncadd.s32 @!p0 $0xFFFFFF88  }
0x40: {  	[bflag:$0x0] =	sbarrier.arrive @!p0 $0xFFFF  }
0x41: {  	s1 =	sshrl.u32 @!p0 s2, $0x3;
	s2 =	rddreg [dreg:$0x11]  }
0x42: {  	[hbm:s2], [sflag:s10] =	dma.local @!p0 [spmem:s1], $0x2800  }
0x43: {  	s1 =	simm.s32 @!p0 $0xD  }
0x44: {  	_ =	swait.ge @!p0 [sflag:s1], $0x2800  }
0x45: {  	[sflag:s1] =	ssyncset.done @!p0 $0x0;
	s2 =	rddreg [dreg:$0x12]  }
0x46: {  	s8 =	rddreg [dreg:$0x16];
	[sflag:s1] =	ssyncadd.s32 @!p0 $0xFFFFD800  }
0x47: {  	[hbm:s2], [sflag:s10] =	dma.local @!p0 [spmem:s8], $0x50  }
0x48: {  	_ =	swait.ge @!p0 [sflag:s1], $0x50  }
0x49: {  	s23 =	rddreg [dreg:$0x15]  }
0x4a: {  	s29 =	rddreg [dreg:$0x13];
	s8 =	sadd.s32 $0x1, s23  }
0x4b: {  	p2 =	sne.s32 s8, s29  }
.Ltmp1:
0x4c: {  	_ = 	snop;
	(pc) =	sbr.rel @!p2 .LBB2_15-.Ltmp1, $3  }
0x4d: {  	_ =	sdelay $0x1  }
0x4e: {  	[sflag:s1] =	ssyncset.done @!p0 $0x0  }
0x4f: {  	[sflag:s1] =	ssyncadd.s32 @!p0 $0xFFFFFFB0  }
.LBB2_1:
0x50: {  	[dreg:$0x15] =	wrdreg s8  }
0x51: {  	s1 =	rddreg [dreg:$0x7]  }
0x52: {  	s2 =	rddreg [dreg:$0x14];
	s23 =	simm.s32 $0xD  }
0x53: {  	[spmem:s2], [sflag:s10] =	dma.local [hbm:s1], $0x2800  }
0x54: {  	_ =	swait.ge [sflag:s23], $0x2800  }
0x55: {  	s1 =	rddreg [dreg:$0x9]  }
0x56: {  	[sflag:s23] =	ssyncset.done $0x0;
	s2 =	sshrl.u32 @!p0 s1, $0x3;
	s1 =	rddreg [dreg:$0xa]  }
0x57: {  	[sflag:s23] =	ssyncadd.s32 $0xFFFFD800;
	[dreg:$0x16] =	wrdreg s2  }
0x58: {  	[spmem:s2], [sflag:s10] =	dma.local @!p0 [hbm:s1], $0x50  }
0x59: {  	s1 =	simm.s32 @!p0 $0xD  }
0x5a: {  	_ =	swait.ge @!p0 [sflag:s1], $0x50  }
0x5b: {  	[sflag:s1] =	ssyncset.done @!p0 $0x0  }
0x5c: {  	[sflag:s1] =	ssyncadd.s32 @!p0 $0xFFFFFFB0  }
0x5d: {  	[tilespmem:$0xB700] =	vst v0  }
0x5e: {  	[tilespmem:$0xB710] =	vst v0  }
0x5f: {  	[tilespmem:$0xB720] =	vst v0  }
0x60: {  	[tilespmem:$0xB730] =	vst v0  }
0x61: {  	[tilespmem:$0xB740] =	vst v0  }
0x62: {  	[tilespmem:$0xB750] =	vst v0  }
0x63: {  	[tilespmem:$0xB760] =	vst v0  }
0x64: {  	[tilespmem:$0xB770] =	vst v0  }
0x65: {  	[bflag:$0x0] =	sbarrier.arrive $0xFFFF  }
0x66: {  	s2 =	rddreg [dreg:$0xb]  }
0x67: {  	[tilespmem:s6], [sflag:$0xD] =	stream.linear.gather [hbm4b:s2+s6], $0x78, $0x38;
	[tilespmem:$0x1FA00] =	vst v63  }
0x68: {  	_ =	swait.ge [sflag:s23], $0x78  }
0x69: {  	[sflag:s23] =	ssyncset.done $0x0  }
0x6a: {  	s1 =	smov.u32 s15;
	s10 =	rddreg [dreg:$0xc];
	[sflag:s23] =	ssyncadd.s32 $0xFFFFFF88  }
0x6b: {  	[tilespmem:s25], [sflag:$0x7] =	stream.linear.gather [hbm4b:s10+s6], $0x78, $0x38;
	[tilespmem:$0x1FA00] =	vst v63  }
0x6c: {  	s1 =	smov.u32 @p0 s24  }
0x6d: {  	[tilespmem:s28], [sflag:$0x1] =	stream.indirect.gather [hbm4b:s1+s26], $0x80, s6, s26, $0xb8;
	[tilespmem:$0x1FA00] =	vst v63  }
0x6e: {  	s20 =	simm.s32 $0x80;
	s13 =	rddreg [dreg:$0xd]  }
0x6f: {  	[tilespmem:s20], [sflag:$0xD] =	stream.linear.gather [hbm4b:s13+s6], $0x78, $0x38;
	[tilespmem:$0x1FA00] =	vst v63  }
0x70: {  	_ =	swait.ge [sflag:s23], $0x78  }
0x71: {  	[sflag:s23] =	ssyncset.done $0x0  }
0x72: {  	s21 =	rddreg [dreg:$0xe];
	[sflag:s23] =	ssyncadd.s32 $0xFFFFFF88  }
0x73: {  	[tilespmem:s30], [sflag:$0x8] =	stream.linear.gather [hbm4b:s21+s6], $0x78, $0x38;
	[tilespmem:$0x1FA00] =	vst v63  }
.Ltmp2:
0x74: {  	_ = 	snop;
	(pc) =	sbr.rel .LBB2_2-.Ltmp2, $4  }
0x75: {  	[tilespmem:s31], [sflag:$0x2] =	stream.indirect.gather [hbm4b:s1+s26], $0x80, s20, s26, $0xb8;
	[tilespmem:$0x1FA00] =	vst v63  }
0x76: {  	s23 =	rddreg [dreg:$0x10]  }
0x77: {  	[tilespmem:s0], [sflag:$0xC] =	stream.linear.gather [hbm4b:s23+s6], $0x78, $0x38;
	[tilespmem:$0x1FA00] =	vst v63  }
0x78: {  	s29 =	simm.s32 $0x0;
	s23 =	simm.s32 $0x0  }
.LBB2_4:
0x79: {  	_ =	swait.ge [sflag:s12], $0x3C00  }
0x7a: {  	[sflag:s12] =	ssyncset.done $0x0  }
0x7b: {  	[sflag:s12] =	ssyncadd.s32 $0xFFFFC400  }
.LBB2_13:
0x7c: {  	_ =	swait.ge [sflag:s14], $0x78  }
0x7d: {  	[sflag:s14] =	ssyncset.done $0x0  }
0x7e: {  	[sflag:s14] =	ssyncadd.s32 $0xFFFFFF88  }
0x7f: {  	[spmem:s3] =	stream.indirect.scatter.add.f32 [tilespmem:s31], [sflag:$0x5], $0x80, s30, s26, $0xb8;
	[tilespmem:$0x1FA00] =	vst v63  }
0x80: {  	s1 =	simm.s32 @!p0 $0x78;
	s8 =	simm.s32 @!p0 $0x200;
	s21 =	simm.s32 @!p0 $0xB700  }
0x81: {  	[spmem:s5] =	stream.indirect.scatter.add.f32 @!p0 [tilespmem:s21], [sflag:$0x5], $0x1, s8, s1, $0xb8;
	[tilespmem:$0x1FA00] =	vst v63  }
0x82: {  	s1 =	simm.s32 @!p2 $0xA  }
0x83: {  	_ =	swait.ge @!p2 [sflag:s1], $0x78  }
0x84: {  	[sflag:s1] =	ssyncset.done @!p2 $0x0  }
0x85: {  	[sflag:s1] =	ssyncadd.s32 @!p2 $0xFFFFFF88;
	s1 =	simm.s32 @!p2 $0x4  }
0x86: {  	p4 =	sne.s32 @!p2 s7, $0x0;
	_ =	swait.ge @!p2 [sflag:s1], $0x3C00  }
0x87: {  	p3 =	por p4, p2;
	[sflag:s1] =	ssyncset.done @!p2 $0x0  }
0x88: {  	[sflag:s1] =	ssyncadd.s32 @!p2 $0xFFFFC400;
	s1 =	simm.s32 @!p3 $0x4  }
0x89: {  	s2 =	smov.u32 s24;
	_ =	swait.ge @!p3 [sflag:s1], $0x78  }
0x8a: {  	p4 =	por !p4, p2;
	s8 =	simm.s32 @!p2 $0x0;
	[sflag:s1] =	ssyncset.done @!p3 $0x0  }
0x8b: {  	s21 =	simm.s32 @!p2 $0x180;
	[sflag:s1] =	ssyncadd.s32 @!p3 $0xFFFFFF88;
	s1 =	sadd.s32 @!p2 $0x9CBD, s13  }
0x8c: {  	[tilespmem:s21], [sflag:$0x7] =	stream.linear.gather @!p2 [hbm4b:s1+s8], $0x78, $0x38;
	[tilespmem:$0x1FA00] =	vst v63  }
0x8d: {  	s2 =	smov.u32 @p4 s15;
	s1 =	simm.s32 @!p2 $0x78;
	s21 =	simm.s32 @!p2 $0x300  }
0x8e: {  	[tilespmem:s21], [sflag:$0x1] =	stream.indirect.gather @!p2 [hbm4b:s2+s1], $0x80, s8, s1, $0xb8;
	[tilespmem:$0x1FA00] =	vst v63  }
0x8f: {  	s21 =	simm.s32 @!p2 $0x3  }
0x90: {  	p5 =	sgt.u32 @!p2 s29, $0x35;
	_ =	swait.ge @!p2 [sflag:s21], $0x3C00  }
0x91: {  	p5 =	por p5, p2;
	[sflag:s21] =	ssyncset.done @!p2 $0x0  }
0x92: {  	[sflag:s21] =	ssyncadd.s32 @!p2 $0xFFFFC400;
	s21 =	sadd.s32 @!p5 s23, s22  }
0x93: {  	s10 =	simm.s32 @!p5 $0x0;
	s20 =	simm.s32 @!p5 $0x100;
	s21 =	sadd.s32 @!p5 $0x4B, s21  }
0x94: {  	[tilespmem:s20], [sflag:$0xC] =	stream.linear.gather @!p5 [hbm4b:s21+s10], $0x78, $0x38;
	[tilespmem:$0x1FA00] =	vst v63  }
0x95: {  	s10 =	simm.s32 @!p2 $0x9  }
0x96: {  	_ =	swait.ge @!p2 [sflag:s10], $0x78  }
0x97: {  	[sflag:s10] =	ssyncset.done @!p2 $0x0  }
0x98: {  	s20 =	simm.s32 @!p2 $0x7B00;
	[sflag:s10] =	ssyncadd.s32 @!p2 $0xFFFFFF88;
	s10 =	simm.s32 @!p2 $0x280  }
0x99: {  	[spmem:s3] =	stream.indirect.scatter.add.f32 @!p2 [tilespmem:s20], [sflag:$0x6], $0x80, s10, s1, $0xb8;
	[tilespmem:$0x1FA00] =	vst v63  }
0x9a: {  	s10 =	simm.s32 @!p4 $0xB  }
0x9b: {  	_ =	swait.ge @!p4 [sflag:s10], $0x78  }
0x9c: {  	[sflag:s10] =	ssyncset.done @!p4 $0x0  }
0x9d: {  	[sflag:s10] =	ssyncadd.s32 @!p4 $0xFFFFFF88;
	s10 =	simm.s32 @!p4 $0x5  }
0x9e: {  	_ =	swait.ge @!p4 [sflag:s10], $0x3C00  }
0x9f: {  	s21 =	simm.s32 @!p3 $0xB700;
	[sflag:s10] =	ssyncset.done @!p4 $0x0  }
0xa0: {  	s20 =	simm.s32 @!p3 $0x280;
	[sflag:s10] =	ssyncadd.s32 @!p4 $0xFFFFC400;
	s10 =	simm.s32 @!p3 $0x78  }
0xa1: {  	[spmem:s5] =	stream.indirect.scatter.add.f32 @!p3 [tilespmem:s21], [sflag:$0x6], $0x1, s20, s10, $0xb8;
	[tilespmem:$0x1FA00] =	vst v63  }
0xa2: {  	s10 =	simm.s32 @!p3 $0xB  }
0xa3: {  	_ =	swait.ge @!p3 [sflag:s10], $0x78  }
0xa4: {  	[sflag:s10] =	ssyncset.done @!p3 $0x0  }
0xa5: {  	[sflag:s10] =	ssyncadd.s32 @!p3 $0xFFFFFF88;
	s10 =	simm.s32 @!p3 $0x5  }
0xa6: {  	_ =	swait.ge @!p3 [sflag:s10], $0x3C00  }
0xa7: {  	[sflag:s10] =	ssyncset.done @!p3 $0x0  }
0xa8: {  	[sflag:s10] =	ssyncadd.s32 @!p3 $0xFFFFC400  }
0xa9: {  	_ =	swait.ge @!p3 [sflag:s10], $0x78  }
0xaa: {  	s23 =	sadd.s32 @!p2 $0x2D, s23;
	[sflag:s10] =	ssyncset.done @!p3 $0x0  }
0xab: {  	[sflag:s10] =	ssyncadd.s32 @!p3 $0xFFFFFF88;
	p3 =	sne.s32 @!p2 s23, $0x9D8  }
0xac: {  	p3 =	por p2, !p3  }
.Ltmp3:
0xad: {  	_ = 	snop;
	(pc) =	sbr.rel @p3 .LBB2_14-.Ltmp3, $4  }
0xae: {  	s10 =	sadd.s32 @!p2 $0x9CCC, s13;
	s13 =	simm.s32 @!p2 $0x200  }
0xaf: {  	[tilespmem:s13], [sflag:$0x8] =	stream.linear.gather @!p2 [hbm4b:s10+s8], $0x78, $0x38;
	[tilespmem:$0x1FA00] =	vst v63  }
0xb0: {  	s29 =	sadd.s32 @!p2 $0x1, s29;
	s8 =	simm.s32 @!p2 $0x80;
	s10 =	simm.s32 @!p2 $0x3F00  }
0xb1: {  	[tilespmem:s10], [sflag:$0x2] =	stream.indirect.gather @!p2 [hbm4b:s2+s1], $0x80, s8, s1, $0xb8;
	[tilespmem:$0x1FA00] =	vst v63  }
.LBB2_2:
0xb2: {  	_ =	swait.ge [sflag:s4], $0x3C00;
	p2 =	seq.s32 s23, $0x9AB  }
0xb3: {  	[sflag:s4] =	ssyncset.done $0x0;
	s13 =	sadd.s32 @!p2 s23, s22  }
0xb4: {  	s8 =	simm.s32 @!p2 $0x0;
	[sflag:s4] =	ssyncadd.s32 $0xFFFFC400;
	s1 =	sadd.s32 @!p2 $0x2D, s13  }
0xb5: {  	[tilespmem:s8], [sflag:$0xA] =	stream.linear.gather @!p2 [hbm4b:s1+s8], $0x78, $0x38;
	[tilespmem:$0x1FA00] =	vst v63  }
.Ltmp4:
0xb6: {  	_ = 	snop;
	(pc) =	sbr.rel @p0 .LBB2_5-.Ltmp4, $4  }
0xb7: {  	_ =	swait.ge [sflag:s9], $0x78  }
0xb8: {  	[sflag:s9] =	ssyncset.done $0x0  }
0xb9: {  	[sflag:s9] =	ssyncadd.s32 $0xFFFFFF88  }
0xba: {  	[spmem:s3] =	stream.indirect.scatter.add.f32 [tilespmem:s28], [sflag:$0x4], $0x80, s25, s26, $0xb8;
	[tilespmem:$0x1FA00] =	vst v63  }
.Ltmp5:
0xbb: {  	(pc) =	sbr.rel @!p2 .LBB2_6-.Ltmp5, $4  }
.Ltmp6:
0xbc: {  	(pc) =	sbr.rel @p2 .LBB2_4-.Ltmp6, $4  }
0xbd: {  	_ = 	snop  }
0xbe: {  	_ = 	snop  }
0xbf: {  	[spmem:s5] =	stream.indirect.scatter.add.f32 [tilespmem:s11], [sflag:$0x4], $0x1, s25, s26, $0xb8;
	[tilespmem:$0x1FA00] =	vst v63  }
0xc0: {  	_ = 	snop  }
.LBB2_5:
.Ltmp7:
0xc1: {  	(pc) =	sbr.rel @p2 .LBB2_4-.Ltmp7, $1  }
0xc2: {  	_ =	sdelay $0x3  }
.LBB2_6:
0xc3: {  	p3 =	seq.s32 s23, $0x0  }
.Ltmp8:
0xc4: {  	_ = 	snop;
	(pc) =	sbr.rel @p3 .LBB2_9-.Ltmp8, $4  }
0xc5: {  	_ = 	snop  }
0xc6: {  	_ =	swait.ge [sflag:s16], $0x78  }
0xc7: {  	[sflag:s16] =	ssyncset.done $0x0  }
0xc8: {  	[sflag:s16] =	ssyncadd.s32 $0xFFFFFF88  }
.Ltmp9:
0xc9: {  	(pc) =	sbr.rel @p0 .LBB2_10-.Ltmp9, $4  }
0xca: {  	_ = 	snop  }
0xcb: {  	_ =	swait.ge [sflag:s19], $0x3C00  }
0xcc: {  	[sflag:s19] =	ssyncset.done $0x0  }
0xcd: {  	[sflag:s19] =	ssyncadd.s32 $0xFFFFC400  }
0xce: {  	_ =	swait.ge [sflag:s19], $0x78  }
0xcf: {  	[sflag:s19] =	ssyncset.done $0x0  }
0xd0: {  	[sflag:s19] =	ssyncadd.s32 $0xFFFFFF88  }
.LBB2_9:
.Ltmp10:
0xd1: {  	(pc) =	sbr.rel @p1 .LBB2_12-.Ltmp10, $4  }
.Ltmp11:
0xd2: {  	s1 =	sadd.s32 s23, s22;
	(pc) =	sbr.rel @!p1 .LBB2_11-.Ltmp11, $4  }
0xd3: {  	s1 =	sadd.s32 $0x9CAE, s1  }
0xd4: {  	[tilespmem:s17], [sflag:$0x9] =	stream.linear.gather [hbm4b:s1+s6], $0x78, $0x38;
	[tilespmem:$0x1FA00] =	vst v63  }
0xd5: {  	s1 =	smov.u32 s15  }
0xd6: {  	_ = 	snop  }
.LBB2_10:
0xd7: {  	s1 =	sadd.s32 s23, s22  }
0xd8: {  	s1 =	sadd.s32 $0x9CAE, s1  }
0xd9: {  	[tilespmem:s17], [sflag:$0x9] =	stream.linear.gather [hbm4b:s1+s6], $0x78, $0x38;
	[tilespmem:$0x1FA00] =	vst v63  }
.LBB2_11:
0xda: {  	s1 =	smov.u32 s24  }
.LBB2_12:
0xdb: {  	[tilespmem:s18], [sflag:$0x3] =	stream.indirect.gather [hbm4b:s1+s26], $0x80, s0, s26, $0xb8;
	[tilespmem:$0x1FA00] =	vst v63  }
.Ltmp12:
0xdc: {  	_ = 	snop;
	(pc) =	sbr.rel .LBB2_13-.Ltmp12, $4  }
0xdd: {  	_ =	swait.ge [sflag:s12], $0x3C00  }
0xde: {  	s1 =	sadd.s32 @!p2 $0x3C, s13;
	[sflag:s12] =	ssyncset.done $0x0  }
0xdf: {  	s8 =	simm.s32 @!p2 $0x0;
	s21 =	simm.s32 @!p2 $0x80;
	[sflag:s12] =	ssyncadd.s32 $0xFFFFC400  }
0xe0: {  	[tilespmem:s21], [sflag:$0xB] =	stream.linear.gather @!p2 [hbm4b:s1+s8], $0x78, $0x38;
	[tilespmem:$0x1FA00] =	vst v63  }
.LBB2_15:
0xe1: {  	_ =	sfence.sel $0x180000  }
0xe2: {  	[bflag:$0x0] =	sbarrier.arrive $0xFFFF  }
0xe3: {  	_ =	strace $0x9000004A  }
0xe4: {  	s0 =	stileid.u32;
	[bflag:$0x2] =	sbarrier.arrive $0xFFFF  }
0xe5: {  	p0 =	sne.s32 s0, $0x0;
	s0 =	rddreg [dreg:$0x5]  }
0xe6: {  	s0 =	sadd.s32 @!p0 $0x100000, s0  }
0xe7: {  	[sflag:s0] =	ssyncadd.tile.s32 @!p0 $0x1;
	_ =	shalt  }
.Lfunc_end2:
_tile_overlayer_lowered:
.L_overlay_start_2:
0xe8: {  	(tag) =	ssettag $0x2  }
0xe9: {  	s0 =	rddreg [dreg:$0x0];
	s2 =	stileid.u32  }
0xea: {  	s1 =	rddreg [dreg:$0x1];
	p0 =	sne.s32 s2, $0x0  }
0xeb: {  	s3 =	rddreg [dreg:$0x2];
	[bflag:$0x3] =	sbarrier.arrive $0xFFFF;
	s2 =	simm.s32 @!p0 $0x1C0D  }
0xec: {  	[timem:s3], [sflag:s2] =	dma.local @!p0 [hbm:s0], s1  }
0xed: {  	s0 =	simm.s32 @!p0 $0xD  }
0xee: {  	_ =	swait.ge @!p0 [sflag:s0], s1  }
0xef: {  	s1 =	ssub.s32 @!p0 $0x0, s1;
	[sflag:s0] =	ssyncset.done @!p0 $0x0  }
0xf0: {  	[sflag:s0] =	ssyncadd.s32 @!p0 s1  }
0xf1: {  	[bflag:$0x3] =	sbarrier.arrive $0xFFFF  }
0xf2: {  	_ =	shalt  }

// kernel: kernel.8.cloned.1.call-start
scs
__scs_entry_jumppad:
0x0: {  	(pc) =	sbr.rel $0x88, $3  }
0x1: {  	(tag) =	ssettag $0x0;
	lr =	simm.s32 $0x1  }
0x2: {  	[smem:$0x3F8C] =	sst lr;
	_ =	strace $0xD0000000  }
0x3: {  	_ = 	snop  }
0x4: {  	_ = 	snop  }
0x5: {  	_ = 	snop  }
0x6: {  	_ = 	snop  }
0x7: {  	_ = 	snop  }
__scs_overlays_trampoline_lowered:
0x8: {  	[smem:$0x3F9B] =	sst s0  }
0x9: {  	[smem:$0x3F9C] =	sst s1  }
0xa: {  	[smem:$0x3F9D] =	sst s2  }
0xb: {  	[smem:$0x3F9E] =	sst s3  }
0xc: {  	[smem:$0x3F9F] =	sst s4  }
0xd: {  	[smem:$0x3FA0] =	sst s5  }
0xe: {  	[smem:$0x3FA1] =	sst s6  }
0xf: {  	[smem:$0x3FA2] =	sst s7  }
0x10: {  	[smem:$0x3FA3] =	sst s8  }
0x11: {  	[smem:$0x3FA4] =	sst s9;
	s0 =	simm.s32 @!p0 $0x0  }
0x12: {  	s1 =	sld [smem:$0x3F8A];
	s0 =	simm.s32 @p0 $0x1  }
0x13: {  	[smem:$0x3FA5] =	sst s0;
	s0 =	simm.s32 @!p1 $0x0  }
0x14: {  	s2 =	sld [smem:$0x3F89];
	s0 =	simm.s32 @p1 $0x1  }
0x15: {  	[smem:$0x3FA6] =	sst s0;
	s0 =	simm.s32 @!p2 $0x0  }
0x16: {  	s3 =	sld [smem:$0x3FDB];
	s0 =	simm.s32 @p2 $0x1  }
0x17: {  	s4 =	simm.s32 $0x1BF5;
	[smem:$0x3FA8] =	sst s0  }
0x18: {  	s0 =	sld [smem:$0x3F8B];
	_ =	swait.ge [sflag:s4], $0x0  }
0x19: {  	s7 =	sld [smem:$0x3F8C]  }
0x1a: {  	s8 =	sadd.s32 $0xFFFFE003, lr  }
0x1b: {  	s9 =	sadd.s32 $0xFFFFFEF7, lr;
	s5 =	simm.s32 $0xFFFFFFFF;
	p2 =	slt.u32 s8, $0xFFFFF086  }
0x1c: {  	p1 =	slt.u32 s9, $0xF7A;
	s5 =	simm.s32 @!p2 $0x0  }
0x1d: {  	s5 =	simm.s32 @p1 $0x1;
	p0 =	seq.s32 s7, s2  }
0x1e: {  	s7 =	smul.u32 @!p0 $0xF7A, s2;
	p2 =	seq.s32 @!p0 s5, $0x0  }
0x1f: {  	s9 =	smul.u32 $0xF7A, s1;
	s8 =	simm.s32 @!p0 $0x1BF5;
	p2 =	por !p2, p0  }
0x20: {  	[sflag:s8] =	ssyncset.s32 @!p0 $0xFFFFF086;
	s6 =	sadd.s32 @!p0 s3, s7;
	s7 =	simm.s32 @!p0 $0x108  }
0x21: {  	s3 =	sadd.s32 s3, s9;
	s6 =	sadd.s32 @!p0 $0x88, s6;
	s7 =	simm.s32 @p2 $0x1082  }
0x22: {  	[simem:s7], [sflag:s8] =	dma.local @!p0 [hbm:s6], $0xF7A  }
0x23: {  	s9 =	sor.u32 $0xD0000000, s2;
	s6 =	simm.s32 $0x108;
	_ =	swait.ge @!p0 [sflag:s8], $0x0  }
0x24: {  	s3 =	sadd.s32 $0x88, s3;
	s6 =	simm.s32 @!p1 $0x1082;
	[sflag:s4] =	ssyncset.s32 $0xFFFFF086  }
0x25: {  	[simem:s6], [sflag:s4] =	dma.local [hbm:s3], $0xF7A  }
0x26: {  	[smem:$0x3F8C] =	sst s1;
	(tag) =	ssettag s2;
	_ =	strace s9  }
0x27: {  	s1 =	sld [smem:$0x3F9C]  }
0x28: {  	s2 =	sld [smem:$0x3F9D]  }
0x29: {  	s4 =	sld [smem:$0x3F9F]  }
0x2a: {  	p0 =	seq.s32 s5, $0x0;
	s5 =	sld [smem:$0x3FA0]  }
0x2b: {  	s6 =	sld [smem:$0x3FA1]  }
0x2c: {  	s7 =	sld [smem:$0x3FA2]  }
0x2d: {  	s3 =	simm.s32 $0x108;
	s8 =	sld [smem:$0x3FA3]  }
0x2e: {  	s3 =	simm.s32 @!p0 $0x1082;
	s9 =	sld [smem:$0x3FA4]  }
0x2f: {  	lr =	sadd.s32 s0, s3;
	s0 =	sld [smem:$0x3F9B]  }
0x30: {  	s3 =	sld [smem:$0x3F9E]  }
0x31: {  	[smem:$0x3FA7] =	sst s10  }
0x32: {  	s10 =	sld [smem:$0x3FA5];
	_ =	sdelay $0x3  }
0x33: {  	p0 =	seq.s32 s10, $0x1;
	s10 =	sld [smem:$0x3FA7];
	_ =	sdelay $0x3  }
0x34: {  	[smem:$0x3FA7] =	sst s10  }
0x35: {  	s10 =	sld [smem:$0x3FA6];
	_ =	sdelay $0x3  }
0x36: {  	p1 =	seq.s32 s10, $0x1;
	s10 =	sld [smem:$0x3FA7];
	_ =	sdelay $0x3  }
0x37: {  	[smem:$0x3FA7] =	sst s10  }
0x38: {  	s10 =	sld [smem:$0x3FA8]  }
0x39: {  	_ = 	snop;
	(pc) =	sbr.ind lr, $3  }
0x3a: {  	_ = 	snop  }
0x3b: {  	_ = 	snop  }
0x3c: {  	p2 =	seq.s32 s10, $0x1;
	s10 =	sld [smem:$0x3FA7]  }
0x3d: {  	_ =	shalt  }
0x3e: {  	_ =	shalt  }
0x3f: {  	_ =	shalt  }
0x40: {  	_ =	shalt  }
0x41: {  	_ =	shalt  }
0x42: {  	_ =	shalt  }
0x43: {  	_ =	shalt  }
0x44: {  	_ =	shalt  }
0x45: {  	_ =	shalt  }
0x46: {  	_ =	shalt  }
0x47: {  	_ =	shalt  }
0x48: {  	_ =	shalt  }
0x49: {  	_ =	shalt  }
0x4a: {  	_ =	shalt  }
0x4b: {  	_ =	shalt  }
0x4c: {  	_ =	shalt  }
0x4d: {  	_ =	shalt  }
0x4e: {  	_ =	shalt  }
0x4f: {  	_ =	shalt  }
0x50: {  	_ =	shalt  }
0x51: {  	_ =	shalt  }
0x52: {  	_ =	shalt  }
0x53: {  	_ =	shalt  }
0x54: {  	_ =	shalt  }
0x55: {  	_ =	shalt  }
0x56: {  	_ =	shalt  }
0x57: {  	_ =	shalt  }
0x58: {  	_ =	shalt  }
0x59: {  	_ =	shalt  }
0x5a: {  	_ =	shalt  }
0x5b: {  	_ =	shalt  }
0x5c: {  	_ =	shalt  }
0x5d: {  	_ =	shalt  }
0x5e: {  	_ =	shalt  }
0x5f: {  	_ =	shalt  }
0x60: {  	_ =	shalt  }
0x61: {  	_ =	shalt  }
0x62: {  	_ =	shalt  }
0x63: {  	_ =	shalt  }
0x64: {  	_ =	shalt  }
0x65: {  	_ =	shalt  }
0x66: {  	_ =	shalt  }
0x67: {  	_ =	shalt  }
0x68: {  	_ =	shalt  }
0x69: {  	_ =	shalt  }
0x6a: {  	_ =	shalt  }
0x6b: {  	_ =	shalt  }
0x6c: {  	_ =	shalt  }
0x6d: {  	_ =	shalt  }
0x6e: {  	_ =	shalt  }
0x6f: {  	_ =	shalt  }
0x70: {  	_ =	shalt  }
0x71: {  	_ =	shalt  }
0x72: {  	_ =	shalt  }
0x73: {  	_ =	shalt  }
0x74: {  	_ =	shalt  }
0x75: {  	_ =	shalt  }
0x76: {  	_ =	shalt  }
0x77: {  	_ =	shalt  }
0x78: {  	_ =	shalt  }
0x79: {  	_ =	shalt  }
0x7a: {  	_ =	shalt  }
0x7b: {  	_ =	shalt  }
0x7c: {  	_ =	shalt  }
0x7d: {  	_ =	shalt  }
0x7e: {  	_ =	shalt  }
0x7f: {  	_ =	shalt  }
0x80: {  	_ =	shalt  }
0x81: {  	_ =	shalt  }
0x82: {  	_ =	shalt  }
0x83: {  	_ =	shalt  }
0x84: {  	_ =	shalt  }
0x85: {  	_ =	shalt  }
0x86: {  	_ =	shalt  }
0x87: {  	_ =	shalt  }
.Lfunc_end0:
.L_simem_size_0:
called_computation_lowered:
.L_overlay_start_0:
0x88: {  	s2 =	sld [smem:$0x3FD9]  }
0x89: {  	s3 =	sld [smem:$0x3FFE];
	_ =	sdelay $0x1  }
0x8a: {  	s1 =	srdreg.scid  }
0x8b: {  	s0 =	sand.u32 $0x1, s1  }
0x8c: {  	s16 =	sshll.u32 s0, $0xA;
	s2 =	sadd.s32 s3, s2  }
0x8d: {  	s2 =	sadd.s32 s2, s16  }
0x8e: {  	[smem:$0x3FB3] =	sst s2  }
0x8f: {  	_ = 	snop  }
0x90: {  	(tm) =	ssettm $0x1  }
0x91: {  	s17 =	sld [smem:$0x3FFB];
	_ =	sdelay $0x3  }
0x92: {  	_ =	strace s17  }
0x93: {  	s2 =	sld [smem:$0x3FFC];
	_ =	sdelay $0x3  }
0x94: {  	_ =	strace s2  }
0x95: {  	s2 =	sld [smem:$0x3FFD];
	_ =	sdelay $0x3  }
0x96: {  	_ =	strace s2  }
0x97: {  	_ =	strace $0x8FFFFFFF  }
0x98: {  	s18 =	sld [smem:$0x3FDB];
	_ =	sdelay $0x1  }
0x99: {  	s19 =	simm.s32 $_scs_section_size  }
0x9a: {  	s4 =	simm.s32 $_size__tile_overlayer_lowered;
	s5 =	simm.s32 $_tile_overlayer_lowered  }
0x9b: {  	s22 =	simm.s32 $0x1BFF;
	s21 =	sshll.u32 s5, $0x1;
	s2 =	sadd.s32 s19, s18  }
0x9c: {  	s6 =	simm.s32 $0x0;
	s20 =	sshll.u32 s4, $0x1;
	s4 =	sadd.s32 s21, s2  }
0x9d: {  	[timem:s6], [sflag:s22] =	dma.local [hbm:s4], s20  }
0x9e: {  	_ =	swait.ge [sflag:s22], s20  }
0x9f: {  	s3 =	ssub.s32 $0x0, s20;
	[sflag:s22] =	ssyncset.done $0x0  }
0xa0: {  	[sflag:s22] =	ssyncadd.s32 s3;
	_ =	sdelay $0x1  }
0xa1: {  	s23 =	simm.s32 $0x1B8B  }
0xa2: {  	_ =	swait.ge [sflag:s23], $0x1  }
0xa3: {  	[sflag:s23] =	ssyncset.done $0x0  }
0xa4: {  	s25 =	simm.s32 $0x1B8E;
	s24 =	sld [smem:$0x3FFE];
	[sflag:s23] =	ssyncadd.s32 $0xFFFFFFFF  }
0xa5: {  	s26 =	simm.s32 $execute0_lowered;
	[smem:$0x3FD2] =	sst s25  }
0xa6: {  	s4 =	sshll.u32 s26, $0x1;
	_ =	strace $0x80000046;
	[dreg:$0x1] =	wrdreg $0xFFFFFFFF  }
0xa7: {  	s28 =	simm.s32 $_size_execute0_lowered;
	s2 =	sadd.s32 s2, s4;
	[dreg:$0x0] =	wrdreg $0x0  }
0xa8: {  	s4 =	sshll.u32 s28, $0x1;
	[dreg:$0x2] =	wrdreg s2  }
0xa9: {  	[dreg:$0x3] =	wrdreg s4  }
0xaa: {  	[dreg:$0x4] =	wrdreg $0xC0  }
0xab: {  	_ =	task [dreg:s6], $0x5FFFF  }
0xac: {  	[dreg:$0x1] =	wrdreg $0xFFFFFFFF  }
0xad: {  	[dreg:$0x0] =	wrdreg $0x60  }
0xae: {  	[dreg:$0x2] =	wrdreg s24  }
0xaf: {  	[dreg:$0x3] =	wrdreg $0xB7800  }
0xb0: {  	[dreg:$0x4] =	wrdreg $0x1F7800  }
0xb1: {  	[dreg:$0x5] =	wrdreg $0x9  }
0xb2: {  	_ =	task.clear_ibuf [dreg:s6], $0x6FFFF;
	_ =	strace $0x90000046  }
0xb3: {  	s29 =	simm.s32 $0x9;
	_ =	strace $0x80000048  }
0xb4: {  	_ =	swait.ge [sflag:s29], $0x1  }
0xb5: {  	[sflag:s29] =	ssyncadd.s32 $0xFFFFFFFF  }
0xb6: {  	_ =	strace $0x90000048  }
0xb7: {  	_ =	sfence  }
0xb8: {  	s30 =	sld [smem:$0x0];
	_ =	sdelay $0x2  }
0xb9: {  	s31 =	sshll.u32 s1, $0xD;
	s1 =	sshrl.u32 s1, $0x2  }
0xba: {  	s3 =	sand.u32 $0x4000, s31;
	s1 =	sadd.s32 s1, s30  }
0xbb: {  	s0 =	sor.u32 s3, s0;
	s1 =	sshll.u32 s1, $0x11  }
0xbc: {  	s0 =	sor.u32 s1, s0  }
0xbd: {  	s0 =	sadd.s32 $0x8F2B, s0  }
0xbe: {  	[sflag:s0] =	ssyncadd.remote.s32 $0x1  }
0xbf: {  	_ =	sfence.sel $0xFFFF  }
0xc0: {  	[dreg:$0x0] =	wrdreg $0xFFFFFFFF;
	(pc) =	sbr.abs _section_cstart, $3  }
0xc1: {  	[dreg:$0x1] =	wrdreg $0xFFFFFFFF  }
0xc2: {  	_ =	task.clear_ibuf [dreg:s6], $0x2FFFF;
	_ =	strace $0x9FFFFFFF  }
0xc3: {  	(tm) =	ssettm $0x7FFFFFFF  }
tec
execute0_lowered:
.L_overlay_start_1:
0x0: {  	(tag) =	ssettag $0x1  }
0x1: {  	s0 =	rddreg [dreg:$0x0]  }
0x2: {  	s1 =	rddreg [dreg:$0x1]  }
0x3: {  	s2 =	rddreg [dreg:$0x2];
	s4 =	simm.s32 $0x0;
	s6 =	stileid.u32  }
0x4: {  	s5 =	srdreg.scid;
	s28 =	simm.s32 $0x300;
	s3 =	smul.u32 $0x2800, s6  }
0x5: {  	s30 =	simm.s32 $0x200;
	s31 =	simm.s32 $0x3F00;
	s9 =	smul.u32 $0x280, s6  }
0x6: {  	[smem:$0x7FF] =	sst s4;
	s15 =	sadd.s32 $0x132000, s0;
	s10 =	smul.u32 $0x50000, s6  }
0x7: {  	s24 =	sadd.s32 $0x10A000, s0;
	s7 =	sand.u32 $0x1, s5;
	s29 =	smul.u32 $0x4E48, s6  }
0x8: {  	s5 =	sadd.s32 $0x6600, s0;
	s26 =	sshll.u32 s6, $0x6;
	s23 =	smul.u32 $0x9C9, s6  }
0x9: {  	_ =	strace $0x80000047;
	s8 =	ssub.s32 $0x2, s7;
	p0 =	sne.s32 s7, $0x0  }
0xa: {  	p1 =	seq.s32 s7, $0x0;
	s3 =	sadd.s32 s3, s0;
	s11 =	sshrl.u32 s9, $0x3  }
0xb: {  	s12 =	sshrl.u32 s8, $0x1;
	s25 =	sshrl.u32 s10, $0x2;
	s10 =	sor.u32 $0x1C0D, s26  }
0xc: {  	s9 =	sadd.s32 s9, s2;
	s16 =	sshrl.u32 s29, $0x3;
	s17 =	sadd.s32 $0x78, s29  }
0xd: {  	s0 =	sadd.s32 s11, s0;
	s11 =	ssub.s32 s8, s12;
	s8 =	sadd.s32 s25, s1  }
0xe: {  	s13 =	sadd.s32 $0x15A600, s3;
	[dreg:$0x7] =	wrdreg s9;
	s18 =	sshrl.u32 s17, $0x3  }
0xf: {  	s12 =	sadd.s32 $0x4E4F8, s29;
	s22 =	sadd.s32 $0x1AAC00, s3;
	[dreg:$0x6] =	wrdreg s10  }
0x10: {  	s3 =	sadd.s32 $0x182C00, s3;
	s17 =	simm.s32 $0x280;
	[dreg:$0x5] =	wrdreg s13  }
0x11: {  	s14 =	sadd.s32 $0x15A000, s0;
	s9 =	sadd.s32 s5, s18;
	[dreg:$0xd] =	wrdreg s22  }
0x12: {  	s20 =	sshrl.u32 s12, $0x3;
	[dreg:$0xf] =	wrdreg s3;
	s0 =	sadd.s32 $0x182600, s0  }
0x13: {  	s26 =	smax.u32 s11, $0x1;
	s22 =	sadd.s32 s23, s5;
	[dreg:$0x4] =	wrdreg s8  }
0x14: {  	s29 =	sshrl.u32 s8, $0x3;
	s3 =	simm.s32 $0x1;
	[dreg:$0x8] =	wrdreg s14  }
0x15: {  	s11 =	simm.s32 $0xB700;
	s12 =	simm.s32 $0x2;
	[dreg:$0xb] =	wrdreg s9  }
0x16: {  	s18 =	simm.s32 $0x7B00;
	s8 =	simm.s32 $0x0;
	[dreg:$0x10] =	wrdreg s0  }
0x17: {  	s14 =	sadd.s32 s5, s16;
	s25 =	sadd.s32 s5, s20;
	[dreg:$0x11] =	wrdreg s26  }
.Ltmp0:
0x18: {  	[dreg:$0x12] =	wrdreg s29;
	s26 =	simm.s32 $0x78;
	(pc) =	sbr.rel .LBB2_1-.Ltmp0, $4  }
0x19: {  	s0 =	simm.s32 $0x100;
	s9 =	simm.s32 $0x7;
	[dreg:$0x9] =	wrdreg s14  }
0x1a: {  	s16 =	simm.s32 $0xC;
	s19 =	sadd.s32 $0x9C90, s14;
	[dreg:$0xe] =	wrdreg s25  }
0x1b: {  	s21 =	sadd.s32 $0x1E, s14;
	s25 =	simm.s32 $0x180;
	[dreg:$0xa] =	wrdreg s19  }
0x1c: {  	v0 =	vimm.f32 $1.000000000e+00;
	s14 =	simm.s32 $0x8;
	[dreg:$0xc] =	wrdreg s21;
	s19 =	simm.s32 $0x6  }
.LBB2_14:
0x1d: {  	s5 =	simm.s32 $0x4  }
0x1e: {  	_ =	swait.ge [sflag:s5], $0x3C00  }
0x1f: {  	[sflag:s5] =	ssyncset.done $0x0  }
0x20: {  	[sflag:s5] =	ssyncadd.s32 $0xFFFFC400;
	s5 =	simm.s32 @p0 $0x5  }
0x21: {  	_ =	swait.ge @p0 [sflag:s5], $0x3C00  }
0x22: {  	[sflag:s5] =	ssyncset.done @p0 $0x0  }
0x23: {  	[sflag:s5] =	ssyncadd.s32 @p0 $0xFFFFC400;
	s5 =	simm.s32 @p0 $0x6  }
0x24: {  	_ =	swait.ge @p0 [sflag:s5], $0x3C00  }
0x25: {  	[sflag:s5] =	ssyncset.done @p0 $0x0  }
0x26: {  	[sflag:s5] =	ssyncadd.s32 @p0 $0xFFFFC400  }
0x27: {  	[bflag:$0x0] =	sbarrier.arrive @p0 $0xFFFF  }
0x28: {  	s6 =	rddreg [dreg:$0x4]  }
0x29: {  	s10 =	rddreg [dreg:$0x6]  }
0x2a: {  	s8 =	rddreg [dreg:$0xd];
	s5 =	sshrl.u32 @p0 s6, $0x3  }
0x2b: {  	[hbm:s8], [sflag:s10] =	dma.local @p0 [spmem:s5], $0x2800  }
0x2c: {  	s5 =	simm.s32 @p0 $0xD  }
0x2d: {  	_ =	swait.ge @p0 [sflag:s5], $0x2800  }
0x2e: {  	[sflag:s5] =	ssyncset.done @p0 $0x0  }
0x2f: {  	[sflag:s5] =	ssyncadd.s32 @p0 $0xFFFFD800;
	s5 =	simm.s32 @!p0 $0x4  }
0x30: {  	_ =	swait.ge @!p0 [sflag:s5], $0x78  }
0x31: {  	[sflag:s5] =	ssyncset.done @!p0 $0x0  }
0x32: {  	[sflag:s5] =	ssyncadd.s32 @!p0 $0xFFFFFF88;
	s5 =	simm.s32 @!p0 $0x5  }
0x33: {  	_ =	swait.ge @!p0 [sflag:s5], $0x3C00  }
0x34: {  	[sflag:s5] =	ssyncset.done @!p0 $0x0  }
0x35: {  	[sflag:s5] =	ssyncadd.s32 @!p0 $0xFFFFC400  }
0x36: {  	_ =	swait.ge @!p0 [sflag:s5], $0x78  }
0x37: {  	[sflag:s5] =	ssyncset.done @!p0 $0x0  }
0x38: {  	[sflag:s5] =	ssyncadd.s32 @!p0 $0xFFFFFF88;
	s5 =	simm.s32 @!p0 $0x6  }
0x39: {  	_ =	swait.ge @!p0 [sflag:s5], $0x3C00  }
0x3a: {  	[sflag:s5] =	ssyncset.done @!p0 $0x0  }
0x3b: {  	[sflag:s5] =	ssyncadd.s32 @!p0 $0xFFFFC400  }
0x3c: {  	_ =	swait.ge @!p0 [sflag:s5], $0x78  }
0x3d: {  	[sflag:s5] =	ssyncset.done @!p0 $0x0  }
0x3e: {  	[sflag:s5] =	ssyncadd.s32 @!p0 $0xFFFFFF88  }
0x3f: {  	[bflag:$0x0] =	sbarrier.arrive @!p0 $0xFFFF  }
0x40: {  	s5 =	sshrl.u32 @!p0 s6, $0x3;
	s6 =	rddreg [dreg:$0xf]  }
0x41: {  	[hbm:s6], [sflag:s10] =	dma.local @!p0 [spmem:s5], $0x2800  }
0x42: {  	s5 =	simm.s32 @!p0 $0xD  }
0x43: {  	_ =	swait.ge @!p0 [sflag:s5], $0x2800  }
0x44: {  	[sflag:s5] =	ssyncset.done @!p0 $0x0;
	s6 =	rddreg [dreg:$0x10]  }
0x45: {  	s8 =	rddreg [dreg:$0x14];
	[sflag:s5] =	ssyncadd.s32 @!p0 $0xFFFFD800  }
0x46: {  	[hbm:s6], [sflag:s10] =	dma.local @!p0 [spmem:s8], $0x50  }
0x47: {  	_ =	swait.ge @!p0 [sflag:s5], $0x50  }
0x48: {  	s23 =	rddreg [dreg:$0x13]  }
0x49: {  	s29 =	rddreg [dreg:$0x11];
	s8 =	sadd.s32 $0x1, s23  }
0x4a: {  	p2 =	sne.s32 s8, s29  }
.Ltmp1:
0x4b: {  	_ = 	snop;
	(pc) =	sbr.rel @!p2 .LBB2_15-.Ltmp1, $3  }
0x4c: {  	_ =	sdelay $0x1  }
0x4d: {  	[sflag:s5] =	ssyncset.done @!p0 $0x0  }
0x4e: {  	[sflag:s5] =	ssyncadd.s32 @!p0 $0xFFFFFFB0  }
.LBB2_1:
0x4f: {  	[dreg:$0x13] =	wrdreg s8  }
0x50: {  	s5 =	rddreg [dreg:$0x5]  }
0x51: {  	s6 =	rddreg [dreg:$0x12];
	s23 =	simm.s32 $0xD  }
0x52: {  	[spmem:s6], [sflag:s10] =	dma.local [hbm:s5], $0x2800  }
0x53: {  	_ =	swait.ge [sflag:s23], $0x2800  }
0x54: {  	s5 =	rddreg [dreg:$0x7]  }
0x55: {  	[sflag:s23] =	ssyncset.done $0x0;
	s6 =	sshrl.u32 @!p0 s5, $0x3;
	s5 =	rddreg [dreg:$0x8]  }
0x56: {  	[sflag:s23] =	ssyncadd.s32 $0xFFFFD800;
	[dreg:$0x14] =	wrdreg s6  }
0x57: {  	[spmem:s6], [sflag:s10] =	dma.local @!p0 [hbm:s5], $0x50  }
0x58: {  	s5 =	simm.s32 @!p0 $0xD  }
0x59: {  	_ =	swait.ge @!p0 [sflag:s5], $0x50  }
0x5a: {  	[sflag:s5] =	ssyncset.done @!p0 $0x0  }
0x5b: {  	[sflag:s5] =	ssyncadd.s32 @!p0 $0xFFFFFFB0  }
0x5c: {  	[tilespmem:$0xB700] =	vst v0  }
0x5d: {  	[tilespmem:$0xB710] =	vst v0  }
0x5e: {  	[tilespmem:$0xB720] =	vst v0  }
0x5f: {  	[tilespmem:$0xB730] =	vst v0  }
0x60: {  	[tilespmem:$0xB740] =	vst v0  }
0x61: {  	[tilespmem:$0xB750] =	vst v0  }
0x62: {  	[tilespmem:$0xB760] =	vst v0  }
0x63: {  	[tilespmem:$0xB770] =	vst v0  }
0x64: {  	[bflag:$0x0] =	sbarrier.arrive $0xFFFF  }
0x65: {  	s6 =	rddreg [dreg:$0x9]  }
0x66: {  	[tilespmem:s4], [sflag:$0xD] =	stream.linear.gather [hbm4b:s6+s4], $0x78, $0x38;
	[tilespmem:$0x1FA00] =	vst v63  }
0x67: {  	_ =	swait.ge [sflag:s23], $0x78  }
0x68: {  	[sflag:s23] =	ssyncset.done $0x0  }
0x69: {  	s5 =	smov.u32 s15;
	s10 =	rddreg [dreg:$0xa];
	[sflag:s23] =	ssyncadd.s32 $0xFFFFFF88  }
0x6a: {  	[tilespmem:s25], [sflag:$0x7] =	stream.linear.gather [hbm4b:s10+s4], $0x78, $0x38;
	[tilespmem:$0x1FA00] =	vst v63  }
0x6b: {  	s5 =	smov.u32 @p0 s24  }
0x6c: {  	[tilespmem:s28], [sflag:$0x1] =	stream.indirect.gather [hbm4b:s5+s26], $0x80, s4, s26, $0xb8;
	[tilespmem:$0x1FA00] =	vst v63  }
0x6d: {  	s20 =	simm.s32 $0x80;
	s13 =	rddreg [dreg:$0xb]  }
0x6e: {  	[tilespmem:s20], [sflag:$0xD] =	stream.linear.gather [hbm4b:s13+s4], $0x78, $0x38;
	[tilespmem:$0x1FA00] =	vst v63  }
0x6f: {  	_ =	swait.ge [sflag:s23], $0x78  }
0x70: {  	[sflag:s23] =	ssyncset.done $0x0  }
0x71: {  	s21 =	rddreg [dreg:$0xe];
	[sflag:s23] =	ssyncadd.s32 $0xFFFFFF88  }
0x72: {  	[tilespmem:s30], [sflag:$0x8] =	stream.linear.gather [hbm4b:s21+s4], $0x78, $0x38;
	[tilespmem:$0x1FA00] =	vst v63  }
.Ltmp2:
0x73: {  	_ = 	snop;
	(pc) =	sbr.rel .LBB2_2-.Ltmp2, $4  }
0x74: {  	[tilespmem:s31], [sflag:$0x2] =	stream.indirect.gather [hbm4b:s5+s26], $0x80, s20, s26, $0xb8;
	[tilespmem:$0x1FA00] =	vst v63  }
0x75: {  	s23 =	rddreg [dreg:$0xc]  }
0x76: {  	[tilespmem:s0], [sflag:$0xC] =	stream.linear.gather [hbm4b:s23+s4], $0x78, $0x38;
	[tilespmem:$0x1FA00] =	vst v63  }
0x77: {  	s29 =	simm.s32 $0x0;
	s23 =	simm.s32 $0x0  }
.LBB2_4:
0x78: {  	_ =	swait.ge [sflag:s12], $0x3C00  }
0x79: {  	[sflag:s12] =	ssyncset.done $0x0  }
0x7a: {  	[sflag:s12] =	ssyncadd.s32 $0xFFFFC400  }
.LBB2_13:
0x7b: {  	_ =	swait.ge [sflag:s14], $0x78  }
0x7c: {  	[sflag:s14] =	ssyncset.done $0x0  }
0x7d: {  	[sflag:s14] =	ssyncadd.s32 $0xFFFFFF88  }
0x7e: {  	[spmem:s1] =	stream.indirect.scatter.add.f32 [tilespmem:s31], [sflag:$0x5], $0x80, s30, s26, $0xb8;
	[tilespmem:$0x1FA00] =	vst v63  }
0x7f: {  	s5 =	simm.s32 @!p0 $0x78;
	s8 =	simm.s32 @!p0 $0x200;
	s21 =	simm.s32 @!p0 $0xB700  }
0x80: {  	[spmem:s2] =	stream.indirect.scatter.add.f32 @!p0 [tilespmem:s21], [sflag:$0x5], $0x1, s8, s5, $0xb8;
	[tilespmem:$0x1FA00] =	vst v63  }
0x81: {  	s5 =	simm.s32 @!p2 $0xA  }
0x82: {  	_ =	swait.ge @!p2 [sflag:s5], $0x78  }
0x83: {  	[sflag:s5] =	ssyncset.done @!p2 $0x0  }
0x84: {  	[sflag:s5] =	ssyncadd.s32 @!p2 $0xFFFFFF88;
	s5 =	simm.s32 @!p2 $0x4  }
0x85: {  	p4 =	sne.s32 @!p2 s7, $0x0;
	_ =	swait.ge @!p2 [sflag:s5], $0x3C00  }
0x86: {  	p3 =	por p4, p2;
	[sflag:s5] =	ssyncset.done @!p2 $0x0  }
0x87: {  	[sflag:s5] =	ssyncadd.s32 @!p2 $0xFFFFC400;
	s5 =	simm.s32 @!p3 $0x4  }
0x88: {  	s6 =	smov.u32 s24;
	_ =	swait.ge @!p3 [sflag:s5], $0x78  }
0x89: {  	p4 =	por !p4, p2;
	s8 =	simm.s32 @!p2 $0x0;
	[sflag:s5] =	ssyncset.done @!p3 $0x0  }
0x8a: {  	s21 =	simm.s32 @!p2 $0x180;
	[sflag:s5] =	ssyncadd.s32 @!p3 $0xFFFFFF88;
	s5 =	sadd.s32 @!p2 $0x9CBD, s13  }
0x8b: {  	[tilespmem:s21], [sflag:$0x7] =	stream.linear.gather @!p2 [hbm4b:s5+s8], $0x78, $0x38;
	[tilespmem:$0x1FA00] =	vst v63  }
0x8c: {  	s6 =	smov.u32 @p4 s15;
	s5 =	simm.s32 @!p2 $0x78;
	s21 =	simm.s32 @!p2 $0x300  }
0x8d: {  	[tilespmem:s21], [sflag:$0x1] =	stream.indirect.gather @!p2 [hbm4b:s6+s5], $0x80, s8, s5, $0xb8;
	[tilespmem:$0x1FA00] =	vst v63  }
0x8e: {  	s21 =	simm.s32 @!p2 $0x3  }
0x8f: {  	p5 =	sgt.u32 @!p2 s29, $0x35;
	_ =	swait.ge @!p2 [sflag:s21], $0x3C00  }
0x90: {  	p5 =	por p5, p2;
	[sflag:s21] =	ssyncset.done @!p2 $0x0  }
0x91: {  	[sflag:s21] =	ssyncadd.s32 @!p2 $0xFFFFC400;
	s21 =	sadd.s32 @!p5 s23, s22  }
0x92: {  	s10 =	simm.s32 @!p5 $0x0;
	s20 =	simm.s32 @!p5 $0x100;
	s21 =	sadd.s32 @!p5 $0x4B, s21  }
0x93: {  	[tilespmem:s20], [sflag:$0xC] =	stream.linear.gather @!p5 [hbm4b:s21+s10], $0x78, $0x38;
	[tilespmem:$0x1FA00] =	vst v63  }
0x94: {  	s10 =	simm.s32 @!p2 $0x9  }
0x95: {  	_ =	swait.ge @!p2 [sflag:s10], $0x78  }
0x96: {  	[sflag:s10] =	ssyncset.done @!p2 $0x0  }
0x97: {  	s20 =	simm.s32 @!p2 $0x7B00;
	[sflag:s10] =	ssyncadd.s32 @!p2 $0xFFFFFF88;
	s10 =	simm.s32 @!p2 $0x280  }
0x98: {  	[spmem:s1] =	stream.indirect.scatter.add.f32 @!p2 [tilespmem:s20], [sflag:$0x6], $0x80, s10, s5, $0xb8;
	[tilespmem:$0x1FA00] =	vst v63  }
0x99: {  	s10 =	simm.s32 @!p4 $0xB  }
0x9a: {  	_ =	swait.ge @!p4 [sflag:s10], $0x78  }
0x9b: {  	[sflag:s10] =	ssyncset.done @!p4 $0x0  }
0x9c: {  	[sflag:s10] =	ssyncadd.s32 @!p4 $0xFFFFFF88;
	s10 =	simm.s32 @!p4 $0x5  }
0x9d: {  	_ =	swait.ge @!p4 [sflag:s10], $0x3C00  }
0x9e: {  	s21 =	simm.s32 @!p3 $0xB700;
	[sflag:s10] =	ssyncset.done @!p4 $0x0  }
0x9f: {  	s20 =	simm.s32 @!p3 $0x280;
	[sflag:s10] =	ssyncadd.s32 @!p4 $0xFFFFC400;
	s10 =	simm.s32 @!p3 $0x78  }
0xa0: {  	[spmem:s2] =	stream.indirect.scatter.add.f32 @!p3 [tilespmem:s21], [sflag:$0x6], $0x1, s20, s10, $0xb8;
	[tilespmem:$0x1FA00] =	vst v63  }
0xa1: {  	s10 =	simm.s32 @!p3 $0xB  }
0xa2: {  	_ =	swait.ge @!p3 [sflag:s10], $0x78  }
0xa3: {  	[sflag:s10] =	ssyncset.done @!p3 $0x0  }
0xa4: {  	[sflag:s10] =	ssyncadd.s32 @!p3 $0xFFFFFF88;
	s10 =	simm.s32 @!p3 $0x5  }
0xa5: {  	_ =	swait.ge @!p3 [sflag:s10], $0x3C00  }
0xa6: {  	[sflag:s10] =	ssyncset.done @!p3 $0x0  }
0xa7: {  	[sflag:s10] =	ssyncadd.s32 @!p3 $0xFFFFC400  }
0xa8: {  	_ =	swait.ge @!p3 [sflag:s10], $0x78  }
0xa9: {  	s23 =	sadd.s32 @!p2 $0x2D, s23;
	[sflag:s10] =	ssyncset.done @!p3 $0x0  }
0xaa: {  	[sflag:s10] =	ssyncadd.s32 @!p3 $0xFFFFFF88;
	p3 =	sne.s32 @!p2 s23, $0x9D8  }
0xab: {  	p3 =	por p2, !p3  }
.Ltmp3:
0xac: {  	_ = 	snop;
	(pc) =	sbr.rel @p3 .LBB2_14-.Ltmp3, $4  }
0xad: {  	s10 =	sadd.s32 @!p2 $0x9CCC, s13;
	s13 =	simm.s32 @!p2 $0x200  }
0xae: {  	[tilespmem:s13], [sflag:$0x8] =	stream.linear.gather @!p2 [hbm4b:s10+s8], $0x78, $0x38;
	[tilespmem:$0x1FA00] =	vst v63  }
0xaf: {  	s29 =	sadd.s32 @!p2 $0x1, s29;
	s8 =	simm.s32 @!p2 $0x80;
	s10 =	simm.s32 @!p2 $0x3F00  }
0xb0: {  	[tilespmem:s10], [sflag:$0x2] =	stream.indirect.gather @!p2 [hbm4b:s6+s5], $0x80, s8, s5, $0xb8;
	[tilespmem:$0x1FA00] =	vst v63  }
.LBB2_2:
0xb1: {  	_ =	swait.ge [sflag:s3], $0x3C00;
	p2 =	seq.s32 s23, $0x9AB  }
0xb2: {  	[sflag:s3] =	ssyncset.done $0x0;
	s13 =	sadd.s32 @!p2 s23, s22  }
0xb3: {  	s8 =	simm.s32 @!p2 $0x0;
	[sflag:s3] =	ssyncadd.s32 $0xFFFFC400;
	s5 =	sadd.s32 @!p2 $0x2D, s13  }
0xb4: {  	[tilespmem:s8], [sflag:$0xA] =	stream.linear.gather @!p2 [hbm4b:s5+s8], $0x78, $0x38;
	[tilespmem:$0x1FA00] =	vst v63  }
.Ltmp4:
0xb5: {  	_ = 	snop;
	(pc) =	sbr.rel @p0 .LBB2_5-.Ltmp4, $4  }
0xb6: {  	_ =	swait.ge [sflag:s9], $0x78  }
0xb7: {  	[sflag:s9] =	ssyncset.done $0x0  }
0xb8: {  	[sflag:s9] =	ssyncadd.s32 $0xFFFFFF88  }
0xb9: {  	[spmem:s1] =	stream.indirect.scatter.add.f32 [tilespmem:s28], [sflag:$0x4], $0x80, s25, s26, $0xb8;
	[tilespmem:$0x1FA00] =	vst v63  }
.Ltmp5:
0xba: {  	(pc) =	sbr.rel @!p2 .LBB2_6-.Ltmp5, $4  }
.Ltmp6:
0xbb: {  	(pc) =	sbr.rel @p2 .LBB2_4-.Ltmp6, $4  }
0xbc: {  	_ = 	snop  }
0xbd: {  	_ = 	snop  }
0xbe: {  	[spmem:s2] =	stream.indirect.scatter.add.f32 [tilespmem:s11], [sflag:$0x4], $0x1, s25, s26, $0xb8;
	[tilespmem:$0x1FA00] =	vst v63  }
0xbf: {  	_ = 	snop  }
.LBB2_5:
.Ltmp7:
0xc0: {  	(pc) =	sbr.rel @p2 .LBB2_4-.Ltmp7, $1  }
0xc1: {  	_ =	sdelay $0x3  }
.LBB2_6:
0xc2: {  	p3 =	seq.s32 s23, $0x0  }
.Ltmp8:
0xc3: {  	_ = 	snop;
	(pc) =	sbr.rel @p3 .LBB2_9-.Ltmp8, $4  }
0xc4: {  	_ = 	snop  }
0xc5: {  	_ =	swait.ge [sflag:s16], $0x78  }
0xc6: {  	[sflag:s16] =	ssyncset.done $0x0  }
0xc7: {  	[sflag:s16] =	ssyncadd.s32 $0xFFFFFF88  }
.Ltmp9:
0xc8: {  	(pc) =	sbr.rel @p0 .LBB2_10-.Ltmp9, $4  }
0xc9: {  	_ = 	snop  }
0xca: {  	_ =	swait.ge [sflag:s19], $0x3C00  }
0xcb: {  	[sflag:s19] =	ssyncset.done $0x0  }
0xcc: {  	[sflag:s19] =	ssyncadd.s32 $0xFFFFC400  }
0xcd: {  	_ =	swait.ge [sflag:s19], $0x78  }
0xce: {  	[sflag:s19] =	ssyncset.done $0x0  }
0xcf: {  	[sflag:s19] =	ssyncadd.s32 $0xFFFFFF88  }
.LBB2_9:
.Ltmp10:
0xd0: {  	(pc) =	sbr.rel @p1 .LBB2_12-.Ltmp10, $4  }
.Ltmp11:
0xd1: {  	s5 =	sadd.s32 s23, s22;
	(pc) =	sbr.rel @!p1 .LBB2_11-.Ltmp11, $4  }
0xd2: {  	s5 =	sadd.s32 $0x9CAE, s5  }
0xd3: {  	[tilespmem:s17], [sflag:$0x9] =	stream.linear.gather [hbm4b:s5+s4], $0x78, $0x38;
	[tilespmem:$0x1FA00] =	vst v63  }
0xd4: {  	s5 =	smov.u32 s15  }
0xd5: {  	_ = 	snop  }
.LBB2_10:
0xd6: {  	s5 =	sadd.s32 s23, s22  }
0xd7: {  	s5 =	sadd.s32 $0x9CAE, s5  }
0xd8: {  	[tilespmem:s17], [sflag:$0x9] =	stream.linear.gather [hbm4b:s5+s4], $0x78, $0x38;
	[tilespmem:$0x1FA00] =	vst v63  }
.LBB2_11:
0xd9: {  	s5 =	smov.u32 s24  }
.LBB2_12:
0xda: {  	[tilespmem:s18], [sflag:$0x3] =	stream.indirect.gather [hbm4b:s5+s26], $0x80, s0, s26, $0xb8;
	[tilespmem:$0x1FA00] =	vst v63  }
.Ltmp12:
0xdb: {  	_ = 	snop;
	(pc) =	sbr.rel .LBB2_13-.Ltmp12, $4  }
0xdc: {  	_ =	swait.ge [sflag:s12], $0x3C00  }
0xdd: {  	s5 =	sadd.s32 @!p2 $0x3C, s13;
	[sflag:s12] =	ssyncset.done $0x0  }
0xde: {  	s8 =	simm.s32 @!p2 $0x0;
	s21 =	simm.s32 @!p2 $0x80;
	[sflag:s12] =	ssyncadd.s32 $0xFFFFC400  }
0xdf: {  	[tilespmem:s21], [sflag:$0xB] =	stream.linear.gather @!p2 [hbm4b:s5+s8], $0x78, $0x38;
	[tilespmem:$0x1FA00] =	vst v63  }
.LBB2_15:
0xe0: {  	_ =	sfence.sel $0x180000  }
0xe1: {  	[bflag:$0x0] =	sbarrier.arrive $0xFFFF  }
0xe2: {  	_ =	strace $0x90000047  }
0xe3: {  	s0 =	stileid.u32;
	[bflag:$0x2] =	sbarrier.arrive $0xFFFF  }
0xe4: {  	p0 =	sne.s32 s0, $0x0;
	s0 =	rddreg [dreg:$0x3]  }
0xe5: {  	s0 =	sadd.s32 @!p0 $0x100000, s0  }
0xe6: {  	[sflag:s0] =	ssyncadd.tile.s32 @!p0 $0x1;
	_ =	shalt  }
.Lfunc_end2:
_tile_overlayer_lowered:
.L_overlay_start_2:
0xe7: {  	(tag) =	ssettag $0x2  }
0xe8: {  	s0 =	rddreg [dreg:$0x0];
	s2 =	stileid.u32  }
0xe9: {  	s1 =	rddreg [dreg:$0x1];
	p0 =	sne.s32 s2, $0x0  }
0xea: {  	s3 =	rddreg [dreg:$0x2];
	[bflag:$0x3] =	sbarrier.arrive $0xFFFF;
	s2 =	simm.s32 @!p0 $0x1C0D  }
0xeb: {  	[timem:s3], [sflag:s2] =	dma.local @!p0 [hbm:s0], s1  }
0xec: {  	s0 =	simm.s32 @!p0 $0xD  }
0xed: {  	_ =	swait.ge @!p0 [sflag:s0], s1  }
0xee: {  	s1 =	ssub.s32 @!p0 $0x0, s1;
	[sflag:s0] =	ssyncset.done @!p0 $0x0  }
0xef: {  	[sflag:s0] =	ssyncadd.s32 @!p0 s1  }
0xf0: {  	[bflag:$0x3] =	sbarrier.arrive $0xFFFF  }
0xf1: {  	_ =	shalt  }

</sc_bundles>
